<compile_context>
chip_gen: v7x
topology: tpu7x:2x2x1
jax: 0.10.2.dev20260603
libtpu: 0.0.44.dev20260713+nightly
codegen_flags: <defaults>
</compile_context>

<pallas_src>
import functools

import jax
import jax.numpy as jnp
from jax import lax
from jax.experimental import pallas as pl
from jax.experimental.pallas import tpu as pltpu
from jax.experimental.pallas import tpu_sc as plsc

N = 10000
E = 106667
D = 128
D_AUG = 144
ONES_COL = 128
N_PAD = 10240
DUMMY = N
NC = 2
NS = 16
NW = NC * NS
CHUNK = 128
SLAB = N_PAD // NS
RB = 1024
F32 = jnp.float32

NCH1 = (41, 12)
NCH2 = (54, 0)
for _n0, _n1 in (NCH1, NCH2):
    assert NS * (_n0 + _n1) * CHUNK >= E


@functools.lru_cache(maxsize=None)
def _make_sc_segment_sum(d, n0, n1, async0=False):
    mesh = plsc.VectorSubcoreMesh(core_axis_name="c", subcore_axis_name="s",
                                  num_cores=NC, num_subcores=NS)

    def body(table, srci, dsti, out, src_v, dst_v, rows_v, rows2_v, acc,
             sem, sem2):
        c = lax.axis_index("c")
        s = lax.axis_index("s")
        wid = c * NS + s
        base = s * SLAB
        nch = jnp.where(c == 0, n0, n1)

        def zrow(i, _):
            for k in range(d // 16):
                rows_v[i, pl.ds(k * 16, 16)] = jnp.zeros((16,), F32)
            return 0

        def chunk_step(j, _):
            pltpu.async_copy(table.at[src_v.at[j]], rows_v, sem).wait()
            pltpu.sync_copy(rows_v, acc.at[dst_v.at[j]], add=True)
            return 0

        def core0_pipelined(_):
            pltpu.async_copy(table.at[src_v.at[0]], rows_v, sem)

            def step(jj, _):
                j = 2 * jj
                pltpu.async_copy(table.at[src_v.at[j + 1]], rows2_v, sem2)
                pltpu.make_async_copy(table.at[src_v.at[j]], rows_v,
                                      sem).wait()
                pltpu.sync_copy(rows_v, acc.at[dst_v.at[j]], add=True)
                pltpu.async_copy(table.at[src_v.at[j + 2]], rows_v, sem)
                pltpu.make_async_copy(table.at[src_v.at[j + 1]], rows2_v,
                                      sem2).wait()
                pltpu.sync_copy(rows2_v, acc.at[dst_v.at[j + 1]], add=True)
                return 0

            lax.fori_loop(0, (n0 - 2) // 2, step, 0)
            pltpu.async_copy(table.at[src_v.at[n0 - 1]], rows2_v, sem2)
            pltpu.make_async_copy(table.at[src_v.at[n0 - 2]], rows_v,
                                  sem).wait()
            pltpu.sync_copy(rows_v, acc.at[dst_v.at[n0 - 2]], add=True)
            pltpu.make_async_copy(table.at[src_v.at[n0 - 1]], rows2_v,
                                  sem2).wait()
            pltpu.sync_copy(rows2_v, acc.at[dst_v.at[n0 - 1]], add=True)
            return 0

        def core1_sync(_):
            lax.fori_loop(0, n1, chunk_step, 0)
            return 0

        for r in range(3):
            lax.fori_loop(0, CHUNK, zrow, 0)
            for k in range(SLAB // CHUNK):
                pltpu.sync_copy(rows_v, acc.at[pl.ds(base + k * CHUNK, CHUNK)])
            pltpu.sync_copy(srci.at[r, wid], src_v)
            pltpu.sync_copy(dsti.at[r, wid], dst_v)
            plsc.subcore_barrier()

            if async0:
                lax.cond(c == 0, core0_pipelined, core1_sync, 0)
            else:
                lax.fori_loop(0, nch, chunk_step, 0)
            plsc.subcore_barrier()
            pltpu.sync_copy(acc.at[pl.ds(base, SLAB)],
                            out.at[c, r, pl.ds(base, SLAB)])

    scratch = [
        pltpu.VMEM((n0, CHUNK), jnp.int32),
        pltpu.VMEM((n0, CHUNK), jnp.int32),
        pltpu.VMEM((CHUNK, d), F32),
        pltpu.VMEM((CHUNK, d) if async0 else (8, d), F32),
        pltpu.VMEM_SHARED((N_PAD, d), F32),
        pltpu.SemaphoreType.DMA,
        pltpu.SemaphoreType.DMA,
    ]
    return pl.kernel(
        body,
        out_type=jax.ShapeDtypeStruct((NC, 3, N_PAD, d), F32),
        mesh=mesh,
        scratch_types=scratch,
        compiler_params=pltpu.CompilerParams(use_tc_tiling_on_sc=False),
    )


def _tc1_body(p_ref, w_ref, b_ref, h_ref, dinv_ref):
    i = pl.program_id(0)
    p = p_ref[...]
    ssum = p[0] + p[1]
    deg = ssum[:, :, ONES_COL]
    dinv = 1.0 / jnp.maximum(deg, 1.0)
    acc = jnp.zeros((RB, D), F32)
    for r in range(3):
        acc = acc + jnp.dot(ssum[r, :, :D] * dinv[r][:, None], w_ref[r],
                            preferred_element_type=F32)
        acc = acc + b_ref[r][None, :]
    rows = i * RB + lax.broadcasted_iota(jnp.int32, (RB, 1), 0)
    h_ref[...] = jnp.where(rows < N, acc, 0.0)
    dinv_ref[...] = dinv


def _tc2_body(p_ref, dinv_ref, w_ref, b_ref, out_ref):
    p = p_ref[...]
    ssum = p[0] + p[1]
    dinv = dinv_ref[...]
    acc = jnp.zeros((RB, D), F32)
    for r in range(3):
        acc = acc + jnp.dot(ssum[r] * dinv[r][:, None], w_ref[r],
                            preferred_element_type=F32)
        acc = acc + b_ref[r][None, :]
    out_ref[...] = acc


def _tc_combine1(partials, w1s, b1s):
    return pl.pallas_call(
        _tc1_body,
        grid=(N_PAD // RB,),
        in_specs=[
            pl.BlockSpec((NC, 3, RB, D_AUG), lambda i: (0, 0, i, 0)),
            pl.BlockSpec((3, D, D), lambda i: (0, 0, 0)),
            pl.BlockSpec((3, D), lambda i: (0, 0)),
        ],
        out_specs=[
            pl.BlockSpec((RB, D), lambda i: (i, 0)),
            pl.BlockSpec((3, RB), lambda i: (0, i)),
        ],
        out_shape=[
            jax.ShapeDtypeStruct((N_PAD, D), F32),
            jax.ShapeDtypeStruct((3, N_PAD), F32),
        ],
    )(partials, w1s, b1s)


def _tc_combine2(partials, dinv, w2s, b2s):
    return pl.pallas_call(
        _tc2_body,
        grid=(N_PAD // RB,),
        in_specs=[
            pl.BlockSpec((NC, 3, RB, D), lambda i: (0, 0, i, 0)),
            pl.BlockSpec((3, RB), lambda i: (0, i)),
            pl.BlockSpec((3, D, D), lambda i: (0, 0, 0)),
            pl.BlockSpec((3, D), lambda i: (0, 0)),
        ],
        out_specs=pl.BlockSpec((RB, D), lambda i: (i, 0)),
        out_shape=jax.ShapeDtypeStruct((N_PAD, D), F32),
    )(partials, dinv, w2s, b2s)


def _pack_edges(edge_indices, n0, n1):
    cap = NS * (n0 + n1) * CHUNK
    split = NS * n0 * CHUNK
    packed = []
    for part in (0, 1):
        rows = []
        for ei in edge_indices:
            v = jnp.full((cap,), DUMMY, jnp.int32).at[:E].set(
                ei[part].astype(jnp.int32))
            a = v[:split].reshape(NS, n0, CHUNK)
            b = v[split:].reshape(NS, n1, CHUNK)
            b = jnp.pad(b, ((0, 0), (0, n0 - n1), (0, 0)),
                        constant_values=DUMMY)
            rows.append(jnp.concatenate([a, b], axis=0))
        packed.append(jnp.stack(rows))
    return packed[0], packed[1]


def kernel(x, edge_index_r0, edge_index_r1, edge_index_r2,
           W1_r0, b1_r0, W1_r1, b1_r1, W1_r2, b1_r2,
           W2_r0, b2_r0, W2_r1, b2_r1, W2_r2, b2_r2):
    edges = (edge_index_r0, edge_index_r1, edge_index_r2)
    srci1, dsti1 = _pack_edges(edges, *NCH1)
    srci2, dsti2 = _pack_edges(edges, *NCH2)

    xa = jnp.zeros((N_PAD, D_AUG), F32)
    xa = xa.at[:N, :D].set(x.astype(F32))
    xa = xa.at[:N, ONES_COL].set(1.0)

    w1s = jnp.stack([W1_r0, W1_r1, W1_r2])
    b1s = jnp.stack([b1_r0, b1_r1, b1_r2])
    w2s = jnp.stack([W2_r0, W2_r1, W2_r2])
    b2s = jnp.stack([b2_r0, b2_r1, b2_r2])

    p1 = _make_sc_segment_sum(D_AUG, *NCH1)(xa, srci1, dsti1)
    h, dinv = _tc_combine1(p1, w1s, b1s)
    p2 = _make_sc_segment_sum(D, *NCH2, async0=True)(h, srci2, dsti2)
    out = _tc_combine2(p2, dinv, w2s, b2s)
    return out[:N]

# --- scband reference (transcript-rebuilt; emitter-appended) ---
"""Pipeline reference for scband-stochastic-two-layer-rgcn-4733053960249 (READ-ONLY COPY).

The authoritative reference and input builder live on the scoring server;
editing this copy changes nothing except your own understanding.
"""

import jax, jax.numpy as jnp
import numpy as np

N = 10000
E = 106667
D_IN = 128
D_HID = 128
D_OUT = 128


def setup_inputs(seed: int = 0) -> dict:
    key = jax.random.key(seed)
    ks = jax.random.split(key, 20)
    inp = {}
    inp["x"] = jax.random.normal(ks[0], (N, D_IN), dtype=jnp.float32)
    inp["edge_index_r0"] = jax.random.randint(ks[1], (2, E), 0, N, dtype=jnp.int64 if jax.config.jax_enable_x64 else jnp.int32)
    inp["edge_index_r1"] = jax.random.randint(ks[2], (2, E), 0, N, dtype=jnp.int64 if jax.config.jax_enable_x64 else jnp.int32)
    inp["edge_index_r2"] = jax.random.randint(ks[3], (2, E), 0, N, dtype=jnp.int64 if jax.config.jax_enable_x64 else jnp.int32)
    # layer 1 per-relation GraphConv params
    for i, r in enumerate(["r0", "r1", "r2"]):
        inp[f"W1_{r}"] = jax.random.normal(ks[4 + i], (D_IN, D_HID), dtype=jnp.float32) * 0.05
        inp[f"b1_{r}"] = jnp.zeros((D_HID,), dtype=jnp.float32)
    # layer 2 per-relation GraphConv params
    for i, r in enumerate(["r0", "r1", "r2"]):
        inp[f"W2_{r}"] = jax.random.normal(ks[8 + i], (D_HID, D_OUT), dtype=jnp.float32) * 0.05
        inp[f"b2_{r}"] = jnp.zeros((D_OUT,), dtype=jnp.float32)
    return inp


def _hetero_graphconv(x, edges, Ws, bs):
    # DGL HeteroGraphConv({rel: GraphConv(norm='right')}) with aggregate='sum'.
    # GraphConv norm='right': aggregate incoming messages, divide by in-degree
    # (clamped to 1), then apply weight (in_feats <= out_feats path) and add bias.
    out = 0.0
    for ei, W, b in zip(edges, Ws, bs):
        src = ei[0]
        dst = ei[1]
        agg = jax.ops.segment_sum(x[src], dst, num_segments=N)
        deg = jax.ops.segment_sum(jnp.ones((ei.shape[1],), dtype=jnp.float32), dst, num_segments=N)
        deg = jnp.clip(deg, 1.0)
        agg = agg / deg[:, None]
        out = out + agg @ W + b
    return out


def reference(x, edge_index_r0, edge_index_r1, edge_index_r2,
              W1_r0, b1_r0, W1_r1, b1_r1, W1_r2, b1_r2,
              W2_r0, b2_r0, W2_r1, b2_r1, W2_r2, b2_r2):
    edges = [edge_index_r0, edge_index_r1, edge_index_r2]
    h = _hetero_graphconv(x, edges, [W1_r0, W1_r1, W1_r2], [b1_r0, b1_r1, b1_r2])
    out = _hetero_graphconv(h, edges, [W2_r0, W2_r1, W2_r2], [b2_r0, b2_r1, b2_r2])
    return out

if __name__ == "__main__":
    import jax
    _d = setup_inputs()
    print(jax.jit(kernel)(*tuple(_d.values())))

</pallas_src>

<mosaic_0001>
#map = affine_map<(d0, d1) -> (0, 0)>
#map1 = affine_map<(d0, d1) -> (0, 0, 0, 0)>
module attributes {stable_mosaic.version = 14 : i64} {
  func.func @body(%arg0: i32, %arg1: i32, %arg2: memref<10240x144xf32, #tpu.memory_space<hbm>>, %arg3: memref<3x32x41x128xi32, #tpu.memory_space<hbm>>, %arg4: memref<3x32x41x128xi32, #tpu.memory_space<hbm>>, %arg5: memref<2x3x10240x144xf32, #tpu.memory_space<hbm>>, %arg6: memref<41x128xi32, #tpu.memory_space<vmem>>, %arg7: memref<41x128xi32, #tpu.memory_space<vmem>>, %arg8: memref<128x144xf32, #tpu.memory_space<vmem>>, %arg9: memref<8x144xf32, #tpu.memory_space<vmem>>, %arg10: memref<10240x144xf32, #tpu.memory_space<vmem_shared>>, %arg11: memref<!tpu.dma_semaphore, #tpu.memory_space<semaphore_mem>>, %arg12: memref<!tpu.dma_semaphore, #tpu.memory_space<semaphore_mem>>) attributes {dimension_semantics = [#tpu.dimension_semantics<core_parallel>, #tpu.dimension_semantics<subcore_parallel>], iteration_bounds = array<i64: 2, 16>, scalar_prefetch = 0 : i64, scratch_operands = 7 : i64, tpu.core_type = #tpu.core_type<sc_vector_subcore>, window_params = [{transform_indices = #map}, {transform_indices = #map1}, {transform_indices = #map1}, {transform_indices = #map1}]} {
    %mul3A = arith.constant 16 : i32
    %mul3A_0 = arith.muli %arg0, %mul3A : i32
    %add3A = arith.addi %mul3A_0, %arg1 : i32
    %mul3A_1 = arith.constant 640 : i32
    %mul3A_2 = arith.muli %arg1, %mul3A_1 : i32
    %eq3A = arith.constant 0 : i32
    %eq3A_3 = arith.cmpi eq, %arg0, %eq3A : i32
    %jit3A = arith.constant 41 : i32
    %jit3A_4 = arith.constant 12 : i32
    %select_n3A = arith.select %eq3A_3, %jit3A, %jit3A_4 : i32
    %scan3A = arith.constant 0 : i32
    %scan3A_5 = arith.constant 0 : i32
    %scan3A_6 = arith.constant 128 : i32
    %scan3A_7 = arith.addi %scan3A_5, %scan3A_6 : i32
    %scan3A_8 = arith.constant 1 : i32
    %scan3A_9 = scf.for %scan3A_103 = %scan3A_5 to %scan3A_7 step %scan3A_8 iter_args(%scan3A_104 = %scan3A) -> (i32)  : i32 {
      %broadcast_in_dim3A = arith.constant 0.000000e+00 : f32
      %broadcast_in_dim3A_105 = vector.broadcast %broadcast_in_dim3A : f32 to vector<16xf32>
      %swap3A = arith.index_cast %scan3A_103 : i32 to index
      %swap3A_106 = arith.constant 0 : index
      %swap3A_107 = tpu.vector_load %arg8[%swap3A, %swap3A_106] {strides = array<i32>} : memref<128x144xf32, #tpu.memory_space<vmem>>, vector<1x16xf32>,
      %swap3A_108 = vector.shape_cast %swap3A_107 : vector<1x16xf32> to vector<16xf32>
      %swap3A_109 = vector.shape_cast %broadcast_in_dim3A_105 : vector<16xf32> to vector<1x16xf32>
      tpu.vector_store %arg8[%swap3A, %swap3A_106], %swap3A_109 {strides = array<i32>} : memref<128x144xf32, #tpu.memory_space<vmem>>, vector<1x16xf32>,
      %broadcast_in_dim3A_110 = arith.constant 0.000000e+00 : f32
      %broadcast_in_dim3A_111 = vector.broadcast %broadcast_in_dim3A_110 : f32 to vector<16xf32>
      %swap3A_112 = arith.index_cast %scan3A_103 : i32 to index
      %swap3A_113 = arith.constant 16 : index
      %swap3A_114 = tpu.vector_load %arg8[%swap3A_112, %swap3A_113] {strides = array<i32>} : memref<128x144xf32, #tpu.memory_space<vmem>>, vector<1x16xf32>,
      %swap3A_115 = vector.shape_cast %swap3A_114 : vector<1x16xf32> to vector<16xf32>
      %swap3A_116 = vector.shape_cast %broadcast_in_dim3A_111 : vector<16xf32> to vector<1x16xf32>
      tpu.vector_store %arg8[%swap3A_112, %swap3A_113], %swap3A_116 {strides = array<i32>} : memref<128x144xf32, #tpu.memory_space<vmem>>, vector<1x16xf32>,
      %broadcast_in_dim3A_117 = arith.constant 0.000000e+00 : f32
      %broadcast_in_dim3A_118 = vector.broadcast %broadcast_in_dim3A_117 : f32 to vector<16xf32>
      %swap3A_119 = arith.index_cast %scan3A_103 : i32 to index
      %swap3A_120 = arith.constant 32 : index
      %swap3A_121 = tpu.vector_load %arg8[%swap3A_119, %swap3A_120] {strides = array<i32>} : memref<128x144xf32, #tpu.memory_space<vmem>>, vector<1x16xf32>,
      %swap3A_122 = vector.shape_cast %swap3A_121 : vector<1x16xf32> to vector<16xf32>
      %swap3A_123 = vector.shape_cast %broadcast_in_dim3A_118 : vector<16xf32> to vector<1x16xf32>
      tpu.vector_store %arg8[%swap3A_119, %swap3A_120], %swap3A_123 {strides = array<i32>} : memref<128x144xf32, #tpu.memory_space<vmem>>, vector<1x16xf32>,
      %broadcast_in_dim3A_124 = arith.constant 0.000000e+00 : f32
      %broadcast_in_dim3A_125 = vector.broadcast %broadcast_in_dim3A_124 : f32 to vector<16xf32>
      %swap3A_126 = arith.index_cast %scan3A_103 : i32 to index
      %swap3A_127 = arith.constant 48 : index
      %swap3A_128 = tpu.vector_load %arg8[%swap3A_126, %swap3A_127] {strides = array<i32>} : memref<128x144xf32, #tpu.memory_space<vmem>>, vector<1x16xf32>,
      %swap3A_129 = vector.shape_cast %swap3A_128 : vector<1x16xf32> to vector<16xf32>
      %swap3A_130 = vector.shape_cast %broadcast_in_dim3A_125 : vector<16xf32> to vector<1x16xf32>
      tpu.vector_store %arg8[%swap3A_126, %swap3A_127], %swap3A_130 {strides = array<i32>} : memref<128x144xf32, #tpu.memory_space<vmem>>, vector<1x16xf32>,
      %broadcast_in_dim3A_131 = arith.constant 0.000000e+00 : f32
      %broadcast_in_dim3A_132 = vector.broadcast %broadcast_in_dim3A_131 : f32 to vector<16xf32>
      %swap3A_133 = arith.index_cast %scan3A_103 : i32 to index
      %swap3A_134 = arith.constant 64 : index
      %swap3A_135 = tpu.vector_load %arg8[%swap3A_133, %swap3A_134] {strides = array<i32>} : memref<128x144xf32, #tpu.memory_space<vmem>>, vector<1x16xf32>,
      %swap3A_136 = vector.shape_cast %swap3A_135 : vector<1x16xf32> to vector<16xf32>
      %swap3A_137 = vector.shape_cast %broadcast_in_dim3A_132 : vector<16xf32> to vector<1x16xf32>
      tpu.vector_store %arg8[%swap3A_133, %swap3A_134], %swap3A_137 {strides = array<i32>} : memref<128x144xf32, #tpu.memory_space<vmem>>, vector<1x16xf32>,
      %broadcast_in_dim3A_138 = arith.constant 0.000000e+00 : f32
      %broadcast_in_dim3A_139 = vector.broadcast %broadcast_in_dim3A_138 : f32 to vector<16xf32>
      %swap3A_140 = arith.index_cast %scan3A_103 : i32 to index
      %swap3A_141 = arith.constant 80 : index
      %swap3A_142 = tpu.vector_load %arg8[%swap3A_140, %swap3A_141] {strides = array<i32>} : memref<128x144xf32, #tpu.memory_space<vmem>>, vector<1x16xf32>,
      %swap3A_143 = vector.shape_cast %swap3A_142 : vector<1x16xf32> to vector<16xf32>
      %swap3A_144 = vector.shape_cast %broadcast_in_dim3A_139 : vector<16xf32> to vector<1x16xf32>
      tpu.vector_store %arg8[%swap3A_140, %swap3A_141], %swap3A_144 {strides = array<i32>} : memref<128x144xf32, #tpu.memory_space<vmem>>, vector<1x16xf32>,
      %broadcast_in_dim3A_145 = arith.constant 0.000000e+00 : f32
      %broadcast_in_dim3A_146 = vector.broadcast %broadcast_in_dim3A_145 : f32 to vector<16xf32>
      %swap3A_147 = arith.index_cast %scan3A_103 : i32 to index
      %swap3A_148 = arith.constant 96 : index
      %swap3A_149 = tpu.vector_load %arg8[%swap3A_147, %swap3A_148] {strides = array<i32>} : memref<128x144xf32, #tpu.memory_space<vmem>>, vector<1x16xf32>,
      %swap3A_150 = vector.shape_cast %swap3A_149 : vector<1x16xf32> to vector<16xf32>
      %swap3A_151 = vector.shape_cast %broadcast_in_dim3A_146 : vector<16xf32> to vector<1x16xf32>
      tpu.vector_store %arg8[%swap3A_147, %swap3A_148], %swap3A_151 {strides = array<i32>} : memref<128x144xf32, #tpu.memory_space<vmem>>, vector<1x16xf32>,
      %broadcast_in_dim3A_152 = arith.constant 0.000000e+00 : f32
      %broadcast_in_dim3A_153 = vector.broadcast %broadcast_in_dim3A_152 : f32 to vector<16xf32>
      %swap3A_154 = arith.index_cast %scan3A_103 : i32 to index
      %swap3A_155 = arith.constant 112 : index
      %swap3A_156 = tpu.vector_load %arg8[%swap3A_154, %swap3A_155] {strides = array<i32>} : memref<128x144xf32, #tpu.memory_space<vmem>>, vector<1x16xf32>,
      %swap3A_157 = vector.shape_cast %swap3A_156 : vector<1x16xf32> to vector<16xf32>
      %swap3A_158 = vector.shape_cast %broadcast_in_dim3A_153 : vector<16xf32> to vector<1x16xf32>
      tpu.vector_store %arg8[%swap3A_154, %swap3A_155], %swap3A_158 {strides = array<i32>} : memref<128x144xf32, #tpu.memory_space<vmem>>, vector<1x16xf32>,
      %broadcast_in_dim3A_159 = arith.constant 0.000000e+00 : f32
      %broadcast_in_dim3A_160 = vector.broadcast %broadcast_in_dim3A_159 : f32 to vector<16xf32>
      %swap3A_161 = arith.index_cast %scan3A_103 : i32 to index
      %swap3A_162 = arith.constant 128 : index
      %swap3A_163 = tpu.vector_load %arg8[%swap3A_161, %swap3A_162] {strides = array<i32>} : memref<128x144xf32, #tpu.memory_space<vmem>>, vector<1x16xf32>,
      %swap3A_164 = vector.shape_cast %swap3A_163 : vector<1x16xf32> to vector<16xf32>
      %swap3A_165 = vector.shape_cast %broadcast_in_dim3A_160 : vector<16xf32> to vector<1x16xf32>
      tpu.vector_store %arg8[%swap3A_161, %swap3A_162], %swap3A_165 {strides = array<i32>} : memref<128x144xf32, #tpu.memory_space<vmem>>, vector<1x16xf32>,
      %scan3A_166 = arith.constant 0 : i32
      scf.yield %scan3A_166 : i32
    }
    %scan3A_10 = arith.constant 128 : i32
    %add3A_11 = arith.constant 0 : i32
    %add3A_12 = arith.addi %mul3A_2, %add3A_11 : i32
    "tpu.region"() ({
      %run_scoped3A_103 = tpu.sem_alloc : memref<!tpu.dma_semaphore, #tpu.memory_space<semaphore_mem>>
      %dma_start3A = arith.constant 0 : i32
      %dma_start3A_104 = tpu.memref_slice %arg10[%add3A_12, %dma_start3A] : memref<10240x144xf32, #tpu.memory_space<vmem_shared>> -> memref<128x144xf32, #tpu.memory_space<vmem_shared>>
      %dma_start3A_105 = arith.constant 0 : i32
      %dma_start3A_106 = tpu.memref_slice %arg10[%add3A_12, %dma_start3A_105] : memref<10240x144xf32, #tpu.memory_space<vmem_shared>> -> memref<128x144xf32, #tpu.memory_space<vmem_shared>>
      tpu.enqueue_dma source(%arg8 : memref<128x144xf32, #tpu.memory_space<vmem>>) target(%dma_start3A_106 : memref<128x144xf32, #tpu.memory_space<vmem_shared>>) target_semaphore(%run_scoped3A_103 : memref<!tpu.dma_semaphore, #tpu.memory_space<semaphore_mem>>)
      %dma_wait3A = arith.constant 0 : i32
      %dma_wait3A_107 = tpu.memref_slice %arg10[%add3A_12, %dma_wait3A] : memref<10240x144xf32, #tpu.memory_space<vmem_shared>> -> memref<128x144xf32, #tpu.memory_space<vmem_shared>>
      %dma_wait3A_108 = arith.constant 0 : i32
      %dma_wait3A_109 = tpu.memref_slice %arg10[%add3A_12, %dma_wait3A_108] : memref<10240x144xf32, #tpu.memory_space<vmem_shared>> -> memref<128x144xf32, #tpu.memory_space<vmem_shared>>
      tpu.wait_dma2 semaphore(%run_scoped3A_103 : memref<!tpu.dma_semaphore, #tpu.memory_space<semaphore_mem>>) src(%arg8 : memref<128x144xf32, #tpu.memory_space<vmem>>) dst(%dma_wait3A_109 : memref<128x144xf32, #tpu.memory_space<vmem_shared>>)
      tpu.yield
    }) : () -> ()
    %add3A_13 = arith.constant 128 : i32
    %add3A_14 = arith.addi %mul3A_2, %add3A_13 : i32
    "tpu.region"() ({
      %run_scoped3A_103 = tpu.sem_alloc : memref<!tpu.dma_semaphore, #tpu.memory_space<semaphore_mem>>
      %dma_start3A = arith.constant 0 : i32
      %dma_start3A_104 = tpu.memref_slice %arg10[%add3A_14, %dma_start3A] : memref<10240x144xf32, #tpu.memory_space<vmem_shared>> -> memref<128x144xf32, #tpu.memory_space<vmem_shared>>
      %dma_start3A_105 = arith.constant 0 : i32
      %dma_start3A_106 = tpu.memref_slice %arg10[%add3A_14, %dma_start3A_105] : memref<10240x144xf32, #tpu.memory_space<vmem_shared>> -> memref<128x144xf32, #tpu.memory_space<vmem_shared>>
      tpu.enqueue_dma source(%arg8 : memref<128x144xf32, #tpu.memory_space<vmem>>) target(%dma_start3A_106 : memref<128x144xf32, #tpu.memory_space<vmem_shared>>) target_semaphore(%run_scoped3A_103 : memref<!tpu.dma_semaphore, #tpu.memory_space<semaphore_mem>>)
      %dma_wait3A = arith.constant 0 : i32
      %dma_wait3A_107 = tpu.memref_slice %arg10[%add3A_14, %dma_wait3A] : memref<10240x144xf32, #tpu.memory_space<vmem_shared>> -> memref<128x144xf32, #tpu.memory_space<vmem_shared>>
      %dma_wait3A_108 = arith.constant 0 : i32
      %dma_wait3A_109 = tpu.memref_slice %arg10[%add3A_14, %dma_wait3A_108] : memref<10240x144xf32, #tpu.memory_space<vmem_shared>> -> memref<128x144xf32, #tpu.memory_space<vmem_shared>>
      tpu.wait_dma2 semaphore(%run_scoped3A_103 : memref<!tpu.dma_semaphore, #tpu.memory_space<semaphore_mem>>) src(%arg8 : memref<128x144xf32, #tpu.memory_space<vmem>>) dst(%dma_wait3A_109 : memref<128x144xf32, #tpu.memory_space<vmem_shared>>)
      tpu.yield
    }) : () -> ()
    %add3A_15 = arith.constant 256 : i32
    %add3A_16 = arith.addi %mul3A_2, %add3A_15 : i32
    "tpu.region"() ({
      %run_scoped3A_103 = tpu.sem_alloc : memref<!tpu.dma_semaphore, #tpu.memory_space<semaphore_mem>>
      %dma_start3A = arith.constant 0 : i32
      %dma_start3A_104 = tpu.memref_slice %arg10[%add3A_16, %dma_start3A] : memref<10240x144xf32, #tpu.memory_space<vmem_shared>> -> memref<128x144xf32, #tpu.memory_space<vmem_shared>>
      %dma_start3A_105 = arith.constant 0 : i32
      %dma_start3A_106 = tpu.memref_slice %arg10[%add3A_16, %dma_start3A_105] : memref<10240x144xf32, #tpu.memory_space<vmem_shared>> -> memref<128x144xf32, #tpu.memory_space<vmem_shared>>
      tpu.enqueue_dma source(%arg8 : memref<128x144xf32, #tpu.memory_space<vmem>>) target(%dma_start3A_106 : memref<128x144xf32, #tpu.memory_space<vmem_shared>>) target_semaphore(%run_scoped3A_103 : memref<!tpu.dma_semaphore, #tpu.memory_space<semaphore_mem>>)
      %dma_wait3A = arith.constant 0 : i32
      %dma_wait3A_107 = tpu.memref_slice %arg10[%add3A_16, %dma_wait3A] : memref<10240x144xf32, #tpu.memory_space<vmem_shared>> -> memref<128x144xf32, #tpu.memory_space<vmem_shared>>
      %dma_wait3A_108 = arith.constant 0 : i32
      %dma_wait3A_109 = tpu.memref_slice %arg10[%add3A_16, %dma_wait3A_108] : memref<10240x144xf32, #tpu.memory_space<vmem_shared>> -> memref<128x144xf32, #tpu.memory_space<vmem_shared>>
      tpu.wait_dma2 semaphore(%run_scoped3A_103 : memref<!tpu.dma_semaphore, #tpu.memory_space<semaphore_mem>>) src(%arg8 : memref<128x144xf32, #tpu.memory_space<vmem>>) dst(%dma_wait3A_109 : memref<128x144xf32, #tpu.memory_space<vmem_shared>>)
      tpu.yield
    }) : () -> ()
    %add3A_17 = arith.constant 384 : i32
    %add3A_18 = arith.addi %mul3A_2, %add3A_17 : i32
    "tpu.region"() ({
      %run_scoped3A_103 = tpu.sem_alloc : memref<!tpu.dma_semaphore, #tpu.memory_space<semaphore_mem>>
      %dma_start3A = arith.constant 0 : i32
      %dma_start3A_104 = tpu.memref_slice %arg10[%add3A_18, %dma_start3A] : memref<10240x144xf32, #tpu.memory_space<vmem_shared>> -> memref<128x144xf32, #tpu.memory_space<vmem_shared>>
      %dma_start3A_105 = arith.constant 0 : i32
      %dma_start3A_106 = tpu.memref_slice %arg10[%add3A_18, %dma_start3A_105] : memref<10240x144xf32, #tpu.memory_space<vmem_shared>> -> memref<128x144xf32, #tpu.memory_space<vmem_shared>>
      tpu.enqueue_dma source(%arg8 : memref<128x144xf32, #tpu.memory_space<vmem>>) target(%dma_start3A_106 : memref<128x144xf32, #tpu.memory_space<vmem_shared>>) target_semaphore(%run_scoped3A_103 : memref<!tpu.dma_semaphore, #tpu.memory_space<semaphore_mem>>)
      %dma_wait3A = arith.constant 0 : i32
      %dma_wait3A_107 = tpu.memref_slice %arg10[%add3A_18, %dma_wait3A] : memref<10240x144xf32, #tpu.memory_space<vmem_shared>> -> memref<128x144xf32, #tpu.memory_space<vmem_shared>>
      %dma_wait3A_108 = arith.constant 0 : i32
      %dma_wait3A_109 = tpu.memref_slice %arg10[%add3A_18, %dma_wait3A_108] : memref<10240x144xf32, #tpu.memory_space<vmem_shared>> -> memref<128x144xf32, #tpu.memory_space<vmem_shared>>
      tpu.wait_dma2 semaphore(%run_scoped3A_103 : memref<!tpu.dma_semaphore, #tpu.memory_space<semaphore_mem>>) src(%arg8 : memref<128x144xf32, #tpu.memory_space<vmem>>) dst(%dma_wait3A_109 : memref<128x144xf32, #tpu.memory_space<vmem_shared>>)
      tpu.yield
    }) : () -> ()
    %add3A_19 = arith.constant 512 : i32
    %add3A_20 = arith.addi %mul3A_2, %add3A_19 : i32
    "tpu.region"() ({
      %run_scoped3A_103 = tpu.sem_alloc : memref<!tpu.dma_semaphore, #tpu.memory_space<semaphore_mem>>
      %dma_start3A = arith.constant 0 : i32
      %dma_start3A_104 = tpu.memref_slice %arg10[%add3A_20, %dma_start3A] : memref<10240x144xf32, #tpu.memory_space<vmem_shared>> -> memref<128x144xf32, #tpu.memory_space<vmem_shared>>
      %dma_start3A_105 = arith.constant 0 : i32
      %dma_start3A_106 = tpu.memref_slice %arg10[%add3A_20, %dma_start3A_105] : memref<10240x144xf32, #tpu.memory_space<vmem_shared>> -> memref<128x144xf32, #tpu.memory_space<vmem_shared>>
      tpu.enqueue_dma source(%arg8 : memref<128x144xf32, #tpu.memory_space<vmem>>) target(%dma_start3A_106 : memref<128x144xf32, #tpu.memory_space<vmem_shared>>) target_semaphore(%run_scoped3A_103 : memref<!tpu.dma_semaphore, #tpu.memory_space<semaphore_mem>>)
      %dma_wait3A = arith.constant 0 : i32
      %dma_wait3A_107 = tpu.memref_slice %arg10[%add3A_20, %dma_wait3A] : memref<10240x144xf32, #tpu.memory_space<vmem_shared>> -> memref<128x144xf32, #tpu.memory_space<vmem_shared>>
      %dma_wait3A_108 = arith.constant 0 : i32
      %dma_wait3A_109 = tpu.memref_slice %arg10[%add3A_20, %dma_wait3A_108] : memref<10240x144xf32, #tpu.memory_space<vmem_shared>> -> memref<128x144xf32, #tpu.memory_space<vmem_shared>>
      tpu.wait_dma2 semaphore(%run_scoped3A_103 : memref<!tpu.dma_semaphore, #tpu.memory_space<semaphore_mem>>) src(%arg8 : memref<128x144xf32, #tpu.memory_space<vmem>>) dst(%dma_wait3A_109 : memref<128x144xf32, #tpu.memory_space<vmem_shared>>)
      tpu.yield
    }) : () -> ()
    %run_scoped3A = arith.constant 0 : i32
    "tpu.region"() ({
      %run_scoped3A_103 = tpu.sem_alloc : memref<!tpu.dma_semaphore, #tpu.memory_space<semaphore_mem>>
      %dma_start3A = arith.constant 0 : i32
      %dma_start3A_104 = arith.constant 0 : i32
      %dma_start3A_105 = tpu.memref_slice %arg3[%run_scoped3A, %add3A, %dma_start3A, %dma_start3A_104] : memref<3x32x41x128xi32, #tpu.memory_space<hbm>> -> memref<1x1x41x128xi32, #tpu.memory_space<hbm>>
      %dma_start3A_106 = tpu.memref_squeeze %dma_start3A_105 : memref<1x1x41x128xi32, #tpu.memory_space<hbm>> -> memref<41x128xi32, #tpu.memory_space<hbm>>
      %dma_start3A_107 = arith.constant 0 : i32
      %dma_start3A_108 = arith.constant 0 : i32
      %dma_start3A_109 = tpu.memref_slice %arg3[%run_scoped3A, %add3A, %dma_start3A_107, %dma_start3A_108] : memref<3x32x41x128xi32, #tpu.memory_space<hbm>> -> memref<1x1x41x128xi32, #tpu.memory_space<hbm>>
      %dma_start3A_110 = tpu.memref_squeeze %dma_start3A_109 : memref<1x1x41x128xi32, #tpu.memory_space<hbm>> -> memref<41x128xi32, #tpu.memory_space<hbm>>
      tpu.enqueue_dma source(%dma_start3A_110 : memref<41x128xi32, #tpu.memory_space<hbm>>) target(%arg6 : memref<41x128xi32, #tpu.memory_space<vmem>>) target_semaphore(%run_scoped3A_103 : memref<!tpu.dma_semaphore, #tpu.memory_space<semaphore_mem>>)
      %dma_wait3A = arith.constant 0 : i32
      %dma_wait3A_111 = arith.constant 0 : i32
      %dma_wait3A_112 = tpu.memref_slice %arg3[%run_scoped3A, %add3A, %dma_wait3A, %dma_wait3A_111] : memref<3x32x41x128xi32, #tpu.memory_space<hbm>> -> memref<1x1x41x128xi32, #tpu.memory_space<hbm>>
      %dma_wait3A_113 = tpu.memref_squeeze %dma_wait3A_112 : memref<1x1x41x128xi32, #tpu.memory_space<hbm>> -> memref<41x128xi32, #tpu.memory_space<hbm>>
      %dma_wait3A_114 = arith.constant 0 : i32
      %dma_wait3A_115 = arith.constant 0 : i32
      %dma_wait3A_116 = tpu.memref_slice %arg3[%run_scoped3A, %add3A, %dma_wait3A_114, %dma_wait3A_115] : memref<3x32x41x128xi32, #tpu.memory_space<hbm>> -> memref<1x1x41x128xi32, #tpu.memory_space<hbm>>
      %dma_wait3A_117 = tpu.memref_squeeze %dma_wait3A_116 : memref<1x1x41x128xi32, #tpu.memory_space<hbm>> -> memref<41x128xi32, #tpu.memory_space<hbm>>
      tpu.wait_dma2 semaphore(%run_scoped3A_103 : memref<!tpu.dma_semaphore, #tpu.memory_space<semaphore_mem>>) src(%dma_wait3A_117 : memref<41x128xi32, #tpu.memory_space<hbm>>) dst(%arg6 : memref<41x128xi32, #tpu.memory_space<vmem>>)
      tpu.yield
    }) : () -> ()
    %run_scoped3A_21 = arith.constant 0 : i32
    "tpu.region"() ({
      %run_scoped3A_103 = tpu.sem_alloc : memref<!tpu.dma_semaphore, #tpu.memory_space<semaphore_mem>>
      %dma_start3A = arith.constant 0 : i32
      %dma_start3A_104 = arith.constant 0 : i32
      %dma_start3A_105 = tpu.memref_slice %arg4[%run_scoped3A_21, %add3A, %dma_start3A, %dma_start3A_104] : memref<3x32x41x128xi32, #tpu.memory_space<hbm>> -> memref<1x1x41x128xi32, #tpu.memory_space<hbm>>
      %dma_start3A_106 = tpu.memref_squeeze %dma_start3A_105 : memref<1x1x41x128xi32, #tpu.memory_space<hbm>> -> memref<41x128xi32, #tpu.memory_space<hbm>>
      %dma_start3A_107 = arith.constant 0 : i32
      %dma_start3A_108 = arith.constant 0 : i32
      %dma_start3A_109 = tpu.memref_slice %arg4[%run_scoped3A_21, %add3A, %dma_start3A_107, %dma_start3A_108] : memref<3x32x41x128xi32, #tpu.memory_space<hbm>> -> memref<1x1x41x128xi32, #tpu.memory_space<hbm>>
      %dma_start3A_110 = tpu.memref_squeeze %dma_start3A_109 : memref<1x1x41x128xi32, #tpu.memory_space<hbm>> -> memref<41x128xi32, #tpu.memory_space<hbm>>
      tpu.enqueue_dma source(%dma_start3A_110 : memref<41x128xi32, #tpu.memory_space<hbm>>) target(%arg7 : memref<41x128xi32, #tpu.memory_space<vmem>>) target_semaphore(%run_scoped3A_103 : memref<!tpu.dma_semaphore, #tpu.memory_space<semaphore_mem>>)
      %dma_wait3A = arith.constant 0 : i32
      %dma_wait3A_111 = arith.constant 0 : i32
      %dma_wait3A_112 = tpu.memref_slice %arg4[%run_scoped3A_21, %add3A, %dma_wait3A, %dma_wait3A_111] : memref<3x32x41x128xi32, #tpu.memory_space<hbm>> -> memref<1x1x41x128xi32, #tpu.memory_space<hbm>>
      %dma_wait3A_113 = tpu.memref_squeeze %dma_wait3A_112 : memref<1x1x41x128xi32, #tpu.memory_space<hbm>> -> memref<41x128xi32, #tpu.memory_space<hbm>>
      %dma_wait3A_114 = arith.constant 0 : i32
      %dma_wait3A_115 = arith.constant 0 : i32
      %dma_wait3A_116 = tpu.memref_slice %arg4[%run_scoped3A_21, %add3A, %dma_wait3A_114, %dma_wait3A_115] : memref<3x32x41x128xi32, #tpu.memory_space<hbm>> -> memref<1x1x41x128xi32, #tpu.memory_space<hbm>>
      %dma_wait3A_117 = tpu.memref_squeeze %dma_wait3A_116 : memref<1x1x41x128xi32, #tpu.memory_space<hbm>> -> memref<41x128xi32, #tpu.memory_space<hbm>>
      tpu.wait_dma2 semaphore(%run_scoped3A_103 : memref<!tpu.dma_semaphore, #tpu.memory_space<semaphore_mem>>) src(%dma_wait3A_117 : memref<41x128xi32, #tpu.memory_space<hbm>>) dst(%arg7 : memref<41x128xi32, #tpu.memory_space<vmem>>)
      tpu.yield
    }) : () -> ()
    %barrier3A = arith.constant 0 : index
    tpu.barrier barrier_id(%barrier3A)
    %while3A = arith.constant 0 : i32
    %while3A_22 = arith.constant 0 : i32
    %while3A_23 = arith.subi %select_n3A, %while3A : i32
    %while3A_24 = arith.addi %while3A, %while3A_23 : i32
    %while3A_25 = arith.constant 1 : i32
    %while3A_26 = arith.divsi %while3A_23, %while3A_25 : i32
    %while3A_27 = arith.muli %while3A_26, %while3A_25 : i32
    %while3A_28 = arith.addi %while3A, %while3A_27 : i32
    %while3A_29 = arith.constant 1 : i32
    %while3A_30 = scf.for %while3A_103 = %while3A to %while3A_28 step %while3A_29 iter_args(%while3A_104 = %while3A_22) -> (i32)  : i32 {
      %dma_start3A = arith.constant 0 : i32
      %dma_start3A_105 = tpu.memref_slice %arg6[%while3A_103, %dma_start3A] : memref<41x128xi32, #tpu.memory_space<vmem>> -> memref<1x128xi32, #tpu.memory_space<vmem>>
      %dma_start3A_106 = tpu.memref_squeeze %dma_start3A_105 : memref<1x128xi32, #tpu.memory_space<vmem>> -> memref<128xi32, #tpu.memory_space<vmem>>
      %dma_start3A_107 = arith.constant 0 : i32
      %dma_start3A_108 = arith.constant 0 : i32
      %dma_start3A_109 = tpu.memref_slice %arg2[%dma_start3A_107, %dma_start3A_108] : memref<10240x144xf32, #tpu.memory_space<hbm>> -> memref<10240x144xf32, #tpu.memory_space<hbm>>
      tpu.enqueue_indirect_dma source(%dma_start3A_109 : memref<10240x144xf32, #tpu.memory_space<hbm>>) target(%arg8 : memref<128x144xf32, #tpu.memory_space<vmem>>) offsets(%dma_start3A_106 : memref<128xi32, #tpu.memory_space<vmem>>) semaphore(%arg11 : memref<!tpu.dma_semaphore, #tpu.memory_space<semaphore_mem>>)
      %dma_wait3A = arith.constant 0 : i32
      %dma_wait3A_110 = tpu.memref_slice %arg6[%while3A_103, %dma_wait3A] : memref<41x128xi32, #tpu.memory_space<vmem>> -> memref<1x128xi32, #tpu.memory_space<vmem>>
      %dma_wait3A_111 = tpu.memref_squeeze %dma_wait3A_110 : memref<1x128xi32, #tpu.memory_space<vmem>> -> memref<128xi32, #tpu.memory_space<vmem>>
      %dma_wait3A_112 = arith.constant 0 : i32
      %dma_wait3A_113 = arith.constant 0 : i32
      %dma_wait3A_114 = tpu.memref_slice %arg2[%dma_wait3A_112, %dma_wait3A_113] : memref<10240x144xf32, #tpu.memory_space<hbm>> -> memref<10240x144xf32, #tpu.memory_space<hbm>>
      tpu.wait_indirect_dma semaphore(%arg11 : memref<!tpu.dma_semaphore, #tpu.memory_space<semaphore_mem>>) src(%dma_wait3A_114 : memref<10240x144xf32, #tpu.memory_space<hbm>>) dst(%arg8 : memref<128x144xf32, #tpu.memory_space<vmem>>)
      "tpu.region"() ({
        %run_scoped3A_116 = tpu.sem_alloc : memref<!tpu.dma_semaphore, #tpu.memory_space<semaphore_mem>>
        %dma_start3A_117 = arith.constant 0 : i32
        %dma_start3A_118 = tpu.memref_slice %arg7[%while3A_103, %dma_start3A_117] : memref<41x128xi32, #tpu.memory_space<vmem>> -> memref<1x128xi32, #tpu.memory_space<vmem>>
        %dma_start3A_119 = tpu.memref_squeeze %dma_start3A_118 : memref<1x128xi32, #tpu.memory_space<vmem>> -> memref<128xi32, #tpu.memory_space<vmem>>
        %dma_start3A_120 = arith.constant 0 : i32
        %dma_start3A_121 = arith.constant 0 : i32
        %dma_start3A_122 = tpu.memref_slice %arg10[%dma_start3A_120, %dma_start3A_121] : memref<10240x144xf32, #tpu.memory_space<vmem_shared>> -> memref<10240x144xf32, #tpu.memory_space<vmem_shared>>
        tpu.enqueue_indirect_dma source(%arg8 : memref<128x144xf32, #tpu.memory_space<vmem>>) target(%dma_start3A_122 : memref<10240x144xf32, #tpu.memory_space<vmem_shared>>) offsets(%dma_start3A_119 : memref<128xi32, #tpu.memory_space<vmem>>) semaphore(%run_scoped3A_116 : memref<!tpu.dma_semaphore, #tpu.memory_space<semaphore_mem>>) {add = true}
        %dma_wait3A_123 = arith.constant 0 : i32
        %dma_wait3A_124 = tpu.memref_slice %arg7[%while3A_103, %dma_wait3A_123] : memref<41x128xi32, #tpu.memory_space<vmem>> -> memref<1x128xi32, #tpu.memory_space<vmem>>
        %dma_wait3A_125 = tpu.memref_squeeze %dma_wait3A_124 : memref<1x128xi32, #tpu.memory_space<vmem>> -> memref<128xi32, #tpu.memory_space<vmem>>
        %dma_wait3A_126 = arith.constant 0 : i32
        %dma_wait3A_127 = arith.constant 0 : i32
        %dma_wait3A_128 = tpu.memref_slice %arg10[%dma_wait3A_126, %dma_wait3A_127] : memref<10240x144xf32, #tpu.memory_space<vmem_shared>> -> memref<10240x144xf32, #tpu.memory_space<vmem_shared>>
        tpu.wait_indirect_dma semaphore(%run_scoped3A_116 : memref<!tpu.dma_semaphore, #tpu.memory_space<semaphore_mem>>) src(%arg8 : memref<128x144xf32, #tpu.memory_space<vmem>>) dst(%dma_wait3A_128 : memref<10240x144xf32, #tpu.memory_space<vmem_shared>>)
        tpu.yield
      }) : () -> ()
      %while3A_115 = arith.constant 0 : i32
      scf.yield %while3A_115 : i32
    }
    %while3A_31 = arith.constant 1 : i32
    %while3A_32 = scf.for %while3A_103 = %while3A_28 to %while3A_24 step %while3A_31 iter_args(%while3A_104 = %while3A_30) -> (i32)  : i32 {
      %dma_start3A = arith.constant 0 : i32
      %dma_start3A_105 = tpu.memref_slice %arg6[%while3A_103, %dma_start3A] : memref<41x128xi32, #tpu.memory_space<vmem>> -> memref<1x128xi32, #tpu.memory_space<vmem>>
      %dma_start3A_106 = tpu.memref_squeeze %dma_start3A_105 : memref<1x128xi32, #tpu.memory_space<vmem>> -> memref<128xi32, #tpu.memory_space<vmem>>
      %dma_start3A_107 = arith.constant 0 : i32
      %dma_start3A_108 = arith.constant 0 : i32
      %dma_start3A_109 = tpu.memref_slice %arg2[%dma_start3A_107, %dma_start3A_108] : memref<10240x144xf32, #tpu.memory_space<hbm>> -> memref<10240x144xf32, #tpu.memory_space<hbm>>
      tpu.enqueue_indirect_dma source(%dma_start3A_109 : memref<10240x144xf32, #tpu.memory_space<hbm>>) target(%arg8 : memref<128x144xf32, #tpu.memory_space<vmem>>) offsets(%dma_start3A_106 : memref<128xi32, #tpu.memory_space<vmem>>) semaphore(%arg11 : memref<!tpu.dma_semaphore, #tpu.memory_space<semaphore_mem>>)
      %dma_wait3A = arith.constant 0 : i32
      %dma_wait3A_110 = tpu.memref_slice %arg6[%while3A_103, %dma_wait3A] : memref<41x128xi32, #tpu.memory_space<vmem>> -> memref<1x128xi32, #tpu.memory_space<vmem>>
      %dma_wait3A_111 = tpu.memref_squeeze %dma_wait3A_110 : memref<1x128xi32, #tpu.memory_space<vmem>> -> memref<128xi32, #tpu.memory_space<vmem>>
      %dma_wait3A_112 = arith.constant 0 : i32
      %dma_wait3A_113 = arith.constant 0 : i32
      %dma_wait3A_114 = tpu.memref_slice %arg2[%dma_wait3A_112, %dma_wait3A_113] : memref<10240x144xf32, #tpu.memory_space<hbm>> -> memref<10240x144xf32, #tpu.memory_space<hbm>>
      tpu.wait_indirect_dma semaphore(%arg11 : memref<!tpu.dma_semaphore, #tpu.memory_space<semaphore_mem>>) src(%dma_wait3A_114 : memref<10240x144xf32, #tpu.memory_space<hbm>>) dst(%arg8 : memref<128x144xf32, #tpu.memory_space<vmem>>)
      "tpu.region"() ({
        %run_scoped3A_116 = tpu.sem_alloc : memref<!tpu.dma_semaphore, #tpu.memory_space<semaphore_mem>>
        %dma_start3A_117 = arith.constant 0 : i32
        %dma_start3A_118 = tpu.memref_slice %arg7[%while3A_103, %dma_start3A_117] : memref<41x128xi32, #tpu.memory_space<vmem>> -> memref<1x128xi32, #tpu.memory_space<vmem>>
        %dma_start3A_119 = tpu.memref_squeeze %dma_start3A_118 : memref<1x128xi32, #tpu.memory_space<vmem>> -> memref<128xi32, #tpu.memory_space<vmem>>
        %dma_start3A_120 = arith.constant 0 : i32
        %dma_start3A_121 = arith.constant 0 : i32
        %dma_start3A_122 = tpu.memref_slice %arg10[%dma_start3A_120, %dma_start3A_121] : memref<10240x144xf32, #tpu.memory_space<vmem_shared>> -> memref<10240x144xf32, #tpu.memory_space<vmem_shared>>
        tpu.enqueue_indirect_dma source(%arg8 : memref<128x144xf32, #tpu.memory_space<vmem>>) target(%dma_start3A_122 : memref<10240x144xf32, #tpu.memory_space<vmem_shared>>) offsets(%dma_start3A_119 : memref<128xi32, #tpu.memory_space<vmem>>) semaphore(%run_scoped3A_116 : memref<!tpu.dma_semaphore, #tpu.memory_space<semaphore_mem>>) {add = true}
        %dma_wait3A_123 = arith.constant 0 : i32
        %dma_wait3A_124 = tpu.memref_slice %arg7[%while3A_103, %dma_wait3A_123] : memref<41x128xi32, #tpu.memory_space<vmem>> -> memref<1x128xi32, #tpu.memory_space<vmem>>
        %dma_wait3A_125 = tpu.memref_squeeze %dma_wait3A_124 : memref<1x128xi32, #tpu.memory_space<vmem>> -> memref<128xi32, #tpu.memory_space<vmem>>
        %dma_wait3A_126 = arith.constant 0 : i32
        %dma_wait3A_127 = arith.constant 0 : i32
        %dma_wait3A_128 = tpu.memref_slice %arg10[%dma_wait3A_126, %dma_wait3A_127] : memref<10240x144xf32, #tpu.memory_space<vmem_shared>> -> memref<10240x144xf32, #tpu.memory_space<vmem_shared>>
        tpu.wait_indirect_dma semaphore(%run_scoped3A_116 : memref<!tpu.dma_semaphore, #tpu.memory_space<semaphore_mem>>) src(%arg8 : memref<128x144xf32, #tpu.memory_space<vmem>>) dst(%dma_wait3A_128 : memref<10240x144xf32, #tpu.memory_space<vmem_shared>>)
        tpu.yield
      }) : () -> ()
      %while3A_115 = arith.constant 0 : i32
      scf.yield %while3A_115 : i32
    }
    %barrier3A_33 = arith.constant 0 : index
    tpu.barrier barrier_id(%barrier3A_33)
    %run_scoped3A_34 = arith.constant 0 : i32
    "tpu.region"() ({
      %run_scoped3A_103 = tpu.sem_alloc : memref<!tpu.dma_semaphore, #tpu.memory_space<semaphore_mem>>
      %dma_start3A = arith.constant 0 : i32
      %dma_start3A_104 = tpu.memref_slice %arg5[%arg0, %run_scoped3A_34, %mul3A_2, %dma_start3A] : memref<2x3x10240x144xf32, #tpu.memory_space<hbm>> -> memref<1x1x640x144xf32, #tpu.memory_space<hbm>>
      %dma_start3A_105 = tpu.memref_squeeze %dma_start3A_104 : memref<1x1x640x144xf32, #tpu.memory_space<hbm>> -> memref<640x144xf32, #tpu.memory_space<hbm>>
      %dma_start3A_106 = arith.constant 0 : i32
      %dma_start3A_107 = tpu.memref_slice %arg10[%mul3A_2, %dma_start3A_106] : memref<10240x144xf32, #tpu.memory_space<vmem_shared>> -> memref<640x144xf32, #tpu.memory_space<vmem_shared>>
      tpu.enqueue_dma source(%dma_start3A_107 : memref<640x144xf32, #tpu.memory_space<vmem_shared>>) target(%dma_start3A_105 : memref<640x144xf32, #tpu.memory_space<hbm>>) target_semaphore(%run_scoped3A_103 : memref<!tpu.dma_semaphore, #tpu.memory_space<semaphore_mem>>)
      %dma_wait3A = arith.constant 0 : i32
      %dma_wait3A_108 = tpu.memref_slice %arg5[%arg0, %run_scoped3A_34, %mul3A_2, %dma_wait3A] : memref<2x3x10240x144xf32, #tpu.memory_space<hbm>> -> memref<1x1x640x144xf32, #tpu.memory_space<hbm>>
      %dma_wait3A_109 = tpu.memref_squeeze %dma_wait3A_108 : memref<1x1x640x144xf32, #tpu.memory_space<hbm>> -> memref<640x144xf32, #tpu.memory_space<hbm>>
      %dma_wait3A_110 = arith.constant 0 : i32
      %dma_wait3A_111 = tpu.memref_slice %arg10[%mul3A_2, %dma_wait3A_110] : memref<10240x144xf32, #tpu.memory_space<vmem_shared>> -> memref<640x144xf32, #tpu.memory_space<vmem_shared>>
      tpu.wait_dma2 semaphore(%run_scoped3A_103 : memref<!tpu.dma_semaphore, #tpu.memory_space<semaphore_mem>>) src(%dma_wait3A_111 : memref<640x144xf32, #tpu.memory_space<vmem_shared>>) dst(%dma_wait3A_109 : memref<640x144xf32, #tpu.memory_space<hbm>>)
      tpu.yield
    }) : () -> ()
    %scan3A_35 = arith.constant 0 : i32
    %scan3A_36 = arith.constant 0 : i32
    %scan3A_37 = arith.constant 128 : i32
    %scan3A_38 = arith.addi %scan3A_36, %scan3A_37 : i32
    %scan3A_39 = arith.constant 1 : i32
    %scan3A_40 = scf.for %scan3A_103 = %scan3A_36 to %scan3A_38 step %scan3A_39 iter_args(%scan3A_104 = %scan3A_35) -> (i32)  : i32 {
      %broadcast_in_dim3A = arith.constant 0.000000e+00 : f32
      %broadcast_in_dim3A_105 = vector.broadcast %broadcast_in_dim3A : f32 to vector<16xf32>
      %swap3A = arith.index_cast %scan3A_103 : i32 to index
      %swap3A_106 = arith.constant 0 : index
      %swap3A_107 = tpu.vector_load %arg8[%swap3A, %swap3A_106] {strides = array<i32>} : memref<128x144xf32, #tpu.memory_space<vmem>>, vector<1x16xf32>,
      %swap3A_108 = vector.shape_cast %swap3A_107 : vector<1x16xf32> to vector<16xf32>
      %swap3A_109 = vector.shape_cast %broadcast_in_dim3A_105 : vector<16xf32> to vector<1x16xf32>
      tpu.vector_store %arg8[%swap3A, %swap3A_106], %swap3A_109 {strides = array<i32>} : memref<128x144xf32, #tpu.memory_space<vmem>>, vector<1x16xf32>,
      %broadcast_in_dim3A_110 = arith.constant 0.000000e+00 : f32
      %broadcast_in_dim3A_111 = vector.broadcast %broadcast_in_dim3A_110 : f32 to vector<16xf32>
      %swap3A_112 = arith.index_cast %scan3A_103 : i32 to index
      %swap3A_113 = arith.constant 16 : index
      %swap3A_114 = tpu.vector_load %arg8[%swap3A_112, %swap3A_113] {strides = array<i32>} : memref<128x144xf32, #tpu.memory_space<vmem>>, vector<1x16xf32>,
      %swap3A_115 = vector.shape_cast %swap3A_114 : vector<1x16xf32> to vector<16xf32>
      %swap3A_116 = vector.shape_cast %broadcast_in_dim3A_111 : vector<16xf32> to vector<1x16xf32>
      tpu.vector_store %arg8[%swap3A_112, %swap3A_113], %swap3A_116 {strides = array<i32>} : memref<128x144xf32, #tpu.memory_space<vmem>>, vector<1x16xf32>,
      %broadcast_in_dim3A_117 = arith.constant 0.000000e+00 : f32
      %broadcast_in_dim3A_118 = vector.broadcast %broadcast_in_dim3A_117 : f32 to vector<16xf32>
      %swap3A_119 = arith.index_cast %scan3A_103 : i32 to index
      %swap3A_120 = arith.constant 32 : index
      %swap3A_121 = tpu.vector_load %arg8[%swap3A_119, %swap3A_120] {strides = array<i32>} : memref<128x144xf32, #tpu.memory_space<vmem>>, vector<1x16xf32>,
      %swap3A_122 = vector.shape_cast %swap3A_121 : vector<1x16xf32> to vector<16xf32>
      %swap3A_123 = vector.shape_cast %broadcast_in_dim3A_118 : vector<16xf32> to vector<1x16xf32>
      tpu.vector_store %arg8[%swap3A_119, %swap3A_120], %swap3A_123 {strides = array<i32>} : memref<128x144xf32, #tpu.memory_space<vmem>>, vector<1x16xf32>,
      %broadcast_in_dim3A_124 = arith.constant 0.000000e+00 : f32
      %broadcast_in_dim3A_125 = vector.broadcast %broadcast_in_dim3A_124 : f32 to vector<16xf32>
      %swap3A_126 = arith.index_cast %scan3A_103 : i32 to index
      %swap3A_127 = arith.constant 48 : index
      %swap3A_128 = tpu.vector_load %arg8[%swap3A_126, %swap3A_127] {strides = array<i32>} : memref<128x144xf32, #tpu.memory_space<vmem>>, vector<1x16xf32>,
      %swap3A_129 = vector.shape_cast %swap3A_128 : vector<1x16xf32> to vector<16xf32>
      %swap3A_130 = vector.shape_cast %broadcast_in_dim3A_125 : vector<16xf32> to vector<1x16xf32>
      tpu.vector_store %arg8[%swap3A_126, %swap3A_127], %swap3A_130 {strides = array<i32>} : memref<128x144xf32, #tpu.memory_space<vmem>>, vector<1x16xf32>,
      %broadcast_in_dim3A_131 = arith.constant 0.000000e+00 : f32
      %broadcast_in_dim3A_132 = vector.broadcast %broadcast_in_dim3A_131 : f32 to vector<16xf32>
      %swap3A_133 = arith.index_cast %scan3A_103 : i32 to index
      %swap3A_134 = arith.constant 64 : index
      %swap3A_135 = tpu.vector_load %arg8[%swap3A_133, %swap3A_134] {strides = array<i32>} : memref<128x144xf32, #tpu.memory_space<vmem>>, vector<1x16xf32>,
      %swap3A_136 = vector.shape_cast %swap3A_135 : vector<1x16xf32> to vector<16xf32>
      %swap3A_137 = vector.shape_cast %broadcast_in_dim3A_132 : vector<16xf32> to vector<1x16xf32>
      tpu.vector_store %arg8[%swap3A_133, %swap3A_134], %swap3A_137 {strides = array<i32>} : memref<128x144xf32, #tpu.memory_space<vmem>>, vector<1x16xf32>,
      %broadcast_in_dim3A_138 = arith.constant 0.000000e+00 : f32
      %broadcast_in_dim3A_139 = vector.broadcast %broadcast_in_dim3A_138 : f32 to vector<16xf32>
      %swap3A_140 = arith.index_cast %scan3A_103 : i32 to index
      %swap3A_141 = arith.constant 80 : index
      %swap3A_142 = tpu.vector_load %arg8[%swap3A_140, %swap3A_141] {strides = array<i32>} : memref<128x144xf32, #tpu.memory_space<vmem>>, vector<1x16xf32>,
      %swap3A_143 = vector.shape_cast %swap3A_142 : vector<1x16xf32> to vector<16xf32>
      %swap3A_144 = vector.shape_cast %broadcast_in_dim3A_139 : vector<16xf32> to vector<1x16xf32>
      tpu.vector_store %arg8[%swap3A_140, %swap3A_141], %swap3A_144 {strides = array<i32>} : memref<128x144xf32, #tpu.memory_space<vmem>>, vector<1x16xf32>,
      %broadcast_in_dim3A_145 = arith.constant 0.000000e+00 : f32
      %broadcast_in_dim3A_146 = vector.broadcast %broadcast_in_dim3A_145 : f32 to vector<16xf32>
      %swap3A_147 = arith.index_cast %scan3A_103 : i32 to index
      %swap3A_148 = arith.constant 96 : index
      %swap3A_149 = tpu.vector_load %arg8[%swap3A_147, %swap3A_148] {strides = array<i32>} : memref<128x144xf32, #tpu.memory_space<vmem>>, vector<1x16xf32>,
      %swap3A_150 = vector.shape_cast %swap3A_149 : vector<1x16xf32> to vector<16xf32>
      %swap3A_151 = vector.shape_cast %broadcast_in_dim3A_146 : vector<16xf32> to vector<1x16xf32>
      tpu.vector_store %arg8[%swap3A_147, %swap3A_148], %swap3A_151 {strides = array<i32>} : memref<128x144xf32, #tpu.memory_space<vmem>>, vector<1x16xf32>,
      %broadcast_in_dim3A_152 = arith.constant 0.000000e+00 : f32
      %broadcast_in_dim3A_153 = vector.broadcast %broadcast_in_dim3A_152 : f32 to vector<16xf32>
      %swap3A_154 = arith.index_cast %scan3A_103 : i32 to index
      %swap3A_155 = arith.constant 112 : index
      %swap3A_156 = tpu.vector_load %arg8[%swap3A_154, %swap3A_155] {strides = array<i32>} : memref<128x144xf32, #tpu.memory_space<vmem>>, vector<1x16xf32>,
      %swap3A_157 = vector.shape_cast %swap3A_156 : vector<1x16xf32> to vector<16xf32>
      %swap3A_158 = vector.shape_cast %broadcast_in_dim3A_153 : vector<16xf32> to vector<1x16xf32>
      tpu.vector_store %arg8[%swap3A_154, %swap3A_155], %swap3A_158 {strides = array<i32>} : memref<128x144xf32, #tpu.memory_space<vmem>>, vector<1x16xf32>,
      %broadcast_in_dim3A_159 = arith.constant 0.000000e+00 : f32
      %broadcast_in_dim3A_160 = vector.broadcast %broadcast_in_dim3A_159 : f32 to vector<16xf32>
      %swap3A_161 = arith.index_cast %scan3A_103 : i32 to index
      %swap3A_162 = arith.constant 128 : index
      %swap3A_163 = tpu.vector_load %arg8[%swap3A_161, %swap3A_162] {strides = array<i32>} : memref<128x144xf32, #tpu.memory_space<vmem>>, vector<1x16xf32>,
      %swap3A_164 = vector.shape_cast %swap3A_163 : vector<1x16xf32> to vector<16xf32>
      %swap3A_165 = vector.shape_cast %broadcast_in_dim3A_160 : vector<16xf32> to vector<1x16xf32>
      tpu.vector_store %arg8[%swap3A_161, %swap3A_162], %swap3A_165 {strides = array<i32>} : memref<128x144xf32, #tpu.memory_space<vmem>>, vector<1x16xf32>,
      %scan3A_166 = arith.constant 0 : i32
      scf.yield %scan3A_166 : i32
    }
    %scan3A_41 = arith.constant 128 : i32
    %add3A_42 = arith.constant 0 : i32
    %add3A_43 = arith.addi %mul3A_2, %add3A_42 : i32
    "tpu.region"() ({
      %run_scoped3A_103 = tpu.sem_alloc : memref<!tpu.dma_semaphore, #tpu.memory_space<semaphore_mem>>
      %dma_start3A = arith.constant 0 : i32
      %dma_start3A_104 = tpu.memref_slice %arg10[%add3A_43, %dma_start3A] : memref<10240x144xf32, #tpu.memory_space<vmem_shared>> -> memref<128x144xf32, #tpu.memory_space<vmem_shared>>
      %dma_start3A_105 = arith.constant 0 : i32
      %dma_start3A_106 = tpu.memref_slice %arg10[%add3A_43, %dma_start3A_105] : memref<10240x144xf32, #tpu.memory_space<vmem_shared>> -> memref<128x144xf32, #tpu.memory_space<vmem_shared>>
      tpu.enqueue_dma source(%arg8 : memref<128x144xf32, #tpu.memory_space<vmem>>) target(%dma_start3A_106 : memref<128x144xf32, #tpu.memory_space<vmem_shared>>) target_semaphore(%run_scoped3A_103 : memref<!tpu.dma_semaphore, #tpu.memory_space<semaphore_mem>>)
      %dma_wait3A = arith.constant 0 : i32
      %dma_wait3A_107 = tpu.memref_slice %arg10[%add3A_43, %dma_wait3A] : memref<10240x144xf32, #tpu.memory_space<vmem_shared>> -> memref<128x144xf32, #tpu.memory_space<vmem_shared>>
      %dma_wait3A_108 = arith.constant 0 : i32
      %dma_wait3A_109 = tpu.memref_slice %arg10[%add3A_43, %dma_wait3A_108] : memref<10240x144xf32, #tpu.memory_space<vmem_shared>> -> memref<128x144xf32, #tpu.memory_space<vmem_shared>>
      tpu.wait_dma2 semaphore(%run_scoped3A_103 : memref<!tpu.dma_semaphore, #tpu.memory_space<semaphore_mem>>) src(%arg8 : memref<128x144xf32, #tpu.memory_space<vmem>>) dst(%dma_wait3A_109 : memref<128x144xf32, #tpu.memory_space<vmem_shared>>)
      tpu.yield
    }) : () -> ()
    %add3A_44 = arith.constant 128 : i32
    %add3A_45 = arith.addi %mul3A_2, %add3A_44 : i32
    "tpu.region"() ({
      %run_scoped3A_103 = tpu.sem_alloc : memref<!tpu.dma_semaphore, #tpu.memory_space<semaphore_mem>>
      %dma_start3A = arith.constant 0 : i32
      %dma_start3A_104 = tpu.memref_slice %arg10[%add3A_45, %dma_start3A] : memref<10240x144xf32, #tpu.memory_space<vmem_shared>> -> memref<128x144xf32, #tpu.memory_space<vmem_shared>>
      %dma_start3A_105 = arith.constant 0 : i32
      %dma_start3A_106 = tpu.memref_slice %arg10[%add3A_45, %dma_start3A_105] : memref<10240x144xf32, #tpu.memory_space<vmem_shared>> -> memref<128x144xf32, #tpu.memory_space<vmem_shared>>
      tpu.enqueue_dma source(%arg8 : memref<128x144xf32, #tpu.memory_space<vmem>>) target(%dma_start3A_106 : memref<128x144xf32, #tpu.memory_space<vmem_shared>>) target_semaphore(%run_scoped3A_103 : memref<!tpu.dma_semaphore, #tpu.memory_space<semaphore_mem>>)
      %dma_wait3A = arith.constant 0 : i32
      %dma_wait3A_107 = tpu.memref_slice %arg10[%add3A_45, %dma_wait3A] : memref<10240x144xf32, #tpu.memory_space<vmem_shared>> -> memref<128x144xf32, #tpu.memory_space<vmem_shared>>
      %dma_wait3A_108 = arith.constant 0 : i32
      %dma_wait3A_109 = tpu.memref_slice %arg10[%add3A_45, %dma_wait3A_108] : memref<10240x144xf32, #tpu.memory_space<vmem_shared>> -> memref<128x144xf32, #tpu.memory_space<vmem_shared>>
      tpu.wait_dma2 semaphore(%run_scoped3A_103 : memref<!tpu.dma_semaphore, #tpu.memory_space<semaphore_mem>>) src(%arg8 : memref<128x144xf32, #tpu.memory_space<vmem>>) dst(%dma_wait3A_109 : memref<128x144xf32, #tpu.memory_space<vmem_shared>>)
      tpu.yield
    }) : () -> ()
    %add3A_46 = arith.constant 256 : i32
    %add3A_47 = arith.addi %mul3A_2, %add3A_46 : i32
    "tpu.region"() ({
      %run_scoped3A_103 = tpu.sem_alloc : memref<!tpu.dma_semaphore, #tpu.memory_space<semaphore_mem>>
      %dma_start3A = arith.constant 0 : i32
      %dma_start3A_104 = tpu.memref_slice %arg10[%add3A_47, %dma_start3A] : memref<10240x144xf32, #tpu.memory_space<vmem_shared>> -> memref<128x144xf32, #tpu.memory_space<vmem_shared>>
      %dma_start3A_105 = arith.constant 0 : i32
      %dma_start3A_106 = tpu.memref_slice %arg10[%add3A_47, %dma_start3A_105] : memref<10240x144xf32, #tpu.memory_space<vmem_shared>> -> memref<128x144xf32, #tpu.memory_space<vmem_shared>>
      tpu.enqueue_dma source(%arg8 : memref<128x144xf32, #tpu.memory_space<vmem>>) target(%dma_start3A_106 : memref<128x144xf32, #tpu.memory_space<vmem_shared>>) target_semaphore(%run_scoped3A_103 : memref<!tpu.dma_semaphore, #tpu.memory_space<semaphore_mem>>)
      %dma_wait3A = arith.constant 0 : i32
      %dma_wait3A_107 = tpu.memref_slice %arg10[%add3A_47, %dma_wait3A] : memref<10240x144xf32, #tpu.memory_space<vmem_shared>> -> memref<128x144xf32, #tpu.memory_space<vmem_shared>>
      %dma_wait3A_108 = arith.constant 0 : i32
      %dma_wait3A_109 = tpu.memref_slice %arg10[%add3A_47, %dma_wait3A_108] : memref<10240x144xf32, #tpu.memory_space<vmem_shared>> -> memref<128x144xf32, #tpu.memory_space<vmem_shared>>
      tpu.wait_dma2 semaphore(%run_scoped3A_103 : memref<!tpu.dma_semaphore, #tpu.memory_space<semaphore_mem>>) src(%arg8 : memref<128x144xf32, #tpu.memory_space<vmem>>) dst(%dma_wait3A_109 : memref<128x144xf32, #tpu.memory_space<vmem_shared>>)
      tpu.yield
    }) : () -> ()
    %add3A_48 = arith.constant 384 : i32
    %add3A_49 = arith.addi %mul3A_2, %add3A_48 : i32
    "tpu.region"() ({
      %run_scoped3A_103 = tpu.sem_alloc : memref<!tpu.dma_semaphore, #tpu.memory_space<semaphore_mem>>
      %dma_start3A = arith.constant 0 : i32
      %dma_start3A_104 = tpu.memref_slice %arg10[%add3A_49, %dma_start3A] : memref<10240x144xf32, #tpu.memory_space<vmem_shared>> -> memref<128x144xf32, #tpu.memory_space<vmem_shared>>
      %dma_start3A_105 = arith.constant 0 : i32
      %dma_start3A_106 = tpu.memref_slice %arg10[%add3A_49, %dma_start3A_105] : memref<10240x144xf32, #tpu.memory_space<vmem_shared>> -> memref<128x144xf32, #tpu.memory_space<vmem_shared>>
      tpu.enqueue_dma source(%arg8 : memref<128x144xf32, #tpu.memory_space<vmem>>) target(%dma_start3A_106 : memref<128x144xf32, #tpu.memory_space<vmem_shared>>) target_semaphore(%run_scoped3A_103 : memref<!tpu.dma_semaphore, #tpu.memory_space<semaphore_mem>>)
      %dma_wait3A = arith.constant 0 : i32
      %dma_wait3A_107 = tpu.memref_slice %arg10[%add3A_49, %dma_wait3A] : memref<10240x144xf32, #tpu.memory_space<vmem_shared>> -> memref<128x144xf32, #tpu.memory_space<vmem_shared>>
      %dma_wait3A_108 = arith.constant 0 : i32
      %dma_wait3A_109 = tpu.memref_slice %arg10[%add3A_49, %dma_wait3A_108] : memref<10240x144xf32, #tpu.memory_space<vmem_shared>> -> memref<128x144xf32, #tpu.memory_space<vmem_shared>>
      tpu.wait_dma2 semaphore(%run_scoped3A_103 : memref<!tpu.dma_semaphore, #tpu.memory_space<semaphore_mem>>) src(%arg8 : memref<128x144xf32, #tpu.memory_space<vmem>>) dst(%dma_wait3A_109 : memref<128x144xf32, #tpu.memory_space<vmem_shared>>)
      tpu.yield
    }) : () -> ()
    %add3A_50 = arith.constant 512 : i32
    %add3A_51 = arith.addi %mul3A_2, %add3A_50 : i32
    "tpu.region"() ({
      %run_scoped3A_103 = tpu.sem_alloc : memref<!tpu.dma_semaphore, #tpu.memory_space<semaphore_mem>>
      %dma_start3A = arith.constant 0 : i32
      %dma_start3A_104 = tpu.memref_slice %arg10[%add3A_51, %dma_start3A] : memref<10240x144xf32, #tpu.memory_space<vmem_shared>> -> memref<128x144xf32, #tpu.memory_space<vmem_shared>>
      %dma_start3A_105 = arith.constant 0 : i32
      %dma_start3A_106 = tpu.memref_slice %arg10[%add3A_51, %dma_start3A_105] : memref<10240x144xf32, #tpu.memory_space<vmem_shared>> -> memref<128x144xf32, #tpu.memory_space<vmem_shared>>
      tpu.enqueue_dma source(%arg8 : memref<128x144xf32, #tpu.memory_space<vmem>>) target(%dma_start3A_106 : memref<128x144xf32, #tpu.memory_space<vmem_shared>>) target_semaphore(%run_scoped3A_103 : memref<!tpu.dma_semaphore, #tpu.memory_space<semaphore_mem>>)
      %dma_wait3A = arith.constant 0 : i32
      %dma_wait3A_107 = tpu.memref_slice %arg10[%add3A_51, %dma_wait3A] : memref<10240x144xf32, #tpu.memory_space<vmem_shared>> -> memref<128x144xf32, #tpu.memory_space<vmem_shared>>
      %dma_wait3A_108 = arith.constant 0 : i32
      %dma_wait3A_109 = tpu.memref_slice %arg10[%add3A_51, %dma_wait3A_108] : memref<10240x144xf32, #tpu.memory_space<vmem_shared>> -> memref<128x144xf32, #tpu.memory_space<vmem_shared>>
      tpu.wait_dma2 semaphore(%run_scoped3A_103 : memref<!tpu.dma_semaphore, #tpu.memory_space<semaphore_mem>>) src(%arg8 : memref<128x144xf32, #tpu.memory_space<vmem>>) dst(%dma_wait3A_109 : memref<128x144xf32, #tpu.memory_space<vmem_shared>>)
      tpu.yield
    }) : () -> ()
    %run_scoped3A_52 = arith.constant 1 : i32
    "tpu.region"() ({
      %run_scoped3A_103 = tpu.sem_alloc : memref<!tpu.dma_semaphore, #tpu.memory_space<semaphore_mem>>
      %dma_start3A = arith.constant 0 : i32
      %dma_start3A_104 = arith.constant 0 : i32
      %dma_start3A_105 = tpu.memref_slice %arg3[%run_scoped3A_52, %add3A, %dma_start3A, %dma_start3A_104] : memref<3x32x41x128xi32, #tpu.memory_space<hbm>> -> memref<1x1x41x128xi32, #tpu.memory_space<hbm>>
      %dma_start3A_106 = tpu.memref_squeeze %dma_start3A_105 : memref<1x1x41x128xi32, #tpu.memory_space<hbm>> -> memref<41x128xi32, #tpu.memory_space<hbm>>
      %dma_start3A_107 = arith.constant 0 : i32
      %dma_start3A_108 = arith.constant 0 : i32
      %dma_start3A_109 = tpu.memref_slice %arg3[%run_scoped3A_52, %add3A, %dma_start3A_107, %dma_start3A_108] : memref<3x32x41x128xi32, #tpu.memory_space<hbm>> -> memref<1x1x41x128xi32, #tpu.memory_space<hbm>>
      %dma_start3A_110 = tpu.memref_squeeze %dma_start3A_109 : memref<1x1x41x128xi32, #tpu.memory_space<hbm>> -> memref<41x128xi32, #tpu.memory_space<hbm>>
      tpu.enqueue_dma source(%dma_start3A_110 : memref<41x128xi32, #tpu.memory_space<hbm>>) target(%arg6 : memref<41x128xi32, #tpu.memory_space<vmem>>) target_semaphore(%run_scoped3A_103 : memref<!tpu.dma_semaphore, #tpu.memory_space<semaphore_mem>>)
      %dma_wait3A = arith.constant 0 : i32
      %dma_wait3A_111 = arith.constant 0 : i32
      %dma_wait3A_112 = tpu.memref_slice %arg3[%run_scoped3A_52, %add3A, %dma_wait3A, %dma_wait3A_111] : memref<3x32x41x128xi32, #tpu.memory_space<hbm>> -> memref<1x1x41x128xi32, #tpu.memory_space<hbm>>
      %dma_wait3A_113 = tpu.memref_squeeze %dma_wait3A_112 : memref<1x1x41x128xi32, #tpu.memory_space<hbm>> -> memref<41x128xi32, #tpu.memory_space<hbm>>
      %dma_wait3A_114 = arith.constant 0 : i32
      %dma_wait3A_115 = arith.constant 0 : i32
      %dma_wait3A_116 = tpu.memref_slice %arg3[%run_scoped3A_52, %add3A, %dma_wait3A_114, %dma_wait3A_115] : memref<3x32x41x128xi32, #tpu.memory_space<hbm>> -> memref<1x1x41x128xi32, #tpu.memory_space<hbm>>
      %dma_wait3A_117 = tpu.memref_squeeze %dma_wait3A_116 : memref<1x1x41x128xi32, #tpu.memory_space<hbm>> -> memref<41x128xi32, #tpu.memory_space<hbm>>
      tpu.wait_dma2 semaphore(%run_scoped3A_103 : memref<!tpu.dma_semaphore, #tpu.memory_space<semaphore_mem>>) src(%dma_wait3A_117 : memref<41x128xi32, #tpu.memory_space<hbm>>) dst(%arg6 : memref<41x128xi32, #tpu.memory_space<vmem>>)
      tpu.yield
    }) : () -> ()
    %run_scoped3A_53 = arith.constant 1 : i32
    "tpu.region"() ({
      %run_scoped3A_103 = tpu.sem_alloc : memref<!tpu.dma_semaphore, #tpu.memory_space<semaphore_mem>>
      %dma_start3A = arith.constant 0 : i32
      %dma_start3A_104 = arith.constant 0 : i32
      %dma_start3A_105 = tpu.memref_slice %arg4[%run_scoped3A_53, %add3A, %dma_start3A, %dma_start3A_104] : memref<3x32x41x128xi32, #tpu.memory_space<hbm>> -> memref<1x1x41x128xi32, #tpu.memory_space<hbm>>
      %dma_start3A_106 = tpu.memref_squeeze %dma_start3A_105 : memref<1x1x41x128xi32, #tpu.memory_space<hbm>> -> memref<41x128xi32, #tpu.memory_space<hbm>>
      %dma_start3A_107 = arith.constant 0 : i32
      %dma_start3A_108 = arith.constant 0 : i32
      %dma_start3A_109 = tpu.memref_slice %arg4[%run_scoped3A_53, %add3A, %dma_start3A_107, %dma_start3A_108] : memref<3x32x41x128xi32, #tpu.memory_space<hbm>> -> memref<1x1x41x128xi32, #tpu.memory_space<hbm>>
      %dma_start3A_110 = tpu.memref_squeeze %dma_start3A_109 : memref<1x1x41x128xi32, #tpu.memory_space<hbm>> -> memref<41x128xi32, #tpu.memory_space<hbm>>
      tpu.enqueue_dma source(%dma_start3A_110 : memref<41x128xi32, #tpu.memory_space<hbm>>) target(%arg7 : memref<41x128xi32, #tpu.memory_space<vmem>>) target_semaphore(%run_scoped3A_103 : memref<!tpu.dma_semaphore, #tpu.memory_space<semaphore_mem>>)
      %dma_wait3A = arith.constant 0 : i32
      %dma_wait3A_111 = arith.constant 0 : i32
      %dma_wait3A_112 = tpu.memref_slice %arg4[%run_scoped3A_53, %add3A, %dma_wait3A, %dma_wait3A_111] : memref<3x32x41x128xi32, #tpu.memory_space<hbm>> -> memref<1x1x41x128xi32, #tpu.memory_space<hbm>>
      %dma_wait3A_113 = tpu.memref_squeeze %dma_wait3A_112 : memref<1x1x41x128xi32, #tpu.memory_space<hbm>> -> memref<41x128xi32, #tpu.memory_space<hbm>>
      %dma_wait3A_114 = arith.constant 0 : i32
      %dma_wait3A_115 = arith.constant 0 : i32
      %dma_wait3A_116 = tpu.memref_slice %arg4[%run_scoped3A_53, %add3A, %dma_wait3A_114, %dma_wait3A_115] : memref<3x32x41x128xi32, #tpu.memory_space<hbm>> -> memref<1x1x41x128xi32, #tpu.memory_space<hbm>>
      %dma_wait3A_117 = tpu.memref_squeeze %dma_wait3A_116 : memref<1x1x41x128xi32, #tpu.memory_space<hbm>> -> memref<41x128xi32, #tpu.memory_space<hbm>>
      tpu.wait_dma2 semaphore(%run_scoped3A_103 : memref<!tpu.dma_semaphore, #tpu.memory_space<semaphore_mem>>) src(%dma_wait3A_117 : memref<41x128xi32, #tpu.memory_space<hbm>>) dst(%arg7 : memref<41x128xi32, #tpu.memory_space<vmem>>)
      tpu.yield
    }) : () -> ()
    %barrier3A_54 = arith.constant 0 : index
    tpu.barrier barrier_id(%barrier3A_54)
    %while3A_55 = arith.constant 0 : i32
    %while3A_56 = arith.constant 0 : i32
    %while3A_57 = arith.subi %select_n3A, %while3A_55 : i32
    %while3A_58 = arith.addi %while3A_55, %while3A_57 : i32
    %while3A_59 = arith.constant 1 : i32
    %while3A_60 = arith.divsi %while3A_57, %while3A_59 : i32
    %while3A_61 = arith.muli %while3A_60, %while3A_59 : i32
    %while3A_62 = arith.addi %while3A_55, %while3A_61 : i32
    %while3A_63 = arith.constant 1 : i32
    %while3A_64 = scf.for %while3A_103 = %while3A_55 to %while3A_62 step %while3A_63 iter_args(%while3A_104 = %while3A_56) -> (i32)  : i32 {
      %dma_start3A = arith.constant 0 : i32
      %dma_start3A_105 = tpu.memref_slice %arg6[%while3A_103, %dma_start3A] : memref<41x128xi32, #tpu.memory_space<vmem>> -> memref<1x128xi32, #tpu.memory_space<vmem>>
      %dma_start3A_106 = tpu.memref_squeeze %dma_start3A_105 : memref<1x128xi32, #tpu.memory_space<vmem>> -> memref<128xi32, #tpu.memory_space<vmem>>
      %dma_start3A_107 = arith.constant 0 : i32
      %dma_start3A_108 = arith.constant 0 : i32
      %dma_start3A_109 = tpu.memref_slice %arg2[%dma_start3A_107, %dma_start3A_108] : memref<10240x144xf32, #tpu.memory_space<hbm>> -> memref<10240x144xf32, #tpu.memory_space<hbm>>
      tpu.enqueue_indirect_dma source(%dma_start3A_109 : memref<10240x144xf32, #tpu.memory_space<hbm>>) target(%arg8 : memref<128x144xf32, #tpu.memory_space<vmem>>) offsets(%dma_start3A_106 : memref<128xi32, #tpu.memory_space<vmem>>) semaphore(%arg11 : memref<!tpu.dma_semaphore, #tpu.memory_space<semaphore_mem>>)
      %dma_wait3A = arith.constant 0 : i32
      %dma_wait3A_110 = tpu.memref_slice %arg6[%while3A_103, %dma_wait3A] : memref<41x128xi32, #tpu.memory_space<vmem>> -> memref<1x128xi32, #tpu.memory_space<vmem>>
      %dma_wait3A_111 = tpu.memref_squeeze %dma_wait3A_110 : memref<1x128xi32, #tpu.memory_space<vmem>> -> memref<128xi32, #tpu.memory_space<vmem>>
      %dma_wait3A_112 = arith.constant 0 : i32
      %dma_wait3A_113 = arith.constant 0 : i32
      %dma_wait3A_114 = tpu.memref_slice %arg2[%dma_wait3A_112, %dma_wait3A_113] : memref<10240x144xf32, #tpu.memory_space<hbm>> -> memref<10240x144xf32, #tpu.memory_space<hbm>>
      tpu.wait_indirect_dma semaphore(%arg11 : memref<!tpu.dma_semaphore, #tpu.memory_space<semaphore_mem>>) src(%dma_wait3A_114 : memref<10240x144xf32, #tpu.memory_space<hbm>>) dst(%arg8 : memref<128x144xf32, #tpu.memory_space<vmem>>)
      "tpu.region"() ({
        %run_scoped3A_116 = tpu.sem_alloc : memref<!tpu.dma_semaphore, #tpu.memory_space<semaphore_mem>>
        %dma_start3A_117 = arith.constant 0 : i32
        %dma_start3A_118 = tpu.memref_slice %arg7[%while3A_103, %dma_start3A_117] : memref<41x128xi32, #tpu.memory_space<vmem>> -> memref<1x128xi32, #tpu.memory_space<vmem>>
        %dma_start3A_119 = tpu.memref_squeeze %dma_start3A_118 : memref<1x128xi32, #tpu.memory_space<vmem>> -> memref<128xi32, #tpu.memory_space<vmem>>
        %dma_start3A_120 = arith.constant 0 : i32
        %dma_start3A_121 = arith.constant 0 : i32
        %dma_start3A_122 = tpu.memref_slice %arg10[%dma_start3A_120, %dma_start3A_121] : memref<10240x144xf32, #tpu.memory_space<vmem_shared>> -> memref<10240x144xf32, #tpu.memory_space<vmem_shared>>
        tpu.enqueue_indirect_dma source(%arg8 : memref<128x144xf32, #tpu.memory_space<vmem>>) target(%dma_start3A_122 : memref<10240x144xf32, #tpu.memory_space<vmem_shared>>) offsets(%dma_start3A_119 : memref<128xi32, #tpu.memory_space<vmem>>) semaphore(%run_scoped3A_116 : memref<!tpu.dma_semaphore, #tpu.memory_space<semaphore_mem>>) {add = true}
        %dma_wait3A_123 = arith.constant 0 : i32
        %dma_wait3A_124 = tpu.memref_slice %arg7[%while3A_103, %dma_wait3A_123] : memref<41x128xi32, #tpu.memory_space<vmem>> -> memref<1x128xi32, #tpu.memory_space<vmem>>
        %dma_wait3A_125 = tpu.memref_squeeze %dma_wait3A_124 : memref<1x128xi32, #tpu.memory_space<vmem>> -> memref<128xi32, #tpu.memory_space<vmem>>
        %dma_wait3A_126 = arith.constant 0 : i32
        %dma_wait3A_127 = arith.constant 0 : i32
        %dma_wait3A_128 = tpu.memref_slice %arg10[%dma_wait3A_126, %dma_wait3A_127] : memref<10240x144xf32, #tpu.memory_space<vmem_shared>> -> memref<10240x144xf32, #tpu.memory_space<vmem_shared>>
        tpu.wait_indirect_dma semaphore(%run_scoped3A_116 : memref<!tpu.dma_semaphore, #tpu.memory_space<semaphore_mem>>) src(%arg8 : memref<128x144xf32, #tpu.memory_space<vmem>>) dst(%dma_wait3A_128 : memref<10240x144xf32, #tpu.memory_space<vmem_shared>>)
        tpu.yield
      }) : () -> ()
      %while3A_115 = arith.constant 0 : i32
      scf.yield %while3A_115 : i32
    }
    %while3A_65 = arith.constant 1 : i32
    %while3A_66 = scf.for %while3A_103 = %while3A_62 to %while3A_58 step %while3A_65 iter_args(%while3A_104 = %while3A_64) -> (i32)  : i32 {
      %dma_start3A = arith.constant 0 : i32
      %dma_start3A_105 = tpu.memref_slice %arg6[%while3A_103, %dma_start3A] : memref<41x128xi32, #tpu.memory_space<vmem>> -> memref<1x128xi32, #tpu.memory_space<vmem>>
      %dma_start3A_106 = tpu.memref_squeeze %dma_start3A_105 : memref<1x128xi32, #tpu.memory_space<vmem>> -> memref<128xi32, #tpu.memory_space<vmem>>
      %dma_start3A_107 = arith.constant 0 : i32
      %dma_start3A_108 = arith.constant 0 : i32
      %dma_start3A_109 = tpu.memref_slice %arg2[%dma_start3A_107, %dma_start3A_108] : memref<10240x144xf32, #tpu.memory_space<hbm>> -> memref<10240x144xf32, #tpu.memory_space<hbm>>
      tpu.enqueue_indirect_dma source(%dma_start3A_109 : memref<10240x144xf32, #tpu.memory_space<hbm>>) target(%arg8 : memref<128x144xf32, #tpu.memory_space<vmem>>) offsets(%dma_start3A_106 : memref<128xi32, #tpu.memory_space<vmem>>) semaphore(%arg11 : memref<!tpu.dma_semaphore, #tpu.memory_space<semaphore_mem>>)
      %dma_wait3A = arith.constant 0 : i32
      %dma_wait3A_110 = tpu.memref_slice %arg6[%while3A_103, %dma_wait3A] : memref<41x128xi32, #tpu.memory_space<vmem>> -> memref<1x128xi32, #tpu.memory_space<vmem>>
      %dma_wait3A_111 = tpu.memref_squeeze %dma_wait3A_110 : memref<1x128xi32, #tpu.memory_space<vmem>> -> memref<128xi32, #tpu.memory_space<vmem>>
      %dma_wait3A_112 = arith.constant 0 : i32
      %dma_wait3A_113 = arith.constant 0 : i32
      %dma_wait3A_114 = tpu.memref_slice %arg2[%dma_wait3A_112, %dma_wait3A_113] : memref<10240x144xf32, #tpu.memory_space<hbm>> -> memref<10240x144xf32, #tpu.memory_space<hbm>>
      tpu.wait_indirect_dma semaphore(%arg11 : memref<!tpu.dma_semaphore, #tpu.memory_space<semaphore_mem>>) src(%dma_wait3A_114 : memref<10240x144xf32, #tpu.memory_space<hbm>>) dst(%arg8 : memref<128x144xf32, #tpu.memory_space<vmem>>)
      "tpu.region"() ({
        %run_scoped3A_116 = tpu.sem_alloc : memref<!tpu.dma_semaphore, #tpu.memory_space<semaphore_mem>>
        %dma_start3A_117 = arith.constant 0 : i32
        %dma_start3A_118 = tpu.memref_slice %arg7[%while3A_103, %dma_start3A_117] : memref<41x128xi32, #tpu.memory_space<vmem>> -> memref<1x128xi32, #tpu.memory_space<vmem>>
        %dma_start3A_119 = tpu.memref_squeeze %dma_start3A_118 : memref<1x128xi32, #tpu.memory_space<vmem>> -> memref<128xi32, #tpu.memory_space<vmem>>
        %dma_start3A_120 = arith.constant 0 : i32
        %dma_start3A_121 = arith.constant 0 : i32
        %dma_start3A_122 = tpu.memref_slice %arg10[%dma_start3A_120, %dma_start3A_121] : memref<10240x144xf32, #tpu.memory_space<vmem_shared>> -> memref<10240x144xf32, #tpu.memory_space<vmem_shared>>
        tpu.enqueue_indirect_dma source(%arg8 : memref<128x144xf32, #tpu.memory_space<vmem>>) target(%dma_start3A_122 : memref<10240x144xf32, #tpu.memory_space<vmem_shared>>) offsets(%dma_start3A_119 : memref<128xi32, #tpu.memory_space<vmem>>) semaphore(%run_scoped3A_116 : memref<!tpu.dma_semaphore, #tpu.memory_space<semaphore_mem>>) {add = true}
        %dma_wait3A_123 = arith.constant 0 : i32
        %dma_wait3A_124 = tpu.memref_slice %arg7[%while3A_103, %dma_wait3A_123] : memref<41x128xi32, #tpu.memory_space<vmem>> -> memref<1x128xi32, #tpu.memory_space<vmem>>
        %dma_wait3A_125 = tpu.memref_squeeze %dma_wait3A_124 : memref<1x128xi32, #tpu.memory_space<vmem>> -> memref<128xi32, #tpu.memory_space<vmem>>
        %dma_wait3A_126 = arith.constant 0 : i32
        %dma_wait3A_127 = arith.constant 0 : i32
        %dma_wait3A_128 = tpu.memref_slice %arg10[%dma_wait3A_126, %dma_wait3A_127] : memref<10240x144xf32, #tpu.memory_space<vmem_shared>> -> memref<10240x144xf32, #tpu.memory_space<vmem_shared>>
        tpu.wait_indirect_dma semaphore(%run_scoped3A_116 : memref<!tpu.dma_semaphore, #tpu.memory_space<semaphore_mem>>) src(%arg8 : memref<128x144xf32, #tpu.memory_space<vmem>>) dst(%dma_wait3A_128 : memref<10240x144xf32, #tpu.memory_space<vmem_shared>>)
        tpu.yield
      }) : () -> ()
      %while3A_115 = arith.constant 0 : i32
      scf.yield %while3A_115 : i32
    }
    %barrier3A_67 = arith.constant 0 : index
    tpu.barrier barrier_id(%barrier3A_67)
    %run_scoped3A_68 = arith.constant 1 : i32
    "tpu.region"() ({
      %run_scoped3A_103 = tpu.sem_alloc : memref<!tpu.dma_semaphore, #tpu.memory_space<semaphore_mem>>
      %dma_start3A = arith.constant 0 : i32
      %dma_start3A_104 = tpu.memref_slice %arg5[%arg0, %run_scoped3A_68, %mul3A_2, %dma_start3A] : memref<2x3x10240x144xf32, #tpu.memory_space<hbm>> -> memref<1x1x640x144xf32, #tpu.memory_space<hbm>>
      %dma_start3A_105 = tpu.memref_squeeze %dma_start3A_104 : memref<1x1x640x144xf32, #tpu.memory_space<hbm>> -> memref<640x144xf32, #tpu.memory_space<hbm>>
      %dma_start3A_106 = arith.constant 0 : i32
      %dma_start3A_107 = tpu.memref_slice %arg10[%mul3A_2, %dma_start3A_106] : memref<10240x144xf32, #tpu.memory_space<vmem_shared>> -> memref<640x144xf32, #tpu.memory_space<vmem_shared>>
      tpu.enqueue_dma source(%dma_start3A_107 : memref<640x144xf32, #tpu.memory_space<vmem_shared>>) target(%dma_start3A_105 : memref<640x144xf32, #tpu.memory_space<hbm>>) target_semaphore(%run_scoped3A_103 : memref<!tpu.dma_semaphore, #tpu.memory_space<semaphore_mem>>)
      %dma_wait3A = arith.constant 0 : i32
      %dma_wait3A_108 = tpu.memref_slice %arg5[%arg0, %run_scoped3A_68, %mul3A_2, %dma_wait3A] : memref<2x3x10240x144xf32, #tpu.memory_space<hbm>> -> memref<1x1x640x144xf32, #tpu.memory_space<hbm>>
      %dma_wait3A_109 = tpu.memref_squeeze %dma_wait3A_108 : memref<1x1x640x144xf32, #tpu.memory_space<hbm>> -> memref<640x144xf32, #tpu.memory_space<hbm>>
      %dma_wait3A_110 = arith.constant 0 : i32
      %dma_wait3A_111 = tpu.memref_slice %arg10[%mul3A_2, %dma_wait3A_110] : memref<10240x144xf32, #tpu.memory_space<vmem_shared>> -> memref<640x144xf32, #tpu.memory_space<vmem_shared>>
      tpu.wait_dma2 semaphore(%run_scoped3A_103 : memref<!tpu.dma_semaphore, #tpu.memory_space<semaphore_mem>>) src(%dma_wait3A_111 : memref<640x144xf32, #tpu.memory_space<vmem_shared>>) dst(%dma_wait3A_109 : memref<640x144xf32, #tpu.memory_space<hbm>>)
      tpu.yield
    }) : () -> ()
    %scan3A_69 = arith.constant 0 : i32
    %scan3A_70 = arith.constant 0 : i32
    %scan3A_71 = arith.constant 128 : i32
    %scan3A_72 = arith.addi %scan3A_70, %scan3A_71 : i32
    %scan3A_73 = arith.constant 1 : i32
    %scan3A_74 = scf.for %scan3A_103 = %scan3A_70 to %scan3A_72 step %scan3A_73 iter_args(%scan3A_104 = %scan3A_69) -> (i32)  : i32 {
      %broadcast_in_dim3A = arith.constant 0.000000e+00 : f32
      %broadcast_in_dim3A_105 = vector.broadcast %broadcast_in_dim3A : f32 to vector<16xf32>
      %swap3A = arith.index_cast %scan3A_103 : i32 to index
      %swap3A_106 = arith.constant 0 : index
      %swap3A_107 = tpu.vector_load %arg8[%swap3A, %swap3A_106] {strides = array<i32>} : memref<128x144xf32, #tpu.memory_space<vmem>>, vector<1x16xf32>,
      %swap3A_108 = vector.shape_cast %swap3A_107 : vector<1x16xf32> to vector<16xf32>
      %swap3A_109 = vector.shape_cast %broadcast_in_dim3A_105 : vector<16xf32> to vector<1x16xf32>
      tpu.vector_store %arg8[%swap3A, %swap3A_106], %swap3A_109 {strides = array<i32>} : memref<128x144xf32, #tpu.memory_space<vmem>>, vector<1x16xf32>,
      %broadcast_in_dim3A_110 = arith.constant 0.000000e+00 : f32
      %broadcast_in_dim3A_111 = vector.broadcast %broadcast_in_dim3A_110 : f32 to vector<16xf32>
      %swap3A_112 = arith.index_cast %scan3A_103 : i32 to index
      %swap3A_113 = arith.constant 16 : index
      %swap3A_114 = tpu.vector_load %arg8[%swap3A_112, %swap3A_113] {strides = array<i32>} : memref<128x144xf32, #tpu.memory_space<vmem>>, vector<1x16xf32>,
      %swap3A_115 = vector.shape_cast %swap3A_114 : vector<1x16xf32> to vector<16xf32>
      %swap3A_116 = vector.shape_cast %broadcast_in_dim3A_111 : vector<16xf32> to vector<1x16xf32>
      tpu.vector_store %arg8[%swap3A_112, %swap3A_113], %swap3A_116 {strides = array<i32>} : memref<128x144xf32, #tpu.memory_space<vmem>>, vector<1x16xf32>,
      %broadcast_in_dim3A_117 = arith.constant 0.000000e+00 : f32
      %broadcast_in_dim3A_118 = vector.broadcast %broadcast_in_dim3A_117 : f32 to vector<16xf32>
      %swap3A_119 = arith.index_cast %scan3A_103 : i32 to index
      %swap3A_120 = arith.constant 32 : index
      %swap3A_121 = tpu.vector_load %arg8[%swap3A_119, %swap3A_120] {strides = array<i32>} : memref<128x144xf32, #tpu.memory_space<vmem>>, vector<1x16xf32>,
      %swap3A_122 = vector.shape_cast %swap3A_121 : vector<1x16xf32> to vector<16xf32>
      %swap3A_123 = vector.shape_cast %broadcast_in_dim3A_118 : vector<16xf32> to vector<1x16xf32>
      tpu.vector_store %arg8[%swap3A_119, %swap3A_120], %swap3A_123 {strides = array<i32>} : memref<128x144xf32, #tpu.memory_space<vmem>>, vector<1x16xf32>,
      %broadcast_in_dim3A_124 = arith.constant 0.000000e+00 : f32
      %broadcast_in_dim3A_125 = vector.broadcast %broadcast_in_dim3A_124 : f32 to vector<16xf32>
      %swap3A_126 = arith.index_cast %scan3A_103 : i32 to index
      %swap3A_127 = arith.constant 48 : index
      %swap3A_128 = tpu.vector_load %arg8[%swap3A_126, %swap3A_127] {strides = array<i32>} : memref<128x144xf32, #tpu.memory_space<vmem>>, vector<1x16xf32>,
      %swap3A_129 = vector.shape_cast %swap3A_128 : vector<1x16xf32> to vector<16xf32>
      %swap3A_130 = vector.shape_cast %broadcast_in_dim3A_125 : vector<16xf32> to vector<1x16xf32>
      tpu.vector_store %arg8[%swap3A_126, %swap3A_127], %swap3A_130 {strides = array<i32>} : memref<128x144xf32, #tpu.memory_space<vmem>>, vector<1x16xf32>,
      %broadcast_in_dim3A_131 = arith.constant 0.000000e+00 : f32
      %broadcast_in_dim3A_132 = vector.broadcast %broadcast_in_dim3A_131 : f32 to vector<16xf32>
      %swap3A_133 = arith.index_cast %scan3A_103 : i32 to index
      %swap3A_134 = arith.constant 64 : index
      %swap3A_135 = tpu.vector_load %arg8[%swap3A_133, %swap3A_134] {strides = array<i32>} : memref<128x144xf32, #tpu.memory_space<vmem>>, vector<1x16xf32>,
      %swap3A_136 = vector.shape_cast %swap3A_135 : vector<1x16xf32> to vector<16xf32>
      %swap3A_137 = vector.shape_cast %broadcast_in_dim3A_132 : vector<16xf32> to vector<1x16xf32>
      tpu.vector_store %arg8[%swap3A_133, %swap3A_134], %swap3A_137 {strides = array<i32>} : memref<128x144xf32, #tpu.memory_space<vmem>>, vector<1x16xf32>,
      %broadcast_in_dim3A_138 = arith.constant 0.000000e+00 : f32
      %broadcast_in_dim3A_139 = vector.broadcast %broadcast_in_dim3A_138 : f32 to vector<16xf32>
      %swap3A_140 = arith.index_cast %scan3A_103 : i32 to index
      %swap3A_141 = arith.constant 80 : index
      %swap3A_142 = tpu.vector_load %arg8[%swap3A_140, %swap3A_141] {strides = array<i32>} : memref<128x144xf32, #tpu.memory_space<vmem>>, vector<1x16xf32>,
      %swap3A_143 = vector.shape_cast %swap3A_142 : vector<1x16xf32> to vector<16xf32>
      %swap3A_144 = vector.shape_cast %broadcast_in_dim3A_139 : vector<16xf32> to vector<1x16xf32>
      tpu.vector_store %arg8[%swap3A_140, %swap3A_141], %swap3A_144 {strides = array<i32>} : memref<128x144xf32, #tpu.memory_space<vmem>>, vector<1x16xf32>,
      %broadcast_in_dim3A_145 = arith.constant 0.000000e+00 : f32
      %broadcast_in_dim3A_146 = vector.broadcast %broadcast_in_dim3A_145 : f32 to vector<16xf32>
      %swap3A_147 = arith.index_cast %scan3A_103 : i32 to index
      %swap3A_148 = arith.constant 96 : index
      %swap3A_149 = tpu.vector_load %arg8[%swap3A_147, %swap3A_148] {strides = array<i32>} : memref<128x144xf32, #tpu.memory_space<vmem>>, vector<1x16xf32>,
      %swap3A_150 = vector.shape_cast %swap3A_149 : vector<1x16xf32> to vector<16xf32>
      %swap3A_151 = vector.shape_cast %broadcast_in_dim3A_146 : vector<16xf32> to vector<1x16xf32>
      tpu.vector_store %arg8[%swap3A_147, %swap3A_148], %swap3A_151 {strides = array<i32>} : memref<128x144xf32, #tpu.memory_space<vmem>>, vector<1x16xf32>,
      %broadcast_in_dim3A_152 = arith.constant 0.000000e+00 : f32
      %broadcast_in_dim3A_153 = vector.broadcast %broadcast_in_dim3A_152 : f32 to vector<16xf32>
      %swap3A_154 = arith.index_cast %scan3A_103 : i32 to index
      %swap3A_155 = arith.constant 112 : index
      %swap3A_156 = tpu.vector_load %arg8[%swap3A_154, %swap3A_155] {strides = array<i32>} : memref<128x144xf32, #tpu.memory_space<vmem>>, vector<1x16xf32>,
      %swap3A_157 = vector.shape_cast %swap3A_156 : vector<1x16xf32> to vector<16xf32>
      %swap3A_158 = vector.shape_cast %broadcast_in_dim3A_153 : vector<16xf32> to vector<1x16xf32>
      tpu.vector_store %arg8[%swap3A_154, %swap3A_155], %swap3A_158 {strides = array<i32>} : memref<128x144xf32, #tpu.memory_space<vmem>>, vector<1x16xf32>,
      %broadcast_in_dim3A_159 = arith.constant 0.000000e+00 : f32
      %broadcast_in_dim3A_160 = vector.broadcast %broadcast_in_dim3A_159 : f32 to vector<16xf32>
      %swap3A_161 = arith.index_cast %scan3A_103 : i32 to index
      %swap3A_162 = arith.constant 128 : index
      %swap3A_163 = tpu.vector_load %arg8[%swap3A_161, %swap3A_162] {strides = array<i32>} : memref<128x144xf32, #tpu.memory_space<vmem>>, vector<1x16xf32>,
      %swap3A_164 = vector.shape_cast %swap3A_163 : vector<1x16xf32> to vector<16xf32>
      %swap3A_165 = vector.shape_cast %broadcast_in_dim3A_160 : vector<16xf32> to vector<1x16xf32>
      tpu.vector_store %arg8[%swap3A_161, %swap3A_162], %swap3A_165 {strides = array<i32>} : memref<128x144xf32, #tpu.memory_space<vmem>>, vector<1x16xf32>,
      %scan3A_166 = arith.constant 0 : i32
      scf.yield %scan3A_166 : i32
    }
    %scan3A_75 = arith.constant 128 : i32
    %add3A_76 = arith.constant 0 : i32
    %add3A_77 = arith.addi %mul3A_2, %add3A_76 : i32
    "tpu.region"() ({
      %run_scoped3A_103 = tpu.sem_alloc : memref<!tpu.dma_semaphore, #tpu.memory_space<semaphore_mem>>
      %dma_start3A = arith.constant 0 : i32
      %dma_start3A_104 = tpu.memref_slice %arg10[%add3A_77, %dma_start3A] : memref<10240x144xf32, #tpu.memory_space<vmem_shared>> -> memref<128x144xf32, #tpu.memory_space<vmem_shared>>
      %dma_start3A_105 = arith.constant 0 : i32
      %dma_start3A_106 = tpu.memref_slice %arg10[%add3A_77, %dma_start3A_105] : memref<10240x144xf32, #tpu.memory_space<vmem_shared>> -> memref<128x144xf32, #tpu.memory_space<vmem_shared>>
      tpu.enqueue_dma source(%arg8 : memref<128x144xf32, #tpu.memory_space<vmem>>) target(%dma_start3A_106 : memref<128x144xf32, #tpu.memory_space<vmem_shared>>) target_semaphore(%run_scoped3A_103 : memref<!tpu.dma_semaphore, #tpu.memory_space<semaphore_mem>>)
      %dma_wait3A = arith.constant 0 : i32
      %dma_wait3A_107 = tpu.memref_slice %arg10[%add3A_77, %dma_wait3A] : memref<10240x144xf32, #tpu.memory_space<vmem_shared>> -> memref<128x144xf32, #tpu.memory_space<vmem_shared>>
      %dma_wait3A_108 = arith.constant 0 : i32
      %dma_wait3A_109 = tpu.memref_slice %arg10[%add3A_77, %dma_wait3A_108] : memref<10240x144xf32, #tpu.memory_space<vmem_shared>> -> memref<128x144xf32, #tpu.memory_space<vmem_shared>>
      tpu.wait_dma2 semaphore(%run_scoped3A_103 : memref<!tpu.dma_semaphore, #tpu.memory_space<semaphore_mem>>) src(%arg8 : memref<128x144xf32, #tpu.memory_space<vmem>>) dst(%dma_wait3A_109 : memref<128x144xf32, #tpu.memory_space<vmem_shared>>)
      tpu.yield
    }) : () -> ()
    %add3A_78 = arith.constant 128 : i32
    %add3A_79 = arith.addi %mul3A_2, %add3A_78 : i32
    "tpu.region"() ({
      %run_scoped3A_103 = tpu.sem_alloc : memref<!tpu.dma_semaphore, #tpu.memory_space<semaphore_mem>>
      %dma_start3A = arith.constant 0 : i32
      %dma_start3A_104 = tpu.memref_slice %arg10[%add3A_79, %dma_start3A] : memref<10240x144xf32, #tpu.memory_space<vmem_shared>> -> memref<128x144xf32, #tpu.memory_space<vmem_shared>>
      %dma_start3A_105 = arith.constant 0 : i32
      %dma_start3A_106 = tpu.memref_slice %arg10[%add3A_79, %dma_start3A_105] : memref<10240x144xf32, #tpu.memory_space<vmem_shared>> -> memref<128x144xf32, #tpu.memory_space<vmem_shared>>
      tpu.enqueue_dma source(%arg8 : memref<128x144xf32, #tpu.memory_space<vmem>>) target(%dma_start3A_106 : memref<128x144xf32, #tpu.memory_space<vmem_shared>>) target_semaphore(%run_scoped3A_103 : memref<!tpu.dma_semaphore, #tpu.memory_space<semaphore_mem>>)
      %dma_wait3A = arith.constant 0 : i32
      %dma_wait3A_107 = tpu.memref_slice %arg10[%add3A_79, %dma_wait3A] : memref<10240x144xf32, #tpu.memory_space<vmem_shared>> -> memref<128x144xf32, #tpu.memory_space<vmem_shared>>
      %dma_wait3A_108 = arith.constant 0 : i32
      %dma_wait3A_109 = tpu.memref_slice %arg10[%add3A_79, %dma_wait3A_108] : memref<10240x144xf32, #tpu.memory_space<vmem_shared>> -> memref<128x144xf32, #tpu.memory_space<vmem_shared>>
      tpu.wait_dma2 semaphore(%run_scoped3A_103 : memref<!tpu.dma_semaphore, #tpu.memory_space<semaphore_mem>>) src(%arg8 : memref<128x144xf32, #tpu.memory_space<vmem>>) dst(%dma_wait3A_109 : memref<128x144xf32, #tpu.memory_space<vmem_shared>>)
      tpu.yield
    }) : () -> ()
    %add3A_80 = arith.constant 256 : i32
    %add3A_81 = arith.addi %mul3A_2, %add3A_80 : i32
    "tpu.region"() ({
      %run_scoped3A_103 = tpu.sem_alloc : memref<!tpu.dma_semaphore, #tpu.memory_space<semaphore_mem>>
      %dma_start3A = arith.constant 0 : i32
      %dma_start3A_104 = tpu.memref_slice %arg10[%add3A_81, %dma_start3A] : memref<10240x144xf32, #tpu.memory_space<vmem_shared>> -> memref<128x144xf32, #tpu.memory_space<vmem_shared>>
      %dma_start3A_105 = arith.constant 0 : i32
      %dma_start3A_106 = tpu.memref_slice %arg10[%add3A_81, %dma_start3A_105] : memref<10240x144xf32, #tpu.memory_space<vmem_shared>> -> memref<128x144xf32, #tpu.memory_space<vmem_shared>>
      tpu.enqueue_dma source(%arg8 : memref<128x144xf32, #tpu.memory_space<vmem>>) target(%dma_start3A_106 : memref<128x144xf32, #tpu.memory_space<vmem_shared>>) target_semaphore(%run_scoped3A_103 : memref<!tpu.dma_semaphore, #tpu.memory_space<semaphore_mem>>)
      %dma_wait3A = arith.constant 0 : i32
      %dma_wait3A_107 = tpu.memref_slice %arg10[%add3A_81, %dma_wait3A] : memref<10240x144xf32, #tpu.memory_space<vmem_shared>> -> memref<128x144xf32, #tpu.memory_space<vmem_shared>>
      %dma_wait3A_108 = arith.constant 0 : i32
      %dma_wait3A_109 = tpu.memref_slice %arg10[%add3A_81, %dma_wait3A_108] : memref<10240x144xf32, #tpu.memory_space<vmem_shared>> -> memref<128x144xf32, #tpu.memory_space<vmem_shared>>
      tpu.wait_dma2 semaphore(%run_scoped3A_103 : memref<!tpu.dma_semaphore, #tpu.memory_space<semaphore_mem>>) src(%arg8 : memref<128x144xf32, #tpu.memory_space<vmem>>) dst(%dma_wait3A_109 : memref<128x144xf32, #tpu.memory_space<vmem_shared>>)
      tpu.yield
    }) : () -> ()
    %add3A_82 = arith.constant 384 : i32
    %add3A_83 = arith.addi %mul3A_2, %add3A_82 : i32
    "tpu.region"() ({
      %run_scoped3A_103 = tpu.sem_alloc : memref<!tpu.dma_semaphore, #tpu.memory_space<semaphore_mem>>
      %dma_start3A = arith.constant 0 : i32
      %dma_start3A_104 = tpu.memref_slice %arg10[%add3A_83, %dma_start3A] : memref<10240x144xf32, #tpu.memory_space<vmem_shared>> -> memref<128x144xf32, #tpu.memory_space<vmem_shared>>
      %dma_start3A_105 = arith.constant 0 : i32
      %dma_start3A_106 = tpu.memref_slice %arg10[%add3A_83, %dma_start3A_105] : memref<10240x144xf32, #tpu.memory_space<vmem_shared>> -> memref<128x144xf32, #tpu.memory_space<vmem_shared>>
      tpu.enqueue_dma source(%arg8 : memref<128x144xf32, #tpu.memory_space<vmem>>) target(%dma_start3A_106 : memref<128x144xf32, #tpu.memory_space<vmem_shared>>) target_semaphore(%run_scoped3A_103 : memref<!tpu.dma_semaphore, #tpu.memory_space<semaphore_mem>>)
      %dma_wait3A = arith.constant 0 : i32
      %dma_wait3A_107 = tpu.memref_slice %arg10[%add3A_83, %dma_wait3A] : memref<10240x144xf32, #tpu.memory_space<vmem_shared>> -> memref<128x144xf32, #tpu.memory_space<vmem_shared>>
      %dma_wait3A_108 = arith.constant 0 : i32
      %dma_wait3A_109 = tpu.memref_slice %arg10[%add3A_83, %dma_wait3A_108] : memref<10240x144xf32, #tpu.memory_space<vmem_shared>> -> memref<128x144xf32, #tpu.memory_space<vmem_shared>>
      tpu.wait_dma2 semaphore(%run_scoped3A_103 : memref<!tpu.dma_semaphore, #tpu.memory_space<semaphore_mem>>) src(%arg8 : memref<128x144xf32, #tpu.memory_space<vmem>>) dst(%dma_wait3A_109 : memref<128x144xf32, #tpu.memory_space<vmem_shared>>)
      tpu.yield
    }) : () -> ()
    %add3A_84 = arith.constant 512 : i32
    %add3A_85 = arith.addi %mul3A_2, %add3A_84 : i32
    "tpu.region"() ({
      %run_scoped3A_103 = tpu.sem_alloc : memref<!tpu.dma_semaphore, #tpu.memory_space<semaphore_mem>>
      %dma_start3A = arith.constant 0 : i32
      %dma_start3A_104 = tpu.memref_slice %arg10[%add3A_85, %dma_start3A] : memref<10240x144xf32, #tpu.memory_space<vmem_shared>> -> memref<128x144xf32, #tpu.memory_space<vmem_shared>>
      %dma_start3A_105 = arith.constant 0 : i32
      %dma_start3A_106 = tpu.memref_slice %arg10[%add3A_85, %dma_start3A_105] : memref<10240x144xf32, #tpu.memory_space<vmem_shared>> -> memref<128x144xf32, #tpu.memory_space<vmem_shared>>
      tpu.enqueue_dma source(%arg8 : memref<128x144xf32, #tpu.memory_space<vmem>>) target(%dma_start3A_106 : memref<128x144xf32, #tpu.memory_space<vmem_shared>>) target_semaphore(%run_scoped3A_103 : memref<!tpu.dma_semaphore, #tpu.memory_space<semaphore_mem>>)
      %dma_wait3A = arith.constant 0 : i32
      %dma_wait3A_107 = tpu.memref_slice %arg10[%add3A_85, %dma_wait3A] : memref<10240x144xf32, #tpu.memory_space<vmem_shared>> -> memref<128x144xf32, #tpu.memory_space<vmem_shared>>
      %dma_wait3A_108 = arith.constant 0 : i32
      %dma_wait3A_109 = tpu.memref_slice %arg10[%add3A_85, %dma_wait3A_108] : memref<10240x144xf32, #tpu.memory_space<vmem_shared>> -> memref<128x144xf32, #tpu.memory_space<vmem_shared>>
      tpu.wait_dma2 semaphore(%run_scoped3A_103 : memref<!tpu.dma_semaphore, #tpu.memory_space<semaphore_mem>>) src(%arg8 : memref<128x144xf32, #tpu.memory_space<vmem>>) dst(%dma_wait3A_109 : memref<128x144xf32, #tpu.memory_space<vmem_shared>>)
      tpu.yield
    }) : () -> ()
    %run_scoped3A_86 = arith.constant 2 : i32
    "tpu.region"() ({
      %run_scoped3A_103 = tpu.sem_alloc : memref<!tpu.dma_semaphore, #tpu.memory_space<semaphore_mem>>
      %dma_start3A = arith.constant 0 : i32
      %dma_start3A_104 = arith.constant 0 : i32
      %dma_start3A_105 = tpu.memref_slice %arg3[%run_scoped3A_86, %add3A, %dma_start3A, %dma_start3A_104] : memref<3x32x41x128xi32, #tpu.memory_space<hbm>> -> memref<1x1x41x128xi32, #tpu.memory_space<hbm>>
      %dma_start3A_106 = tpu.memref_squeeze %dma_start3A_105 : memref<1x1x41x128xi32, #tpu.memory_space<hbm>> -> memref<41x128xi32, #tpu.memory_space<hbm>>
      %dma_start3A_107 = arith.constant 0 : i32
      %dma_start3A_108 = arith.constant 0 : i32
      %dma_start3A_109 = tpu.memref_slice %arg3[%run_scoped3A_86, %add3A, %dma_start3A_107, %dma_start3A_108] : memref<3x32x41x128xi32, #tpu.memory_space<hbm>> -> memref<1x1x41x128xi32, #tpu.memory_space<hbm>>
      %dma_start3A_110 = tpu.memref_squeeze %dma_start3A_109 : memref<1x1x41x128xi32, #tpu.memory_space<hbm>> -> memref<41x128xi32, #tpu.memory_space<hbm>>
      tpu.enqueue_dma source(%dma_start3A_110 : memref<41x128xi32, #tpu.memory_space<hbm>>) target(%arg6 : memref<41x128xi32, #tpu.memory_space<vmem>>) target_semaphore(%run_scoped3A_103 : memref<!tpu.dma_semaphore, #tpu.memory_space<semaphore_mem>>)
      %dma_wait3A = arith.constant 0 : i32
      %dma_wait3A_111 = arith.constant 0 : i32
      %dma_wait3A_112 = tpu.memref_slice %arg3[%run_scoped3A_86, %add3A, %dma_wait3A, %dma_wait3A_111] : memref<3x32x41x128xi32, #tpu.memory_space<hbm>> -> memref<1x1x41x128xi32, #tpu.memory_space<hbm>>
      %dma_wait3A_113 = tpu.memref_squeeze %dma_wait3A_112 : memref<1x1x41x128xi32, #tpu.memory_space<hbm>> -> memref<41x128xi32, #tpu.memory_space<hbm>>
      %dma_wait3A_114 = arith.constant 0 : i32
      %dma_wait3A_115 = arith.constant 0 : i32
      %dma_wait3A_116 = tpu.memref_slice %arg3[%run_scoped3A_86, %add3A, %dma_wait3A_114, %dma_wait3A_115] : memref<3x32x41x128xi32, #tpu.memory_space<hbm>> -> memref<1x1x41x128xi32, #tpu.memory_space<hbm>>
      %dma_wait3A_117 = tpu.memref_squeeze %dma_wait3A_116 : memref<1x1x41x128xi32, #tpu.memory_space<hbm>> -> memref<41x128xi32, #tpu.memory_space<hbm>>
      tpu.wait_dma2 semaphore(%run_scoped3A_103 : memref<!tpu.dma_semaphore, #tpu.memory_space<semaphore_mem>>) src(%dma_wait3A_117 : memref<41x128xi32, #tpu.memory_space<hbm>>) dst(%arg6 : memref<41x128xi32, #tpu.memory_space<vmem>>)
      tpu.yield
    }) : () -> ()
    %run_scoped3A_87 = arith.constant 2 : i32
    "tpu.region"() ({
      %run_scoped3A_103 = tpu.sem_alloc : memref<!tpu.dma_semaphore, #tpu.memory_space<semaphore_mem>>
      %dma_start3A = arith.constant 0 : i32
      %dma_start3A_104 = arith.constant 0 : i32
      %dma_start3A_105 = tpu.memref_slice %arg4[%run_scoped3A_87, %add3A, %dma_start3A, %dma_start3A_104] : memref<3x32x41x128xi32, #tpu.memory_space<hbm>> -> memref<1x1x41x128xi32, #tpu.memory_space<hbm>>
      %dma_start3A_106 = tpu.memref_squeeze %dma_start3A_105 : memref<1x1x41x128xi32, #tpu.memory_space<hbm>> -> memref<41x128xi32, #tpu.memory_space<hbm>>
      %dma_start3A_107 = arith.constant 0 : i32
      %dma_start3A_108 = arith.constant 0 : i32
      %dma_start3A_109 = tpu.memref_slice %arg4[%run_scoped3A_87, %add3A, %dma_start3A_107, %dma_start3A_108] : memref<3x32x41x128xi32, #tpu.memory_space<hbm>> -> memref<1x1x41x128xi32, #tpu.memory_space<hbm>>
      %dma_start3A_110 = tpu.memref_squeeze %dma_start3A_109 : memref<1x1x41x128xi32, #tpu.memory_space<hbm>> -> memref<41x128xi32, #tpu.memory_space<hbm>>
      tpu.enqueue_dma source(%dma_start3A_110 : memref<41x128xi32, #tpu.memory_space<hbm>>) target(%arg7 : memref<41x128xi32, #tpu.memory_space<vmem>>) target_semaphore(%run_scoped3A_103 : memref<!tpu.dma_semaphore, #tpu.memory_space<semaphore_mem>>)
      %dma_wait3A = arith.constant 0 : i32
      %dma_wait3A_111 = arith.constant 0 : i32
      %dma_wait3A_112 = tpu.memref_slice %arg4[%run_scoped3A_87, %add3A, %dma_wait3A, %dma_wait3A_111] : memref<3x32x41x128xi32, #tpu.memory_space<hbm>> -> memref<1x1x41x128xi32, #tpu.memory_space<hbm>>
      %dma_wait3A_113 = tpu.memref_squeeze %dma_wait3A_112 : memref<1x1x41x128xi32, #tpu.memory_space<hbm>> -> memref<41x128xi32, #tpu.memory_space<hbm>>
      %dma_wait3A_114 = arith.constant 0 : i32
      %dma_wait3A_115 = arith.constant 0 : i32
      %dma_wait3A_116 = tpu.memref_slice %arg4[%run_scoped3A_87, %add3A, %dma_wait3A_114, %dma_wait3A_115] : memref<3x32x41x128xi32, #tpu.memory_space<hbm>> -> memref<1x1x41x128xi32, #tpu.memory_space<hbm>>
      %dma_wait3A_117 = tpu.memref_squeeze %dma_wait3A_116 : memref<1x1x41x128xi32, #tpu.memory_space<hbm>> -> memref<41x128xi32, #tpu.memory_space<hbm>>
      tpu.wait_dma2 semaphore(%run_scoped3A_103 : memref<!tpu.dma_semaphore, #tpu.memory_space<semaphore_mem>>) src(%dma_wait3A_117 : memref<41x128xi32, #tpu.memory_space<hbm>>) dst(%arg7 : memref<41x128xi32, #tpu.memory_space<vmem>>)
      tpu.yield
    }) : () -> ()
    %barrier3A_88 = arith.constant 0 : index
    tpu.barrier barrier_id(%barrier3A_88)
    %while3A_89 = arith.constant 0 : i32
    %while3A_90 = arith.constant 0 : i32
    %while3A_91 = arith.subi %select_n3A, %while3A_89 : i32
    %while3A_92 = arith.addi %while3A_89, %while3A_91 : i32
    %while3A_93 = arith.constant 1 : i32
    %while3A_94 = arith.divsi %while3A_91, %while3A_93 : i32
    %while3A_95 = arith.muli %while3A_94, %while3A_93 : i32
    %while3A_96 = arith.addi %while3A_89, %while3A_95 : i32
    %while3A_97 = arith.constant 1 : i32
    %while3A_98 = scf.for %while3A_103 = %while3A_89 to %while3A_96 step %while3A_97 iter_args(%while3A_104 = %while3A_90) -> (i32)  : i32 {
      %dma_start3A = arith.constant 0 : i32
      %dma_start3A_105 = tpu.memref_slice %arg6[%while3A_103, %dma_start3A] : memref<41x128xi32, #tpu.memory_space<vmem>> -> memref<1x128xi32, #tpu.memory_space<vmem>>
      %dma_start3A_106 = tpu.memref_squeeze %dma_start3A_105 : memref<1x128xi32, #tpu.memory_space<vmem>> -> memref<128xi32, #tpu.memory_space<vmem>>
      %dma_start3A_107 = arith.constant 0 : i32
      %dma_start3A_108 = arith.constant 0 : i32
      %dma_start3A_109 = tpu.memref_slice %arg2[%dma_start3A_107, %dma_start3A_108] : memref<10240x144xf32, #tpu.memory_space<hbm>> -> memref<10240x144xf32, #tpu.memory_space<hbm>>
      tpu.enqueue_indirect_dma source(%dma_start3A_109 : memref<10240x144xf32, #tpu.memory_space<hbm>>) target(%arg8 : memref<128x144xf32, #tpu.memory_space<vmem>>) offsets(%dma_start3A_106 : memref<128xi32, #tpu.memory_space<vmem>>) semaphore(%arg11 : memref<!tpu.dma_semaphore, #tpu.memory_space<semaphore_mem>>)
      %dma_wait3A = arith.constant 0 : i32
      %dma_wait3A_110 = tpu.memref_slice %arg6[%while3A_103, %dma_wait3A] : memref<41x128xi32, #tpu.memory_space<vmem>> -> memref<1x128xi32, #tpu.memory_space<vmem>>
      %dma_wait3A_111 = tpu.memref_squeeze %dma_wait3A_110 : memref<1x128xi32, #tpu.memory_space<vmem>> -> memref<128xi32, #tpu.memory_space<vmem>>
      %dma_wait3A_112 = arith.constant 0 : i32
      %dma_wait3A_113 = arith.constant 0 : i32
      %dma_wait3A_114 = tpu.memref_slice %arg2[%dma_wait3A_112, %dma_wait3A_113] : memref<10240x144xf32, #tpu.memory_space<hbm>> -> memref<10240x144xf32, #tpu.memory_space<hbm>>
      tpu.wait_indirect_dma semaphore(%arg11 : memref<!tpu.dma_semaphore, #tpu.memory_space<semaphore_mem>>) src(%dma_wait3A_114 : memref<10240x144xf32, #tpu.memory_space<hbm>>) dst(%arg8 : memref<128x144xf32, #tpu.memory_space<vmem>>)
      "tpu.region"() ({
        %run_scoped3A_116 = tpu.sem_alloc : memref<!tpu.dma_semaphore, #tpu.memory_space<semaphore_mem>>
        %dma_start3A_117 = arith.constant 0 : i32
        %dma_start3A_118 = tpu.memref_slice %arg7[%while3A_103, %dma_start3A_117] : memref<41x128xi32, #tpu.memory_space<vmem>> -> memref<1x128xi32, #tpu.memory_space<vmem>>
        %dma_start3A_119 = tpu.memref_squeeze %dma_start3A_118 : memref<1x128xi32, #tpu.memory_space<vmem>> -> memref<128xi32, #tpu.memory_space<vmem>>
        %dma_start3A_120 = arith.constant 0 : i32
        %dma_start3A_121 = arith.constant 0 : i32
        %dma_start3A_122 = tpu.memref_slice %arg10[%dma_start3A_120, %dma_start3A_121] : memref<10240x144xf32, #tpu.memory_space<vmem_shared>> -> memref<10240x144xf32, #tpu.memory_space<vmem_shared>>
        tpu.enqueue_indirect_dma source(%arg8 : memref<128x144xf32, #tpu.memory_space<vmem>>) target(%dma_start3A_122 : memref<10240x144xf32, #tpu.memory_space<vmem_shared>>) offsets(%dma_start3A_119 : memref<128xi32, #tpu.memory_space<vmem>>) semaphore(%run_scoped3A_116 : memref<!tpu.dma_semaphore, #tpu.memory_space<semaphore_mem>>) {add = true}
        %dma_wait3A_123 = arith.constant 0 : i32
        %dma_wait3A_124 = tpu.memref_slice %arg7[%while3A_103, %dma_wait3A_123] : memref<41x128xi32, #tpu.memory_space<vmem>> -> memref<1x128xi32, #tpu.memory_space<vmem>>
        %dma_wait3A_125 = tpu.memref_squeeze %dma_wait3A_124 : memref<1x128xi32, #tpu.memory_space<vmem>> -> memref<128xi32, #tpu.memory_space<vmem>>
        %dma_wait3A_126 = arith.constant 0 : i32
        %dma_wait3A_127 = arith.constant 0 : i32
        %dma_wait3A_128 = tpu.memref_slice %arg10[%dma_wait3A_126, %dma_wait3A_127] : memref<10240x144xf32, #tpu.memory_space<vmem_shared>> -> memref<10240x144xf32, #tpu.memory_space<vmem_shared>>
        tpu.wait_indirect_dma semaphore(%run_scoped3A_116 : memref<!tpu.dma_semaphore, #tpu.memory_space<semaphore_mem>>) src(%arg8 : memref<128x144xf32, #tpu.memory_space<vmem>>) dst(%dma_wait3A_128 : memref<10240x144xf32, #tpu.memory_space<vmem_shared>>)
        tpu.yield
      }) : () -> ()
      %while3A_115 = arith.constant 0 : i32
      scf.yield %while3A_115 : i32
    }
    %while3A_99 = arith.constant 1 : i32
    %while3A_100 = scf.for %while3A_103 = %while3A_96 to %while3A_92 step %while3A_99 iter_args(%while3A_104 = %while3A_98) -> (i32)  : i32 {
      %dma_start3A = arith.constant 0 : i32
      %dma_start3A_105 = tpu.memref_slice %arg6[%while3A_103, %dma_start3A] : memref<41x128xi32, #tpu.memory_space<vmem>> -> memref<1x128xi32, #tpu.memory_space<vmem>>
      %dma_start3A_106 = tpu.memref_squeeze %dma_start3A_105 : memref<1x128xi32, #tpu.memory_space<vmem>> -> memref<128xi32, #tpu.memory_space<vmem>>
      %dma_start3A_107 = arith.constant 0 : i32
      %dma_start3A_108 = arith.constant 0 : i32
      %dma_start3A_109 = tpu.memref_slice %arg2[%dma_start3A_107, %dma_start3A_108] : memref<10240x144xf32, #tpu.memory_space<hbm>> -> memref<10240x144xf32, #tpu.memory_space<hbm>>
      tpu.enqueue_indirect_dma source(%dma_start3A_109 : memref<10240x144xf32, #tpu.memory_space<hbm>>) target(%arg8 : memref<128x144xf32, #tpu.memory_space<vmem>>) offsets(%dma_start3A_106 : memref<128xi32, #tpu.memory_space<vmem>>) semaphore(%arg11 : memref<!tpu.dma_semaphore, #tpu.memory_space<semaphore_mem>>)
      %dma_wait3A = arith.constant 0 : i32
      %dma_wait3A_110 = tpu.memref_slice %arg6[%while3A_103, %dma_wait3A] : memref<41x128xi32, #tpu.memory_space<vmem>> -> memref<1x128xi32, #tpu.memory_space<vmem>>
      %dma_wait3A_111 = tpu.memref_squeeze %dma_wait3A_110 : memref<1x128xi32, #tpu.memory_space<vmem>> -> memref<128xi32, #tpu.memory_space<vmem>>
      %dma_wait3A_112 = arith.constant 0 : i32
      %dma_wait3A_113 = arith.constant 0 : i32
      %dma_wait3A_114 = tpu.memref_slice %arg2[%dma_wait3A_112, %dma_wait3A_113] : memref<10240x144xf32, #tpu.memory_space<hbm>> -> memref<10240x144xf32, #tpu.memory_space<hbm>>
      tpu.wait_indirect_dma semaphore(%arg11 : memref<!tpu.dma_semaphore, #tpu.memory_space<semaphore_mem>>) src(%dma_wait3A_114 : memref<10240x144xf32, #tpu.memory_space<hbm>>) dst(%arg8 : memref<128x144xf32, #tpu.memory_space<vmem>>)
      "tpu.region"() ({
        %run_scoped3A_116 = tpu.sem_alloc : memref<!tpu.dma_semaphore, #tpu.memory_space<semaphore_mem>>
        %dma_start3A_117 = arith.constant 0 : i32
        %dma_start3A_118 = tpu.memref_slice %arg7[%while3A_103, %dma_start3A_117] : memref<41x128xi32, #tpu.memory_space<vmem>> -> memref<1x128xi32, #tpu.memory_space<vmem>>
        %dma_start3A_119 = tpu.memref_squeeze %dma_start3A_118 : memref<1x128xi32, #tpu.memory_space<vmem>> -> memref<128xi32, #tpu.memory_space<vmem>>
        %dma_start3A_120 = arith.constant 0 : i32
        %dma_start3A_121 = arith.constant 0 : i32
        %dma_start3A_122 = tpu.memref_slice %arg10[%dma_start3A_120, %dma_start3A_121] : memref<10240x144xf32, #tpu.memory_space<vmem_shared>> -> memref<10240x144xf32, #tpu.memory_space<vmem_shared>>
        tpu.enqueue_indirect_dma source(%arg8 : memref<128x144xf32, #tpu.memory_space<vmem>>) target(%dma_start3A_122 : memref<10240x144xf32, #tpu.memory_space<vmem_shared>>) offsets(%dma_start3A_119 : memref<128xi32, #tpu.memory_space<vmem>>) semaphore(%run_scoped3A_116 : memref<!tpu.dma_semaphore, #tpu.memory_space<semaphore_mem>>) {add = true}
        %dma_wait3A_123 = arith.constant 0 : i32
        %dma_wait3A_124 = tpu.memref_slice %arg7[%while3A_103, %dma_wait3A_123] : memref<41x128xi32, #tpu.memory_space<vmem>> -> memref<1x128xi32, #tpu.memory_space<vmem>>
        %dma_wait3A_125 = tpu.memref_squeeze %dma_wait3A_124 : memref<1x128xi32, #tpu.memory_space<vmem>> -> memref<128xi32, #tpu.memory_space<vmem>>
        %dma_wait3A_126 = arith.constant 0 : i32
        %dma_wait3A_127 = arith.constant 0 : i32
        %dma_wait3A_128 = tpu.memref_slice %arg10[%dma_wait3A_126, %dma_wait3A_127] : memref<10240x144xf32, #tpu.memory_space<vmem_shared>> -> memref<10240x144xf32, #tpu.memory_space<vmem_shared>>
        tpu.wait_indirect_dma semaphore(%run_scoped3A_116 : memref<!tpu.dma_semaphore, #tpu.memory_space<semaphore_mem>>) src(%arg8 : memref<128x144xf32, #tpu.memory_space<vmem>>) dst(%dma_wait3A_128 : memref<10240x144xf32, #tpu.memory_space<vmem_shared>>)
        tpu.yield
      }) : () -> ()
      %while3A_115 = arith.constant 0 : i32
      scf.yield %while3A_115 : i32
    }
    %barrier3A_101 = arith.constant 0 : index
    tpu.barrier barrier_id(%barrier3A_101)
    %run_scoped3A_102 = arith.constant 2 : i32
    "tpu.region"() ({
      %run_scoped3A_103 = tpu.sem_alloc : memref<!tpu.dma_semaphore, #tpu.memory_space<semaphore_mem>>
      %dma_start3A = arith.constant 0 : i32
      %dma_start3A_104 = tpu.memref_slice %arg5[%arg0, %run_scoped3A_102, %mul3A_2, %dma_start3A] : memref<2x3x10240x144xf32, #tpu.memory_space<hbm>> -> memref<1x1x640x144xf32, #tpu.memory_space<hbm>>
      %dma_start3A_105 = tpu.memref_squeeze %dma_start3A_104 : memref<1x1x640x144xf32, #tpu.memory_space<hbm>> -> memref<640x144xf32, #tpu.memory_space<hbm>>
      %dma_start3A_106 = arith.constant 0 : i32
      %dma_start3A_107 = tpu.memref_slice %arg10[%mul3A_2, %dma_start3A_106] : memref<10240x144xf32, #tpu.memory_space<vmem_shared>> -> memref<640x144xf32, #tpu.memory_space<vmem_shared>>
      tpu.enqueue_dma source(%dma_start3A_107 : memref<640x144xf32, #tpu.memory_space<vmem_shared>>) target(%dma_start3A_105 : memref<640x144xf32, #tpu.memory_space<hbm>>) target_semaphore(%run_scoped3A_103 : memref<!tpu.dma_semaphore, #tpu.memory_space<semaphore_mem>>)
      %dma_wait3A = arith.constant 0 : i32
      %dma_wait3A_108 = tpu.memref_slice %arg5[%arg0, %run_scoped3A_102, %mul3A_2, %dma_wait3A] : memref<2x3x10240x144xf32, #tpu.memory_space<hbm>> -> memref<1x1x640x144xf32, #tpu.memory_space<hbm>>
      %dma_wait3A_109 = tpu.memref_squeeze %dma_wait3A_108 : memref<1x1x640x144xf32, #tpu.memory_space<hbm>> -> memref<640x144xf32, #tpu.memory_space<hbm>>
      %dma_wait3A_110 = arith.constant 0 : i32
      %dma_wait3A_111 = tpu.memref_slice %arg10[%mul3A_2, %dma_wait3A_110] : memref<10240x144xf32, #tpu.memory_space<vmem_shared>> -> memref<640x144xf32, #tpu.memory_space<vmem_shared>>
      tpu.wait_dma2 semaphore(%run_scoped3A_103 : memref<!tpu.dma_semaphore, #tpu.memory_space<semaphore_mem>>) src(%dma_wait3A_111 : memref<640x144xf32, #tpu.memory_space<vmem_shared>>) dst(%dma_wait3A_109 : memref<640x144xf32, #tpu.memory_space<hbm>>)
      tpu.yield
    }) : () -> ()
    return
  }
}

#map = affine_map<(d0, d1) -> (0, 0)>
#map1 = affine_map<(d0, d1) -> (0, 0, 0, 0)>
module attributes {stable_mosaic.version = 14 : i64} {
  func.func @body(%arg0: i32, %arg1: i32, %arg2: memref<10240x128xf32, #tpu.memory_space<hbm>>, %arg3: memref<3x32x54x128xi32, #tpu.memory_space<hbm>>, %arg4: memref<3x32x54x128xi32, #tpu.memory_space<hbm>>, %arg5: memref<2x3x10240x128xf32, #tpu.memory_space<hbm>>, %arg6: memref<54x128xi32, #tpu.memory_space<vmem>>, %arg7: memref<54x128xi32, #tpu.memory_space<vmem>>, %arg8: memref<128x128xf32, #tpu.memory_space<vmem>>, %arg9: memref<128x128xf32, #tpu.memory_space<vmem>>, %arg10: memref<10240x128xf32, #tpu.memory_space<vmem_shared>>, %arg11: memref<!tpu.dma_semaphore, #tpu.memory_space<semaphore_mem>>, %arg12: memref<!tpu.dma_semaphore, #tpu.memory_space<semaphore_mem>>) attributes {dimension_semantics = [#tpu.dimension_semantics<core_parallel>, #tpu.dimension_semantics<subcore_parallel>], iteration_bounds = array<i64: 2, 16>, scalar_prefetch = 0 : i64, scratch_operands = 7 : i64, tpu.core_type = #tpu.core_type<sc_vector_subcore>, window_params = [{transform_indices = #map}, {transform_indices = #map1}, {transform_indices = #map1}, {transform_indices = #map1}]} {
    %mul3A = arith.constant 16 : i32
    %mul3A_0 = arith.muli %arg0, %mul3A : i32
    %add3A = arith.addi %mul3A_0, %arg1 : i32
    %mul3A_1 = arith.constant 640 : i32
    %mul3A_2 = arith.muli %arg1, %mul3A_1 : i32
    %eq3A = arith.constant 0 : i32
    %eq3A_3 = arith.cmpi eq, %arg0, %eq3A : i32
    %jit3A = arith.constant 54 : i32
    %jit3A_4 = arith.constant 0 : i32
    %select_n3A = arith.select %eq3A_3, %jit3A, %jit3A_4 : i32
    %scan3A = arith.constant 0 : i32
    %scan3A_5 = arith.constant 0 : i32
    %scan3A_6 = arith.constant 128 : i32
    %scan3A_7 = arith.addi %scan3A_5, %scan3A_6 : i32
    %scan3A_8 = arith.constant 1 : i32
    %scan3A_9 = scf.for %scan3A_87 = %scan3A_5 to %scan3A_7 step %scan3A_8 iter_args(%scan3A_88 = %scan3A) -> (i32)  : i32 {
      %broadcast_in_dim3A = arith.constant 0.000000e+00 : f32
      %broadcast_in_dim3A_89 = vector.broadcast %broadcast_in_dim3A : f32 to vector<16xf32>
      %swap3A = arith.index_cast %scan3A_87 : i32 to index
      %swap3A_90 = arith.constant 0 : index
      %swap3A_91 = tpu.vector_load %arg8[%swap3A, %swap3A_90] {strides = array<i32>} : memref<128x128xf32, #tpu.memory_space<vmem>>, vector<1x16xf32>,
      %swap3A_92 = vector.shape_cast %swap3A_91 : vector<1x16xf32> to vector<16xf32>
      %swap3A_93 = vector.shape_cast %broadcast_in_dim3A_89 : vector<16xf32> to vector<1x16xf32>
      tpu.vector_store %arg8[%swap3A, %swap3A_90], %swap3A_93 {strides = array<i32>} : memref<128x128xf32, #tpu.memory_space<vmem>>, vector<1x16xf32>,
      %broadcast_in_dim3A_94 = arith.constant 0.000000e+00 : f32
      %broadcast_in_dim3A_95 = vector.broadcast %broadcast_in_dim3A_94 : f32 to vector<16xf32>
      %swap3A_96 = arith.index_cast %scan3A_87 : i32 to index
      %swap3A_97 = arith.constant 16 : index
      %swap3A_98 = tpu.vector_load %arg8[%swap3A_96, %swap3A_97] {strides = array<i32>} : memref<128x128xf32, #tpu.memory_space<vmem>>, vector<1x16xf32>,
      %swap3A_99 = vector.shape_cast %swap3A_98 : vector<1x16xf32> to vector<16xf32>
      %swap3A_100 = vector.shape_cast %broadcast_in_dim3A_95 : vector<16xf32> to vector<1x16xf32>
      tpu.vector_store %arg8[%swap3A_96, %swap3A_97], %swap3A_100 {strides = array<i32>} : memref<128x128xf32, #tpu.memory_space<vmem>>, vector<1x16xf32>,
      %broadcast_in_dim3A_101 = arith.constant 0.000000e+00 : f32
      %broadcast_in_dim3A_102 = vector.broadcast %broadcast_in_dim3A_101 : f32 to vector<16xf32>
      %swap3A_103 = arith.index_cast %scan3A_87 : i32 to index
      %swap3A_104 = arith.constant 32 : index
      %swap3A_105 = tpu.vector_load %arg8[%swap3A_103, %swap3A_104] {strides = array<i32>} : memref<128x128xf32, #tpu.memory_space<vmem>>, vector<1x16xf32>,
      %swap3A_106 = vector.shape_cast %swap3A_105 : vector<1x16xf32> to vector<16xf32>
      %swap3A_107 = vector.shape_cast %broadcast_in_dim3A_102 : vector<16xf32> to vector<1x16xf32>
      tpu.vector_store %arg8[%swap3A_103, %swap3A_104], %swap3A_107 {strides = array<i32>} : memref<128x128xf32, #tpu.memory_space<vmem>>, vector<1x16xf32>,
      %broadcast_in_dim3A_108 = arith.constant 0.000000e+00 : f32
      %broadcast_in_dim3A_109 = vector.broadcast %broadcast_in_dim3A_108 : f32 to vector<16xf32>
      %swap3A_110 = arith.index_cast %scan3A_87 : i32 to index
      %swap3A_111 = arith.constant 48 : index
      %swap3A_112 = tpu.vector_load %arg8[%swap3A_110, %swap3A_111] {strides = array<i32>} : memref<128x128xf32, #tpu.memory_space<vmem>>, vector<1x16xf32>,
      %swap3A_113 = vector.shape_cast %swap3A_112 : vector<1x16xf32> to vector<16xf32>
      %swap3A_114 = vector.shape_cast %broadcast_in_dim3A_109 : vector<16xf32> to vector<1x16xf32>
      tpu.vector_store %arg8[%swap3A_110, %swap3A_111], %swap3A_114 {strides = array<i32>} : memref<128x128xf32, #tpu.memory_space<vmem>>, vector<1x16xf32>,
      %broadcast_in_dim3A_115 = arith.constant 0.000000e+00 : f32
      %broadcast_in_dim3A_116 = vector.broadcast %broadcast_in_dim3A_115 : f32 to vector<16xf32>
      %swap3A_117 = arith.index_cast %scan3A_87 : i32 to index
      %swap3A_118 = arith.constant 64 : index
      %swap3A_119 = tpu.vector_load %arg8[%swap3A_117, %swap3A_118] {strides = array<i32>} : memref<128x128xf32, #tpu.memory_space<vmem>>, vector<1x16xf32>,
      %swap3A_120 = vector.shape_cast %swap3A_119 : vector<1x16xf32> to vector<16xf32>
      %swap3A_121 = vector.shape_cast %broadcast_in_dim3A_116 : vector<16xf32> to vector<1x16xf32>
      tpu.vector_store %arg8[%swap3A_117, %swap3A_118], %swap3A_121 {strides = array<i32>} : memref<128x128xf32, #tpu.memory_space<vmem>>, vector<1x16xf32>,
      %broadcast_in_dim3A_122 = arith.constant 0.000000e+00 : f32
      %broadcast_in_dim3A_123 = vector.broadcast %broadcast_in_dim3A_122 : f32 to vector<16xf32>
      %swap3A_124 = arith.index_cast %scan3A_87 : i32 to index
      %swap3A_125 = arith.constant 80 : index
      %swap3A_126 = tpu.vector_load %arg8[%swap3A_124, %swap3A_125] {strides = array<i32>} : memref<128x128xf32, #tpu.memory_space<vmem>>, vector<1x16xf32>,
      %swap3A_127 = vector.shape_cast %swap3A_126 : vector<1x16xf32> to vector<16xf32>
      %swap3A_128 = vector.shape_cast %broadcast_in_dim3A_123 : vector<16xf32> to vector<1x16xf32>
      tpu.vector_store %arg8[%swap3A_124, %swap3A_125], %swap3A_128 {strides = array<i32>} : memref<128x128xf32, #tpu.memory_space<vmem>>, vector<1x16xf32>,
      %broadcast_in_dim3A_129 = arith.constant 0.000000e+00 : f32
      %broadcast_in_dim3A_130 = vector.broadcast %broadcast_in_dim3A_129 : f32 to vector<16xf32>
      %swap3A_131 = arith.index_cast %scan3A_87 : i32 to index
      %swap3A_132 = arith.constant 96 : index
      %swap3A_133 = tpu.vector_load %arg8[%swap3A_131, %swap3A_132] {strides = array<i32>} : memref<128x128xf32, #tpu.memory_space<vmem>>, vector<1x16xf32>,
      %swap3A_134 = vector.shape_cast %swap3A_133 : vector<1x16xf32> to vector<16xf32>
      %swap3A_135 = vector.shape_cast %broadcast_in_dim3A_130 : vector<16xf32> to vector<1x16xf32>
      tpu.vector_store %arg8[%swap3A_131, %swap3A_132], %swap3A_135 {strides = array<i32>} : memref<128x128xf32, #tpu.memory_space<vmem>>, vector<1x16xf32>,
      %broadcast_in_dim3A_136 = arith.constant 0.000000e+00 : f32
      %broadcast_in_dim3A_137 = vector.broadcast %broadcast_in_dim3A_136 : f32 to vector<16xf32>
      %swap3A_138 = arith.index_cast %scan3A_87 : i32 to index
      %swap3A_139 = arith.constant 112 : index
      %swap3A_140 = tpu.vector_load %arg8[%swap3A_138, %swap3A_139] {strides = array<i32>} : memref<128x128xf32, #tpu.memory_space<vmem>>, vector<1x16xf32>,
      %swap3A_141 = vector.shape_cast %swap3A_140 : vector<1x16xf32> to vector<16xf32>
      %swap3A_142 = vector.shape_cast %broadcast_in_dim3A_137 : vector<16xf32> to vector<1x16xf32>
      tpu.vector_store %arg8[%swap3A_138, %swap3A_139], %swap3A_142 {strides = array<i32>} : memref<128x128xf32, #tpu.memory_space<vmem>>, vector<1x16xf32>,
      %scan3A_143 = arith.constant 0 : i32
      scf.yield %scan3A_143 : i32
    }
    %scan3A_10 = arith.constant 128 : i32
    %add3A_11 = arith.constant 0 : i32
    %add3A_12 = arith.addi %mul3A_2, %add3A_11 : i32
    "tpu.region"() ({
      %run_scoped3A_87 = tpu.sem_alloc : memref<!tpu.dma_semaphore, #tpu.memory_space<semaphore_mem>>
      %dma_start3A = arith.constant 0 : i32
      %dma_start3A_88 = tpu.memref_slice %arg10[%add3A_12, %dma_start3A] : memref<10240x128xf32, #tpu.memory_space<vmem_shared>> -> memref<128x128xf32, #tpu.memory_space<vmem_shared>>
      %dma_start3A_89 = arith.constant 0 : i32
      %dma_start3A_90 = tpu.memref_slice %arg10[%add3A_12, %dma_start3A_89] : memref<10240x128xf32, #tpu.memory_space<vmem_shared>> -> memref<128x128xf32, #tpu.memory_space<vmem_shared>>
      tpu.enqueue_dma source(%arg8 : memref<128x128xf32, #tpu.memory_space<vmem>>) target(%dma_start3A_90 : memref<128x128xf32, #tpu.memory_space<vmem_shared>>) target_semaphore(%run_scoped3A_87 : memref<!tpu.dma_semaphore, #tpu.memory_space<semaphore_mem>>)
      %dma_wait3A = arith.constant 0 : i32
      %dma_wait3A_91 = tpu.memref_slice %arg10[%add3A_12, %dma_wait3A] : memref<10240x128xf32, #tpu.memory_space<vmem_shared>> -> memref<128x128xf32, #tpu.memory_space<vmem_shared>>
      %dma_wait3A_92 = arith.constant 0 : i32
      %dma_wait3A_93 = tpu.memref_slice %arg10[%add3A_12, %dma_wait3A_92] : memref<10240x128xf32, #tpu.memory_space<vmem_shared>> -> memref<128x128xf32, #tpu.memory_space<vmem_shared>>
      tpu.wait_dma2 semaphore(%run_scoped3A_87 : memref<!tpu.dma_semaphore, #tpu.memory_space<semaphore_mem>>) src(%arg8 : memref<128x128xf32, #tpu.memory_space<vmem>>) dst(%dma_wait3A_93 : memref<128x128xf32, #tpu.memory_space<vmem_shared>>)
      tpu.yield
    }) : () -> ()
    %add3A_13 = arith.constant 128 : i32
    %add3A_14 = arith.addi %mul3A_2, %add3A_13 : i32
    "tpu.region"() ({
      %run_scoped3A_87 = tpu.sem_alloc : memref<!tpu.dma_semaphore, #tpu.memory_space<semaphore_mem>>
      %dma_start3A = arith.constant 0 : i32
      %dma_start3A_88 = tpu.memref_slice %arg10[%add3A_14, %dma_start3A] : memref<10240x128xf32, #tpu.memory_space<vmem_shared>> -> memref<128x128xf32, #tpu.memory_space<vmem_shared>>
      %dma_start3A_89 = arith.constant 0 : i32
      %dma_start3A_90 = tpu.memref_slice %arg10[%add3A_14, %dma_start3A_89] : memref<10240x128xf32, #tpu.memory_space<vmem_shared>> -> memref<128x128xf32, #tpu.memory_space<vmem_shared>>
      tpu.enqueue_dma source(%arg8 : memref<128x128xf32, #tpu.memory_space<vmem>>) target(%dma_start3A_90 : memref<128x128xf32, #tpu.memory_space<vmem_shared>>) target_semaphore(%run_scoped3A_87 : memref<!tpu.dma_semaphore, #tpu.memory_space<semaphore_mem>>)
      %dma_wait3A = arith.constant 0 : i32
      %dma_wait3A_91 = tpu.memref_slice %arg10[%add3A_14, %dma_wait3A] : memref<10240x128xf32, #tpu.memory_space<vmem_shared>> -> memref<128x128xf32, #tpu.memory_space<vmem_shared>>
      %dma_wait3A_92 = arith.constant 0 : i32
      %dma_wait3A_93 = tpu.memref_slice %arg10[%add3A_14, %dma_wait3A_92] : memref<10240x128xf32, #tpu.memory_space<vmem_shared>> -> memref<128x128xf32, #tpu.memory_space<vmem_shared>>
      tpu.wait_dma2 semaphore(%run_scoped3A_87 : memref<!tpu.dma_semaphore, #tpu.memory_space<semaphore_mem>>) src(%arg8 : memref<128x128xf32, #tpu.memory_space<vmem>>) dst(%dma_wait3A_93 : memref<128x128xf32, #tpu.memory_space<vmem_shared>>)
      tpu.yield
    }) : () -> ()
    %add3A_15 = arith.constant 256 : i32
    %add3A_16 = arith.addi %mul3A_2, %add3A_15 : i32
    "tpu.region"() ({
      %run_scoped3A_87 = tpu.sem_alloc : memref<!tpu.dma_semaphore, #tpu.memory_space<semaphore_mem>>
      %dma_start3A = arith.constant 0 : i32
      %dma_start3A_88 = tpu.memref_slice %arg10[%add3A_16, %dma_start3A] : memref<10240x128xf32, #tpu.memory_space<vmem_shared>> -> memref<128x128xf32, #tpu.memory_space<vmem_shared>>
      %dma_start3A_89 = arith.constant 0 : i32
      %dma_start3A_90 = tpu.memref_slice %arg10[%add3A_16, %dma_start3A_89] : memref<10240x128xf32, #tpu.memory_space<vmem_shared>> -> memref<128x128xf32, #tpu.memory_space<vmem_shared>>
      tpu.enqueue_dma source(%arg8 : memref<128x128xf32, #tpu.memory_space<vmem>>) target(%dma_start3A_90 : memref<128x128xf32, #tpu.memory_space<vmem_shared>>) target_semaphore(%run_scoped3A_87 : memref<!tpu.dma_semaphore, #tpu.memory_space<semaphore_mem>>)
      %dma_wait3A = arith.constant 0 : i32
      %dma_wait3A_91 = tpu.memref_slice %arg10[%add3A_16, %dma_wait3A] : memref<10240x128xf32, #tpu.memory_space<vmem_shared>> -> memref<128x128xf32, #tpu.memory_space<vmem_shared>>
      %dma_wait3A_92 = arith.constant 0 : i32
      %dma_wait3A_93 = tpu.memref_slice %arg10[%add3A_16, %dma_wait3A_92] : memref<10240x128xf32, #tpu.memory_space<vmem_shared>> -> memref<128x128xf32, #tpu.memory_space<vmem_shared>>
      tpu.wait_dma2 semaphore(%run_scoped3A_87 : memref<!tpu.dma_semaphore, #tpu.memory_space<semaphore_mem>>) src(%arg8 : memref<128x128xf32, #tpu.memory_space<vmem>>) dst(%dma_wait3A_93 : memref<128x128xf32, #tpu.memory_space<vmem_shared>>)
      tpu.yield
    }) : () -> ()
    %add3A_17 = arith.constant 384 : i32
    %add3A_18 = arith.addi %mul3A_2, %add3A_17 : i32
    "tpu.region"() ({
      %run_scoped3A_87 = tpu.sem_alloc : memref<!tpu.dma_semaphore, #tpu.memory_space<semaphore_mem>>
      %dma_start3A = arith.constant 0 : i32
      %dma_start3A_88 = tpu.memref_slice %arg10[%add3A_18, %dma_start3A] : memref<10240x128xf32, #tpu.memory_space<vmem_shared>> -> memref<128x128xf32, #tpu.memory_space<vmem_shared>>
      %dma_start3A_89 = arith.constant 0 : i32
      %dma_start3A_90 = tpu.memref_slice %arg10[%add3A_18, %dma_start3A_89] : memref<10240x128xf32, #tpu.memory_space<vmem_shared>> -> memref<128x128xf32, #tpu.memory_space<vmem_shared>>
      tpu.enqueue_dma source(%arg8 : memref<128x128xf32, #tpu.memory_space<vmem>>) target(%dma_start3A_90 : memref<128x128xf32, #tpu.memory_space<vmem_shared>>) target_semaphore(%run_scoped3A_87 : memref<!tpu.dma_semaphore, #tpu.memory_space<semaphore_mem>>)
      %dma_wait3A = arith.constant 0 : i32
      %dma_wait3A_91 = tpu.memref_slice %arg10[%add3A_18, %dma_wait3A] : memref<10240x128xf32, #tpu.memory_space<vmem_shared>> -> memref<128x128xf32, #tpu.memory_space<vmem_shared>>
      %dma_wait3A_92 = arith.constant 0 : i32
      %dma_wait3A_93 = tpu.memref_slice %arg10[%add3A_18, %dma_wait3A_92] : memref<10240x128xf32, #tpu.memory_space<vmem_shared>> -> memref<128x128xf32, #tpu.memory_space<vmem_shared>>
      tpu.wait_dma2 semaphore(%run_scoped3A_87 : memref<!tpu.dma_semaphore, #tpu.memory_space<semaphore_mem>>) src(%arg8 : memref<128x128xf32, #tpu.memory_space<vmem>>) dst(%dma_wait3A_93 : memref<128x128xf32, #tpu.memory_space<vmem_shared>>)
      tpu.yield
    }) : () -> ()
    %add3A_19 = arith.constant 512 : i32
    %add3A_20 = arith.addi %mul3A_2, %add3A_19 : i32
    "tpu.region"() ({
      %run_scoped3A_87 = tpu.sem_alloc : memref<!tpu.dma_semaphore, #tpu.memory_space<semaphore_mem>>
      %dma_start3A = arith.constant 0 : i32
      %dma_start3A_88 = tpu.memref_slice %arg10[%add3A_20, %dma_start3A] : memref<10240x128xf32, #tpu.memory_space<vmem_shared>> -> memref<128x128xf32, #tpu.memory_space<vmem_shared>>
      %dma_start3A_89 = arith.constant 0 : i32
      %dma_start3A_90 = tpu.memref_slice %arg10[%add3A_20, %dma_start3A_89] : memref<10240x128xf32, #tpu.memory_space<vmem_shared>> -> memref<128x128xf32, #tpu.memory_space<vmem_shared>>
      tpu.enqueue_dma source(%arg8 : memref<128x128xf32, #tpu.memory_space<vmem>>) target(%dma_start3A_90 : memref<128x128xf32, #tpu.memory_space<vmem_shared>>) target_semaphore(%run_scoped3A_87 : memref<!tpu.dma_semaphore, #tpu.memory_space<semaphore_mem>>)
      %dma_wait3A = arith.constant 0 : i32
      %dma_wait3A_91 = tpu.memref_slice %arg10[%add3A_20, %dma_wait3A] : memref<10240x128xf32, #tpu.memory_space<vmem_shared>> -> memref<128x128xf32, #tpu.memory_space<vmem_shared>>
      %dma_wait3A_92 = arith.constant 0 : i32
      %dma_wait3A_93 = tpu.memref_slice %arg10[%add3A_20, %dma_wait3A_92] : memref<10240x128xf32, #tpu.memory_space<vmem_shared>> -> memref<128x128xf32, #tpu.memory_space<vmem_shared>>
      tpu.wait_dma2 semaphore(%run_scoped3A_87 : memref<!tpu.dma_semaphore, #tpu.memory_space<semaphore_mem>>) src(%arg8 : memref<128x128xf32, #tpu.memory_space<vmem>>) dst(%dma_wait3A_93 : memref<128x128xf32, #tpu.memory_space<vmem_shared>>)
      tpu.yield
    }) : () -> ()
    %run_scoped3A = arith.constant 0 : i32
    "tpu.region"() ({
      %run_scoped3A_87 = tpu.sem_alloc : memref<!tpu.dma_semaphore, #tpu.memory_space<semaphore_mem>>
      %dma_start3A = arith.constant 0 : i32
      %dma_start3A_88 = arith.constant 0 : i32
      %dma_start3A_89 = tpu.memref_slice %arg3[%run_scoped3A, %add3A, %dma_start3A, %dma_start3A_88] : memref<3x32x54x128xi32, #tpu.memory_space<hbm>> -> memref<1x1x54x128xi32, #tpu.memory_space<hbm>>
      %dma_start3A_90 = tpu.memref_squeeze %dma_start3A_89 : memref<1x1x54x128xi32, #tpu.memory_space<hbm>> -> memref<54x128xi32, #tpu.memory_space<hbm>>
      %dma_start3A_91 = arith.constant 0 : i32
      %dma_start3A_92 = arith.constant 0 : i32
      %dma_start3A_93 = tpu.memref_slice %arg3[%run_scoped3A, %add3A, %dma_start3A_91, %dma_start3A_92] : memref<3x32x54x128xi32, #tpu.memory_space<hbm>> -> memref<1x1x54x128xi32, #tpu.memory_space<hbm>>
      %dma_start3A_94 = tpu.memref_squeeze %dma_start3A_93 : memref<1x1x54x128xi32, #tpu.memory_space<hbm>> -> memref<54x128xi32, #tpu.memory_space<hbm>>
      tpu.enqueue_dma source(%dma_start3A_94 : memref<54x128xi32, #tpu.memory_space<hbm>>) target(%arg6 : memref<54x128xi32, #tpu.memory_space<vmem>>) target_semaphore(%run_scoped3A_87 : memref<!tpu.dma_semaphore, #tpu.memory_space<semaphore_mem>>)
      %dma_wait3A = arith.constant 0 : i32
      %dma_wait3A_95 = arith.constant 0 : i32
      %dma_wait3A_96 = tpu.memref_slice %arg3[%run_scoped3A, %add3A, %dma_wait3A, %dma_wait3A_95] : memref<3x32x54x128xi32, #tpu.memory_space<hbm>> -> memref<1x1x54x128xi32, #tpu.memory_space<hbm>>
      %dma_wait3A_97 = tpu.memref_squeeze %dma_wait3A_96 : memref<1x1x54x128xi32, #tpu.memory_space<hbm>> -> memref<54x128xi32, #tpu.memory_space<hbm>>
      %dma_wait3A_98 = arith.constant 0 : i32
      %dma_wait3A_99 = arith.constant 0 : i32
      %dma_wait3A_100 = tpu.memref_slice %arg3[%run_scoped3A, %add3A, %dma_wait3A_98, %dma_wait3A_99] : memref<3x32x54x128xi32, #tpu.memory_space<hbm>> -> memref<1x1x54x128xi32, #tpu.memory_space<hbm>>
      %dma_wait3A_101 = tpu.memref_squeeze %dma_wait3A_100 : memref<1x1x54x128xi32, #tpu.memory_space<hbm>> -> memref<54x128xi32, #tpu.memory_space<hbm>>
      tpu.wait_dma2 semaphore(%run_scoped3A_87 : memref<!tpu.dma_semaphore, #tpu.memory_space<semaphore_mem>>) src(%dma_wait3A_101 : memref<54x128xi32, #tpu.memory_space<hbm>>) dst(%arg6 : memref<54x128xi32, #tpu.memory_space<vmem>>)
      tpu.yield
    }) : () -> ()
    %run_scoped3A_21 = arith.constant 0 : i32
    "tpu.region"() ({
      %run_scoped3A_87 = tpu.sem_alloc : memref<!tpu.dma_semaphore, #tpu.memory_space<semaphore_mem>>
      %dma_start3A = arith.constant 0 : i32
      %dma_start3A_88 = arith.constant 0 : i32
      %dma_start3A_89 = tpu.memref_slice %arg4[%run_scoped3A_21, %add3A, %dma_start3A, %dma_start3A_88] : memref<3x32x54x128xi32, #tpu.memory_space<hbm>> -> memref<1x1x54x128xi32, #tpu.memory_space<hbm>>
      %dma_start3A_90 = tpu.memref_squeeze %dma_start3A_89 : memref<1x1x54x128xi32, #tpu.memory_space<hbm>> -> memref<54x128xi32, #tpu.memory_space<hbm>>
      %dma_start3A_91 = arith.constant 0 : i32
      %dma_start3A_92 = arith.constant 0 : i32
      %dma_start3A_93 = tpu.memref_slice %arg4[%run_scoped3A_21, %add3A, %dma_start3A_91, %dma_start3A_92] : memref<3x32x54x128xi32, #tpu.memory_space<hbm>> -> memref<1x1x54x128xi32, #tpu.memory_space<hbm>>
      %dma_start3A_94 = tpu.memref_squeeze %dma_start3A_93 : memref<1x1x54x128xi32, #tpu.memory_space<hbm>> -> memref<54x128xi32, #tpu.memory_space<hbm>>
      tpu.enqueue_dma source(%dma_start3A_94 : memref<54x128xi32, #tpu.memory_space<hbm>>) target(%arg7 : memref<54x128xi32, #tpu.memory_space<vmem>>) target_semaphore(%run_scoped3A_87 : memref<!tpu.dma_semaphore, #tpu.memory_space<semaphore_mem>>)
      %dma_wait3A = arith.constant 0 : i32
      %dma_wait3A_95 = arith.constant 0 : i32
      %dma_wait3A_96 = tpu.memref_slice %arg4[%run_scoped3A_21, %add3A, %dma_wait3A, %dma_wait3A_95] : memref<3x32x54x128xi32, #tpu.memory_space<hbm>> -> memref<1x1x54x128xi32, #tpu.memory_space<hbm>>
      %dma_wait3A_97 = tpu.memref_squeeze %dma_wait3A_96 : memref<1x1x54x128xi32, #tpu.memory_space<hbm>> -> memref<54x128xi32, #tpu.memory_space<hbm>>
      %dma_wait3A_98 = arith.constant 0 : i32
      %dma_wait3A_99 = arith.constant 0 : i32
      %dma_wait3A_100 = tpu.memref_slice %arg4[%run_scoped3A_21, %add3A, %dma_wait3A_98, %dma_wait3A_99] : memref<3x32x54x128xi32, #tpu.memory_space<hbm>> -> memref<1x1x54x128xi32, #tpu.memory_space<hbm>>
      %dma_wait3A_101 = tpu.memref_squeeze %dma_wait3A_100 : memref<1x1x54x128xi32, #tpu.memory_space<hbm>> -> memref<54x128xi32, #tpu.memory_space<hbm>>
      tpu.wait_dma2 semaphore(%run_scoped3A_87 : memref<!tpu.dma_semaphore, #tpu.memory_space<semaphore_mem>>) src(%dma_wait3A_101 : memref<54x128xi32, #tpu.memory_space<hbm>>) dst(%arg7 : memref<54x128xi32, #tpu.memory_space<vmem>>)
      tpu.yield
    }) : () -> ()
    %barrier3A = arith.constant 0 : index
    tpu.barrier barrier_id(%barrier3A)
    %eq3A_22 = arith.constant 0 : i32
    %eq3A_23 = arith.cmpi eq, %arg0, %eq3A_22 : i32
    %convert_element_type3A = arith.extui %eq3A_23 : i1 to i32
    %cond3A = arith.constant 0 : i32
    %cond3A_24 = arith.constant 0 : i32
    %cond3A_25 = arith.cmpi ne, %convert_element_type3A, %cond3A_24 : i32
    %cond3A_26 = scf.if %cond3A_25 -> (i32) {
      %dma_start3A = arith.constant 0 : i32
      %dma_start3A_87 = arith.constant 0 : i32
      %dma_start3A_88 = tpu.memref_slice %arg6[%dma_start3A, %dma_start3A_87] : memref<54x128xi32, #tpu.memory_space<vmem>> -> memref<1x128xi32, #tpu.memory_space<vmem>>
      %dma_start3A_89 = tpu.memref_squeeze %dma_start3A_88 : memref<1x128xi32, #tpu.memory_space<vmem>> -> memref<128xi32, #tpu.memory_space<vmem>>
      %dma_start3A_90 = arith.constant 0 : i32
      %dma_start3A_91 = arith.constant 0 : i32
      %dma_start3A_92 = tpu.memref_slice %arg2[%dma_start3A_90, %dma_start3A_91] : memref<10240x128xf32, #tpu.memory_space<hbm>> -> memref<10240x128xf32, #tpu.memory_space<hbm>>
      tpu.enqueue_indirect_dma source(%dma_start3A_92 : memref<10240x128xf32, #tpu.memory_space<hbm>>) target(%arg8 : memref<128x128xf32, #tpu.memory_space<vmem>>) offsets(%dma_start3A_89 : memref<128xi32, #tpu.memory_space<vmem>>) semaphore(%arg11 : memref<!tpu.dma_semaphore, #tpu.memory_space<semaphore_mem>>)
      %scan3A_93 = arith.constant 0 : i32
      %scan3A_94 = arith.constant 0 : i32
      %scan3A_95 = arith.constant 26 : i32
      %scan3A_96 = arith.addi %scan3A_94, %scan3A_95 : i32
      %scan3A_97 = arith.constant 1 : i32
      %scan3A_98 = scf.for %scan3A_123 = %scan3A_94 to %scan3A_96 step %scan3A_97 iter_args(%scan3A_124 = %scan3A_93) -> (i32)  : i32 {
        %mul3A_125 = arith.constant 2 : i32
        %mul3A_126 = arith.muli %mul3A_125, %scan3A_123 : i32
        %add3A_127 = arith.constant 1 : i32
        %add3A_128 = arith.addi %mul3A_126, %add3A_127 : i32
        %dma_start3A_129 = arith.constant 0 : i32
        %dma_start3A_130 = tpu.memref_slice %arg6[%add3A_128, %dma_start3A_129] : memref<54x128xi32, #tpu.memory_space<vmem>> -> memref<1x128xi32, #tpu.memory_space<vmem>>
        %dma_start3A_131 = tpu.memref_squeeze %dma_start3A_130 : memref<1x128xi32, #tpu.memory_space<vmem>> -> memref<128xi32, #tpu.memory_space<vmem>>
        %dma_start3A_132 = arith.constant 0 : i32
        %dma_start3A_133 = arith.constant 0 : i32
        %dma_start3A_134 = tpu.memref_slice %arg2[%dma_start3A_132, %dma_start3A_133] : memref<10240x128xf32, #tpu.memory_space<hbm>> -> memref<10240x128xf32, #tpu.memory_space<hbm>>
        tpu.enqueue_indirect_dma source(%dma_start3A_134 : memref<10240x128xf32, #tpu.memory_space<hbm>>) target(%arg9 : memref<128x128xf32, #tpu.memory_space<vmem>>) offsets(%dma_start3A_131 : memref<128xi32, #tpu.memory_space<vmem>>) semaphore(%arg12 : memref<!tpu.dma_semaphore, #tpu.memory_space<semaphore_mem>>)
        %dma_wait3A_135 = arith.constant 0 : i32
        %dma_wait3A_136 = tpu.memref_slice %arg6[%mul3A_126, %dma_wait3A_135] : memref<54x128xi32, #tpu.memory_space<vmem>> -> memref<1x128xi32, #tpu.memory_space<vmem>>
        %dma_wait3A_137 = tpu.memref_squeeze %dma_wait3A_136 : memref<1x128xi32, #tpu.memory_space<vmem>> -> memref<128xi32, #tpu.memory_space<vmem>>
        %dma_wait3A_138 = arith.constant 0 : i32
        %dma_wait3A_139 = arith.constant 0 : i32
        %dma_wait3A_140 = tpu.memref_slice %arg2[%dma_wait3A_138, %dma_wait3A_139] : memref<10240x128xf32, #tpu.memory_space<hbm>> -> memref<10240x128xf32, #tpu.memory_space<hbm>>
        tpu.wait_indirect_dma semaphore(%arg11 : memref<!tpu.dma_semaphore, #tpu.memory_space<semaphore_mem>>) src(%dma_wait3A_140 : memref<10240x128xf32, #tpu.memory_space<hbm>>) dst(%arg8 : memref<128x128xf32, #tpu.memory_space<vmem>>)
        "tpu.region"() ({
          %run_scoped3A_160 = tpu.sem_alloc : memref<!tpu.dma_semaphore, #tpu.memory_space<semaphore_mem>>
          %dma_start3A_161 = arith.constant 0 : i32
          %dma_start3A_162 = tpu.memref_slice %arg7[%mul3A_126, %dma_start3A_161] : memref<54x128xi32, #tpu.memory_space<vmem>> -> memref<1x128xi32, #tpu.memory_space<vmem>>
          %dma_start3A_163 = tpu.memref_squeeze %dma_start3A_162 : memref<1x128xi32, #tpu.memory_space<vmem>> -> memref<128xi32, #tpu.memory_space<vmem>>
          %dma_start3A_164 = arith.constant 0 : i32
          %dma_start3A_165 = arith.constant 0 : i32
          %dma_start3A_166 = tpu.memref_slice %arg10[%dma_start3A_164, %dma_start3A_165] : memref<10240x128xf32, #tpu.memory_space<vmem_shared>> -> memref<10240x128xf32, #tpu.memory_space<vmem_shared>>
          tpu.enqueue_indirect_dma source(%arg8 : memref<128x128xf32, #tpu.memory_space<vmem>>) target(%dma_start3A_166 : memref<10240x128xf32, #tpu.memory_space<vmem_shared>>) offsets(%dma_start3A_163 : memref<128xi32, #tpu.memory_space<vmem>>) semaphore(%run_scoped3A_160 : memref<!tpu.dma_semaphore, #tpu.memory_space<semaphore_mem>>) {add = true}
          %dma_wait3A_167 = arith.constant 0 : i32
          %dma_wait3A_168 = tpu.memref_slice %arg7[%mul3A_126, %dma_wait3A_167] : memref<54x128xi32, #tpu.memory_space<vmem>> -> memref<1x128xi32, #tpu.memory_space<vmem>>
          %dma_wait3A_169 = tpu.memref_squeeze %dma_wait3A_168 : memref<1x128xi32, #tpu.memory_space<vmem>> -> memref<128xi32, #tpu.memory_space<vmem>>
          %dma_wait3A_170 = arith.constant 0 : i32
          %dma_wait3A_171 = arith.constant 0 : i32
          %dma_wait3A_172 = tpu.memref_slice %arg10[%dma_wait3A_170, %dma_wait3A_171] : memref<10240x128xf32, #tpu.memory_space<vmem_shared>> -> memref<10240x128xf32, #tpu.memory_space<vmem_shared>>
          tpu.wait_indirect_dma semaphore(%run_scoped3A_160 : memref<!tpu.dma_semaphore, #tpu.memory_space<semaphore_mem>>) src(%arg8 : memref<128x128xf32, #tpu.memory_space<vmem>>) dst(%dma_wait3A_172 : memref<10240x128xf32, #tpu.memory_space<vmem_shared>>)
          tpu.yield
        }) : () -> ()
        %add3A_141 = arith.constant 2 : i32
        %add3A_142 = arith.addi %mul3A_126, %add3A_141 : i32
        %dma_start3A_143 = arith.constant 0 : i32
        %dma_start3A_144 = tpu.memref_slice %arg6[%add3A_142, %dma_start3A_143] : memref<54x128xi32, #tpu.memory_space<vmem>> -> memref<1x128xi32, #tpu.memory_space<vmem>>
        %dma_start3A_145 = tpu.memref_squeeze %dma_start3A_144 : memref<1x128xi32, #tpu.memory_space<vmem>> -> memref<128xi32, #tpu.memory_space<vmem>>
        %dma_start3A_146 = arith.constant 0 : i32
        %dma_start3A_147 = arith.constant 0 : i32
        %dma_start3A_148 = tpu.memref_slice %arg2[%dma_start3A_146, %dma_start3A_147] : memref<10240x128xf32, #tpu.memory_space<hbm>> -> memref<10240x128xf32, #tpu.memory_space<hbm>>
        tpu.enqueue_indirect_dma source(%dma_start3A_148 : memref<10240x128xf32, #tpu.memory_space<hbm>>) target(%arg8 : memref<128x128xf32, #tpu.memory_space<vmem>>) offsets(%dma_start3A_145 : memref<128xi32, #tpu.memory_space<vmem>>) semaphore(%arg11 : memref<!tpu.dma_semaphore, #tpu.memory_space<semaphore_mem>>)
        %add3A_149 = arith.constant 1 : i32
        %add3A_150 = arith.addi %mul3A_126, %add3A_149 : i32
        %dma_wait3A_151 = arith.constant 0 : i32
        %dma_wait3A_152 = tpu.memref_slice %arg6[%add3A_150, %dma_wait3A_151] : memref<54x128xi32, #tpu.memory_space<vmem>> -> memref<1x128xi32, #tpu.memory_space<vmem>>
        %dma_wait3A_153 = tpu.memref_squeeze %dma_wait3A_152 : memref<1x128xi32, #tpu.memory_space<vmem>> -> memref<128xi32, #tpu.memory_space<vmem>>
        %dma_wait3A_154 = arith.constant 0 : i32
        %dma_wait3A_155 = arith.constant 0 : i32
        %dma_wait3A_156 = tpu.memref_slice %arg2[%dma_wait3A_154, %dma_wait3A_155] : memref<10240x128xf32, #tpu.memory_space<hbm>> -> memref<10240x128xf32, #tpu.memory_space<hbm>>
        tpu.wait_indirect_dma semaphore(%arg12 : memref<!tpu.dma_semaphore, #tpu.memory_space<semaphore_mem>>) src(%dma_wait3A_156 : memref<10240x128xf32, #tpu.memory_space<hbm>>) dst(%arg9 : memref<128x128xf32, #tpu.memory_space<vmem>>)
        %add3A_157 = arith.constant 1 : i32
        %add3A_158 = arith.addi %mul3A_126, %add3A_157 : i32
        "tpu.region"() ({
          %run_scoped3A_160 = tpu.sem_alloc : memref<!tpu.dma_semaphore, #tpu.memory_space<semaphore_mem>>
          %dma_start3A_161 = arith.constant 0 : i32
          %dma_start3A_162 = tpu.memref_slice %arg7[%add3A_158, %dma_start3A_161] : memref<54x128xi32, #tpu.memory_space<vmem>> -> memref<1x128xi32, #tpu.memory_space<vmem>>
          %dma_start3A_163 = tpu.memref_squeeze %dma_start3A_162 : memref<1x128xi32, #tpu.memory_space<vmem>> -> memref<128xi32, #tpu.memory_space<vmem>>
          %dma_start3A_164 = arith.constant 0 : i32
          %dma_start3A_165 = arith.constant 0 : i32
          %dma_start3A_166 = tpu.memref_slice %arg10[%dma_start3A_164, %dma_start3A_165] : memref<10240x128xf32, #tpu.memory_space<vmem_shared>> -> memref<10240x128xf32, #tpu.memory_space<vmem_shared>>
          tpu.enqueue_indirect_dma source(%arg9 : memref<128x128xf32, #tpu.memory_space<vmem>>) target(%dma_start3A_166 : memref<10240x128xf32, #tpu.memory_space<vmem_shared>>) offsets(%dma_start3A_163 : memref<128xi32, #tpu.memory_space<vmem>>) semaphore(%run_scoped3A_160 : memref<!tpu.dma_semaphore, #tpu.memory_space<semaphore_mem>>) {add = true}
          %dma_wait3A_167 = arith.constant 0 : i32
          %dma_wait3A_168 = tpu.memref_slice %arg7[%add3A_158, %dma_wait3A_167] : memref<54x128xi32, #tpu.memory_space<vmem>> -> memref<1x128xi32, #tpu.memory_space<vmem>>
          %dma_wait3A_169 = tpu.memref_squeeze %dma_wait3A_168 : memref<1x128xi32, #tpu.memory_space<vmem>> -> memref<128xi32, #tpu.memory_space<vmem>>
          %dma_wait3A_170 = arith.constant 0 : i32
          %dma_wait3A_171 = arith.constant 0 : i32
          %dma_wait3A_172 = tpu.memref_slice %arg10[%dma_wait3A_170, %dma_wait3A_171] : memref<10240x128xf32, #tpu.memory_space<vmem_shared>> -> memref<10240x128xf32, #tpu.memory_space<vmem_shared>>
          tpu.wait_indirect_dma semaphore(%run_scoped3A_160 : memref<!tpu.dma_semaphore, #tpu.memory_space<semaphore_mem>>) src(%arg9 : memref<128x128xf32, #tpu.memory_space<vmem>>) dst(%dma_wait3A_172 : memref<10240x128xf32, #tpu.memory_space<vmem_shared>>)
          tpu.yield
        }) : () -> ()
        %scan3A_159 = arith.constant 0 : i32
        scf.yield %scan3A_159 : i32
      }
      %scan3A_99 = arith.constant 26 : i32
      %dma_start3A_100 = arith.constant 53 : i32
      %dma_start3A_101 = arith.constant 0 : i32
      %dma_start3A_102 = tpu.memref_slice %arg6[%dma_start3A_100, %dma_start3A_101] : memref<54x128xi32, #tpu.memory_space<vmem>> -> memref<1x128xi32, #tpu.memory_space<vmem>>
      %dma_start3A_103 = tpu.memref_squeeze %dma_start3A_102 : memref<1x128xi32, #tpu.memory_space<vmem>> -> memref<128xi32, #tpu.memory_space<vmem>>
      %dma_start3A_104 = arith.constant 0 : i32
      %dma_start3A_105 = arith.constant 0 : i32
      %dma_start3A_106 = tpu.memref_slice %arg2[%dma_start3A_104, %dma_start3A_105] : memref<10240x128xf32, #tpu.memory_space<hbm>> -> memref<10240x128xf32, #tpu.memory_space<hbm>>
      tpu.enqueue_indirect_dma source(%dma_start3A_106 : memref<10240x128xf32, #tpu.memory_space<hbm>>) target(%arg9 : memref<128x128xf32, #tpu.memory_space<vmem>>) offsets(%dma_start3A_103 : memref<128xi32, #tpu.memory_space<vmem>>) semaphore(%arg12 : memref<!tpu.dma_semaphore, #tpu.memory_space<semaphore_mem>>)
      %dma_wait3A = arith.constant 52 : i32
      %dma_wait3A_107 = arith.constant 0 : i32
      %dma_wait3A_108 = tpu.memref_slice %arg6[%dma_wait3A, %dma_wait3A_107] : memref<54x128xi32, #tpu.memory_space<vmem>> -> memref<1x128xi32, #tpu.memory_space<vmem>>
      %dma_wait3A_109 = tpu.memref_squeeze %dma_wait3A_108 : memref<1x128xi32, #tpu.memory_space<vmem>> -> memref<128xi32, #tpu.memory_space<vmem>>
      %dma_wait3A_110 = arith.constant 0 : i32
      %dma_wait3A_111 = arith.constant 0 : i32
      %dma_wait3A_112 = tpu.memref_slice %arg2[%dma_wait3A_110, %dma_wait3A_111] : memref<10240x128xf32, #tpu.memory_space<hbm>> -> memref<10240x128xf32, #tpu.memory_space<hbm>>
      tpu.wait_indirect_dma semaphore(%arg11 : memref<!tpu.dma_semaphore, #tpu.memory_space<semaphore_mem>>) src(%dma_wait3A_112 : memref<10240x128xf32, #tpu.memory_space<hbm>>) dst(%arg8 : memref<128x128xf32, #tpu.memory_space<vmem>>)
      %run_scoped3A_113 = arith.constant 52 : i32
      "tpu.region"() ({
        %run_scoped3A_123 = tpu.sem_alloc : memref<!tpu.dma_semaphore, #tpu.memory_space<semaphore_mem>>
        %dma_start3A_124 = arith.constant 0 : i32
        %dma_start3A_125 = tpu.memref_slice %arg7[%run_scoped3A_113, %dma_start3A_124] : memref<54x128xi32, #tpu.memory_space<vmem>> -> memref<1x128xi32, #tpu.memory_space<vmem>>
        %dma_start3A_126 = tpu.memref_squeeze %dma_start3A_125 : memref<1x128xi32, #tpu.memory_space<vmem>> -> memref<128xi32, #tpu.memory_space<vmem>>
        %dma_start3A_127 = arith.constant 0 : i32
        %dma_start3A_128 = arith.constant 0 : i32
        %dma_start3A_129 = tpu.memref_slice %arg10[%dma_start3A_127, %dma_start3A_128] : memref<10240x128xf32, #tpu.memory_space<vmem_shared>> -> memref<10240x128xf32, #tpu.memory_space<vmem_shared>>
        tpu.enqueue_indirect_dma source(%arg8 : memref<128x128xf32, #tpu.memory_space<vmem>>) target(%dma_start3A_129 : memref<10240x128xf32, #tpu.memory_space<vmem_shared>>) offsets(%dma_start3A_126 : memref<128xi32, #tpu.memory_space<vmem>>) semaphore(%run_scoped3A_123 : memref<!tpu.dma_semaphore, #tpu.memory_space<semaphore_mem>>) {add = true}
        %dma_wait3A_130 = arith.constant 0 : i32
        %dma_wait3A_131 = tpu.memref_slice %arg7[%run_scoped3A_113, %dma_wait3A_130] : memref<54x128xi32, #tpu.memory_space<vmem>> -> memref<1x128xi32, #tpu.memory_space<vmem>>
        %dma_wait3A_132 = tpu.memref_squeeze %dma_wait3A_131 : memref<1x128xi32, #tpu.memory_space<vmem>> -> memref<128xi32, #tpu.memory_space<vmem>>
        %dma_wait3A_133 = arith.constant 0 : i32
        %dma_wait3A_134 = arith.constant 0 : i32
        %dma_wait3A_135 = tpu.memref_slice %arg10[%dma_wait3A_133, %dma_wait3A_134] : memref<10240x128xf32, #tpu.memory_space<vmem_shared>> -> memref<10240x128xf32, #tpu.memory_space<vmem_shared>>
        tpu.wait_indirect_dma semaphore(%run_scoped3A_123 : memref<!tpu.dma_semaphore, #tpu.memory_space<semaphore_mem>>) src(%arg8 : memref<128x128xf32, #tpu.memory_space<vmem>>) dst(%dma_wait3A_135 : memref<10240x128xf32, #tpu.memory_space<vmem_shared>>)
        tpu.yield
      }) : () -> ()
      %dma_wait3A_114 = arith.constant 53 : i32
      %dma_wait3A_115 = arith.constant 0 : i32
      %dma_wait3A_116 = tpu.memref_slice %arg6[%dma_wait3A_114, %dma_wait3A_115] : memref<54x128xi32, #tpu.memory_space<vmem>> -> memref<1x128xi32, #tpu.memory_space<vmem>>
      %dma_wait3A_117 = tpu.memref_squeeze %dma_wait3A_116 : memref<1x128xi32, #tpu.memory_space<vmem>> -> memref<128xi32, #tpu.memory_space<vmem>>
      %dma_wait3A_118 = arith.constant 0 : i32
      %dma_wait3A_119 = arith.constant 0 : i32
      %dma_wait3A_120 = tpu.memref_slice %arg2[%dma_wait3A_118, %dma_wait3A_119] : memref<10240x128xf32, #tpu.memory_space<hbm>> -> memref<10240x128xf32, #tpu.memory_space<hbm>>
      tpu.wait_indirect_dma semaphore(%arg12 : memref<!tpu.dma_semaphore, #tpu.memory_space<semaphore_mem>>) src(%dma_wait3A_120 : memref<10240x128xf32, #tpu.memory_space<hbm>>) dst(%arg9 : memref<128x128xf32, #tpu.memory_space<vmem>>)
      %run_scoped3A_121 = arith.constant 53 : i32
      "tpu.region"() ({
        %run_scoped3A_123 = tpu.sem_alloc : memref<!tpu.dma_semaphore, #tpu.memory_space<semaphore_mem>>
        %dma_start3A_124 = arith.constant 0 : i32
        %dma_start3A_125 = tpu.memref_slice %arg7[%run_scoped3A_121, %dma_start3A_124] : memref<54x128xi32, #tpu.memory_space<vmem>> -> memref<1x128xi32, #tpu.memory_space<vmem>>
        %dma_start3A_126 = tpu.memref_squeeze %dma_start3A_125 : memref<1x128xi32, #tpu.memory_space<vmem>> -> memref<128xi32, #tpu.memory_space<vmem>>
        %dma_start3A_127 = arith.constant 0 : i32
        %dma_start3A_128 = arith.constant 0 : i32
        %dma_start3A_129 = tpu.memref_slice %arg10[%dma_start3A_127, %dma_start3A_128] : memref<10240x128xf32, #tpu.memory_space<vmem_shared>> -> memref<10240x128xf32, #tpu.memory_space<vmem_shared>>
        tpu.enqueue_indirect_dma source(%arg9 : memref<128x128xf32, #tpu.memory_space<vmem>>) target(%dma_start3A_129 : memref<10240x128xf32, #tpu.memory_space<vmem_shared>>) offsets(%dma_start3A_126 : memref<128xi32, #tpu.memory_space<vmem>>) semaphore(%run_scoped3A_123 : memref<!tpu.dma_semaphore, #tpu.memory_space<semaphore_mem>>) {add = true}
        %dma_wait3A_130 = arith.constant 0 : i32
        %dma_wait3A_131 = tpu.memref_slice %arg7[%run_scoped3A_121, %dma_wait3A_130] : memref<54x128xi32, #tpu.memory_space<vmem>> -> memref<1x128xi32, #tpu.memory_space<vmem>>
        %dma_wait3A_132 = tpu.memref_squeeze %dma_wait3A_131 : memref<1x128xi32, #tpu.memory_space<vmem>> -> memref<128xi32, #tpu.memory_space<vmem>>
        %dma_wait3A_133 = arith.constant 0 : i32
        %dma_wait3A_134 = arith.constant 0 : i32
        %dma_wait3A_135 = tpu.memref_slice %arg10[%dma_wait3A_133, %dma_wait3A_134] : memref<10240x128xf32, #tpu.memory_space<vmem_shared>> -> memref<10240x128xf32, #tpu.memory_space<vmem_shared>>
        tpu.wait_indirect_dma semaphore(%run_scoped3A_123 : memref<!tpu.dma_semaphore, #tpu.memory_space<semaphore_mem>>) src(%arg9 : memref<128x128xf32, #tpu.memory_space<vmem>>) dst(%dma_wait3A_135 : memref<10240x128xf32, #tpu.memory_space<vmem_shared>>)
        tpu.yield
      }) : () -> ()
      %cond3A_122 = arith.constant 0 : i32
      scf.yield %cond3A_122 : i32
    } else {
      %scan3A_87 = arith.constant 0 : i32
      %scan3A_88 = arith.constant 0 : i32
      %scan3A_89 = arith.constant 0 : i32
      %scan3A_90 = arith.addi %scan3A_88, %scan3A_89 : i32
      %scan3A_91 = arith.constant 0 : i32
      %cond3A_92 = arith.constant 0 : i32
      scf.yield %cond3A_92 : i32
    }
    %barrier3A_27 = arith.constant 0 : index
    tpu.barrier barrier_id(%barrier3A_27)
    %run_scoped3A_28 = arith.constant 0 : i32
    "tpu.region"() ({
      %run_scoped3A_87 = tpu.sem_alloc : memref<!tpu.dma_semaphore, #tpu.memory_space<semaphore_mem>>
      %dma_start3A = arith.constant 0 : i32
      %dma_start3A_88 = tpu.memref_slice %arg5[%arg0, %run_scoped3A_28, %mul3A_2, %dma_start3A] : memref<2x3x10240x128xf32, #tpu.memory_space<hbm>> -> memref<1x1x640x128xf32, #tpu.memory_space<hbm>>
      %dma_start3A_89 = tpu.memref_squeeze %dma_start3A_88 : memref<1x1x640x128xf32, #tpu.memory_space<hbm>> -> memref<640x128xf32, #tpu.memory_space<hbm>>
      %dma_start3A_90 = arith.constant 0 : i32
      %dma_start3A_91 = tpu.memref_slice %arg10[%mul3A_2, %dma_start3A_90] : memref<10240x128xf32, #tpu.memory_space<vmem_shared>> -> memref<640x128xf32, #tpu.memory_space<vmem_shared>>
      tpu.enqueue_dma source(%dma_start3A_91 : memref<640x128xf32, #tpu.memory_space<vmem_shared>>) target(%dma_start3A_89 : memref<640x128xf32, #tpu.memory_space<hbm>>) target_semaphore(%run_scoped3A_87 : memref<!tpu.dma_semaphore, #tpu.memory_space<semaphore_mem>>)
      %dma_wait3A = arith.constant 0 : i32
      %dma_wait3A_92 = tpu.memref_slice %arg5[%arg0, %run_scoped3A_28, %mul3A_2, %dma_wait3A] : memref<2x3x10240x128xf32, #tpu.memory_space<hbm>> -> memref<1x1x640x128xf32, #tpu.memory_space<hbm>>
      %dma_wait3A_93 = tpu.memref_squeeze %dma_wait3A_92 : memref<1x1x640x128xf32, #tpu.memory_space<hbm>> -> memref<640x128xf32, #tpu.memory_space<hbm>>
      %dma_wait3A_94 = arith.constant 0 : i32
      %dma_wait3A_95 = tpu.memref_slice %arg10[%mul3A_2, %dma_wait3A_94] : memref<10240x128xf32, #tpu.memory_space<vmem_shared>> -> memref<640x128xf32, #tpu.memory_space<vmem_shared>>
      tpu.wait_dma2 semaphore(%run_scoped3A_87 : memref<!tpu.dma_semaphore, #tpu.memory_space<semaphore_mem>>) src(%dma_wait3A_95 : memref<640x128xf32, #tpu.memory_space<vmem_shared>>) dst(%dma_wait3A_93 : memref<640x128xf32, #tpu.memory_space<hbm>>)
      tpu.yield
    }) : () -> ()
    %scan3A_29 = arith.constant 0 : i32
    %scan3A_30 = arith.constant 0 : i32
    %scan3A_31 = arith.constant 128 : i32
    %scan3A_32 = arith.addi %scan3A_30, %scan3A_31 : i32
    %scan3A_33 = arith.constant 1 : i32
    %scan3A_34 = scf.for %scan3A_87 = %scan3A_30 to %scan3A_32 step %scan3A_33 iter_args(%scan3A_88 = %scan3A_29) -> (i32)  : i32 {
      %broadcast_in_dim3A = arith.constant 0.000000e+00 : f32
      %broadcast_in_dim3A_89 = vector.broadcast %broadcast_in_dim3A : f32 to vector<16xf32>
      %swap3A = arith.index_cast %scan3A_87 : i32 to index
      %swap3A_90 = arith.constant 0 : index
      %swap3A_91 = tpu.vector_load %arg8[%swap3A, %swap3A_90] {strides = array<i32>} : memref<128x128xf32, #tpu.memory_space<vmem>>, vector<1x16xf32>,
      %swap3A_92 = vector.shape_cast %swap3A_91 : vector<1x16xf32> to vector<16xf32>
      %swap3A_93 = vector.shape_cast %broadcast_in_dim3A_89 : vector<16xf32> to vector<1x16xf32>
      tpu.vector_store %arg8[%swap3A, %swap3A_90], %swap3A_93 {strides = array<i32>} : memref<128x128xf32, #tpu.memory_space<vmem>>, vector<1x16xf32>,
      %broadcast_in_dim3A_94 = arith.constant 0.000000e+00 : f32
      %broadcast_in_dim3A_95 = vector.broadcast %broadcast_in_dim3A_94 : f32 to vector<16xf32>
      %swap3A_96 = arith.index_cast %scan3A_87 : i32 to index
      %swap3A_97 = arith.constant 16 : index
      %swap3A_98 = tpu.vector_load %arg8[%swap3A_96, %swap3A_97] {strides = array<i32>} : memref<128x128xf32, #tpu.memory_space<vmem>>, vector<1x16xf32>,
      %swap3A_99 = vector.shape_cast %swap3A_98 : vector<1x16xf32> to vector<16xf32>
      %swap3A_100 = vector.shape_cast %broadcast_in_dim3A_95 : vector<16xf32> to vector<1x16xf32>
      tpu.vector_store %arg8[%swap3A_96, %swap3A_97], %swap3A_100 {strides = array<i32>} : memref<128x128xf32, #tpu.memory_space<vmem>>, vector<1x16xf32>,
      %broadcast_in_dim3A_101 = arith.constant 0.000000e+00 : f32
      %broadcast_in_dim3A_102 = vector.broadcast %broadcast_in_dim3A_101 : f32 to vector<16xf32>
      %swap3A_103 = arith.index_cast %scan3A_87 : i32 to index
      %swap3A_104 = arith.constant 32 : index
      %swap3A_105 = tpu.vector_load %arg8[%swap3A_103, %swap3A_104] {strides = array<i32>} : memref<128x128xf32, #tpu.memory_space<vmem>>, vector<1x16xf32>,
      %swap3A_106 = vector.shape_cast %swap3A_105 : vector<1x16xf32> to vector<16xf32>
      %swap3A_107 = vector.shape_cast %broadcast_in_dim3A_102 : vector<16xf32> to vector<1x16xf32>
      tpu.vector_store %arg8[%swap3A_103, %swap3A_104], %swap3A_107 {strides = array<i32>} : memref<128x128xf32, #tpu.memory_space<vmem>>, vector<1x16xf32>,
      %broadcast_in_dim3A_108 = arith.constant 0.000000e+00 : f32
      %broadcast_in_dim3A_109 = vector.broadcast %broadcast_in_dim3A_108 : f32 to vector<16xf32>
      %swap3A_110 = arith.index_cast %scan3A_87 : i32 to index
      %swap3A_111 = arith.constant 48 : index
      %swap3A_112 = tpu.vector_load %arg8[%swap3A_110, %swap3A_111] {strides = array<i32>} : memref<128x128xf32, #tpu.memory_space<vmem>>, vector<1x16xf32>,
      %swap3A_113 = vector.shape_cast %swap3A_112 : vector<1x16xf32> to vector<16xf32>
      %swap3A_114 = vector.shape_cast %broadcast_in_dim3A_109 : vector<16xf32> to vector<1x16xf32>
      tpu.vector_store %arg8[%swap3A_110, %swap3A_111], %swap3A_114 {strides = array<i32>} : memref<128x128xf32, #tpu.memory_space<vmem>>, vector<1x16xf32>,
      %broadcast_in_dim3A_115 = arith.constant 0.000000e+00 : f32
      %broadcast_in_dim3A_116 = vector.broadcast %broadcast_in_dim3A_115 : f32 to vector<16xf32>
      %swap3A_117 = arith.index_cast %scan3A_87 : i32 to index
      %swap3A_118 = arith.constant 64 : index
      %swap3A_119 = tpu.vector_load %arg8[%swap3A_117, %swap3A_118] {strides = array<i32>} : memref<128x128xf32, #tpu.memory_space<vmem>>, vector<1x16xf32>,
      %swap3A_120 = vector.shape_cast %swap3A_119 : vector<1x16xf32> to vector<16xf32>
      %swap3A_121 = vector.shape_cast %broadcast_in_dim3A_116 : vector<16xf32> to vector<1x16xf32>
      tpu.vector_store %arg8[%swap3A_117, %swap3A_118], %swap3A_121 {strides = array<i32>} : memref<128x128xf32, #tpu.memory_space<vmem>>, vector<1x16xf32>,
      %broadcast_in_dim3A_122 = arith.constant 0.000000e+00 : f32
      %broadcast_in_dim3A_123 = vector.broadcast %broadcast_in_dim3A_122 : f32 to vector<16xf32>
      %swap3A_124 = arith.index_cast %scan3A_87 : i32 to index
      %swap3A_125 = arith.constant 80 : index
      %swap3A_126 = tpu.vector_load %arg8[%swap3A_124, %swap3A_125] {strides = array<i32>} : memref<128x128xf32, #tpu.memory_space<vmem>>, vector<1x16xf32>,
      %swap3A_127 = vector.shape_cast %swap3A_126 : vector<1x16xf32> to vector<16xf32>
      %swap3A_128 = vector.shape_cast %broadcast_in_dim3A_123 : vector<16xf32> to vector<1x16xf32>
      tpu.vector_store %arg8[%swap3A_124, %swap3A_125], %swap3A_128 {strides = array<i32>} : memref<128x128xf32, #tpu.memory_space<vmem>>, vector<1x16xf32>,
      %broadcast_in_dim3A_129 = arith.constant 0.000000e+00 : f32
      %broadcast_in_dim3A_130 = vector.broadcast %broadcast_in_dim3A_129 : f32 to vector<16xf32>
      %swap3A_131 = arith.index_cast %scan3A_87 : i32 to index
      %swap3A_132 = arith.constant 96 : index
      %swap3A_133 = tpu.vector_load %arg8[%swap3A_131, %swap3A_132] {strides = array<i32>} : memref<128x128xf32, #tpu.memory_space<vmem>>, vector<1x16xf32>,
      %swap3A_134 = vector.shape_cast %swap3A_133 : vector<1x16xf32> to vector<16xf32>
      %swap3A_135 = vector.shape_cast %broadcast_in_dim3A_130 : vector<16xf32> to vector<1x16xf32>
      tpu.vector_store %arg8[%swap3A_131, %swap3A_132], %swap3A_135 {strides = array<i32>} : memref<128x128xf32, #tpu.memory_space<vmem>>, vector<1x16xf32>,
      %broadcast_in_dim3A_136 = arith.constant 0.000000e+00 : f32
      %broadcast_in_dim3A_137 = vector.broadcast %broadcast_in_dim3A_136 : f32 to vector<16xf32>
      %swap3A_138 = arith.index_cast %scan3A_87 : i32 to index
      %swap3A_139 = arith.constant 112 : index
      %swap3A_140 = tpu.vector_load %arg8[%swap3A_138, %swap3A_139] {strides = array<i32>} : memref<128x128xf32, #tpu.memory_space<vmem>>, vector<1x16xf32>,
      %swap3A_141 = vector.shape_cast %swap3A_140 : vector<1x16xf32> to vector<16xf32>
      %swap3A_142 = vector.shape_cast %broadcast_in_dim3A_137 : vector<16xf32> to vector<1x16xf32>
      tpu.vector_store %arg8[%swap3A_138, %swap3A_139], %swap3A_142 {strides = array<i32>} : memref<128x128xf32, #tpu.memory_space<vmem>>, vector<1x16xf32>,
      %scan3A_143 = arith.constant 0 : i32
      scf.yield %scan3A_143 : i32
    }
    %scan3A_35 = arith.constant 128 : i32
    %add3A_36 = arith.constant 0 : i32
    %add3A_37 = arith.addi %mul3A_2, %add3A_36 : i32
    "tpu.region"() ({
      %run_scoped3A_87 = tpu.sem_alloc : memref<!tpu.dma_semaphore, #tpu.memory_space<semaphore_mem>>
      %dma_start3A = arith.constant 0 : i32
      %dma_start3A_88 = tpu.memref_slice %arg10[%add3A_37, %dma_start3A] : memref<10240x128xf32, #tpu.memory_space<vmem_shared>> -> memref<128x128xf32, #tpu.memory_space<vmem_shared>>
      %dma_start3A_89 = arith.constant 0 : i32
      %dma_start3A_90 = tpu.memref_slice %arg10[%add3A_37, %dma_start3A_89] : memref<10240x128xf32, #tpu.memory_space<vmem_shared>> -> memref<128x128xf32, #tpu.memory_space<vmem_shared>>
      tpu.enqueue_dma source(%arg8 : memref<128x128xf32, #tpu.memory_space<vmem>>) target(%dma_start3A_90 : memref<128x128xf32, #tpu.memory_space<vmem_shared>>) target_semaphore(%run_scoped3A_87 : memref<!tpu.dma_semaphore, #tpu.memory_space<semaphore_mem>>)
      %dma_wait3A = arith.constant 0 : i32
      %dma_wait3A_91 = tpu.memref_slice %arg10[%add3A_37, %dma_wait3A] : memref<10240x128xf32, #tpu.memory_space<vmem_shared>> -> memref<128x128xf32, #tpu.memory_space<vmem_shared>>
      %dma_wait3A_92 = arith.constant 0 : i32
      %dma_wait3A_93 = tpu.memref_slice %arg10[%add3A_37, %dma_wait3A_92] : memref<10240x128xf32, #tpu.memory_space<vmem_shared>> -> memref<128x128xf32, #tpu.memory_space<vmem_shared>>
      tpu.wait_dma2 semaphore(%run_scoped3A_87 : memref<!tpu.dma_semaphore, #tpu.memory_space<semaphore_mem>>) src(%arg8 : memref<128x128xf32, #tpu.memory_space<vmem>>) dst(%dma_wait3A_93 : memref<128x128xf32, #tpu.memory_space<vmem_shared>>)
      tpu.yield
    }) : () -> ()
    %add3A_38 = arith.constant 128 : i32
    %add3A_39 = arith.addi %mul3A_2, %add3A_38 : i32
    "tpu.region"() ({
      %run_scoped3A_87 = tpu.sem_alloc : memref<!tpu.dma_semaphore, #tpu.memory_space<semaphore_mem>>
      %dma_start3A = arith.constant 0 : i32
      %dma_start3A_88 = tpu.memref_slice %arg10[%add3A_39, %dma_start3A] : memref<10240x128xf32, #tpu.memory_space<vmem_shared>> -> memref<128x128xf32, #tpu.memory_space<vmem_shared>>
      %dma_start3A_89 = arith.constant 0 : i32
      %dma_start3A_90 = tpu.memref_slice %arg10[%add3A_39, %dma_start3A_89] : memref<10240x128xf32, #tpu.memory_space<vmem_shared>> -> memref<128x128xf32, #tpu.memory_space<vmem_shared>>
      tpu.enqueue_dma source(%arg8 : memref<128x128xf32, #tpu.memory_space<vmem>>) target(%dma_start3A_90 : memref<128x128xf32, #tpu.memory_space<vmem_shared>>) target_semaphore(%run_scoped3A_87 : memref<!tpu.dma_semaphore, #tpu.memory_space<semaphore_mem>>)
      %dma_wait3A = arith.constant 0 : i32
      %dma_wait3A_91 = tpu.memref_slice %arg10[%add3A_39, %dma_wait3A] : memref<10240x128xf32, #tpu.memory_space<vmem_shared>> -> memref<128x128xf32, #tpu.memory_space<vmem_shared>>
      %dma_wait3A_92 = arith.constant 0 : i32
      %dma_wait3A_93 = tpu.memref_slice %arg10[%add3A_39, %dma_wait3A_92] : memref<10240x128xf32, #tpu.memory_space<vmem_shared>> -> memref<128x128xf32, #tpu.memory_space<vmem_shared>>
      tpu.wait_dma2 semaphore(%run_scoped3A_87 : memref<!tpu.dma_semaphore, #tpu.memory_space<semaphore_mem>>) src(%arg8 : memref<128x128xf32, #tpu.memory_space<vmem>>) dst(%dma_wait3A_93 : memref<128x128xf32, #tpu.memory_space<vmem_shared>>)
      tpu.yield
    }) : () -> ()
    %add3A_40 = arith.constant 256 : i32
    %add3A_41 = arith.addi %mul3A_2, %add3A_40 : i32
    "tpu.region"() ({
      %run_scoped3A_87 = tpu.sem_alloc : memref<!tpu.dma_semaphore, #tpu.memory_space<semaphore_mem>>
      %dma_start3A = arith.constant 0 : i32
      %dma_start3A_88 = tpu.memref_slice %arg10[%add3A_41, %dma_start3A] : memref<10240x128xf32, #tpu.memory_space<vmem_shared>> -> memref<128x128xf32, #tpu.memory_space<vmem_shared>>
      %dma_start3A_89 = arith.constant 0 : i32
      %dma_start3A_90 = tpu.memref_slice %arg10[%add3A_41, %dma_start3A_89] : memref<10240x128xf32, #tpu.memory_space<vmem_shared>> -> memref<128x128xf32, #tpu.memory_space<vmem_shared>>
      tpu.enqueue_dma source(%arg8 : memref<128x128xf32, #tpu.memory_space<vmem>>) target(%dma_start3A_90 : memref<128x128xf32, #tpu.memory_space<vmem_shared>>) target_semaphore(%run_scoped3A_87 : memref<!tpu.dma_semaphore, #tpu.memory_space<semaphore_mem>>)
      %dma_wait3A = arith.constant 0 : i32
      %dma_wait3A_91 = tpu.memref_slice %arg10[%add3A_41, %dma_wait3A] : memref<10240x128xf32, #tpu.memory_space<vmem_shared>> -> memref<128x128xf32, #tpu.memory_space<vmem_shared>>
      %dma_wait3A_92 = arith.constant 0 : i32
      %dma_wait3A_93 = tpu.memref_slice %arg10[%add3A_41, %dma_wait3A_92] : memref<10240x128xf32, #tpu.memory_space<vmem_shared>> -> memref<128x128xf32, #tpu.memory_space<vmem_shared>>
      tpu.wait_dma2 semaphore(%run_scoped3A_87 : memref<!tpu.dma_semaphore, #tpu.memory_space<semaphore_mem>>) src(%arg8 : memref<128x128xf32, #tpu.memory_space<vmem>>) dst(%dma_wait3A_93 : memref<128x128xf32, #tpu.memory_space<vmem_shared>>)
      tpu.yield
    }) : () -> ()
    %add3A_42 = arith.constant 384 : i32
    %add3A_43 = arith.addi %mul3A_2, %add3A_42 : i32
    "tpu.region"() ({
      %run_scoped3A_87 = tpu.sem_alloc : memref<!tpu.dma_semaphore, #tpu.memory_space<semaphore_mem>>
      %dma_start3A = arith.constant 0 : i32
      %dma_start3A_88 = tpu.memref_slice %arg10[%add3A_43, %dma_start3A] : memref<10240x128xf32, #tpu.memory_space<vmem_shared>> -> memref<128x128xf32, #tpu.memory_space<vmem_shared>>
      %dma_start3A_89 = arith.constant 0 : i32
      %dma_start3A_90 = tpu.memref_slice %arg10[%add3A_43, %dma_start3A_89] : memref<10240x128xf32, #tpu.memory_space<vmem_shared>> -> memref<128x128xf32, #tpu.memory_space<vmem_shared>>
      tpu.enqueue_dma source(%arg8 : memref<128x128xf32, #tpu.memory_space<vmem>>) target(%dma_start3A_90 : memref<128x128xf32, #tpu.memory_space<vmem_shared>>) target_semaphore(%run_scoped3A_87 : memref<!tpu.dma_semaphore, #tpu.memory_space<semaphore_mem>>)
      %dma_wait3A = arith.constant 0 : i32
      %dma_wait3A_91 = tpu.memref_slice %arg10[%add3A_43, %dma_wait3A] : memref<10240x128xf32, #tpu.memory_space<vmem_shared>> -> memref<128x128xf32, #tpu.memory_space<vmem_shared>>
      %dma_wait3A_92 = arith.constant 0 : i32
      %dma_wait3A_93 = tpu.memref_slice %arg10[%add3A_43, %dma_wait3A_92] : memref<10240x128xf32, #tpu.memory_space<vmem_shared>> -> memref<128x128xf32, #tpu.memory_space<vmem_shared>>
      tpu.wait_dma2 semaphore(%run_scoped3A_87 : memref<!tpu.dma_semaphore, #tpu.memory_space<semaphore_mem>>) src(%arg8 : memref<128x128xf32, #tpu.memory_space<vmem>>) dst(%dma_wait3A_93 : memref<128x128xf32, #tpu.memory_space<vmem_shared>>)
      tpu.yield
    }) : () -> ()
    %add3A_44 = arith.constant 512 : i32
    %add3A_45 = arith.addi %mul3A_2, %add3A_44 : i32
    "tpu.region"() ({
      %run_scoped3A_87 = tpu.sem_alloc : memref<!tpu.dma_semaphore, #tpu.memory_space<semaphore_mem>>
      %dma_start3A = arith.constant 0 : i32
      %dma_start3A_88 = tpu.memref_slice %arg10[%add3A_45, %dma_start3A] : memref<10240x128xf32, #tpu.memory_space<vmem_shared>> -> memref<128x128xf32, #tpu.memory_space<vmem_shared>>
      %dma_start3A_89 = arith.constant 0 : i32
      %dma_start3A_90 = tpu.memref_slice %arg10[%add3A_45, %dma_start3A_89] : memref<10240x128xf32, #tpu.memory_space<vmem_shared>> -> memref<128x128xf32, #tpu.memory_space<vmem_shared>>
      tpu.enqueue_dma source(%arg8 : memref<128x128xf32, #tpu.memory_space<vmem>>) target(%dma_start3A_90 : memref<128x128xf32, #tpu.memory_space<vmem_shared>>) target_semaphore(%run_scoped3A_87 : memref<!tpu.dma_semaphore, #tpu.memory_space<semaphore_mem>>)
      %dma_wait3A = arith.constant 0 : i32
      %dma_wait3A_91 = tpu.memref_slice %arg10[%add3A_45, %dma_wait3A] : memref<10240x128xf32, #tpu.memory_space<vmem_shared>> -> memref<128x128xf32, #tpu.memory_space<vmem_shared>>
      %dma_wait3A_92 = arith.constant 0 : i32
      %dma_wait3A_93 = tpu.memref_slice %arg10[%add3A_45, %dma_wait3A_92] : memref<10240x128xf32, #tpu.memory_space<vmem_shared>> -> memref<128x128xf32, #tpu.memory_space<vmem_shared>>
      tpu.wait_dma2 semaphore(%run_scoped3A_87 : memref<!tpu.dma_semaphore, #tpu.memory_space<semaphore_mem>>) src(%arg8 : memref<128x128xf32, #tpu.memory_space<vmem>>) dst(%dma_wait3A_93 : memref<128x128xf32, #tpu.memory_space<vmem_shared>>)
      tpu.yield
    }) : () -> ()
    %run_scoped3A_46 = arith.constant 1 : i32
    "tpu.region"() ({
      %run_scoped3A_87 = tpu.sem_alloc : memref<!tpu.dma_semaphore, #tpu.memory_space<semaphore_mem>>
      %dma_start3A = arith.constant 0 : i32
      %dma_start3A_88 = arith.constant 0 : i32
      %dma_start3A_89 = tpu.memref_slice %arg3[%run_scoped3A_46, %add3A, %dma_start3A, %dma_start3A_88] : memref<3x32x54x128xi32, #tpu.memory_space<hbm>> -> memref<1x1x54x128xi32, #tpu.memory_space<hbm>>
      %dma_start3A_90 = tpu.memref_squeeze %dma_start3A_89 : memref<1x1x54x128xi32, #tpu.memory_space<hbm>> -> memref<54x128xi32, #tpu.memory_space<hbm>>
      %dma_start3A_91 = arith.constant 0 : i32
      %dma_start3A_92 = arith.constant 0 : i32
      %dma_start3A_93 = tpu.memref_slice %arg3[%run_scoped3A_46, %add3A, %dma_start3A_91, %dma_start3A_92] : memref<3x32x54x128xi32, #tpu.memory_space<hbm>> -> memref<1x1x54x128xi32, #tpu.memory_space<hbm>>
      %dma_start3A_94 = tpu.memref_squeeze %dma_start3A_93 : memref<1x1x54x128xi32, #tpu.memory_space<hbm>> -> memref<54x128xi32, #tpu.memory_space<hbm>>
      tpu.enqueue_dma source(%dma_start3A_94 : memref<54x128xi32, #tpu.memory_space<hbm>>) target(%arg6 : memref<54x128xi32, #tpu.memory_space<vmem>>) target_semaphore(%run_scoped3A_87 : memref<!tpu.dma_semaphore, #tpu.memory_space<semaphore_mem>>)
      %dma_wait3A = arith.constant 0 : i32
      %dma_wait3A_95 = arith.constant 0 : i32
      %dma_wait3A_96 = tpu.memref_slice %arg3[%run_scoped3A_46, %add3A, %dma_wait3A, %dma_wait3A_95] : memref<3x32x54x128xi32, #tpu.memory_space<hbm>> -> memref<1x1x54x128xi32, #tpu.memory_space<hbm>>
      %dma_wait3A_97 = tpu.memref_squeeze %dma_wait3A_96 : memref<1x1x54x128xi32, #tpu.memory_space<hbm>> -> memref<54x128xi32, #tpu.memory_space<hbm>>
      %dma_wait3A_98 = arith.constant 0 : i32
      %dma_wait3A_99 = arith.constant 0 : i32
      %dma_wait3A_100 = tpu.memref_slice %arg3[%run_scoped3A_46, %add3A, %dma_wait3A_98, %dma_wait3A_99] : memref<3x32x54x128xi32, #tpu.memory_space<hbm>> -> memref<1x1x54x128xi32, #tpu.memory_space<hbm>>
      %dma_wait3A_101 = tpu.memref_squeeze %dma_wait3A_100 : memref<1x1x54x128xi32, #tpu.memory_space<hbm>> -> memref<54x128xi32, #tpu.memory_space<hbm>>
      tpu.wait_dma2 semaphore(%run_scoped3A_87 : memref<!tpu.dma_semaphore, #tpu.memory_space<semaphore_mem>>) src(%dma_wait3A_101 : memref<54x128xi32, #tpu.memory_space<hbm>>) dst(%arg6 : memref<54x128xi32, #tpu.memory_space<vmem>>)
      tpu.yield
    }) : () -> ()
    %run_scoped3A_47 = arith.constant 1 : i32
    "tpu.region"() ({
      %run_scoped3A_87 = tpu.sem_alloc : memref<!tpu.dma_semaphore, #tpu.memory_space<semaphore_mem>>
      %dma_start3A = arith.constant 0 : i32
      %dma_start3A_88 = arith.constant 0 : i32
      %dma_start3A_89 = tpu.memref_slice %arg4[%run_scoped3A_47, %add3A, %dma_start3A, %dma_start3A_88] : memref<3x32x54x128xi32, #tpu.memory_space<hbm>> -> memref<1x1x54x128xi32, #tpu.memory_space<hbm>>
      %dma_start3A_90 = tpu.memref_squeeze %dma_start3A_89 : memref<1x1x54x128xi32, #tpu.memory_space<hbm>> -> memref<54x128xi32, #tpu.memory_space<hbm>>
      %dma_start3A_91 = arith.constant 0 : i32
      %dma_start3A_92 = arith.constant 0 : i32
      %dma_start3A_93 = tpu.memref_slice %arg4[%run_scoped3A_47, %add3A, %dma_start3A_91, %dma_start3A_92] : memref<3x32x54x128xi32, #tpu.memory_space<hbm>> -> memref<1x1x54x128xi32, #tpu.memory_space<hbm>>
      %dma_start3A_94 = tpu.memref_squeeze %dma_start3A_93 : memref<1x1x54x128xi32, #tpu.memory_space<hbm>> -> memref<54x128xi32, #tpu.memory_space<hbm>>
      tpu.enqueue_dma source(%dma_start3A_94 : memref<54x128xi32, #tpu.memory_space<hbm>>) target(%arg7 : memref<54x128xi32, #tpu.memory_space<vmem>>) target_semaphore(%run_scoped3A_87 : memref<!tpu.dma_semaphore, #tpu.memory_space<semaphore_mem>>)
      %dma_wait3A = arith.constant 0 : i32
      %dma_wait3A_95 = arith.constant 0 : i32
      %dma_wait3A_96 = tpu.memref_slice %arg4[%run_scoped3A_47, %add3A, %dma_wait3A, %dma_wait3A_95] : memref<3x32x54x128xi32, #tpu.memory_space<hbm>> -> memref<1x1x54x128xi32, #tpu.memory_space<hbm>>
      %dma_wait3A_97 = tpu.memref_squeeze %dma_wait3A_96 : memref<1x1x54x128xi32, #tpu.memory_space<hbm>> -> memref<54x128xi32, #tpu.memory_space<hbm>>
      %dma_wait3A_98 = arith.constant 0 : i32
      %dma_wait3A_99 = arith.constant 0 : i32
      %dma_wait3A_100 = tpu.memref_slice %arg4[%run_scoped3A_47, %add3A, %dma_wait3A_98, %dma_wait3A_99] : memref<3x32x54x128xi32, #tpu.memory_space<hbm>> -> memref<1x1x54x128xi32, #tpu.memory_space<hbm>>
      %dma_wait3A_101 = tpu.memref_squeeze %dma_wait3A_100 : memref<1x1x54x128xi32, #tpu.memory_space<hbm>> -> memref<54x128xi32, #tpu.memory_space<hbm>>
      tpu.wait_dma2 semaphore(%run_scoped3A_87 : memref<!tpu.dma_semaphore, #tpu.memory_space<semaphore_mem>>) src(%dma_wait3A_101 : memref<54x128xi32, #tpu.memory_space<hbm>>) dst(%arg7 : memref<54x128xi32, #tpu.memory_space<vmem>>)
      tpu.yield
    }) : () -> ()
    %barrier3A_48 = arith.constant 0 : index
    tpu.barrier barrier_id(%barrier3A_48)
    %eq3A_49 = arith.constant 0 : i32
    %eq3A_50 = arith.cmpi eq, %arg0, %eq3A_49 : i32
    %convert_element_type3A_51 = arith.extui %eq3A_50 : i1 to i32
    %cond3A_52 = arith.constant 0 : i32
    %cond3A_53 = arith.constant 0 : i32
    %cond3A_54 = arith.cmpi ne, %convert_element_type3A_51, %cond3A_53 : i32
    %cond3A_55 = scf.if %cond3A_54 -> (i32) {
      %dma_start3A = arith.constant 0 : i32
      %dma_start3A_87 = arith.constant 0 : i32
      %dma_start3A_88 = tpu.memref_slice %arg6[%dma_start3A, %dma_start3A_87] : memref<54x128xi32, #tpu.memory_space<vmem>> -> memref<1x128xi32, #tpu.memory_space<vmem>>
      %dma_start3A_89 = tpu.memref_squeeze %dma_start3A_88 : memref<1x128xi32, #tpu.memory_space<vmem>> -> memref<128xi32, #tpu.memory_space<vmem>>
      %dma_start3A_90 = arith.constant 0 : i32
      %dma_start3A_91 = arith.constant 0 : i32
      %dma_start3A_92 = tpu.memref_slice %arg2[%dma_start3A_90, %dma_start3A_91] : memref<10240x128xf32, #tpu.memory_space<hbm>> -> memref<10240x128xf32, #tpu.memory_space<hbm>>
      tpu.enqueue_indirect_dma source(%dma_start3A_92 : memref<10240x128xf32, #tpu.memory_space<hbm>>) target(%arg8 : memref<128x128xf32, #tpu.memory_space<vmem>>) offsets(%dma_start3A_89 : memref<128xi32, #tpu.memory_space<vmem>>) semaphore(%arg11 : memref<!tpu.dma_semaphore, #tpu.memory_space<semaphore_mem>>)
      %scan3A_93 = arith.constant 0 : i32
      %scan3A_94 = arith.constant 0 : i32
      %scan3A_95 = arith.constant 26 : i32
      %scan3A_96 = arith.addi %scan3A_94, %scan3A_95 : i32
      %scan3A_97 = arith.constant 1 : i32
      %scan3A_98 = scf.for %scan3A_123 = %scan3A_94 to %scan3A_96 step %scan3A_97 iter_args(%scan3A_124 = %scan3A_93) -> (i32)  : i32 {
        %mul3A_125 = arith.constant 2 : i32
        %mul3A_126 = arith.muli %mul3A_125, %scan3A_123 : i32
        %add3A_127 = arith.constant 1 : i32
        %add3A_128 = arith.addi %mul3A_126, %add3A_127 : i32
        %dma_start3A_129 = arith.constant 0 : i32
        %dma_start3A_130 = tpu.memref_slice %arg6[%add3A_128, %dma_start3A_129] : memref<54x128xi32, #tpu.memory_space<vmem>> -> memref<1x128xi32, #tpu.memory_space<vmem>>
        %dma_start3A_131 = tpu.memref_squeeze %dma_start3A_130 : memref<1x128xi32, #tpu.memory_space<vmem>> -> memref<128xi32, #tpu.memory_space<vmem>>
        %dma_start3A_132 = arith.constant 0 : i32
        %dma_start3A_133 = arith.constant 0 : i32
        %dma_start3A_134 = tpu.memref_slice %arg2[%dma_start3A_132, %dma_start3A_133] : memref<10240x128xf32, #tpu.memory_space<hbm>> -> memref<10240x128xf32, #tpu.memory_space<hbm>>
        tpu.enqueue_indirect_dma source(%dma_start3A_134 : memref<10240x128xf32, #tpu.memory_space<hbm>>) target(%arg9 : memref<128x128xf32, #tpu.memory_space<vmem>>) offsets(%dma_start3A_131 : memref<128xi32, #tpu.memory_space<vmem>>) semaphore(%arg12 : memref<!tpu.dma_semaphore, #tpu.memory_space<semaphore_mem>>)
        %dma_wait3A_135 = arith.constant 0 : i32
        %dma_wait3A_136 = tpu.memref_slice %arg6[%mul3A_126, %dma_wait3A_135] : memref<54x128xi32, #tpu.memory_space<vmem>> -> memref<1x128xi32, #tpu.memory_space<vmem>>
        %dma_wait3A_137 = tpu.memref_squeeze %dma_wait3A_136 : memref<1x128xi32, #tpu.memory_space<vmem>> -> memref<128xi32, #tpu.memory_space<vmem>>
        %dma_wait3A_138 = arith.constant 0 : i32
        %dma_wait3A_139 = arith.constant 0 : i32
        %dma_wait3A_140 = tpu.memref_slice %arg2[%dma_wait3A_138, %dma_wait3A_139] : memref<10240x128xf32, #tpu.memory_space<hbm>> -> memref<10240x128xf32, #tpu.memory_space<hbm>>
        tpu.wait_indirect_dma semaphore(%arg11 : memref<!tpu.dma_semaphore, #tpu.memory_space<semaphore_mem>>) src(%dma_wait3A_140 : memref<10240x128xf32, #tpu.memory_space<hbm>>) dst(%arg8 : memref<128x128xf32, #tpu.memory_space<vmem>>)
        "tpu.region"() ({
          %run_scoped3A_160 = tpu.sem_alloc : memref<!tpu.dma_semaphore, #tpu.memory_space<semaphore_mem>>
          %dma_start3A_161 = arith.constant 0 : i32
          %dma_start3A_162 = tpu.memref_slice %arg7[%mul3A_126, %dma_start3A_161] : memref<54x128xi32, #tpu.memory_space<vmem>> -> memref<1x128xi32, #tpu.memory_space<vmem>>
          %dma_start3A_163 = tpu.memref_squeeze %dma_start3A_162 : memref<1x128xi32, #tpu.memory_space<vmem>> -> memref<128xi32, #tpu.memory_space<vmem>>
          %dma_start3A_164 = arith.constant 0 : i32
          %dma_start3A_165 = arith.constant 0 : i32
          %dma_start3A_166 = tpu.memref_slice %arg10[%dma_start3A_164, %dma_start3A_165] : memref<10240x128xf32, #tpu.memory_space<vmem_shared>> -> memref<10240x128xf32, #tpu.memory_space<vmem_shared>>
          tpu.enqueue_indirect_dma source(%arg8 : memref<128x128xf32, #tpu.memory_space<vmem>>) target(%dma_start3A_166 : memref<10240x128xf32, #tpu.memory_space<vmem_shared>>) offsets(%dma_start3A_163 : memref<128xi32, #tpu.memory_space<vmem>>) semaphore(%run_scoped3A_160 : memref<!tpu.dma_semaphore, #tpu.memory_space<semaphore_mem>>) {add = true}
          %dma_wait3A_167 = arith.constant 0 : i32
          %dma_wait3A_168 = tpu.memref_slice %arg7[%mul3A_126, %dma_wait3A_167] : memref<54x128xi32, #tpu.memory_space<vmem>> -> memref<1x128xi32, #tpu.memory_space<vmem>>
          %dma_wait3A_169 = tpu.memref_squeeze %dma_wait3A_168 : memref<1x128xi32, #tpu.memory_space<vmem>> -> memref<128xi32, #tpu.memory_space<vmem>>
          %dma_wait3A_170 = arith.constant 0 : i32
          %dma_wait3A_171 = arith.constant 0 : i32
          %dma_wait3A_172 = tpu.memref_slice %arg10[%dma_wait3A_170, %dma_wait3A_171] : memref<10240x128xf32, #tpu.memory_space<vmem_shared>> -> memref<10240x128xf32, #tpu.memory_space<vmem_shared>>
          tpu.wait_indirect_dma semaphore(%run_scoped3A_160 : memref<!tpu.dma_semaphore, #tpu.memory_space<semaphore_mem>>) src(%arg8 : memref<128x128xf32, #tpu.memory_space<vmem>>) dst(%dma_wait3A_172 : memref<10240x128xf32, #tpu.memory_space<vmem_shared>>)
          tpu.yield
        }) : () -> ()
        %add3A_141 = arith.constant 2 : i32
        %add3A_142 = arith.addi %mul3A_126, %add3A_141 : i32
        %dma_start3A_143 = arith.constant 0 : i32
        %dma_start3A_144 = tpu.memref_slice %arg6[%add3A_142, %dma_start3A_143] : memref<54x128xi32, #tpu.memory_space<vmem>> -> memref<1x128xi32, #tpu.memory_space<vmem>>
        %dma_start3A_145 = tpu.memref_squeeze %dma_start3A_144 : memref<1x128xi32, #tpu.memory_space<vmem>> -> memref<128xi32, #tpu.memory_space<vmem>>
        %dma_start3A_146 = arith.constant 0 : i32
        %dma_start3A_147 = arith.constant 0 : i32
        %dma_start3A_148 = tpu.memref_slice %arg2[%dma_start3A_146, %dma_start3A_147] : memref<10240x128xf32, #tpu.memory_space<hbm>> -> memref<10240x128xf32, #tpu.memory_space<hbm>>
        tpu.enqueue_indirect_dma source(%dma_start3A_148 : memref<10240x128xf32, #tpu.memory_space<hbm>>) target(%arg8 : memref<128x128xf32, #tpu.memory_space<vmem>>) offsets(%dma_start3A_145 : memref<128xi32, #tpu.memory_space<vmem>>) semaphore(%arg11 : memref<!tpu.dma_semaphore, #tpu.memory_space<semaphore_mem>>)
        %add3A_149 = arith.constant 1 : i32
        %add3A_150 = arith.addi %mul3A_126, %add3A_149 : i32
        %dma_wait3A_151 = arith.constant 0 : i32
        %dma_wait3A_152 = tpu.memref_slice %arg6[%add3A_150, %dma_wait3A_151] : memref<54x128xi32, #tpu.memory_space<vmem>> -> memref<1x128xi32, #tpu.memory_space<vmem>>
        %dma_wait3A_153 = tpu.memref_squeeze %dma_wait3A_152 : memref<1x128xi32, #tpu.memory_space<vmem>> -> memref<128xi32, #tpu.memory_space<vmem>>
        %dma_wait3A_154 = arith.constant 0 : i32
        %dma_wait3A_155 = arith.constant 0 : i32
        %dma_wait3A_156 = tpu.memref_slice %arg2[%dma_wait3A_154, %dma_wait3A_155] : memref<10240x128xf32, #tpu.memory_space<hbm>> -> memref<10240x128xf32, #tpu.memory_space<hbm>>
        tpu.wait_indirect_dma semaphore(%arg12 : memref<!tpu.dma_semaphore, #tpu.memory_space<semaphore_mem>>) src(%dma_wait3A_156 : memref<10240x128xf32, #tpu.memory_space<hbm>>) dst(%arg9 : memref<128x128xf32, #tpu.memory_space<vmem>>)
        %add3A_157 = arith.constant 1 : i32
        %add3A_158 = arith.addi %mul3A_126, %add3A_157 : i32
        "tpu.region"() ({
          %run_scoped3A_160 = tpu.sem_alloc : memref<!tpu.dma_semaphore, #tpu.memory_space<semaphore_mem>>
          %dma_start3A_161 = arith.constant 0 : i32
          %dma_start3A_162 = tpu.memref_slice %arg7[%add3A_158, %dma_start3A_161] : memref<54x128xi32, #tpu.memory_space<vmem>> -> memref<1x128xi32, #tpu.memory_space<vmem>>
          %dma_start3A_163 = tpu.memref_squeeze %dma_start3A_162 : memref<1x128xi32, #tpu.memory_space<vmem>> -> memref<128xi32, #tpu.memory_space<vmem>>
          %dma_start3A_164 = arith.constant 0 : i32
          %dma_start3A_165 = arith.constant 0 : i32
          %dma_start3A_166 = tpu.memref_slice %arg10[%dma_start3A_164, %dma_start3A_165] : memref<10240x128xf32, #tpu.memory_space<vmem_shared>> -> memref<10240x128xf32, #tpu.memory_space<vmem_shared>>
          tpu.enqueue_indirect_dma source(%arg9 : memref<128x128xf32, #tpu.memory_space<vmem>>) target(%dma_start3A_166 : memref<10240x128xf32, #tpu.memory_space<vmem_shared>>) offsets(%dma_start3A_163 : memref<128xi32, #tpu.memory_space<vmem>>) semaphore(%run_scoped3A_160 : memref<!tpu.dma_semaphore, #tpu.memory_space<semaphore_mem>>) {add = true}
          %dma_wait3A_167 = arith.constant 0 : i32
          %dma_wait3A_168 = tpu.memref_slice %arg7[%add3A_158, %dma_wait3A_167] : memref<54x128xi32, #tpu.memory_space<vmem>> -> memref<1x128xi32, #tpu.memory_space<vmem>>
          %dma_wait3A_169 = tpu.memref_squeeze %dma_wait3A_168 : memref<1x128xi32, #tpu.memory_space<vmem>> -> memref<128xi32, #tpu.memory_space<vmem>>
          %dma_wait3A_170 = arith.constant 0 : i32
          %dma_wait3A_171 = arith.constant 0 : i32
          %dma_wait3A_172 = tpu.memref_slice %arg10[%dma_wait3A_170, %dma_wait3A_171] : memref<10240x128xf32, #tpu.memory_space<vmem_shared>> -> memref<10240x128xf32, #tpu.memory_space<vmem_shared>>
          tpu.wait_indirect_dma semaphore(%run_scoped3A_160 : memref<!tpu.dma_semaphore, #tpu.memory_space<semaphore_mem>>) src(%arg9 : memref<128x128xf32, #tpu.memory_space<vmem>>) dst(%dma_wait3A_172 : memref<10240x128xf32, #tpu.memory_space<vmem_shared>>)
          tpu.yield
        }) : () -> ()
        %scan3A_159 = arith.constant 0 : i32
        scf.yield %scan3A_159 : i32
      }
      %scan3A_99 = arith.constant 26 : i32
      %dma_start3A_100 = arith.constant 53 : i32
      %dma_start3A_101 = arith.constant 0 : i32
      %dma_start3A_102 = tpu.memref_slice %arg6[%dma_start3A_100, %dma_start3A_101] : memref<54x128xi32, #tpu.memory_space<vmem>> -> memref<1x128xi32, #tpu.memory_space<vmem>>
      %dma_start3A_103 = tpu.memref_squeeze %dma_start3A_102 : memref<1x128xi32, #tpu.memory_space<vmem>> -> memref<128xi32, #tpu.memory_space<vmem>>
      %dma_start3A_104 = arith.constant 0 : i32
      %dma_start3A_105 = arith.constant 0 : i32
      %dma_start3A_106 = tpu.memref_slice %arg2[%dma_start3A_104, %dma_start3A_105] : memref<10240x128xf32, #tpu.memory_space<hbm>> -> memref<10240x128xf32, #tpu.memory_space<hbm>>
      tpu.enqueue_indirect_dma source(%dma_start3A_106 : memref<10240x128xf32, #tpu.memory_space<hbm>>) target(%arg9 : memref<128x128xf32, #tpu.memory_space<vmem>>) offsets(%dma_start3A_103 : memref<128xi32, #tpu.memory_space<vmem>>) semaphore(%arg12 : memref<!tpu.dma_semaphore, #tpu.memory_space<semaphore_mem>>)
      %dma_wait3A = arith.constant 52 : i32
      %dma_wait3A_107 = arith.constant 0 : i32
      %dma_wait3A_108 = tpu.memref_slice %arg6[%dma_wait3A, %dma_wait3A_107] : memref<54x128xi32, #tpu.memory_space<vmem>> -> memref<1x128xi32, #tpu.memory_space<vmem>>
      %dma_wait3A_109 = tpu.memref_squeeze %dma_wait3A_108 : memref<1x128xi32, #tpu.memory_space<vmem>> -> memref<128xi32, #tpu.memory_space<vmem>>
      %dma_wait3A_110 = arith.constant 0 : i32
      %dma_wait3A_111 = arith.constant 0 : i32
      %dma_wait3A_112 = tpu.memref_slice %arg2[%dma_wait3A_110, %dma_wait3A_111] : memref<10240x128xf32, #tpu.memory_space<hbm>> -> memref<10240x128xf32, #tpu.memory_space<hbm>>
      tpu.wait_indirect_dma semaphore(%arg11 : memref<!tpu.dma_semaphore, #tpu.memory_space<semaphore_mem>>) src(%dma_wait3A_112 : memref<10240x128xf32, #tpu.memory_space<hbm>>) dst(%arg8 : memref<128x128xf32, #tpu.memory_space<vmem>>)
      %run_scoped3A_113 = arith.constant 52 : i32
      "tpu.region"() ({
        %run_scoped3A_123 = tpu.sem_alloc : memref<!tpu.dma_semaphore, #tpu.memory_space<semaphore_mem>>
        %dma_start3A_124 = arith.constant 0 : i32
        %dma_start3A_125 = tpu.memref_slice %arg7[%run_scoped3A_113, %dma_start3A_124] : memref<54x128xi32, #tpu.memory_space<vmem>> -> memref<1x128xi32, #tpu.memory_space<vmem>>
        %dma_start3A_126 = tpu.memref_squeeze %dma_start3A_125 : memref<1x128xi32, #tpu.memory_space<vmem>> -> memref<128xi32, #tpu.memory_space<vmem>>
        %dma_start3A_127 = arith.constant 0 : i32
        %dma_start3A_128 = arith.constant 0 : i32
        %dma_start3A_129 = tpu.memref_slice %arg10[%dma_start3A_127, %dma_start3A_128] : memref<10240x128xf32, #tpu.memory_space<vmem_shared>> -> memref<10240x128xf32, #tpu.memory_space<vmem_shared>>
        tpu.enqueue_indirect_dma source(%arg8 : memref<128x128xf32, #tpu.memory_space<vmem>>) target(%dma_start3A_129 : memref<10240x128xf32, #tpu.memory_space<vmem_shared>>) offsets(%dma_start3A_126 : memref<128xi32, #tpu.memory_space<vmem>>) semaphore(%run_scoped3A_123 : memref<!tpu.dma_semaphore, #tpu.memory_space<semaphore_mem>>) {add = true}
        %dma_wait3A_130 = arith.constant 0 : i32
        %dma_wait3A_131 = tpu.memref_slice %arg7[%run_scoped3A_113, %dma_wait3A_130] : memref<54x128xi32, #tpu.memory_space<vmem>> -> memref<1x128xi32, #tpu.memory_space<vmem>>
        %dma_wait3A_132 = tpu.memref_squeeze %dma_wait3A_131 : memref<1x128xi32, #tpu.memory_space<vmem>> -> memref<128xi32, #tpu.memory_space<vmem>>
        %dma_wait3A_133 = arith.constant 0 : i32
        %dma_wait3A_134 = arith.constant 0 : i32
        %dma_wait3A_135 = tpu.memref_slice %arg10[%dma_wait3A_133, %dma_wait3A_134] : memref<10240x128xf32, #tpu.memory_space<vmem_shared>> -> memref<10240x128xf32, #tpu.memory_space<vmem_shared>>
        tpu.wait_indirect_dma semaphore(%run_scoped3A_123 : memref<!tpu.dma_semaphore, #tpu.memory_space<semaphore_mem>>) src(%arg8 : memref<128x128xf32, #tpu.memory_space<vmem>>) dst(%dma_wait3A_135 : memref<10240x128xf32, #tpu.memory_space<vmem_shared>>)
        tpu.yield
      }) : () -> ()
      %dma_wait3A_114 = arith.constant 53 : i32
      %dma_wait3A_115 = arith.constant 0 : i32
      %dma_wait3A_116 = tpu.memref_slice %arg6[%dma_wait3A_114, %dma_wait3A_115] : memref<54x128xi32, #tpu.memory_space<vmem>> -> memref<1x128xi32, #tpu.memory_space<vmem>>
      %dma_wait3A_117 = tpu.memref_squeeze %dma_wait3A_116 : memref<1x128xi32, #tpu.memory_space<vmem>> -> memref<128xi32, #tpu.memory_space<vmem>>
      %dma_wait3A_118 = arith.constant 0 : i32
      %dma_wait3A_119 = arith.constant 0 : i32
      %dma_wait3A_120 = tpu.memref_slice %arg2[%dma_wait3A_118, %dma_wait3A_119] : memref<10240x128xf32, #tpu.memory_space<hbm>> -> memref<10240x128xf32, #tpu.memory_space<hbm>>
      tpu.wait_indirect_dma semaphore(%arg12 : memref<!tpu.dma_semaphore, #tpu.memory_space<semaphore_mem>>) src(%dma_wait3A_120 : memref<10240x128xf32, #tpu.memory_space<hbm>>) dst(%arg9 : memref<128x128xf32, #tpu.memory_space<vmem>>)
      %run_scoped3A_121 = arith.constant 53 : i32
      "tpu.region"() ({
        %run_scoped3A_123 = tpu.sem_alloc : memref<!tpu.dma_semaphore, #tpu.memory_space<semaphore_mem>>
        %dma_start3A_124 = arith.constant 0 : i32
        %dma_start3A_125 = tpu.memref_slice %arg7[%run_scoped3A_121, %dma_start3A_124] : memref<54x128xi32, #tpu.memory_space<vmem>> -> memref<1x128xi32, #tpu.memory_space<vmem>>
        %dma_start3A_126 = tpu.memref_squeeze %dma_start3A_125 : memref<1x128xi32, #tpu.memory_space<vmem>> -> memref<128xi32, #tpu.memory_space<vmem>>
        %dma_start3A_127 = arith.constant 0 : i32
        %dma_start3A_128 = arith.constant 0 : i32
        %dma_start3A_129 = tpu.memref_slice %arg10[%dma_start3A_127, %dma_start3A_128] : memref<10240x128xf32, #tpu.memory_space<vmem_shared>> -> memref<10240x128xf32, #tpu.memory_space<vmem_shared>>
        tpu.enqueue_indirect_dma source(%arg9 : memref<128x128xf32, #tpu.memory_space<vmem>>) target(%dma_start3A_129 : memref<10240x128xf32, #tpu.memory_space<vmem_shared>>) offsets(%dma_start3A_126 : memref<128xi32, #tpu.memory_space<vmem>>) semaphore(%run_scoped3A_123 : memref<!tpu.dma_semaphore, #tpu.memory_space<semaphore_mem>>) {add = true}
        %dma_wait3A_130 = arith.constant 0 : i32
        %dma_wait3A_131 = tpu.memref_slice %arg7[%run_scoped3A_121, %dma_wait3A_130] : memref<54x128xi32, #tpu.memory_space<vmem>> -> memref<1x128xi32, #tpu.memory_space<vmem>>
        %dma_wait3A_132 = tpu.memref_squeeze %dma_wait3A_131 : memref<1x128xi32, #tpu.memory_space<vmem>> -> memref<128xi32, #tpu.memory_space<vmem>>
        %dma_wait3A_133 = arith.constant 0 : i32
        %dma_wait3A_134 = arith.constant 0 : i32
        %dma_wait3A_135 = tpu.memref_slice %arg10[%dma_wait3A_133, %dma_wait3A_134] : memref<10240x128xf32, #tpu.memory_space<vmem_shared>> -> memref<10240x128xf32, #tpu.memory_space<vmem_shared>>
        tpu.wait_indirect_dma semaphore(%run_scoped3A_123 : memref<!tpu.dma_semaphore, #tpu.memory_space<semaphore_mem>>) src(%arg9 : memref<128x128xf32, #tpu.memory_space<vmem>>) dst(%dma_wait3A_135 : memref<10240x128xf32, #tpu.memory_space<vmem_shared>>)
        tpu.yield
      }) : () -> ()
      %cond3A_122 = arith.constant 0 : i32
      scf.yield %cond3A_122 : i32
    } else {
      %scan3A_87 = arith.constant 0 : i32
      %scan3A_88 = arith.constant 0 : i32
      %scan3A_89 = arith.constant 0 : i32
      %scan3A_90 = arith.addi %scan3A_88, %scan3A_89 : i32
      %scan3A_91 = arith.constant 0 : i32
      %cond3A_92 = arith.constant 0 : i32
      scf.yield %cond3A_92 : i32
    }
    %barrier3A_56 = arith.constant 0 : index
    tpu.barrier barrier_id(%barrier3A_56)
    %run_scoped3A_57 = arith.constant 1 : i32
    "tpu.region"() ({
      %run_scoped3A_87 = tpu.sem_alloc : memref<!tpu.dma_semaphore, #tpu.memory_space<semaphore_mem>>
      %dma_start3A = arith.constant 0 : i32
      %dma_start3A_88 = tpu.memref_slice %arg5[%arg0, %run_scoped3A_57, %mul3A_2, %dma_start3A] : memref<2x3x10240x128xf32, #tpu.memory_space<hbm>> -> memref<1x1x640x128xf32, #tpu.memory_space<hbm>>
      %dma_start3A_89 = tpu.memref_squeeze %dma_start3A_88 : memref<1x1x640x128xf32, #tpu.memory_space<hbm>> -> memref<640x128xf32, #tpu.memory_space<hbm>>
      %dma_start3A_90 = arith.constant 0 : i32
      %dma_start3A_91 = tpu.memref_slice %arg10[%mul3A_2, %dma_start3A_90] : memref<10240x128xf32, #tpu.memory_space<vmem_shared>> -> memref<640x128xf32, #tpu.memory_space<vmem_shared>>
      tpu.enqueue_dma source(%dma_start3A_91 : memref<640x128xf32, #tpu.memory_space<vmem_shared>>) target(%dma_start3A_89 : memref<640x128xf32, #tpu.memory_space<hbm>>) target_semaphore(%run_scoped3A_87 : memref<!tpu.dma_semaphore, #tpu.memory_space<semaphore_mem>>)
      %dma_wait3A = arith.constant 0 : i32
      %dma_wait3A_92 = tpu.memref_slice %arg5[%arg0, %run_scoped3A_57, %mul3A_2, %dma_wait3A] : memref<2x3x10240x128xf32, #tpu.memory_space<hbm>> -> memref<1x1x640x128xf32, #tpu.memory_space<hbm>>
      %dma_wait3A_93 = tpu.memref_squeeze %dma_wait3A_92 : memref<1x1x640x128xf32, #tpu.memory_space<hbm>> -> memref<640x128xf32, #tpu.memory_space<hbm>>
      %dma_wait3A_94 = arith.constant 0 : i32
      %dma_wait3A_95 = tpu.memref_slice %arg10[%mul3A_2, %dma_wait3A_94] : memref<10240x128xf32, #tpu.memory_space<vmem_shared>> -> memref<640x128xf32, #tpu.memory_space<vmem_shared>>
      tpu.wait_dma2 semaphore(%run_scoped3A_87 : memref<!tpu.dma_semaphore, #tpu.memory_space<semaphore_mem>>) src(%dma_wait3A_95 : memref<640x128xf32, #tpu.memory_space<vmem_shared>>) dst(%dma_wait3A_93 : memref<640x128xf32, #tpu.memory_space<hbm>>)
      tpu.yield
    }) : () -> ()
    %scan3A_58 = arith.constant 0 : i32
    %scan3A_59 = arith.constant 0 : i32
    %scan3A_60 = arith.constant 128 : i32
    %scan3A_61 = arith.addi %scan3A_59, %scan3A_60 : i32
    %scan3A_62 = arith.constant 1 : i32
    %scan3A_63 = scf.for %scan3A_87 = %scan3A_59 to %scan3A_61 step %scan3A_62 iter_args(%scan3A_88 = %scan3A_58) -> (i32)  : i32 {
      %broadcast_in_dim3A = arith.constant 0.000000e+00 : f32
      %broadcast_in_dim3A_89 = vector.broadcast %broadcast_in_dim3A : f32 to vector<16xf32>
      %swap3A = arith.index_cast %scan3A_87 : i32 to index
      %swap3A_90 = arith.constant 0 : index
      %swap3A_91 = tpu.vector_load %arg8[%swap3A, %swap3A_90] {strides = array<i32>} : memref<128x128xf32, #tpu.memory_space<vmem>>, vector<1x16xf32>,
      %swap3A_92 = vector.shape_cast %swap3A_91 : vector<1x16xf32> to vector<16xf32>
      %swap3A_93 = vector.shape_cast %broadcast_in_dim3A_89 : vector<16xf32> to vector<1x16xf32>
      tpu.vector_store %arg8[%swap3A, %swap3A_90], %swap3A_93 {strides = array<i32>} : memref<128x128xf32, #tpu.memory_space<vmem>>, vector<1x16xf32>,
      %broadcast_in_dim3A_94 = arith.constant 0.000000e+00 : f32
      %broadcast_in_dim3A_95 = vector.broadcast %broadcast_in_dim3A_94 : f32 to vector<16xf32>
      %swap3A_96 = arith.index_cast %scan3A_87 : i32 to index
      %swap3A_97 = arith.constant 16 : index
      %swap3A_98 = tpu.vector_load %arg8[%swap3A_96, %swap3A_97] {strides = array<i32>} : memref<128x128xf32, #tpu.memory_space<vmem>>, vector<1x16xf32>,
      %swap3A_99 = vector.shape_cast %swap3A_98 : vector<1x16xf32> to vector<16xf32>
      %swap3A_100 = vector.shape_cast %broadcast_in_dim3A_95 : vector<16xf32> to vector<1x16xf32>
      tpu.vector_store %arg8[%swap3A_96, %swap3A_97], %swap3A_100 {strides = array<i32>} : memref<128x128xf32, #tpu.memory_space<vmem>>, vector<1x16xf32>,
      %broadcast_in_dim3A_101 = arith.constant 0.000000e+00 : f32
      %broadcast_in_dim3A_102 = vector.broadcast %broadcast_in_dim3A_101 : f32 to vector<16xf32>
      %swap3A_103 = arith.index_cast %scan3A_87 : i32 to index
      %swap3A_104 = arith.constant 32 : index
      %swap3A_105 = tpu.vector_load %arg8[%swap3A_103, %swap3A_104] {strides = array<i32>} : memref<128x128xf32, #tpu.memory_space<vmem>>, vector<1x16xf32>,
      %swap3A_106 = vector.shape_cast %swap3A_105 : vector<1x16xf32> to vector<16xf32>
      %swap3A_107 = vector.shape_cast %broadcast_in_dim3A_102 : vector<16xf32> to vector<1x16xf32>
      tpu.vector_store %arg8[%swap3A_103, %swap3A_104], %swap3A_107 {strides = array<i32>} : memref<128x128xf32, #tpu.memory_space<vmem>>, vector<1x16xf32>,
      %broadcast_in_dim3A_108 = arith.constant 0.000000e+00 : f32
      %broadcast_in_dim3A_109 = vector.broadcast %broadcast_in_dim3A_108 : f32 to vector<16xf32>
      %swap3A_110 = arith.index_cast %scan3A_87 : i32 to index
      %swap3A_111 = arith.constant 48 : index
      %swap3A_112 = tpu.vector_load %arg8[%swap3A_110, %swap3A_111] {strides = array<i32>} : memref<128x128xf32, #tpu.memory_space<vmem>>, vector<1x16xf32>,
      %swap3A_113 = vector.shape_cast %swap3A_112 : vector<1x16xf32> to vector<16xf32>
      %swap3A_114 = vector.shape_cast %broadcast_in_dim3A_109 : vector<16xf32> to vector<1x16xf32>
      tpu.vector_store %arg8[%swap3A_110, %swap3A_111], %swap3A_114 {strides = array<i32>} : memref<128x128xf32, #tpu.memory_space<vmem>>, vector<1x16xf32>,
      %broadcast_in_dim3A_115 = arith.constant 0.000000e+00 : f32
      %broadcast_in_dim3A_116 = vector.broadcast %broadcast_in_dim3A_115 : f32 to vector<16xf32>
      %swap3A_117 = arith.index_cast %scan3A_87 : i32 to index
      %swap3A_118 = arith.constant 64 : index
      %swap3A_119 = tpu.vector_load %arg8[%swap3A_117, %swap3A_118] {strides = array<i32>} : memref<128x128xf32, #tpu.memory_space<vmem>>, vector<1x16xf32>,
      %swap3A_120 = vector.shape_cast %swap3A_119 : vector<1x16xf32> to vector<16xf32>
      %swap3A_121 = vector.shape_cast %broadcast_in_dim3A_116 : vector<16xf32> to vector<1x16xf32>
      tpu.vector_store %arg8[%swap3A_117, %swap3A_118], %swap3A_121 {strides = array<i32>} : memref<128x128xf32, #tpu.memory_space<vmem>>, vector<1x16xf32>,
      %broadcast_in_dim3A_122 = arith.constant 0.000000e+00 : f32
      %broadcast_in_dim3A_123 = vector.broadcast %broadcast_in_dim3A_122 : f32 to vector<16xf32>
      %swap3A_124 = arith.index_cast %scan3A_87 : i32 to index
      %swap3A_125 = arith.constant 80 : index
      %swap3A_126 = tpu.vector_load %arg8[%swap3A_124, %swap3A_125] {strides = array<i32>} : memref<128x128xf32, #tpu.memory_space<vmem>>, vector<1x16xf32>,
      %swap3A_127 = vector.shape_cast %swap3A_126 : vector<1x16xf32> to vector<16xf32>
      %swap3A_128 = vector.shape_cast %broadcast_in_dim3A_123 : vector<16xf32> to vector<1x16xf32>
      tpu.vector_store %arg8[%swap3A_124, %swap3A_125], %swap3A_128 {strides = array<i32>} : memref<128x128xf32, #tpu.memory_space<vmem>>, vector<1x16xf32>,
      %broadcast_in_dim3A_129 = arith.constant 0.000000e+00 : f32
      %broadcast_in_dim3A_130 = vector.broadcast %broadcast_in_dim3A_129 : f32 to vector<16xf32>
      %swap3A_131 = arith.index_cast %scan3A_87 : i32 to index
      %swap3A_132 = arith.constant 96 : index
      %swap3A_133 = tpu.vector_load %arg8[%swap3A_131, %swap3A_132] {strides = array<i32>} : memref<128x128xf32, #tpu.memory_space<vmem>>, vector<1x16xf32>,
      %swap3A_134 = vector.shape_cast %swap3A_133 : vector<1x16xf32> to vector<16xf32>
      %swap3A_135 = vector.shape_cast %broadcast_in_dim3A_130 : vector<16xf32> to vector<1x16xf32>
      tpu.vector_store %arg8[%swap3A_131, %swap3A_132], %swap3A_135 {strides = array<i32>} : memref<128x128xf32, #tpu.memory_space<vmem>>, vector<1x16xf32>,
      %broadcast_in_dim3A_136 = arith.constant 0.000000e+00 : f32
      %broadcast_in_dim3A_137 = vector.broadcast %broadcast_in_dim3A_136 : f32 to vector<16xf32>
      %swap3A_138 = arith.index_cast %scan3A_87 : i32 to index
      %swap3A_139 = arith.constant 112 : index
      %swap3A_140 = tpu.vector_load %arg8[%swap3A_138, %swap3A_139] {strides = array<i32>} : memref<128x128xf32, #tpu.memory_space<vmem>>, vector<1x16xf32>,
      %swap3A_141 = vector.shape_cast %swap3A_140 : vector<1x16xf32> to vector<16xf32>
      %swap3A_142 = vector.shape_cast %broadcast_in_dim3A_137 : vector<16xf32> to vector<1x16xf32>
      tpu.vector_store %arg8[%swap3A_138, %swap3A_139], %swap3A_142 {strides = array<i32>} : memref<128x128xf32, #tpu.memory_space<vmem>>, vector<1x16xf32>,
      %scan3A_143 = arith.constant 0 : i32
      scf.yield %scan3A_143 : i32
    }
    %scan3A_64 = arith.constant 128 : i32
    %add3A_65 = arith.constant 0 : i32
    %add3A_66 = arith.addi %mul3A_2, %add3A_65 : i32
    "tpu.region"() ({
      %run_scoped3A_87 = tpu.sem_alloc : memref<!tpu.dma_semaphore, #tpu.memory_space<semaphore_mem>>
      %dma_start3A = arith.constant 0 : i32
      %dma_start3A_88 = tpu.memref_slice %arg10[%add3A_66, %dma_start3A] : memref<10240x128xf32, #tpu.memory_space<vmem_shared>> -> memref<128x128xf32, #tpu.memory_space<vmem_shared>>
      %dma_start3A_89 = arith.constant 0 : i32
      %dma_start3A_90 = tpu.memref_slice %arg10[%add3A_66, %dma_start3A_89] : memref<10240x128xf32, #tpu.memory_space<vmem_shared>> -> memref<128x128xf32, #tpu.memory_space<vmem_shared>>
      tpu.enqueue_dma source(%arg8 : memref<128x128xf32, #tpu.memory_space<vmem>>) target(%dma_start3A_90 : memref<128x128xf32, #tpu.memory_space<vmem_shared>>) target_semaphore(%run_scoped3A_87 : memref<!tpu.dma_semaphore, #tpu.memory_space<semaphore_mem>>)
      %dma_wait3A = arith.constant 0 : i32
      %dma_wait3A_91 = tpu.memref_slice %arg10[%add3A_66, %dma_wait3A] : memref<10240x128xf32, #tpu.memory_space<vmem_shared>> -> memref<128x128xf32, #tpu.memory_space<vmem_shared>>
      %dma_wait3A_92 = arith.constant 0 : i32
      %dma_wait3A_93 = tpu.memref_slice %arg10[%add3A_66, %dma_wait3A_92] : memref<10240x128xf32, #tpu.memory_space<vmem_shared>> -> memref<128x128xf32, #tpu.memory_space<vmem_shared>>
      tpu.wait_dma2 semaphore(%run_scoped3A_87 : memref<!tpu.dma_semaphore, #tpu.memory_space<semaphore_mem>>) src(%arg8 : memref<128x128xf32, #tpu.memory_space<vmem>>) dst(%dma_wait3A_93 : memref<128x128xf32, #tpu.memory_space<vmem_shared>>)
      tpu.yield
    }) : () -> ()
    %add3A_67 = arith.constant 128 : i32
    %add3A_68 = arith.addi %mul3A_2, %add3A_67 : i32
    "tpu.region"() ({
      %run_scoped3A_87 = tpu.sem_alloc : memref<!tpu.dma_semaphore, #tpu.memory_space<semaphore_mem>>
      %dma_start3A = arith.constant 0 : i32
      %dma_start3A_88 = tpu.memref_slice %arg10[%add3A_68, %dma_start3A] : memref<10240x128xf32, #tpu.memory_space<vmem_shared>> -> memref<128x128xf32, #tpu.memory_space<vmem_shared>>
      %dma_start3A_89 = arith.constant 0 : i32
      %dma_start3A_90 = tpu.memref_slice %arg10[%add3A_68, %dma_start3A_89] : memref<10240x128xf32, #tpu.memory_space<vmem_shared>> -> memref<128x128xf32, #tpu.memory_space<vmem_shared>>
      tpu.enqueue_dma source(%arg8 : memref<128x128xf32, #tpu.memory_space<vmem>>) target(%dma_start3A_90 : memref<128x128xf32, #tpu.memory_space<vmem_shared>>) target_semaphore(%run_scoped3A_87 : memref<!tpu.dma_semaphore, #tpu.memory_space<semaphore_mem>>)
      %dma_wait3A = arith.constant 0 : i32
      %dma_wait3A_91 = tpu.memref_slice %arg10[%add3A_68, %dma_wait3A] : memref<10240x128xf32, #tpu.memory_space<vmem_shared>> -> memref<128x128xf32, #tpu.memory_space<vmem_shared>>
      %dma_wait3A_92 = arith.constant 0 : i32
      %dma_wait3A_93 = tpu.memref_slice %arg10[%add3A_68, %dma_wait3A_92] : memref<10240x128xf32, #tpu.memory_space<vmem_shared>> -> memref<128x128xf32, #tpu.memory_space<vmem_shared>>
      tpu.wait_dma2 semaphore(%run_scoped3A_87 : memref<!tpu.dma_semaphore, #tpu.memory_space<semaphore_mem>>) src(%arg8 : memref<128x128xf32, #tpu.memory_space<vmem>>) dst(%dma_wait3A_93 : memref<128x128xf32, #tpu.memory_space<vmem_shared>>)
      tpu.yield
    }) : () -> ()
    %add3A_69 = arith.constant 256 : i32
    %add3A_70 = arith.addi %mul3A_2, %add3A_69 : i32
    "tpu.region"() ({
      %run_scoped3A_87 = tpu.sem_alloc : memref<!tpu.dma_semaphore, #tpu.memory_space<semaphore_mem>>
      %dma_start3A = arith.constant 0 : i32
      %dma_start3A_88 = tpu.memref_slice %arg10[%add3A_70, %dma_start3A] : memref<10240x128xf32, #tpu.memory_space<vmem_shared>> -> memref<128x128xf32, #tpu.memory_space<vmem_shared>>
      %dma_start3A_89 = arith.constant 0 : i32
      %dma_start3A_90 = tpu.memref_slice %arg10[%add3A_70, %dma_start3A_89] : memref<10240x128xf32, #tpu.memory_space<vmem_shared>> -> memref<128x128xf32, #tpu.memory_space<vmem_shared>>
      tpu.enqueue_dma source(%arg8 : memref<128x128xf32, #tpu.memory_space<vmem>>) target(%dma_start3A_90 : memref<128x128xf32, #tpu.memory_space<vmem_shared>>) target_semaphore(%run_scoped3A_87 : memref<!tpu.dma_semaphore, #tpu.memory_space<semaphore_mem>>)
      %dma_wait3A = arith.constant 0 : i32
      %dma_wait3A_91 = tpu.memref_slice %arg10[%add3A_70, %dma_wait3A] : memref<10240x128xf32, #tpu.memory_space<vmem_shared>> -> memref<128x128xf32, #tpu.memory_space<vmem_shared>>
      %dma_wait3A_92 = arith.constant 0 : i32
      %dma_wait3A_93 = tpu.memref_slice %arg10[%add3A_70, %dma_wait3A_92] : memref<10240x128xf32, #tpu.memory_space<vmem_shared>> -> memref<128x128xf32, #tpu.memory_space<vmem_shared>>
      tpu.wait_dma2 semaphore(%run_scoped3A_87 : memref<!tpu.dma_semaphore, #tpu.memory_space<semaphore_mem>>) src(%arg8 : memref<128x128xf32, #tpu.memory_space<vmem>>) dst(%dma_wait3A_93 : memref<128x128xf32, #tpu.memory_space<vmem_shared>>)
      tpu.yield
    }) : () -> ()
    %add3A_71 = arith.constant 384 : i32
    %add3A_72 = arith.addi %mul3A_2, %add3A_71 : i32
    "tpu.region"() ({
      %run_scoped3A_87 = tpu.sem_alloc : memref<!tpu.dma_semaphore, #tpu.memory_space<semaphore_mem>>
      %dma_start3A = arith.constant 0 : i32
      %dma_start3A_88 = tpu.memref_slice %arg10[%add3A_72, %dma_start3A] : memref<10240x128xf32, #tpu.memory_space<vmem_shared>> -> memref<128x128xf32, #tpu.memory_space<vmem_shared>>
      %dma_start3A_89 = arith.constant 0 : i32
      %dma_start3A_90 = tpu.memref_slice %arg10[%add3A_72, %dma_start3A_89] : memref<10240x128xf32, #tpu.memory_space<vmem_shared>> -> memref<128x128xf32, #tpu.memory_space<vmem_shared>>
      tpu.enqueue_dma source(%arg8 : memref<128x128xf32, #tpu.memory_space<vmem>>) target(%dma_start3A_90 : memref<128x128xf32, #tpu.memory_space<vmem_shared>>) target_semaphore(%run_scoped3A_87 : memref<!tpu.dma_semaphore, #tpu.memory_space<semaphore_mem>>)
      %dma_wait3A = arith.constant 0 : i32
      %dma_wait3A_91 = tpu.memref_slice %arg10[%add3A_72, %dma_wait3A] : memref<10240x128xf32, #tpu.memory_space<vmem_shared>> -> memref<128x128xf32, #tpu.memory_space<vmem_shared>>
      %dma_wait3A_92 = arith.constant 0 : i32
      %dma_wait3A_93 = tpu.memref_slice %arg10[%add3A_72, %dma_wait3A_92] : memref<10240x128xf32, #tpu.memory_space<vmem_shared>> -> memref<128x128xf32, #tpu.memory_space<vmem_shared>>
      tpu.wait_dma2 semaphore(%run_scoped3A_87 : memref<!tpu.dma_semaphore, #tpu.memory_space<semaphore_mem>>) src(%arg8 : memref<128x128xf32, #tpu.memory_space<vmem>>) dst(%dma_wait3A_93 : memref<128x128xf32, #tpu.memory_space<vmem_shared>>)
      tpu.yield
    }) : () -> ()
    %add3A_73 = arith.constant 512 : i32
    %add3A_74 = arith.addi %mul3A_2, %add3A_73 : i32
    "tpu.region"() ({
      %run_scoped3A_87 = tpu.sem_alloc : memref<!tpu.dma_semaphore, #tpu.memory_space<semaphore_mem>>
      %dma_start3A = arith.constant 0 : i32
      %dma_start3A_88 = tpu.memref_slice %arg10[%add3A_74, %dma_start3A] : memref<10240x128xf32, #tpu.memory_space<vmem_shared>> -> memref<128x128xf32, #tpu.memory_space<vmem_shared>>
      %dma_start3A_89 = arith.constant 0 : i32
      %dma_start3A_90 = tpu.memref_slice %arg10[%add3A_74, %dma_start3A_89] : memref<10240x128xf32, #tpu.memory_space<vmem_shared>> -> memref<128x128xf32, #tpu.memory_space<vmem_shared>>
      tpu.enqueue_dma source(%arg8 : memref<128x128xf32, #tpu.memory_space<vmem>>) target(%dma_start3A_90 : memref<128x128xf32, #tpu.memory_space<vmem_shared>>) target_semaphore(%run_scoped3A_87 : memref<!tpu.dma_semaphore, #tpu.memory_space<semaphore_mem>>)
      %dma_wait3A = arith.constant 0 : i32
      %dma_wait3A_91 = tpu.memref_slice %arg10[%add3A_74, %dma_wait3A] : memref<10240x128xf32, #tpu.memory_space<vmem_shared>> -> memref<128x128xf32, #tpu.memory_space<vmem_shared>>
      %dma_wait3A_92 = arith.constant 0 : i32
      %dma_wait3A_93 = tpu.memref_slice %arg10[%add3A_74, %dma_wait3A_92] : memref<10240x128xf32, #tpu.memory_space<vmem_shared>> -> memref<128x128xf32, #tpu.memory_space<vmem_shared>>
      tpu.wait_dma2 semaphore(%run_scoped3A_87 : memref<!tpu.dma_semaphore, #tpu.memory_space<semaphore_mem>>) src(%arg8 : memref<128x128xf32, #tpu.memory_space<vmem>>) dst(%dma_wait3A_93 : memref<128x128xf32, #tpu.memory_space<vmem_shared>>)
      tpu.yield
    }) : () -> ()
    %run_scoped3A_75 = arith.constant 2 : i32
    "tpu.region"() ({
      %run_scoped3A_87 = tpu.sem_alloc : memref<!tpu.dma_semaphore, #tpu.memory_space<semaphore_mem>>
      %dma_start3A = arith.constant 0 : i32
      %dma_start3A_88 = arith.constant 0 : i32
      %dma_start3A_89 = tpu.memref_slice %arg3[%run_scoped3A_75, %add3A, %dma_start3A, %dma_start3A_88] : memref<3x32x54x128xi32, #tpu.memory_space<hbm>> -> memref<1x1x54x128xi32, #tpu.memory_space<hbm>>
      %dma_start3A_90 = tpu.memref_squeeze %dma_start3A_89 : memref<1x1x54x128xi32, #tpu.memory_space<hbm>> -> memref<54x128xi32, #tpu.memory_space<hbm>>
      %dma_start3A_91 = arith.constant 0 : i32
      %dma_start3A_92 = arith.constant 0 : i32
      %dma_start3A_93 = tpu.memref_slice %arg3[%run_scoped3A_75, %add3A, %dma_start3A_91, %dma_start3A_92] : memref<3x32x54x128xi32, #tpu.memory_space<hbm>> -> memref<1x1x54x128xi32, #tpu.memory_space<hbm>>
      %dma_start3A_94 = tpu.memref_squeeze %dma_start3A_93 : memref<1x1x54x128xi32, #tpu.memory_space<hbm>> -> memref<54x128xi32, #tpu.memory_space<hbm>>
      tpu.enqueue_dma source(%dma_start3A_94 : memref<54x128xi32, #tpu.memory_space<hbm>>) target(%arg6 : memref<54x128xi32, #tpu.memory_space<vmem>>) target_semaphore(%run_scoped3A_87 : memref<!tpu.dma_semaphore, #tpu.memory_space<semaphore_mem>>)
      %dma_wait3A = arith.constant 0 : i32
      %dma_wait3A_95 = arith.constant 0 : i32
      %dma_wait3A_96 = tpu.memref_slice %arg3[%run_scoped3A_75, %add3A, %dma_wait3A, %dma_wait3A_95] : memref<3x32x54x128xi32, #tpu.memory_space<hbm>> -> memref<1x1x54x128xi32, #tpu.memory_space<hbm>>
      %dma_wait3A_97 = tpu.memref_squeeze %dma_wait3A_96 : memref<1x1x54x128xi32, #tpu.memory_space<hbm>> -> memref<54x128xi32, #tpu.memory_space<hbm>>
      %dma_wait3A_98 = arith.constant 0 : i32
      %dma_wait3A_99 = arith.constant 0 : i32
      %dma_wait3A_100 = tpu.memref_slice %arg3[%run_scoped3A_75, %add3A, %dma_wait3A_98, %dma_wait3A_99] : memref<3x32x54x128xi32, #tpu.memory_space<hbm>> -> memref<1x1x54x128xi32, #tpu.memory_space<hbm>>
      %dma_wait3A_101 = tpu.memref_squeeze %dma_wait3A_100 : memref<1x1x54x128xi32, #tpu.memory_space<hbm>> -> memref<54x128xi32, #tpu.memory_space<hbm>>
      tpu.wait_dma2 semaphore(%run_scoped3A_87 : memref<!tpu.dma_semaphore, #tpu.memory_space<semaphore_mem>>) src(%dma_wait3A_101 : memref<54x128xi32, #tpu.memory_space<hbm>>) dst(%arg6 : memref<54x128xi32, #tpu.memory_space<vmem>>)
      tpu.yield
    }) : () -> ()
    %run_scoped3A_76 = arith.constant 2 : i32
    "tpu.region"() ({
      %run_scoped3A_87 = tpu.sem_alloc : memref<!tpu.dma_semaphore, #tpu.memory_space<semaphore_mem>>
      %dma_start3A = arith.constant 0 : i32
      %dma_start3A_88 = arith.constant 0 : i32
      %dma_start3A_89 = tpu.memref_slice %arg4[%run_scoped3A_76, %add3A, %dma_start3A, %dma_start3A_88] : memref<3x32x54x128xi32, #tpu.memory_space<hbm>> -> memref<1x1x54x128xi32, #tpu.memory_space<hbm>>
      %dma_start3A_90 = tpu.memref_squeeze %dma_start3A_89 : memref<1x1x54x128xi32, #tpu.memory_space<hbm>> -> memref<54x128xi32, #tpu.memory_space<hbm>>
      %dma_start3A_91 = arith.constant 0 : i32
      %dma_start3A_92 = arith.constant 0 : i32
      %dma_start3A_93 = tpu.memref_slice %arg4[%run_scoped3A_76, %add3A, %dma_start3A_91, %dma_start3A_92] : memref<3x32x54x128xi32, #tpu.memory_space<hbm>> -> memref<1x1x54x128xi32, #tpu.memory_space<hbm>>
      %dma_start3A_94 = tpu.memref_squeeze %dma_start3A_93 : memref<1x1x54x128xi32, #tpu.memory_space<hbm>> -> memref<54x128xi32, #tpu.memory_space<hbm>>
      tpu.enqueue_dma source(%dma_start3A_94 : memref<54x128xi32, #tpu.memory_space<hbm>>) target(%arg7 : memref<54x128xi32, #tpu.memory_space<vmem>>) target_semaphore(%run_scoped3A_87 : memref<!tpu.dma_semaphore, #tpu.memory_space<semaphore_mem>>)
      %dma_wait3A = arith.constant 0 : i32
      %dma_wait3A_95 = arith.constant 0 : i32
      %dma_wait3A_96 = tpu.memref_slice %arg4[%run_scoped3A_76, %add3A, %dma_wait3A, %dma_wait3A_95] : memref<3x32x54x128xi32, #tpu.memory_space<hbm>> -> memref<1x1x54x128xi32, #tpu.memory_space<hbm>>
      %dma_wait3A_97 = tpu.memref_squeeze %dma_wait3A_96 : memref<1x1x54x128xi32, #tpu.memory_space<hbm>> -> memref<54x128xi32, #tpu.memory_space<hbm>>
      %dma_wait3A_98 = arith.constant 0 : i32
      %dma_wait3A_99 = arith.constant 0 : i32
      %dma_wait3A_100 = tpu.memref_slice %arg4[%run_scoped3A_76, %add3A, %dma_wait3A_98, %dma_wait3A_99] : memref<3x32x54x128xi32, #tpu.memory_space<hbm>> -> memref<1x1x54x128xi32, #tpu.memory_space<hbm>>
      %dma_wait3A_101 = tpu.memref_squeeze %dma_wait3A_100 : memref<1x1x54x128xi32, #tpu.memory_space<hbm>> -> memref<54x128xi32, #tpu.memory_space<hbm>>
      tpu.wait_dma2 semaphore(%run_scoped3A_87 : memref<!tpu.dma_semaphore, #tpu.memory_space<semaphore_mem>>) src(%dma_wait3A_101 : memref<54x128xi32, #tpu.memory_space<hbm>>) dst(%arg7 : memref<54x128xi32, #tpu.memory_space<vmem>>)
      tpu.yield
    }) : () -> ()
    %barrier3A_77 = arith.constant 0 : index
    tpu.barrier barrier_id(%barrier3A_77)
    %eq3A_78 = arith.constant 0 : i32
    %eq3A_79 = arith.cmpi eq, %arg0, %eq3A_78 : i32
    %convert_element_type3A_80 = arith.extui %eq3A_79 : i1 to i32
    %cond3A_81 = arith.constant 0 : i32
    %cond3A_82 = arith.constant 0 : i32
    %cond3A_83 = arith.cmpi ne, %convert_element_type3A_80, %cond3A_82 : i32
    %cond3A_84 = scf.if %cond3A_83 -> (i32) {
      %dma_start3A = arith.constant 0 : i32
      %dma_start3A_87 = arith.constant 0 : i32
      %dma_start3A_88 = tpu.memref_slice %arg6[%dma_start3A, %dma_start3A_87] : memref<54x128xi32, #tpu.memory_space<vmem>> -> memref<1x128xi32, #tpu.memory_space<vmem>>
      %dma_start3A_89 = tpu.memref_squeeze %dma_start3A_88 : memref<1x128xi32, #tpu.memory_space<vmem>> -> memref<128xi32, #tpu.memory_space<vmem>>
      %dma_start3A_90 = arith.constant 0 : i32
      %dma_start3A_91 = arith.constant 0 : i32
      %dma_start3A_92 = tpu.memref_slice %arg2[%dma_start3A_90, %dma_start3A_91] : memref<10240x128xf32, #tpu.memory_space<hbm>> -> memref<10240x128xf32, #tpu.memory_space<hbm>>
      tpu.enqueue_indirect_dma source(%dma_start3A_92 : memref<10240x128xf32, #tpu.memory_space<hbm>>) target(%arg8 : memref<128x128xf32, #tpu.memory_space<vmem>>) offsets(%dma_start3A_89 : memref<128xi32, #tpu.memory_space<vmem>>) semaphore(%arg11 : memref<!tpu.dma_semaphore, #tpu.memory_space<semaphore_mem>>)
      %scan3A_93 = arith.constant 0 : i32
      %scan3A_94 = arith.constant 0 : i32
      %scan3A_95 = arith.constant 26 : i32
      %scan3A_96 = arith.addi %scan3A_94, %scan3A_95 : i32
      %scan3A_97 = arith.constant 1 : i32
      %scan3A_98 = scf.for %scan3A_123 = %scan3A_94 to %scan3A_96 step %scan3A_97 iter_args(%scan3A_124 = %scan3A_93) -> (i32)  : i32 {
        %mul3A_125 = arith.constant 2 : i32
        %mul3A_126 = arith.muli %mul3A_125, %scan3A_123 : i32
        %add3A_127 = arith.constant 1 : i32
        %add3A_128 = arith.addi %mul3A_126, %add3A_127 : i32
        %dma_start3A_129 = arith.constant 0 : i32
        %dma_start3A_130 = tpu.memref_slice %arg6[%add3A_128, %dma_start3A_129] : memref<54x128xi32, #tpu.memory_space<vmem>> -> memref<1x128xi32, #tpu.memory_space<vmem>>
        %dma_start3A_131 = tpu.memref_squeeze %dma_start3A_130 : memref<1x128xi32, #tpu.memory_space<vmem>> -> memref<128xi32, #tpu.memory_space<vmem>>
        %dma_start3A_132 = arith.constant 0 : i32
        %dma_start3A_133 = arith.constant 0 : i32
        %dma_start3A_134 = tpu.memref_slice %arg2[%dma_start3A_132, %dma_start3A_133] : memref<10240x128xf32, #tpu.memory_space<hbm>> -> memref<10240x128xf32, #tpu.memory_space<hbm>>
        tpu.enqueue_indirect_dma source(%dma_start3A_134 : memref<10240x128xf32, #tpu.memory_space<hbm>>) target(%arg9 : memref<128x128xf32, #tpu.memory_space<vmem>>) offsets(%dma_start3A_131 : memref<128xi32, #tpu.memory_space<vmem>>) semaphore(%arg12 : memref<!tpu.dma_semaphore, #tpu.memory_space<semaphore_mem>>)
        %dma_wait3A_135 = arith.constant 0 : i32
        %dma_wait3A_136 = tpu.memref_slice %arg6[%mul3A_126, %dma_wait3A_135] : memref<54x128xi32, #tpu.memory_space<vmem>> -> memref<1x128xi32, #tpu.memory_space<vmem>>
        %dma_wait3A_137 = tpu.memref_squeeze %dma_wait3A_136 : memref<1x128xi32, #tpu.memory_space<vmem>> -> memref<128xi32, #tpu.memory_space<vmem>>
        %dma_wait3A_138 = arith.constant 0 : i32
        %dma_wait3A_139 = arith.constant 0 : i32
        %dma_wait3A_140 = tpu.memref_slice %arg2[%dma_wait3A_138, %dma_wait3A_139] : memref<10240x128xf32, #tpu.memory_space<hbm>> -> memref<10240x128xf32, #tpu.memory_space<hbm>>
        tpu.wait_indirect_dma semaphore(%arg11 : memref<!tpu.dma_semaphore, #tpu.memory_space<semaphore_mem>>) src(%dma_wait3A_140 : memref<10240x128xf32, #tpu.memory_space<hbm>>) dst(%arg8 : memref<128x128xf32, #tpu.memory_space<vmem>>)
        "tpu.region"() ({
          %run_scoped3A_160 = tpu.sem_alloc : memref<!tpu.dma_semaphore, #tpu.memory_space<semaphore_mem>>
          %dma_start3A_161 = arith.constant 0 : i32
          %dma_start3A_162 = tpu.memref_slice %arg7[%mul3A_126, %dma_start3A_161] : memref<54x128xi32, #tpu.memory_space<vmem>> -> memref<1x128xi32, #tpu.memory_space<vmem>>
          %dma_start3A_163 = tpu.memref_squeeze %dma_start3A_162 : memref<1x128xi32, #tpu.memory_space<vmem>> -> memref<128xi32, #tpu.memory_space<vmem>>
          %dma_start3A_164 = arith.constant 0 : i32
          %dma_start3A_165 = arith.constant 0 : i32
          %dma_start3A_166 = tpu.memref_slice %arg10[%dma_start3A_164, %dma_start3A_165] : memref<10240x128xf32, #tpu.memory_space<vmem_shared>> -> memref<10240x128xf32, #tpu.memory_space<vmem_shared>>
          tpu.enqueue_indirect_dma source(%arg8 : memref<128x128xf32, #tpu.memory_space<vmem>>) target(%dma_start3A_166 : memref<10240x128xf32, #tpu.memory_space<vmem_shared>>) offsets(%dma_start3A_163 : memref<128xi32, #tpu.memory_space<vmem>>) semaphore(%run_scoped3A_160 : memref<!tpu.dma_semaphore, #tpu.memory_space<semaphore_mem>>) {add = true}
          %dma_wait3A_167 = arith.constant 0 : i32
          %dma_wait3A_168 = tpu.memref_slice %arg7[%mul3A_126, %dma_wait3A_167] : memref<54x128xi32, #tpu.memory_space<vmem>> -> memref<1x128xi32, #tpu.memory_space<vmem>>
          %dma_wait3A_169 = tpu.memref_squeeze %dma_wait3A_168 : memref<1x128xi32, #tpu.memory_space<vmem>> -> memref<128xi32, #tpu.memory_space<vmem>>
          %dma_wait3A_170 = arith.constant 0 : i32
          %dma_wait3A_171 = arith.constant 0 : i32
          %dma_wait3A_172 = tpu.memref_slice %arg10[%dma_wait3A_170, %dma_wait3A_171] : memref<10240x128xf32, #tpu.memory_space<vmem_shared>> -> memref<10240x128xf32, #tpu.memory_space<vmem_shared>>
          tpu.wait_indirect_dma semaphore(%run_scoped3A_160 : memref<!tpu.dma_semaphore, #tpu.memory_space<semaphore_mem>>) src(%arg8 : memref<128x128xf32, #tpu.memory_space<vmem>>) dst(%dma_wait3A_172 : memref<10240x128xf32, #tpu.memory_space<vmem_shared>>)
          tpu.yield
        }) : () -> ()
        %add3A_141 = arith.constant 2 : i32
        %add3A_142 = arith.addi %mul3A_126, %add3A_141 : i32
        %dma_start3A_143 = arith.constant 0 : i32
        %dma_start3A_144 = tpu.memref_slice %arg6[%add3A_142, %dma_start3A_143] : memref<54x128xi32, #tpu.memory_space<vmem>> -> memref<1x128xi32, #tpu.memory_space<vmem>>
        %dma_start3A_145 = tpu.memref_squeeze %dma_start3A_144 : memref<1x128xi32, #tpu.memory_space<vmem>> -> memref<128xi32, #tpu.memory_space<vmem>>
        %dma_start3A_146 = arith.constant 0 : i32
        %dma_start3A_147 = arith.constant 0 : i32
        %dma_start3A_148 = tpu.memref_slice %arg2[%dma_start3A_146, %dma_start3A_147] : memref<10240x128xf32, #tpu.memory_space<hbm>> -> memref<10240x128xf32, #tpu.memory_space<hbm>>
        tpu.enqueue_indirect_dma source(%dma_start3A_148 : memref<10240x128xf32, #tpu.memory_space<hbm>>) target(%arg8 : memref<128x128xf32, #tpu.memory_space<vmem>>) offsets(%dma_start3A_145 : memref<128xi32, #tpu.memory_space<vmem>>) semaphore(%arg11 : memref<!tpu.dma_semaphore, #tpu.memory_space<semaphore_mem>>)
        %add3A_149 = arith.constant 1 : i32
        %add3A_150 = arith.addi %mul3A_126, %add3A_149 : i32
        %dma_wait3A_151 = arith.constant 0 : i32
        %dma_wait3A_152 = tpu.memref_slice %arg6[%add3A_150, %dma_wait3A_151] : memref<54x128xi32, #tpu.memory_space<vmem>> -> memref<1x128xi32, #tpu.memory_space<vmem>>
        %dma_wait3A_153 = tpu.memref_squeeze %dma_wait3A_152 : memref<1x128xi32, #tpu.memory_space<vmem>> -> memref<128xi32, #tpu.memory_space<vmem>>
        %dma_wait3A_154 = arith.constant 0 : i32
        %dma_wait3A_155 = arith.constant 0 : i32
        %dma_wait3A_156 = tpu.memref_slice %arg2[%dma_wait3A_154, %dma_wait3A_155] : memref<10240x128xf32, #tpu.memory_space<hbm>> -> memref<10240x128xf32, #tpu.memory_space<hbm>>
        tpu.wait_indirect_dma semaphore(%arg12 : memref<!tpu.dma_semaphore, #tpu.memory_space<semaphore_mem>>) src(%dma_wait3A_156 : memref<10240x128xf32, #tpu.memory_space<hbm>>) dst(%arg9 : memref<128x128xf32, #tpu.memory_space<vmem>>)
        %add3A_157 = arith.constant 1 : i32
        %add3A_158 = arith.addi %mul3A_126, %add3A_157 : i32
        "tpu.region"() ({
          %run_scoped3A_160 = tpu.sem_alloc : memref<!tpu.dma_semaphore, #tpu.memory_space<semaphore_mem>>
          %dma_start3A_161 = arith.constant 0 : i32
          %dma_start3A_162 = tpu.memref_slice %arg7[%add3A_158, %dma_start3A_161] : memref<54x128xi32, #tpu.memory_space<vmem>> -> memref<1x128xi32, #tpu.memory_space<vmem>>
          %dma_start3A_163 = tpu.memref_squeeze %dma_start3A_162 : memref<1x128xi32, #tpu.memory_space<vmem>> -> memref<128xi32, #tpu.memory_space<vmem>>
          %dma_start3A_164 = arith.constant 0 : i32
          %dma_start3A_165 = arith.constant 0 : i32
          %dma_start3A_166 = tpu.memref_slice %arg10[%dma_start3A_164, %dma_start3A_165] : memref<10240x128xf32, #tpu.memory_space<vmem_shared>> -> memref<10240x128xf32, #tpu.memory_space<vmem_shared>>
          tpu.enqueue_indirect_dma source(%arg9 : memref<128x128xf32, #tpu.memory_space<vmem>>) target(%dma_start3A_166 : memref<10240x128xf32, #tpu.memory_space<vmem_shared>>) offsets(%dma_start3A_163 : memref<128xi32, #tpu.memory_space<vmem>>) semaphore(%run_scoped3A_160 : memref<!tpu.dma_semaphore, #tpu.memory_space<semaphore_mem>>) {add = true}
          %dma_wait3A_167 = arith.constant 0 : i32
          %dma_wait3A_168 = tpu.memref_slice %arg7[%add3A_158, %dma_wait3A_167] : memref<54x128xi32, #tpu.memory_space<vmem>> -> memref<1x128xi32, #tpu.memory_space<vmem>>
          %dma_wait3A_169 = tpu.memref_squeeze %dma_wait3A_168 : memref<1x128xi32, #tpu.memory_space<vmem>> -> memref<128xi32, #tpu.memory_space<vmem>>
          %dma_wait3A_170 = arith.constant 0 : i32
          %dma_wait3A_171 = arith.constant 0 : i32
          %dma_wait3A_172 = tpu.memref_slice %arg10[%dma_wait3A_170, %dma_wait3A_171] : memref<10240x128xf32, #tpu.memory_space<vmem_shared>> -> memref<10240x128xf32, #tpu.memory_space<vmem_shared>>
          tpu.wait_indirect_dma semaphore(%run_scoped3A_160 : memref<!tpu.dma_semaphore, #tpu.memory_space<semaphore_mem>>) src(%arg9 : memref<128x128xf32, #tpu.memory_space<vmem>>) dst(%dma_wait3A_172 : memref<10240x128xf32, #tpu.memory_space<vmem_shared>>)
          tpu.yield
        }) : () -> ()
        %scan3A_159 = arith.constant 0 : i32
        scf.yield %scan3A_159 : i32
      }
      %scan3A_99 = arith.constant 26 : i32
      %dma_start3A_100 = arith.constant 53 : i32
      %dma_start3A_101 = arith.constant 0 : i32
      %dma_start3A_102 = tpu.memref_slice %arg6[%dma_start3A_100, %dma_start3A_101] : memref<54x128xi32, #tpu.memory_space<vmem>> -> memref<1x128xi32, #tpu.memory_space<vmem>>
      %dma_start3A_103 = tpu.memref_squeeze %dma_start3A_102 : memref<1x128xi32, #tpu.memory_space<vmem>> -> memref<128xi32, #tpu.memory_space<vmem>>
      %dma_start3A_104 = arith.constant 0 : i32
      %dma_start3A_105 = arith.constant 0 : i32
      %dma_start3A_106 = tpu.memref_slice %arg2[%dma_start3A_104, %dma_start3A_105] : memref<10240x128xf32, #tpu.memory_space<hbm>> -> memref<10240x128xf32, #tpu.memory_space<hbm>>
      tpu.enqueue_indirect_dma source(%dma_start3A_106 : memref<10240x128xf32, #tpu.memory_space<hbm>>) target(%arg9 : memref<128x128xf32, #tpu.memory_space<vmem>>) offsets(%dma_start3A_103 : memref<128xi32, #tpu.memory_space<vmem>>) semaphore(%arg12 : memref<!tpu.dma_semaphore, #tpu.memory_space<semaphore_mem>>)
      %dma_wait3A = arith.constant 52 : i32
      %dma_wait3A_107 = arith.constant 0 : i32
      %dma_wait3A_108 = tpu.memref_slice %arg6[%dma_wait3A, %dma_wait3A_107] : memref<54x128xi32, #tpu.memory_space<vmem>> -> memref<1x128xi32, #tpu.memory_space<vmem>>
      %dma_wait3A_109 = tpu.memref_squeeze %dma_wait3A_108 : memref<1x128xi32, #tpu.memory_space<vmem>> -> memref<128xi32, #tpu.memory_space<vmem>>
      %dma_wait3A_110 = arith.constant 0 : i32
      %dma_wait3A_111 = arith.constant 0 : i32
      %dma_wait3A_112 = tpu.memref_slice %arg2[%dma_wait3A_110, %dma_wait3A_111] : memref<10240x128xf32, #tpu.memory_space<hbm>> -> memref<10240x128xf32, #tpu.memory_space<hbm>>
      tpu.wait_indirect_dma semaphore(%arg11 : memref<!tpu.dma_semaphore, #tpu.memory_space<semaphore_mem>>) src(%dma_wait3A_112 : memref<10240x128xf32, #tpu.memory_space<hbm>>) dst(%arg8 : memref<128x128xf32, #tpu.memory_space<vmem>>)
      %run_scoped3A_113 = arith.constant 52 : i32
      "tpu.region"() ({
        %run_scoped3A_123 = tpu.sem_alloc : memref<!tpu.dma_semaphore, #tpu.memory_space<semaphore_mem>>
        %dma_start3A_124 = arith.constant 0 : i32
        %dma_start3A_125 = tpu.memref_slice %arg7[%run_scoped3A_113, %dma_start3A_124] : memref<54x128xi32, #tpu.memory_space<vmem>> -> memref<1x128xi32, #tpu.memory_space<vmem>>
        %dma_start3A_126 = tpu.memref_squeeze %dma_start3A_125 : memref<1x128xi32, #tpu.memory_space<vmem>> -> memref<128xi32, #tpu.memory_space<vmem>>
        %dma_start3A_127 = arith.constant 0 : i32
        %dma_start3A_128 = arith.constant 0 : i32
        %dma_start3A_129 = tpu.memref_slice %arg10[%dma_start3A_127, %dma_start3A_128] : memref<10240x128xf32, #tpu.memory_space<vmem_shared>> -> memref<10240x128xf32, #tpu.memory_space<vmem_shared>>
        tpu.enqueue_indirect_dma source(%arg8 : memref<128x128xf32, #tpu.memory_space<vmem>>) target(%dma_start3A_129 : memref<10240x128xf32, #tpu.memory_space<vmem_shared>>) offsets(%dma_start3A_126 : memref<128xi32, #tpu.memory_space<vmem>>) semaphore(%run_scoped3A_123 : memref<!tpu.dma_semaphore, #tpu.memory_space<semaphore_mem>>) {add = true}
        %dma_wait3A_130 = arith.constant 0 : i32
        %dma_wait3A_131 = tpu.memref_slice %arg7[%run_scoped3A_113, %dma_wait3A_130] : memref<54x128xi32, #tpu.memory_space<vmem>> -> memref<1x128xi32, #tpu.memory_space<vmem>>
        %dma_wait3A_132 = tpu.memref_squeeze %dma_wait3A_131 : memref<1x128xi32, #tpu.memory_space<vmem>> -> memref<128xi32, #tpu.memory_space<vmem>>
        %dma_wait3A_133 = arith.constant 0 : i32
        %dma_wait3A_134 = arith.constant 0 : i32
        %dma_wait3A_135 = tpu.memref_slice %arg10[%dma_wait3A_133, %dma_wait3A_134] : memref<10240x128xf32, #tpu.memory_space<vmem_shared>> -> memref<10240x128xf32, #tpu.memory_space<vmem_shared>>
        tpu.wait_indirect_dma semaphore(%run_scoped3A_123 : memref<!tpu.dma_semaphore, #tpu.memory_space<semaphore_mem>>) src(%arg8 : memref<128x128xf32, #tpu.memory_space<vmem>>) dst(%dma_wait3A_135 : memref<10240x128xf32, #tpu.memory_space<vmem_shared>>)
        tpu.yield
      }) : () -> ()
      %dma_wait3A_114 = arith.constant 53 : i32
      %dma_wait3A_115 = arith.constant 0 : i32
      %dma_wait3A_116 = tpu.memref_slice %arg6[%dma_wait3A_114, %dma_wait3A_115] : memref<54x128xi32, #tpu.memory_space<vmem>> -> memref<1x128xi32, #tpu.memory_space<vmem>>
      %dma_wait3A_117 = tpu.memref_squeeze %dma_wait3A_116 : memref<1x128xi32, #tpu.memory_space<vmem>> -> memref<128xi32, #tpu.memory_space<vmem>>
      %dma_wait3A_118 = arith.constant 0 : i32
      %dma_wait3A_119 = arith.constant 0 : i32
      %dma_wait3A_120 = tpu.memref_slice %arg2[%dma_wait3A_118, %dma_wait3A_119] : memref<10240x128xf32, #tpu.memory_space<hbm>> -> memref<10240x128xf32, #tpu.memory_space<hbm>>
      tpu.wait_indirect_dma semaphore(%arg12 : memref<!tpu.dma_semaphore, #tpu.memory_space<semaphore_mem>>) src(%dma_wait3A_120 : memref<10240x128xf32, #tpu.memory_space<hbm>>) dst(%arg9 : memref<128x128xf32, #tpu.memory_space<vmem>>)
      %run_scoped3A_121 = arith.constant 53 : i32
      "tpu.region"() ({
        %run_scoped3A_123 = tpu.sem_alloc : memref<!tpu.dma_semaphore, #tpu.memory_space<semaphore_mem>>
        %dma_start3A_124 = arith.constant 0 : i32
        %dma_start3A_125 = tpu.memref_slice %arg7[%run_scoped3A_121, %dma_start3A_124] : memref<54x128xi32, #tpu.memory_space<vmem>> -> memref<1x128xi32, #tpu.memory_space<vmem>>
        %dma_start3A_126 = tpu.memref_squeeze %dma_start3A_125 : memref<1x128xi32, #tpu.memory_space<vmem>> -> memref<128xi32, #tpu.memory_space<vmem>>
        %dma_start3A_127 = arith.constant 0 : i32
        %dma_start3A_128 = arith.constant 0 : i32
        %dma_start3A_129 = tpu.memref_slice %arg10[%dma_start3A_127, %dma_start3A_128] : memref<10240x128xf32, #tpu.memory_space<vmem_shared>> -> memref<10240x128xf32, #tpu.memory_space<vmem_shared>>
        tpu.enqueue_indirect_dma source(%arg9 : memref<128x128xf32, #tpu.memory_space<vmem>>) target(%dma_start3A_129 : memref<10240x128xf32, #tpu.memory_space<vmem_shared>>) offsets(%dma_start3A_126 : memref<128xi32, #tpu.memory_space<vmem>>) semaphore(%run_scoped3A_123 : memref<!tpu.dma_semaphore, #tpu.memory_space<semaphore_mem>>) {add = true}
        %dma_wait3A_130 = arith.constant 0 : i32
        %dma_wait3A_131 = tpu.memref_slice %arg7[%run_scoped3A_121, %dma_wait3A_130] : memref<54x128xi32, #tpu.memory_space<vmem>> -> memref<1x128xi32, #tpu.memory_space<vmem>>
        %dma_wait3A_132 = tpu.memref_squeeze %dma_wait3A_131 : memref<1x128xi32, #tpu.memory_space<vmem>> -> memref<128xi32, #tpu.memory_space<vmem>>
        %dma_wait3A_133 = arith.constant 0 : i32
        %dma_wait3A_134 = arith.constant 0 : i32
        %dma_wait3A_135 = tpu.memref_slice %arg10[%dma_wait3A_133, %dma_wait3A_134] : memref<10240x128xf32, #tpu.memory_space<vmem_shared>> -> memref<10240x128xf32, #tpu.memory_space<vmem_shared>>
        tpu.wait_indirect_dma semaphore(%run_scoped3A_123 : memref<!tpu.dma_semaphore, #tpu.memory_space<semaphore_mem>>) src(%arg9 : memref<128x128xf32, #tpu.memory_space<vmem>>) dst(%dma_wait3A_135 : memref<10240x128xf32, #tpu.memory_space<vmem_shared>>)
        tpu.yield
      }) : () -> ()
      %cond3A_122 = arith.constant 0 : i32
      scf.yield %cond3A_122 : i32
    } else {
      %scan3A_87 = arith.constant 0 : i32
      %scan3A_88 = arith.constant 0 : i32
      %scan3A_89 = arith.constant 0 : i32
      %scan3A_90 = arith.addi %scan3A_88, %scan3A_89 : i32
      %scan3A_91 = arith.constant 0 : i32
      %cond3A_92 = arith.constant 0 : i32
      scf.yield %cond3A_92 : i32
    }
    %barrier3A_85 = arith.constant 0 : index
    tpu.barrier barrier_id(%barrier3A_85)
    %run_scoped3A_86 = arith.constant 2 : i32
    "tpu.region"() ({
      %run_scoped3A_87 = tpu.sem_alloc : memref<!tpu.dma_semaphore, #tpu.memory_space<semaphore_mem>>
      %dma_start3A = arith.constant 0 : i32
      %dma_start3A_88 = tpu.memref_slice %arg5[%arg0, %run_scoped3A_86, %mul3A_2, %dma_start3A] : memref<2x3x10240x128xf32, #tpu.memory_space<hbm>> -> memref<1x1x640x128xf32, #tpu.memory_space<hbm>>
      %dma_start3A_89 = tpu.memref_squeeze %dma_start3A_88 : memref<1x1x640x128xf32, #tpu.memory_space<hbm>> -> memref<640x128xf32, #tpu.memory_space<hbm>>
      %dma_start3A_90 = arith.constant 0 : i32
      %dma_start3A_91 = tpu.memref_slice %arg10[%mul3A_2, %dma_start3A_90] : memref<10240x128xf32, #tpu.memory_space<vmem_shared>> -> memref<640x128xf32, #tpu.memory_space<vmem_shared>>
      tpu.enqueue_dma source(%dma_start3A_91 : memref<640x128xf32, #tpu.memory_space<vmem_shared>>) target(%dma_start3A_89 : memref<640x128xf32, #tpu.memory_space<hbm>>) target_semaphore(%run_scoped3A_87 : memref<!tpu.dma_semaphore, #tpu.memory_space<semaphore_mem>>)
      %dma_wait3A = arith.constant 0 : i32
      %dma_wait3A_92 = tpu.memref_slice %arg5[%arg0, %run_scoped3A_86, %mul3A_2, %dma_wait3A] : memref<2x3x10240x128xf32, #tpu.memory_space<hbm>> -> memref<1x1x640x128xf32, #tpu.memory_space<hbm>>
      %dma_wait3A_93 = tpu.memref_squeeze %dma_wait3A_92 : memref<1x1x640x128xf32, #tpu.memory_space<hbm>> -> memref<640x128xf32, #tpu.memory_space<hbm>>
      %dma_wait3A_94 = arith.constant 0 : i32
      %dma_wait3A_95 = tpu.memref_slice %arg10[%mul3A_2, %dma_wait3A_94] : memref<10240x128xf32, #tpu.memory_space<vmem_shared>> -> memref<640x128xf32, #tpu.memory_space<vmem_shared>>
      tpu.wait_dma2 semaphore(%run_scoped3A_87 : memref<!tpu.dma_semaphore, #tpu.memory_space<semaphore_mem>>) src(%dma_wait3A_95 : memref<640x128xf32, #tpu.memory_space<vmem_shared>>) dst(%dma_wait3A_93 : memref<640x128xf32, #tpu.memory_space<hbm>>)
      tpu.yield
    }) : () -> ()
    return
  }
}

module attributes {stable_mosaic.version = 14 : i64} {
  func.func @_tc1_body(%arg0: i32, %arg1: memref<2x3x1024x144xf32, #tpu.memory_space<vmem>>, %arg2: memref<3x128x128xf32, #tpu.memory_space<vmem>>, %arg3: memref<3x128xf32, #tpu.memory_space<vmem>>, %arg4: memref<1024x128xf32, #tpu.memory_space<vmem>>, %arg5: memref<3x1024xf32, #tpu.memory_space<vmem>>) attributes {dimension_semantics = [#tpu.dimension_semantics<arbitrary>], iteration_bounds = array<i64: 10>, scalar_prefetch = 0 : i64, scratch_operands = 0 : i64, tpu.core_type = #tpu.core_type<tc>, window_params = [{transform_indices = @transform_0, window_bounds = array<i64: 2, 3, 1024, 144>}, {pipeline_mode = #tpu.pipeline_mode<synchronous>, transform_indices = @transform_1, window_bounds = array<i64: 3, 128, 128>}, {pipeline_mode = #tpu.pipeline_mode<synchronous>, transform_indices = @transform_2, window_bounds = array<i64: 3, 128>}, {transform_indices = @transform_3, window_bounds = array<i64: 1024, 128>}, {transform_indices = @transform_4, window_bounds = array<i64: 3, 1024>}]} {
    %get3A = arith.constant 0 : index
    %get3A_0 = arith.constant 0 : index
    %get3A_1 = arith.constant 0 : index
    %get3A_2 = arith.constant 0 : index
    %get3A_3 = vector.load %arg1[%get3A, %get3A_0, %get3A_1, %get3A_2] : memref<2x3x1024x144xf32, #tpu.memory_space<vmem>>, vector<2x3x1024x144xf32>
    %slice3A = vector.extract_strided_slice %get3A_3 {offsets = [0, 0, 0, 0], sizes = [1, 3, 1024, 144], strides = [1, 1, 1, 1]} : vector<2x3x1024x144xf32> to vector<1x3x1024x144xf32>
    %squeeze3A = vector.shape_cast %slice3A : vector<1x3x1024x144xf32> to vector<3x1024x144xf32>
    %slice3A_4 = vector.extract_strided_slice %get3A_3 {offsets = [1, 0, 0, 0], sizes = [1, 3, 1024, 144], strides = [1, 1, 1, 1]} : vector<2x3x1024x144xf32> to vector<1x3x1024x144xf32>
    %squeeze3A_5 = vector.shape_cast %slice3A_4 : vector<1x3x1024x144xf32> to vector<3x1024x144xf32>
    %add3A = arith.addf %squeeze3A, %squeeze3A_5 : vector<3x1024x144xf32>
    %slice3A_6 = vector.extract_strided_slice %add3A {offsets = [0, 0, 128], sizes = [3, 1024, 1], strides = [1, 1, 1]} : vector<3x1024x144xf32> to vector<3x1024x1xf32>
    %squeeze3A_7 = vector.shape_cast %slice3A_6 : vector<3x1024x1xf32> to vector<3x1024xf32>
    %max3A = arith.constant 1.000000e+00 : f32
    %max3A_8 = vector.broadcast %max3A : f32 to vector<3x1024xf32>
    %max3A_9 = arith.maximumf %squeeze3A_7, %max3A_8 : vector<3x1024xf32>
    %div3A = arith.constant 1.000000e+00 : f32
    %div3A_10 = vector.broadcast %div3A : f32 to vector<3x1024xf32>
    %div3A_11 = arith.divf %div3A_10, %max3A_9 : vector<3x1024xf32>
    %broadcast_in_dim3A = arith.constant 0.000000e+00 : f32
    %broadcast_in_dim3A_12 = vector.broadcast %broadcast_in_dim3A : f32 to vector<1024x128xf32>
    %slice3A_13 = vector.extract_strided_slice %add3A {offsets = [0, 0, 0], sizes = [1, 1024, 128], strides = [1, 1, 1]} : vector<3x1024x144xf32> to vector<1x1024x128xf32>
    %squeeze3A_14 = vector.shape_cast %slice3A_13 : vector<1x1024x128xf32> to vector<1024x128xf32>
    %slice3A_15 = vector.extract_strided_slice %div3A_11 {offsets = [0, 0], sizes = [1, 1024], strides = [1, 1]} : vector<3x1024xf32> to vector<1x1024xf32>
    %squeeze3A_16 = vector.shape_cast %slice3A_15 : vector<1x1024xf32> to vector<1024xf32>
    %broadcast_in_dim3A_17 = vector.shape_cast %squeeze3A_16 : vector<1024xf32> to vector<1024x1xf32>
    %mul3A = vector.broadcast %broadcast_in_dim3A_17 : vector<1024x1xf32> to vector<1024x128xf32>
    %mul3A_18 = arith.mulf %squeeze3A_14, %mul3A : vector<1024x128xf32>
    %get3A_19 = arith.constant 0 : index
    %get3A_20 = arith.constant 0 : index
    %get3A_21 = arith.constant 0 : index
    %get3A_22 = vector.load %arg2[%get3A_19, %get3A_20, %get3A_21] : memref<3x128x128xf32, #tpu.memory_space<vmem>>, vector<1x128x128xf32>
    %get3A_23 = vector.shape_cast %get3A_22 : vector<1x128x128xf32> to vector<128x128xf32>
    %dot_general3A = arith.constant dense<0.000000e+00> : vector<1024x128xf32>
    %dot_general3A_24 = tpu.matmul %mul3A_18, %get3A_23, %dot_general3A {dimension_numbers = #tpu.dot_dimension_numbers<[1], [0], [0], [1], [0, 0, 1, 1], [], []>, transpose_lhs_hint = false} : vector<1024x128xf32>, vector<128x128xf32>, vector<1024x128xf32> -> vector<1024x128xf32>
    %add3A_25 = arith.addf %broadcast_in_dim3A_12, %dot_general3A_24 : vector<1024x128xf32>
    %get3A_26 = arith.constant 0 : index
    %get3A_27 = arith.constant 0 : index
    %get3A_28 = vector.load %arg3[%get3A_26, %get3A_27] : memref<3x128xf32, #tpu.memory_space<vmem>>, vector<1x128xf32>
    %get3A_29 = vector.shape_cast %get3A_28 : vector<1x128xf32> to vector<128xf32>
    %broadcast_in_dim3A_30 = vector.shape_cast %get3A_29 : vector<128xf32> to vector<1x128xf32>
    %add3A_31 = vector.broadcast %broadcast_in_dim3A_30 : vector<1x128xf32> to vector<1024x128xf32>
    %add3A_32 = arith.addf %add3A_25, %add3A_31 : vector<1024x128xf32>
    %slice3A_33 = vector.extract_strided_slice %add3A {offsets = [1, 0, 0], sizes = [1, 1024, 128], strides = [1, 1, 1]} : vector<3x1024x144xf32> to vector<1x1024x128xf32>
    %squeeze3A_34 = vector.shape_cast %slice3A_33 : vector<1x1024x128xf32> to vector<1024x128xf32>
    %slice3A_35 = vector.extract_strided_slice %div3A_11 {offsets = [1, 0], sizes = [1, 1024], strides = [1, 1]} : vector<3x1024xf32> to vector<1x1024xf32>
    %squeeze3A_36 = vector.shape_cast %slice3A_35 : vector<1x1024xf32> to vector<1024xf32>
    %broadcast_in_dim3A_37 = vector.shape_cast %squeeze3A_36 : vector<1024xf32> to vector<1024x1xf32>
    %mul3A_38 = vector.broadcast %broadcast_in_dim3A_37 : vector<1024x1xf32> to vector<1024x128xf32>
    %mul3A_39 = arith.mulf %squeeze3A_34, %mul3A_38 : vector<1024x128xf32>
    %get3A_40 = arith.constant 1 : index
    %get3A_41 = arith.constant 0 : index
    %get3A_42 = arith.constant 0 : index
    %get3A_43 = vector.load %arg2[%get3A_40, %get3A_41, %get3A_42] : memref<3x128x128xf32, #tpu.memory_space<vmem>>, vector<1x128x128xf32>
    %get3A_44 = vector.shape_cast %get3A_43 : vector<1x128x128xf32> to vector<128x128xf32>
    %dot_general3A_45 = arith.constant dense<0.000000e+00> : vector<1024x128xf32>
    %dot_general3A_46 = tpu.matmul %mul3A_39, %get3A_44, %dot_general3A_45 {dimension_numbers = #tpu.dot_dimension_numbers<[1], [0], [0], [1], [0, 0, 1, 1], [], []>, transpose_lhs_hint = false} : vector<1024x128xf32>, vector<128x128xf32>, vector<1024x128xf32> -> vector<1024x128xf32>
    %add3A_47 = arith.addf %add3A_32, %dot_general3A_46 : vector<1024x128xf32>
    %get3A_48 = arith.constant 1 : index
    %get3A_49 = arith.constant 0 : index
    %get3A_50 = vector.load %arg3[%get3A_48, %get3A_49] : memref<3x128xf32, #tpu.memory_space<vmem>>, vector<1x128xf32>
    %get3A_51 = vector.shape_cast %get3A_50 : vector<1x128xf32> to vector<128xf32>
    %broadcast_in_dim3A_52 = vector.shape_cast %get3A_51 : vector<128xf32> to vector<1x128xf32>
    %add3A_53 = vector.broadcast %broadcast_in_dim3A_52 : vector<1x128xf32> to vector<1024x128xf32>
    %add3A_54 = arith.addf %add3A_47, %add3A_53 : vector<1024x128xf32>
    %slice3A_55 = vector.extract_strided_slice %add3A {offsets = [2, 0, 0], sizes = [1, 1024, 128], strides = [1, 1, 1]} : vector<3x1024x144xf32> to vector<1x1024x128xf32>
    %squeeze3A_56 = vector.shape_cast %slice3A_55 : vector<1x1024x128xf32> to vector<1024x128xf32>
    %slice3A_57 = vector.extract_strided_slice %div3A_11 {offsets = [2, 0], sizes = [1, 1024], strides = [1, 1]} : vector<3x1024xf32> to vector<1x1024xf32>
    %squeeze3A_58 = vector.shape_cast %slice3A_57 : vector<1x1024xf32> to vector<1024xf32>
    %broadcast_in_dim3A_59 = vector.shape_cast %squeeze3A_58 : vector<1024xf32> to vector<1024x1xf32>
    %mul3A_60 = vector.broadcast %broadcast_in_dim3A_59 : vector<1024x1xf32> to vector<1024x128xf32>
    %mul3A_61 = arith.mulf %squeeze3A_56, %mul3A_60 : vector<1024x128xf32>
    %get3A_62 = arith.constant 2 : index
    %get3A_63 = arith.constant 0 : index
    %get3A_64 = arith.constant 0 : index
    %get3A_65 = vector.load %arg2[%get3A_62, %get3A_63, %get3A_64] : memref<3x128x128xf32, #tpu.memory_space<vmem>>, vector<1x128x128xf32>
    %get3A_66 = vector.shape_cast %get3A_65 : vector<1x128x128xf32> to vector<128x128xf32>
    %dot_general3A_67 = arith.constant dense<0.000000e+00> : vector<1024x128xf32>
    %dot_general3A_68 = tpu.matmul %mul3A_61, %get3A_66, %dot_general3A_67 {dimension_numbers = #tpu.dot_dimension_numbers<[1], [0], [0], [1], [0, 0, 1, 1], [], []>, transpose_lhs_hint = false} : vector<1024x128xf32>, vector<128x128xf32>, vector<1024x128xf32> -> vector<1024x128xf32>
    %add3A_69 = arith.addf %add3A_54, %dot_general3A_68 : vector<1024x128xf32>
    %get3A_70 = arith.constant 2 : index
    %get3A_71 = arith.constant 0 : index
    %get3A_72 = vector.load %arg3[%get3A_70, %get3A_71] : memref<3x128xf32, #tpu.memory_space<vmem>>, vector<1x128xf32>
    %get3A_73 = vector.shape_cast %get3A_72 : vector<1x128xf32> to vector<128xf32>
    %broadcast_in_dim3A_74 = vector.shape_cast %get3A_73 : vector<128xf32> to vector<1x128xf32>
    %add3A_75 = vector.broadcast %broadcast_in_dim3A_74 : vector<1x128xf32> to vector<1024x128xf32>
    %add3A_76 = arith.addf %add3A_69, %add3A_75 : vector<1024x128xf32>
    %mul3A_77 = arith.constant 1024 : i32
    %mul3A_78 = arith.muli %arg0, %mul3A_77 : i32
    %iota3A = tpu.iota {dimensions = array<i32: 0>} : vector<1024x1xi32>
    %add3A_79 = vector.broadcast %mul3A_78 : i32 to vector<1024x1xi32>
    %add3A_80 = arith.addi %add3A_79, %iota3A : vector<1024x1xi32>
    %lt3A = arith.constant 10000 : i32
    %lt3A_81 = vector.broadcast %lt3A : i32 to vector<1024x1xi32>
    %lt3A_82 = arith.cmpi slt, %add3A_80, %lt3A_81 : vector<1024x1xi32>
    %jit3A = arith.constant 0.000000e+00 : f32
    %broadcast_in_dim3A_83 = vector.shape_cast %lt3A_82 : vector<1024x1xi1> to vector<1024x1xi1>
    %broadcast_in_dim3A_84 = vector.broadcast %broadcast_in_dim3A_83 : vector<1024x1xi1> to vector<1024x128xi1>
    %broadcast_in_dim3A_85 = vector.broadcast %jit3A : f32 to vector<1024x128xf32>
    %select_n3A = arith.select %broadcast_in_dim3A_84, %add3A_76, %broadcast_in_dim3A_85 : vector<1024x128xi1>, vector<1024x128xf32>
    %swap3A = arith.constant 0 : index
    %swap3A_86 = arith.constant 0 : index
    %swap3A_87 = vector.load %arg4[%swap3A, %swap3A_86] : memref<1024x128xf32, #tpu.memory_space<vmem>>, vector<1024x128xf32>
    tpu.vector_store %arg4[%swap3A, %swap3A_86], %select_n3A {strides = array<i32>} : memref<1024x128xf32, #tpu.memory_space<vmem>>, vector<1024x128xf32>,
    %swap3A_88 = arith.constant 0 : index
    %swap3A_89 = arith.constant 0 : index
    %swap3A_90 = vector.load %arg5[%swap3A_88, %swap3A_89] : memref<3x1024xf32, #tpu.memory_space<vmem>>, vector<3x1024xf32>
    tpu.vector_store %arg5[%swap3A_88, %swap3A_89], %div3A_11 {strides = array<i32>} : memref<3x1024xf32, #tpu.memory_space<vmem>>, vector<3x1024xf32>,
    return
  }
  func.func @transform_0(%arg0: i32) -> (i32, i32, i32, i32) {
    %c0_i32 = arith.constant 0 : i32
    %c0_i32_0 = arith.constant 0 : i32
    %c0_i32_1 = arith.constant 0 : i32
    %c0_i32_2 = arith.constant 0 : i32
    return %c0_i32, %c0_i32_0, %arg0, %c0_i32_1 : i32, i32, i32, i32
  }
  func.func @transform_1(%arg0: i32) -> (i32, i32, i32) {
    %c0_i32 = arith.constant 0 : i32
    %c0_i32_0 = arith.constant 0 : i32
    %c0_i32_1 = arith.constant 0 : i32
    %c0_i32_2 = arith.constant 0 : i32
    return %c0_i32, %c0_i32_0, %c0_i32_1 : i32, i32, i32
  }
  func.func @transform_2(%arg0: i32) -> (i32, i32) {
    %c0_i32 = arith.constant 0 : i32
    %c0_i32_0 = arith.constant 0 : i32
    %c0_i32_1 = arith.constant 0 : i32
    return %c0_i32, %c0_i32_0 : i32, i32
  }
  func.func @transform_3(%arg0: i32) -> (i32, i32) {
    %c0_i32 = arith.constant 0 : i32
    %c0_i32_0 = arith.constant 0 : i32
    return %arg0, %c0_i32 : i32, i32
  }
  func.func @transform_4(%arg0: i32) -> (i32, i32) {
    %c0_i32 = arith.constant 0 : i32
    %c0_i32_0 = arith.constant 0 : i32
    return %c0_i32, %arg0 : i32, i32
  }
}

module attributes {stable_mosaic.version = 14 : i64} {
  func.func @_tc2_body(%arg0: i32, %arg1: memref<2x3x1024x128xf32, #tpu.memory_space<vmem>>, %arg2: memref<3x1024xf32, #tpu.memory_space<vmem>>, %arg3: memref<3x128x128xf32, #tpu.memory_space<vmem>>, %arg4: memref<3x128xf32, #tpu.memory_space<vmem>>, %arg5: memref<1024x128xf32, #tpu.memory_space<vmem>>) attributes {dimension_semantics = [#tpu.dimension_semantics<arbitrary>], iteration_bounds = array<i64: 10>, scalar_prefetch = 0 : i64, scratch_operands = 0 : i64, tpu.core_type = #tpu.core_type<tc>, window_params = [{transform_indices = @transform_0, window_bounds = array<i64: 2, 3, 1024, 128>}, {transform_indices = @transform_1, window_bounds = array<i64: 3, 1024>}, {pipeline_mode = #tpu.pipeline_mode<synchronous>, transform_indices = @transform_2, window_bounds = array<i64: 3, 128, 128>}, {pipeline_mode = #tpu.pipeline_mode<synchronous>, transform_indices = @transform_3, window_bounds = array<i64: 3, 128>}, {transform_indices = @transform_4, window_bounds = array<i64: 1024, 128>}]} {
    %get3A = arith.constant 0 : index
    %get3A_0 = arith.constant 0 : index
    %get3A_1 = arith.constant 0 : index
    %get3A_2 = arith.constant 0 : index
    %get3A_3 = vector.load %arg1[%get3A, %get3A_0, %get3A_1, %get3A_2] : memref<2x3x1024x128xf32, #tpu.memory_space<vmem>>, vector<2x3x1024x128xf32>
    %slice3A = vector.extract_strided_slice %get3A_3 {offsets = [0, 0, 0, 0], sizes = [1, 3, 1024, 128], strides = [1, 1, 1, 1]} : vector<2x3x1024x128xf32> to vector<1x3x1024x128xf32>
    %squeeze3A = vector.shape_cast %slice3A : vector<1x3x1024x128xf32> to vector<3x1024x128xf32>
    %slice3A_4 = vector.extract_strided_slice %get3A_3 {offsets = [1, 0, 0, 0], sizes = [1, 3, 1024, 128], strides = [1, 1, 1, 1]} : vector<2x3x1024x128xf32> to vector<1x3x1024x128xf32>
    %squeeze3A_5 = vector.shape_cast %slice3A_4 : vector<1x3x1024x128xf32> to vector<3x1024x128xf32>
    %add3A = arith.addf %squeeze3A, %squeeze3A_5 : vector<3x1024x128xf32>
    %get3A_6 = arith.constant 0 : index
    %get3A_7 = arith.constant 0 : index
    %get3A_8 = vector.load %arg2[%get3A_6, %get3A_7] : memref<3x1024xf32, #tpu.memory_space<vmem>>, vector<3x1024xf32>
    %broadcast_in_dim3A = arith.constant 0.000000e+00 : f32
    %broadcast_in_dim3A_9 = vector.broadcast %broadcast_in_dim3A : f32 to vector<1024x128xf32>
    %slice3A_10 = vector.extract_strided_slice %add3A {offsets = [0, 0, 0], sizes = [1, 1024, 128], strides = [1, 1, 1]} : vector<3x1024x128xf32> to vector<1x1024x128xf32>
    %squeeze3A_11 = vector.shape_cast %slice3A_10 : vector<1x1024x128xf32> to vector<1024x128xf32>
    %slice3A_12 = vector.extract_strided_slice %get3A_8 {offsets = [0, 0], sizes = [1, 1024], strides = [1, 1]} : vector<3x1024xf32> to vector<1x1024xf32>
    %squeeze3A_13 = vector.shape_cast %slice3A_12 : vector<1x1024xf32> to vector<1024xf32>
    %broadcast_in_dim3A_14 = vector.shape_cast %squeeze3A_13 : vector<1024xf32> to vector<1024x1xf32>
    %mul3A = vector.broadcast %broadcast_in_dim3A_14 : vector<1024x1xf32> to vector<1024x128xf32>
    %mul3A_15 = arith.mulf %squeeze3A_11, %mul3A : vector<1024x128xf32>
    %get3A_16 = arith.constant 0 : index
    %get3A_17 = arith.constant 0 : index
    %get3A_18 = arith.constant 0 : index
    %get3A_19 = vector.load %arg3[%get3A_16, %get3A_17, %get3A_18] : memref<3x128x128xf32, #tpu.memory_space<vmem>>, vector<1x128x128xf32>
    %get3A_20 = vector.shape_cast %get3A_19 : vector<1x128x128xf32> to vector<128x128xf32>
    %dot_general3A = arith.constant dense<0.000000e+00> : vector<1024x128xf32>
    %dot_general3A_21 = tpu.matmul %mul3A_15, %get3A_20, %dot_general3A {dimension_numbers = #tpu.dot_dimension_numbers<[1], [0], [0], [1], [0, 0, 1, 1], [], []>, transpose_lhs_hint = false} : vector<1024x128xf32>, vector<128x128xf32>, vector<1024x128xf32> -> vector<1024x128xf32>
    %add3A_22 = arith.addf %broadcast_in_dim3A_9, %dot_general3A_21 : vector<1024x128xf32>
    %get3A_23 = arith.constant 0 : index
    %get3A_24 = arith.constant 0 : index
    %get3A_25 = vector.load %arg4[%get3A_23, %get3A_24] : memref<3x128xf32, #tpu.memory_space<vmem>>, vector<1x128xf32>
    %get3A_26 = vector.shape_cast %get3A_25 : vector<1x128xf32> to vector<128xf32>
    %broadcast_in_dim3A_27 = vector.shape_cast %get3A_26 : vector<128xf32> to vector<1x128xf32>
    %add3A_28 = vector.broadcast %broadcast_in_dim3A_27 : vector<1x128xf32> to vector<1024x128xf32>
    %add3A_29 = arith.addf %add3A_22, %add3A_28 : vector<1024x128xf32>
    %slice3A_30 = vector.extract_strided_slice %add3A {offsets = [1, 0, 0], sizes = [1, 1024, 128], strides = [1, 1, 1]} : vector<3x1024x128xf32> to vector<1x1024x128xf32>
    %squeeze3A_31 = vector.shape_cast %slice3A_30 : vector<1x1024x128xf32> to vector<1024x128xf32>
    %slice3A_32 = vector.extract_strided_slice %get3A_8 {offsets = [1, 0], sizes = [1, 1024], strides = [1, 1]} : vector<3x1024xf32> to vector<1x1024xf32>
    %squeeze3A_33 = vector.shape_cast %slice3A_32 : vector<1x1024xf32> to vector<1024xf32>
    %broadcast_in_dim3A_34 = vector.shape_cast %squeeze3A_33 : vector<1024xf32> to vector<1024x1xf32>
    %mul3A_35 = vector.broadcast %broadcast_in_dim3A_34 : vector<1024x1xf32> to vector<1024x128xf32>
    %mul3A_36 = arith.mulf %squeeze3A_31, %mul3A_35 : vector<1024x128xf32>
    %get3A_37 = arith.constant 1 : index
    %get3A_38 = arith.constant 0 : index
    %get3A_39 = arith.constant 0 : index
    %get3A_40 = vector.load %arg3[%get3A_37, %get3A_38, %get3A_39] : memref<3x128x128xf32, #tpu.memory_space<vmem>>, vector<1x128x128xf32>
    %get3A_41 = vector.shape_cast %get3A_40 : vector<1x128x128xf32> to vector<128x128xf32>
    %dot_general3A_42 = arith.constant dense<0.000000e+00> : vector<1024x128xf32>
    %dot_general3A_43 = tpu.matmul %mul3A_36, %get3A_41, %dot_general3A_42 {dimension_numbers = #tpu.dot_dimension_numbers<[1], [0], [0], [1], [0, 0, 1, 1], [], []>, transpose_lhs_hint = false} : vector<1024x128xf32>, vector<128x128xf32>, vector<1024x128xf32> -> vector<1024x128xf32>
    %add3A_44 = arith.addf %add3A_29, %dot_general3A_43 : vector<1024x128xf32>
    %get3A_45 = arith.constant 1 : index
    %get3A_46 = arith.constant 0 : index
    %get3A_47 = vector.load %arg4[%get3A_45, %get3A_46] : memref<3x128xf32, #tpu.memory_space<vmem>>, vector<1x128xf32>
    %get3A_48 = vector.shape_cast %get3A_47 : vector<1x128xf32> to vector<128xf32>
    %broadcast_in_dim3A_49 = vector.shape_cast %get3A_48 : vector<128xf32> to vector<1x128xf32>
    %add3A_50 = vector.broadcast %broadcast_in_dim3A_49 : vector<1x128xf32> to vector<1024x128xf32>
    %add3A_51 = arith.addf %add3A_44, %add3A_50 : vector<1024x128xf32>
    %slice3A_52 = vector.extract_strided_slice %add3A {offsets = [2, 0, 0], sizes = [1, 1024, 128], strides = [1, 1, 1]} : vector<3x1024x128xf32> to vector<1x1024x128xf32>
    %squeeze3A_53 = vector.shape_cast %slice3A_52 : vector<1x1024x128xf32> to vector<1024x128xf32>
    %slice3A_54 = vector.extract_strided_slice %get3A_8 {offsets = [2, 0], sizes = [1, 1024], strides = [1, 1]} : vector<3x1024xf32> to vector<1x1024xf32>
    %squeeze3A_55 = vector.shape_cast %slice3A_54 : vector<1x1024xf32> to vector<1024xf32>
    %broadcast_in_dim3A_56 = vector.shape_cast %squeeze3A_55 : vector<1024xf32> to vector<1024x1xf32>
    %mul3A_57 = vector.broadcast %broadcast_in_dim3A_56 : vector<1024x1xf32> to vector<1024x128xf32>
    %mul3A_58 = arith.mulf %squeeze3A_53, %mul3A_57 : vector<1024x128xf32>
    %get3A_59 = arith.constant 2 : index
    %get3A_60 = arith.constant 0 : index
    %get3A_61 = arith.constant 0 : index
    %get3A_62 = vector.load %arg3[%get3A_59, %get3A_60, %get3A_61] : memref<3x128x128xf32, #tpu.memory_space<vmem>>, vector<1x128x128xf32>
    %get3A_63 = vector.shape_cast %get3A_62 : vector<1x128x128xf32> to vector<128x128xf32>
    %dot_general3A_64 = arith.constant dense<0.000000e+00> : vector<1024x128xf32>
    %dot_general3A_65 = tpu.matmul %mul3A_58, %get3A_63, %dot_general3A_64 {dimension_numbers = #tpu.dot_dimension_numbers<[1], [0], [0], [1], [0, 0, 1, 1], [], []>, transpose_lhs_hint = false} : vector<1024x128xf32>, vector<128x128xf32>, vector<1024x128xf32> -> vector<1024x128xf32>
    %add3A_66 = arith.addf %add3A_51, %dot_general3A_65 : vector<1024x128xf32>
    %get3A_67 = arith.constant 2 : index
    %get3A_68 = arith.constant 0 : index
    %get3A_69 = vector.load %arg4[%get3A_67, %get3A_68] : memref<3x128xf32, #tpu.memory_space<vmem>>, vector<1x128xf32>
    %get3A_70 = vector.shape_cast %get3A_69 : vector<1x128xf32> to vector<128xf32>
    %broadcast_in_dim3A_71 = vector.shape_cast %get3A_70 : vector<128xf32> to vector<1x128xf32>
    %add3A_72 = vector.broadcast %broadcast_in_dim3A_71 : vector<1x128xf32> to vector<1024x128xf32>
    %add3A_73 = arith.addf %add3A_66, %add3A_72 : vector<1024x128xf32>
    %swap3A = arith.constant 0 : index
    %swap3A_74 = arith.constant 0 : index
    %swap3A_75 = vector.load %arg5[%swap3A, %swap3A_74] : memref<1024x128xf32, #tpu.memory_space<vmem>>, vector<1024x128xf32>
    tpu.vector_store %arg5[%swap3A, %swap3A_74], %add3A_73 {strides = array<i32>} : memref<1024x128xf32, #tpu.memory_space<vmem>>, vector<1024x128xf32>,
    return
  }
  func.func @transform_0(%arg0: i32) -> (i32, i32, i32, i32) {
    %c0_i32 = arith.constant 0 : i32
    %c0_i32_0 = arith.constant 0 : i32
    %c0_i32_1 = arith.constant 0 : i32
    %c0_i32_2 = arith.constant 0 : i32
    return %c0_i32, %c0_i32_0, %arg0, %c0_i32_1 : i32, i32, i32, i32
  }
  func.func @transform_1(%arg0: i32) -> (i32, i32) {
    %c0_i32 = arith.constant 0 : i32
    %c0_i32_0 = arith.constant 0 : i32
    return %c0_i32, %arg0 : i32, i32
  }
  func.func @transform_2(%arg0: i32) -> (i32, i32, i32) {
    %c0_i32 = arith.constant 0 : i32
    %c0_i32_0 = arith.constant 0 : i32
    %c0_i32_1 = arith.constant 0 : i32
    %c0_i32_2 = arith.constant 0 : i32
    return %c0_i32, %c0_i32_0, %c0_i32_1 : i32, i32, i32
  }
  func.func @transform_3(%arg0: i32) -> (i32, i32) {
    %c0_i32 = arith.constant 0 : i32
    %c0_i32_0 = arith.constant 0 : i32
    %c0_i32_1 = arith.constant 0 : i32
    return %c0_i32, %c0_i32_0 : i32, i32
  }
  func.func @transform_4(%arg0: i32) -> (i32, i32) {
    %c0_i32 = arith.constant 0 : i32
    %c0_i32_0 = arith.constant 0 : i32
    return %arg0, %c0_i32 : i32, i32
  }
}

</mosaic_0001>

<sc_bundles>
// kernel: kernel.6.cloned.1.call-start
scs
__scs_entry_jumppad:
0x0: {  	(pc) =	sbr.rel $0x88, $3  }
0x1: {  	(tag) =	ssettag $0x0;
	lr =	simm.s32 $0x1  }
0x2: {  	[smem:$0x3F91] =	sst lr;
	_ =	strace $0xD0000000  }
0x3: {  	_ = 	snop  }
0x4: {  	_ = 	snop  }
0x5: {  	_ = 	snop  }
0x6: {  	_ = 	snop  }
0x7: {  	_ = 	snop  }
__scs_overlays_trampoline_lowered:
0x8: {  	[smem:$0x3FA0] =	sst s0  }
0x9: {  	[smem:$0x3FA1] =	sst s1  }
0xa: {  	[smem:$0x3FA2] =	sst s2  }
0xb: {  	[smem:$0x3FA3] =	sst s3  }
0xc: {  	[smem:$0x3FA4] =	sst s4  }
0xd: {  	[smem:$0x3FA5] =	sst s5  }
0xe: {  	[smem:$0x3FA6] =	sst s6  }
0xf: {  	[smem:$0x3FA7] =	sst s7  }
0x10: {  	[smem:$0x3FA8] =	sst s8  }
0x11: {  	[smem:$0x3FA9] =	sst s9;
	s0 =	simm.s32 @!p0 $0x0  }
0x12: {  	s1 =	sld [smem:$0x3F8F];
	s0 =	simm.s32 @p0 $0x1  }
0x13: {  	[smem:$0x3FAA] =	sst s0;
	s0 =	simm.s32 @!p1 $0x0  }
0x14: {  	s2 =	sld [smem:$0x3F8E];
	s0 =	simm.s32 @p1 $0x1  }
0x15: {  	[smem:$0x3FAB] =	sst s0;
	s0 =	simm.s32 @!p2 $0x0  }
0x16: {  	s3 =	sld [smem:$0x3FDB];
	s0 =	simm.s32 @p2 $0x1  }
0x17: {  	s4 =	simm.s32 $0x1BF5;
	[smem:$0x3FAD] =	sst s0  }
0x18: {  	s0 =	sld [smem:$0x3F90];
	_ =	swait.ge [sflag:s4], $0x0  }
0x19: {  	s7 =	sld [smem:$0x3F91]  }
0x1a: {  	s8 =	sadd.s32 $0xFFFFE003, lr  }
0x1b: {  	s9 =	sadd.s32 $0xFFFFFEF7, lr;
	s5 =	simm.s32 $0xFFFFFFFF;
	p2 =	slt.u32 s8, $0xFFFFF086  }
0x1c: {  	p1 =	slt.u32 s9, $0xF7A;
	s5 =	simm.s32 @!p2 $0x0  }
0x1d: {  	s5 =	simm.s32 @p1 $0x1;
	p0 =	seq.s32 s7, s2  }
0x1e: {  	s7 =	smul.u32 @!p0 $0xF7A, s2;
	p2 =	seq.s32 @!p0 s5, $0x0  }
0x1f: {  	s9 =	smul.u32 $0xF7A, s1;
	s8 =	simm.s32 @!p0 $0x1BF5;
	p2 =	por !p2, p0  }
0x20: {  	[sflag:s8] =	ssyncset.s32 @!p0 $0xFFFFF086;
	s6 =	sadd.s32 @!p0 s3, s7;
	s7 =	simm.s32 @!p0 $0x108  }
0x21: {  	s3 =	sadd.s32 s3, s9;
	s6 =	sadd.s32 @!p0 $0x88, s6;
	s7 =	simm.s32 @p2 $0x1082  }
0x22: {  	[simem:s7], [sflag:s8] =	dma.local @!p0 [hbm:s6], $0xF7A  }
0x23: {  	s9 =	sor.u32 $0xD0000000, s2;
	s6 =	simm.s32 $0x108;
	_ =	swait.ge @!p0 [sflag:s8], $0x0  }
0x24: {  	s3 =	sadd.s32 $0x88, s3;
	s6 =	simm.s32 @!p1 $0x1082;
	[sflag:s4] =	ssyncset.s32 $0xFFFFF086  }
0x25: {  	[simem:s6], [sflag:s4] =	dma.local [hbm:s3], $0xF7A  }
0x26: {  	[smem:$0x3F91] =	sst s1;
	(tag) =	ssettag s2;
	_ =	strace s9  }
0x27: {  	s1 =	sld [smem:$0x3FA1]  }
0x28: {  	s2 =	sld [smem:$0x3FA2]  }
0x29: {  	s4 =	sld [smem:$0x3FA4]  }
0x2a: {  	p0 =	seq.s32 s5, $0x0;
	s5 =	sld [smem:$0x3FA5]  }
0x2b: {  	s6 =	sld [smem:$0x3FA6]  }
0x2c: {  	s7 =	sld [smem:$0x3FA7]  }
0x2d: {  	s3 =	simm.s32 $0x108;
	s8 =	sld [smem:$0x3FA8]  }
0x2e: {  	s3 =	simm.s32 @!p0 $0x1082;
	s9 =	sld [smem:$0x3FA9]  }
0x2f: {  	lr =	sadd.s32 s0, s3;
	s0 =	sld [smem:$0x3FA0]  }
0x30: {  	s3 =	sld [smem:$0x3FA3]  }
0x31: {  	[smem:$0x3FAC] =	sst s10  }
0x32: {  	s10 =	sld [smem:$0x3FAA];
	_ =	sdelay $0x3  }
0x33: {  	p0 =	seq.s32 s10, $0x1;
	s10 =	sld [smem:$0x3FAC];
	_ =	sdelay $0x3  }
0x34: {  	[smem:$0x3FAC] =	sst s10  }
0x35: {  	s10 =	sld [smem:$0x3FAB];
	_ =	sdelay $0x3  }
0x36: {  	p1 =	seq.s32 s10, $0x1;
	s10 =	sld [smem:$0x3FAC];
	_ =	sdelay $0x3  }
0x37: {  	[smem:$0x3FAC] =	sst s10  }
0x38: {  	s10 =	sld [smem:$0x3FAD]  }
0x39: {  	_ = 	snop;
	(pc) =	sbr.ind lr, $3  }
0x3a: {  	_ = 	snop  }
0x3b: {  	_ = 	snop  }
0x3c: {  	p2 =	seq.s32 s10, $0x1;
	s10 =	sld [smem:$0x3FAC]  }
0x3d: {  	_ =	shalt  }
0x3e: {  	_ =	shalt  }
0x3f: {  	_ =	shalt  }
0x40: {  	_ =	shalt  }
0x41: {  	_ =	shalt  }
0x42: {  	_ =	shalt  }
0x43: {  	_ =	shalt  }
0x44: {  	_ =	shalt  }
0x45: {  	_ =	shalt  }
0x46: {  	_ =	shalt  }
0x47: {  	_ =	shalt  }
0x48: {  	_ =	shalt  }
0x49: {  	_ =	shalt  }
0x4a: {  	_ =	shalt  }
0x4b: {  	_ =	shalt  }
0x4c: {  	_ =	shalt  }
0x4d: {  	_ =	shalt  }
0x4e: {  	_ =	shalt  }
0x4f: {  	_ =	shalt  }
0x50: {  	_ =	shalt  }
0x51: {  	_ =	shalt  }
0x52: {  	_ =	shalt  }
0x53: {  	_ =	shalt  }
0x54: {  	_ =	shalt  }
0x55: {  	_ =	shalt  }
0x56: {  	_ =	shalt  }
0x57: {  	_ =	shalt  }
0x58: {  	_ =	shalt  }
0x59: {  	_ =	shalt  }
0x5a: {  	_ =	shalt  }
0x5b: {  	_ =	shalt  }
0x5c: {  	_ =	shalt  }
0x5d: {  	_ =	shalt  }
0x5e: {  	_ =	shalt  }
0x5f: {  	_ =	shalt  }
0x60: {  	_ =	shalt  }
0x61: {  	_ =	shalt  }
0x62: {  	_ =	shalt  }
0x63: {  	_ =	shalt  }
0x64: {  	_ =	shalt  }
0x65: {  	_ =	shalt  }
0x66: {  	_ =	shalt  }
0x67: {  	_ =	shalt  }
0x68: {  	_ =	shalt  }
0x69: {  	_ =	shalt  }
0x6a: {  	_ =	shalt  }
0x6b: {  	_ =	shalt  }
0x6c: {  	_ =	shalt  }
0x6d: {  	_ =	shalt  }
0x6e: {  	_ =	shalt  }
0x6f: {  	_ =	shalt  }
0x70: {  	_ =	shalt  }
0x71: {  	_ =	shalt  }
0x72: {  	_ =	shalt  }
0x73: {  	_ =	shalt  }
0x74: {  	_ =	shalt  }
0x75: {  	_ =	shalt  }
0x76: {  	_ =	shalt  }
0x77: {  	_ =	shalt  }
0x78: {  	_ =	shalt  }
0x79: {  	_ =	shalt  }
0x7a: {  	_ =	shalt  }
0x7b: {  	_ =	shalt  }
0x7c: {  	_ =	shalt  }
0x7d: {  	_ =	shalt  }
0x7e: {  	_ =	shalt  }
0x7f: {  	_ =	shalt  }
0x80: {  	_ =	shalt  }
0x81: {  	_ =	shalt  }
0x82: {  	_ =	shalt  }
0x83: {  	_ =	shalt  }
0x84: {  	_ =	shalt  }
0x85: {  	_ =	shalt  }
0x86: {  	_ =	shalt  }
0x87: {  	_ =	shalt  }
.Lfunc_end0:
.L_simem_size_0:
called_computation_lowered:
.L_overlay_start_0:
0x88: {  	s2 =	sld [smem:$0x3FD9]  }
0x89: {  	s3 =	sld [smem:$0x3FFE];
	_ =	sdelay $0x1  }
0x8a: {  	s1 =	srdreg.scid  }
0x8b: {  	s0 =	sand.u32 $0x1, s1  }
0x8c: {  	s16 =	sshll.u32 s0, $0xA;
	s2 =	sadd.s32 s3, s2  }
0x8d: {  	s2 =	sadd.s32 s2, s16  }
0x8e: {  	[smem:$0x3FB8] =	sst s2  }
0x8f: {  	_ = 	snop  }
0x90: {  	(tm) =	ssettm $0x1  }
0x91: {  	s17 =	sld [smem:$0x3FFB];
	_ =	sdelay $0x3  }
0x92: {  	_ =	strace s17  }
0x93: {  	s2 =	sld [smem:$0x3FFC];
	_ =	sdelay $0x3  }
0x94: {  	_ =	strace s2  }
0x95: {  	s2 =	sld [smem:$0x3FFD];
	_ =	sdelay $0x3  }
0x96: {  	_ =	strace s2  }
0x97: {  	_ =	strace $0x8FFFFFFF  }
0x98: {  	s18 =	sld [smem:$0x3FDB];
	_ =	sdelay $0x1  }
0x99: {  	s19 =	simm.s32 $_scs_section_size  }
0x9a: {  	s4 =	simm.s32 $_size__tile_overlayer_lowered;
	s5 =	simm.s32 $_tile_overlayer_lowered  }
0x9b: {  	s22 =	simm.s32 $0x1BFF;
	s21 =	sshll.u32 s5, $0x1;
	s2 =	sadd.s32 s19, s18  }
0x9c: {  	s6 =	simm.s32 $0x0;
	s20 =	sshll.u32 s4, $0x1;
	s4 =	sadd.s32 s21, s2  }
0x9d: {  	[timem:s6], [sflag:s22] =	dma.local [hbm:s4], s20  }
0x9e: {  	_ =	swait.ge [sflag:s22], s20  }
0x9f: {  	s3 =	ssub.s32 $0x0, s20;
	[sflag:s22] =	ssyncset.done $0x0  }
0xa0: {  	[sflag:s22] =	ssyncadd.s32 s3;
	_ =	sdelay $0x1  }
0xa1: {  	s23 =	simm.s32 $0x1B8B  }
0xa2: {  	_ =	swait.ge [sflag:s23], $0x1  }
0xa3: {  	[sflag:s23] =	ssyncset.done $0x0  }
0xa4: {  	s25 =	simm.s32 $0x1B8E;
	s24 =	sld [smem:$0x3FFE];
	[sflag:s23] =	ssyncadd.s32 $0xFFFFFFFF  }
0xa5: {  	s26 =	simm.s32 $execute0_lowered;
	[smem:$0x3FD2] =	sst s25  }
0xa6: {  	s4 =	sshll.u32 s26, $0x1;
	_ =	strace $0x80000046;
	[dreg:$0x1] =	wrdreg $0xFFFFFFFF  }
0xa7: {  	s28 =	simm.s32 $_size_execute0_lowered;
	s2 =	sadd.s32 s2, s4;
	[dreg:$0x0] =	wrdreg $0x0  }
0xa8: {  	s4 =	sshll.u32 s28, $0x1;
	[dreg:$0x2] =	wrdreg s2  }
0xa9: {  	[dreg:$0x3] =	wrdreg s4  }
0xaa: {  	[dreg:$0x4] =	wrdreg $0xC0  }
0xab: {  	_ =	task [dreg:s6], $0x5FFFF  }
0xac: {  	[dreg:$0x1] =	wrdreg $0xFFFFFFFF  }
0xad: {  	[dreg:$0x0] =	wrdreg $0x60  }
0xae: {  	[dreg:$0x2] =	wrdreg s24  }
0xaf: {  	[dreg:$0x3] =	wrdreg $0x71000  }
0xb0: {  	[dreg:$0x4] =	wrdreg $0x9  }
0xb1: {  	_ =	task.clear_ibuf [dreg:s6], $0x5FFFF;
	_ =	strace $0x90000046  }
0xb2: {  	s29 =	simm.s32 $0x9;
	_ =	strace $0x80000048  }
0xb3: {  	_ =	swait.ge [sflag:s29], $0x1  }
0xb4: {  	[sflag:s29] =	ssyncadd.s32 $0xFFFFFFFF  }
0xb5: {  	_ =	strace $0x90000048  }
0xb6: {  	_ =	sfence  }
0xb7: {  	s30 =	sld [smem:$0x0];
	_ =	sdelay $0x2  }
0xb8: {  	s31 =	sshll.u32 s1, $0xD;
	s1 =	sshrl.u32 s1, $0x2  }
0xb9: {  	s3 =	sand.u32 $0x4000, s31;
	s1 =	sadd.s32 s1, s30  }
0xba: {  	s0 =	sor.u32 s3, s0;
	s1 =	sshll.u32 s1, $0x11  }
0xbb: {  	s0 =	sor.u32 s1, s0  }
0xbc: {  	s0 =	sadd.s32 $0x8F2B, s0  }
0xbd: {  	[sflag:s0] =	ssyncadd.remote.s32 $0x1  }
0xbe: {  	_ =	sfence.sel $0xFFFF  }
0xbf: {  	[dreg:$0x0] =	wrdreg $0xFFFFFFFF;
	(pc) =	sbr.abs _section_cstart, $3  }
0xc0: {  	[dreg:$0x1] =	wrdreg $0xFFFFFFFF  }
0xc1: {  	_ =	task.clear_ibuf [dreg:s6], $0x2FFFF;
	_ =	strace $0x9FFFFFFF  }
0xc2: {  	(tm) =	ssettm $0x7FFFFFFF  }
0xc3: {  	_ =	shalt  }
tec
execute0_lowered:
.L_overlay_start_1:
0x0: {  	(tag) =	ssettag $0x1  }
0x1: {  	s1 =	srdreg.scid;
	s18 =	rddreg [dreg:$0x0]  }
0x2: {  	s0 =	stileid.u32;
	s2 =	rddreg [dreg:$0x1];
	s3 =	simm.s32 $0x0  }
0x3: {  	s22 =	simm.s32 $0x2;
	s23 =	simm.s32 $0x80;
	s24 =	simm.s32 $0x1  }
0x4: {  	s5 =	sand.u32 $0x1, s1;
	s6 =	smul.u32 $0x16800, s0;
	s1 =	rddreg [dreg:$0x2]  }
0x5: {  	[smem:$0x7FF] =	sst s3;
	s17 =	sadd.s32 $0xF600, s18;
	s10 =	smul.u32 $0x5A000, s0  }
0x6: {  	s4 =	smul.u32 $0x438000, s5;
	_ =	strace $0x80000047;
	s29 =	ssub.s32 $0x2, s5  }
0x7: {  	s9 =	sshll.u32 s5, $0x4;
	p0 =	seq.s32 s5, $0x0;
	s5 =	simm.s32 $0x29  }
0x8: {  	s8 =	sshrl.u32 s29, $0x1;
	s30 =	sor.u32 s0, s9;
	s31 =	sshrl.u32 s10, $0x2  }
0x9: {  	s5 =	simm.s32 @!p0 $0xC;
	s7 =	sadd.s32 s6, s4;
	s4 =	sadd.s32 $0x1EC00, s18  }
0xa: {  	s20 =	ssub.s32 s29, s8;
	s9 =	smul.u32 $0x1480, s30;
	s10 =	sadd.s32 s31, s2  }
0xb: {  	s6 =	sadd.s32 s6, s2;
	s7 =	sshrl.u32 s7, $0x3;
	s8 =	sadd.s32 $0x9000, s10  }
0xc: {  	s20 =	smax.u32 s20, $0x1;
	s19 =	sadd.s32 s7, s18;
	s7 =	sadd.s32 $0x4800, s10  }
0xd: {  	s16 =	sshrl.u32 s9, $0x3;
	s9 =	sadd.s32 $0xD800, s10;
	s10 =	sadd.s32 $0x12000, s10  }
0xe: {  	s11 =	sadd.s32 s17, s16;
	s12 =	sadd.s32 s18, s16;
	s13 =	sadd.s32 $0x4BC00, s19  }
0xf: {  	s15 =	sadd.s32 $0x5200, s16;
	s21 =	sadd.s32 $0xA400, s16;
	s16 =	sadd.s32 $0x78C00, s19  }
0x10: {  	s19 =	sadd.s32 $0xA5C00, s19;
	s14 =	sadd.s32 s17, s15;
	s15 =	sadd.s32 s18, s15  }
0x11: {  	v0 =	vimm.f32 $0.0e+00;
	s17 =	sadd.s32 s17, s21;
	s18 =	sadd.s32 s18, s21;
	s21 =	simm.s32 $0x2900  }
.LBB2_1:
0x12: {  	s25 =	simm.s32 $0x0;
	s26 =	simm.s32 $0x240  }
.LBB2_2:
0x13: {  	p0 =	sne.s32 s26, $0x11DC0;
	[tilespmem:s25+$0x2980] =	vst v0  }
0x14: {  	[tilespmem:s25+$0x2900] =	vst v0  }
0x15: {  	[tilespmem:s25+$0x2910] =	vst v0  }
0x16: {  	[tilespmem:s25+$0x2920] =	vst v0  }
.Ltmp0:
0x17: {  	[tilespmem:s25+$0x2930] =	vst v0;
	(pc) =	sbr.rel @p0 .LBB2_2-.Ltmp0, $4  }
0x18: {  	[tilespmem:s25+$0x2940] =	vst v0  }
0x19: {  	[tilespmem:s25+$0x2950] =	vst v0  }
0x1a: {  	[tilespmem:s25+$0x2960] =	vst v0  }
0x1b: {  	[tilespmem:s25+$0x2970] =	vst v0;
	s25 =	sshra.s32 s26, $0x2;
	s26 =	sadd.s32 $0x240, s26  }
0x1c: {  	[tilespmem:s25+$0x2980] =	vst v0  }
0x1d: {  	[tilespmem:s25+$0x2900] =	vst v0  }
0x1e: {  	[tilespmem:s25+$0x2910] =	vst v0  }
0x1f: {  	[tilespmem:s25+$0x2920] =	vst v0  }
0x20: {  	[tilespmem:s25+$0x2930] =	vst v0  }
0x21: {  	[tilespmem:s25+$0x2940] =	vst v0  }
0x22: {  	[tilespmem:s25+$0x2950] =	vst v0  }
0x23: {  	[tilespmem:s25+$0x2960] =	vst v0  }
0x24: {  	[tilespmem:s25+$0x2970] =	vst v0  }
0x25: {  	[spmem:s6] =	stream.linear.scatter [tilespmem:s21], [sflag:$0x2], $0x4800, $0x38;
	[tilespmem:$0x1D900] =	vst v63  }
0x26: {  	_ =	swait.ge [sflag:s22], $0x4800  }
0x27: {  	[sflag:s22] =	ssyncset.done $0x0  }
0x28: {  	[sflag:s22] =	ssyncadd.s32 $0xFFFFB800  }
0x29: {  	[spmem:s7] =	stream.linear.scatter [tilespmem:s21], [sflag:$0x2], $0x4800, $0x38;
	[tilespmem:$0x1D900] =	vst v63  }
0x2a: {  	_ =	swait.ge [sflag:s22], $0x4800  }
0x2b: {  	[sflag:s22] =	ssyncset.done $0x0  }
0x2c: {  	[sflag:s22] =	ssyncadd.s32 $0xFFFFB800  }
0x2d: {  	[spmem:s8] =	stream.linear.scatter [tilespmem:s21], [sflag:$0x2], $0x4800, $0x38;
	[tilespmem:$0x1D900] =	vst v63  }
0x2e: {  	_ =	swait.ge [sflag:s22], $0x4800  }
0x2f: {  	[sflag:s22] =	ssyncset.done $0x0  }
0x30: {  	[sflag:s22] =	ssyncadd.s32 $0xFFFFB800  }
0x31: {  	[spmem:s9] =	stream.linear.scatter [tilespmem:s21], [sflag:$0x2], $0x4800, $0x38;
	[tilespmem:$0x1D900] =	vst v63  }
0x32: {  	_ =	swait.ge [sflag:s22], $0x4800  }
0x33: {  	[sflag:s22] =	ssyncset.done $0x0  }
0x34: {  	[sflag:s22] =	ssyncadd.s32 $0xFFFFB800  }
0x35: {  	[spmem:s10] =	stream.linear.scatter [tilespmem:s21], [sflag:$0x2], $0x4800, $0x38;
	[tilespmem:$0x1D900] =	vst v63  }
0x36: {  	_ =	swait.ge [sflag:s22], $0x4800  }
0x37: {  	[sflag:s22] =	ssyncset.done $0x0  }
0x38: {  	s25 =	simm.s32 $0x0;
	[sflag:s22] =	ssyncadd.s32 $0xFFFFB800  }
0x39: {  	[tilespmem:s25], [sflag:$0x2] =	stream.linear.gather [hbm4b:s11+s25], $0x1480, $0x38;
	[tilespmem:$0x1D900] =	vst v63  }
0x3a: {  	_ =	swait.ge [sflag:s22], $0x1480  }
0x3b: {  	[sflag:s22] =	ssyncset.done $0x0  }
0x3c: {  	s26 =	simm.s32 $0x1480;
	[sflag:s22] =	ssyncadd.s32 $0xFFFFEB80  }
0x3d: {  	[tilespmem:s26], [sflag:$0x2] =	stream.linear.gather [hbm4b:s12+s25], $0x1480, $0x38;
	[tilespmem:$0x1D900] =	vst v63  }
0x3e: {  	_ =	swait.ge [sflag:s22], $0x1480  }
0x3f: {  	[sflag:s22] =	ssyncset.done $0x0  }
0x40: {  	[sflag:s22] =	ssyncadd.s32 $0xFFFFEB80  }
0x41: {  	[bflag:$0x0] =	sbarrier.arrive $0xFFFF  }
0x42: {  	[tilespmem:s21], [sflag:$0x1] =	stream.indirect.gather [hbm4b:s4+s23], $0x90, s25, s23, $0xb8;
	[tilespmem:$0x1D900] =	vst v63  }
0x43: {  	p0 =	sne.s32 s5, $0x1;
	_ =	swait.ge [sflag:s24], $0x4800  }
.Ltmp1:
0x44: {  	[sflag:s24] =	ssyncset.done $0x0;
	(pc) =	sbr.rel @!p0 .LBB2_5-.Ltmp1, $4  }
0x45: {  	[sflag:s24] =	ssyncadd.s32 $0xFFFFB800  }
0x46: {  	[spmem:s2] =	stream.indirect.scatter.add.f32 [tilespmem:s21], [sflag:$0x2], $0x90, s26, s23, $0xb8;
	[tilespmem:$0x1D900] =	vst v63  }
0x47: {  	_ =	swait.ge [sflag:s22], $0x4800  }
0x48: {  	s28 =	sadd.s32 $0xFFFFFFFF, s5;
	[sflag:s22] =	ssyncset.done $0x0  }
.LBB2_4:
0x49: {  	[sflag:s22] =	ssyncadd.s32 $0xFFFFB800;
	s25 =	sadd.s32 $0x80, s25;
	s26 =	sadd.s32 $0x80, s26  }
0x4a: {  	[tilespmem:s21], [sflag:$0x1] =	stream.indirect.gather [hbm4b:s4+s23], $0x90, s25, s23, $0xb8;
	[tilespmem:$0x1D900] =	vst v63  }
0x4b: {  	p1 =	sne.s32 s28, $0x1;
	s28 =	sadd.s32 $0xFFFFFFFF, s28;
	_ =	swait.ge [sflag:s24], $0x4800  }
.Ltmp2:
0x4c: {  	[sflag:s24] =	ssyncset.done $0x0;
	(pc) =	sbr.rel @p1 .LBB2_4-.Ltmp2, $4  }
0x4d: {  	[sflag:s24] =	ssyncadd.s32 $0xFFFFB800  }
0x4e: {  	[spmem:s2] =	stream.indirect.scatter.add.f32 [tilespmem:s21], [sflag:$0x2], $0x90, s26, s23, $0xb8;
	[tilespmem:$0x1D900] =	vst v63  }
0x4f: {  	_ =	swait.ge [sflag:s22], $0x4800  }
0x50: {  	[sflag:s22] =	ssyncset.done $0x0  }
.LBB2_5:
0x51: {  	[sflag:s22] =	ssyncadd.s32 $0xFFFFB800;
	s25 =	sshll.u32 s0, $0x6  }
0x52: {  	s26 =	sshrl.u32 s6, $0x3;
	[bflag:$0x0] =	sbarrier.arrive $0xFFFF;
	s25 =	sor.u32 $0x1C02, s25  }
0x53: {  	[hbm:s13], [sflag:s25] =	dma.local [spmem:s26], $0x2D00  }
0x54: {  	_ =	swait.ge [sflag:s22], $0x2D00  }
0x55: {  	[sflag:s22] =	ssyncset.done $0x0  }
0x56: {  	s28 =	simm.s32 $0x0;
	s29 =	simm.s32 $0x240;
	[sflag:s22] =	ssyncadd.s32 $0xFFFFD300  }
.LBB2_6:
0x57: {  	p1 =	sne.s32 s29, $0x11DC0;
	[tilespmem:s28+$0x2980] =	vst v0  }
0x58: {  	[tilespmem:s28+$0x2900] =	vst v0  }
0x59: {  	[tilespmem:s28+$0x2910] =	vst v0  }
0x5a: {  	[tilespmem:s28+$0x2920] =	vst v0  }
.Ltmp3:
0x5b: {  	[tilespmem:s28+$0x2930] =	vst v0;
	(pc) =	sbr.rel @p1 .LBB2_6-.Ltmp3, $4  }
0x5c: {  	[tilespmem:s28+$0x2940] =	vst v0  }
0x5d: {  	[tilespmem:s28+$0x2950] =	vst v0  }
0x5e: {  	[tilespmem:s28+$0x2960] =	vst v0  }
0x5f: {  	[tilespmem:s28+$0x2970] =	vst v0;
	s28 =	sshra.s32 s29, $0x2;
	s29 =	sadd.s32 $0x240, s29  }
0x60: {  	[tilespmem:s28+$0x2980] =	vst v0  }
0x61: {  	[tilespmem:s28+$0x2900] =	vst v0  }
0x62: {  	[tilespmem:s28+$0x2910] =	vst v0  }
0x63: {  	[tilespmem:s28+$0x2920] =	vst v0  }
0x64: {  	[tilespmem:s28+$0x2930] =	vst v0  }
0x65: {  	[tilespmem:s28+$0x2940] =	vst v0  }
0x66: {  	[tilespmem:s28+$0x2950] =	vst v0  }
0x67: {  	[tilespmem:s28+$0x2960] =	vst v0  }
0x68: {  	[tilespmem:s28+$0x2970] =	vst v0  }
0x69: {  	[spmem:s6] =	stream.linear.scatter [tilespmem:s21], [sflag:$0x2], $0x4800, $0x38;
	[tilespmem:$0x1D900] =	vst v63  }
0x6a: {  	_ =	swait.ge [sflag:s22], $0x4800  }
0x6b: {  	[sflag:s22] =	ssyncset.done $0x0  }
0x6c: {  	[sflag:s22] =	ssyncadd.s32 $0xFFFFB800  }
0x6d: {  	[spmem:s7] =	stream.linear.scatter [tilespmem:s21], [sflag:$0x2], $0x4800, $0x38;
	[tilespmem:$0x1D900] =	vst v63  }
0x6e: {  	_ =	swait.ge [sflag:s22], $0x4800  }
0x6f: {  	[sflag:s22] =	ssyncset.done $0x0  }
0x70: {  	[sflag:s22] =	ssyncadd.s32 $0xFFFFB800  }
0x71: {  	[spmem:s8] =	stream.linear.scatter [tilespmem:s21], [sflag:$0x2], $0x4800, $0x38;
	[tilespmem:$0x1D900] =	vst v63  }
0x72: {  	_ =	swait.ge [sflag:s22], $0x4800  }
0x73: {  	[sflag:s22] =	ssyncset.done $0x0  }
0x74: {  	[sflag:s22] =	ssyncadd.s32 $0xFFFFB800  }
0x75: {  	[spmem:s9] =	stream.linear.scatter [tilespmem:s21], [sflag:$0x2], $0x4800, $0x38;
	[tilespmem:$0x1D900] =	vst v63  }
0x76: {  	_ =	swait.ge [sflag:s22], $0x4800  }
0x77: {  	[sflag:s22] =	ssyncset.done $0x0  }
0x78: {  	[sflag:s22] =	ssyncadd.s32 $0xFFFFB800  }
0x79: {  	[spmem:s10] =	stream.linear.scatter [tilespmem:s21], [sflag:$0x2], $0x4800, $0x38;
	[tilespmem:$0x1D900] =	vst v63  }
0x7a: {  	_ =	swait.ge [sflag:s22], $0x4800  }
0x7b: {  	[sflag:s22] =	ssyncset.done $0x0  }
0x7c: {  	s28 =	simm.s32 $0x0;
	[sflag:s22] =	ssyncadd.s32 $0xFFFFB800  }
0x7d: {  	[tilespmem:s28], [sflag:$0x2] =	stream.linear.gather [hbm4b:s14+s28], $0x1480, $0x38;
	[tilespmem:$0x1D900] =	vst v63  }
0x7e: {  	_ =	swait.ge [sflag:s22], $0x1480  }
0x7f: {  	[sflag:s22] =	ssyncset.done $0x0  }
0x80: {  	s29 =	simm.s32 $0x1480;
	[sflag:s22] =	ssyncadd.s32 $0xFFFFEB80  }
0x81: {  	[tilespmem:s29], [sflag:$0x2] =	stream.linear.gather [hbm4b:s15+s28], $0x1480, $0x38;
	[tilespmem:$0x1D900] =	vst v63  }
0x82: {  	_ =	swait.ge [sflag:s22], $0x1480  }
0x83: {  	[sflag:s22] =	ssyncset.done $0x0  }
0x84: {  	[sflag:s22] =	ssyncadd.s32 $0xFFFFEB80  }
0x85: {  	[bflag:$0x0] =	sbarrier.arrive $0xFFFF  }
0x86: {  	[tilespmem:s21], [sflag:$0x1] =	stream.indirect.gather [hbm4b:s4+s23], $0x90, s28, s23, $0xb8;
	[tilespmem:$0x1D900] =	vst v63  }
0x87: {  	_ =	swait.ge [sflag:s24], $0x4800  }
.Ltmp4:
0x88: {  	[sflag:s24] =	ssyncset.done $0x0;
	(pc) =	sbr.rel @!p0 .LBB2_9-.Ltmp4, $4  }
0x89: {  	[sflag:s24] =	ssyncadd.s32 $0xFFFFB800  }
0x8a: {  	[spmem:s2] =	stream.indirect.scatter.add.f32 [tilespmem:s21], [sflag:$0x2], $0x90, s29, s23, $0xb8;
	[tilespmem:$0x1D900] =	vst v63  }
0x8b: {  	_ =	swait.ge [sflag:s22], $0x4800  }
0x8c: {  	s30 =	sadd.s32 $0xFFFFFFFF, s5;
	[sflag:s22] =	ssyncset.done $0x0  }
.LBB2_8:
0x8d: {  	[sflag:s22] =	ssyncadd.s32 $0xFFFFB800;
	s28 =	sadd.s32 $0x80, s28;
	s29 =	sadd.s32 $0x80, s29  }
0x8e: {  	[tilespmem:s21], [sflag:$0x1] =	stream.indirect.gather [hbm4b:s4+s23], $0x90, s28, s23, $0xb8;
	[tilespmem:$0x1D900] =	vst v63  }
0x8f: {  	p1 =	sne.s32 s30, $0x1;
	s30 =	sadd.s32 $0xFFFFFFFF, s30;
	_ =	swait.ge [sflag:s24], $0x4800  }
.Ltmp5:
0x90: {  	[sflag:s24] =	ssyncset.done $0x0;
	(pc) =	sbr.rel @p1 .LBB2_8-.Ltmp5, $4  }
0x91: {  	[sflag:s24] =	ssyncadd.s32 $0xFFFFB800  }
0x92: {  	[spmem:s2] =	stream.indirect.scatter.add.f32 [tilespmem:s21], [sflag:$0x2], $0x90, s29, s23, $0xb8;
	[tilespmem:$0x1D900] =	vst v63  }
0x93: {  	_ =	swait.ge [sflag:s22], $0x4800  }
0x94: {  	[sflag:s22] =	ssyncset.done $0x0  }
.LBB2_9:
0x95: {  	[sflag:s22] =	ssyncadd.s32 $0xFFFFB800  }
0x96: {  	[bflag:$0x0] =	sbarrier.arrive $0xFFFF  }
0x97: {  	[hbm:s16], [sflag:s25] =	dma.local [spmem:s26], $0x2D00  }
0x98: {  	_ =	swait.ge [sflag:s22], $0x2D00  }
0x99: {  	[sflag:s22] =	ssyncset.done $0x0  }
0x9a: {  	s28 =	simm.s32 $0x0;
	s29 =	simm.s32 $0x240;
	[sflag:s22] =	ssyncadd.s32 $0xFFFFD300  }
.LBB2_10:
0x9b: {  	p1 =	sne.s32 s29, $0x11DC0;
	[tilespmem:s28+$0x2980] =	vst v0  }
0x9c: {  	[tilespmem:s28+$0x2900] =	vst v0  }
0x9d: {  	[tilespmem:s28+$0x2910] =	vst v0  }
0x9e: {  	[tilespmem:s28+$0x2920] =	vst v0  }
.Ltmp6:
0x9f: {  	[tilespmem:s28+$0x2930] =	vst v0;
	(pc) =	sbr.rel @p1 .LBB2_10-.Ltmp6, $4  }
0xa0: {  	[tilespmem:s28+$0x2940] =	vst v0  }
0xa1: {  	[tilespmem:s28+$0x2950] =	vst v0  }
0xa2: {  	[tilespmem:s28+$0x2960] =	vst v0  }
0xa3: {  	[tilespmem:s28+$0x2970] =	vst v0;
	s28 =	sshra.s32 s29, $0x2;
	s29 =	sadd.s32 $0x240, s29  }
0xa4: {  	[tilespmem:s28+$0x2980] =	vst v0  }
0xa5: {  	[tilespmem:s28+$0x2900] =	vst v0  }
0xa6: {  	[tilespmem:s28+$0x2910] =	vst v0  }
0xa7: {  	[tilespmem:s28+$0x2920] =	vst v0  }
0xa8: {  	[tilespmem:s28+$0x2930] =	vst v0  }
0xa9: {  	[tilespmem:s28+$0x2940] =	vst v0  }
0xaa: {  	[tilespmem:s28+$0x2950] =	vst v0  }
0xab: {  	[tilespmem:s28+$0x2960] =	vst v0  }
0xac: {  	[tilespmem:s28+$0x2970] =	vst v0  }
0xad: {  	[spmem:s6] =	stream.linear.scatter [tilespmem:s21], [sflag:$0x2], $0x4800, $0x38;
	[tilespmem:$0x1D900] =	vst v63  }
0xae: {  	_ =	swait.ge [sflag:s22], $0x4800  }
0xaf: {  	[sflag:s22] =	ssyncset.done $0x0  }
0xb0: {  	[sflag:s22] =	ssyncadd.s32 $0xFFFFB800  }
0xb1: {  	[spmem:s7] =	stream.linear.scatter [tilespmem:s21], [sflag:$0x2], $0x4800, $0x38;
	[tilespmem:$0x1D900] =	vst v63  }
0xb2: {  	_ =	swait.ge [sflag:s22], $0x4800  }
0xb3: {  	[sflag:s22] =	ssyncset.done $0x0  }
0xb4: {  	[sflag:s22] =	ssyncadd.s32 $0xFFFFB800  }
0xb5: {  	[spmem:s8] =	stream.linear.scatter [tilespmem:s21], [sflag:$0x2], $0x4800, $0x38;
	[tilespmem:$0x1D900] =	vst v63  }
0xb6: {  	_ =	swait.ge [sflag:s22], $0x4800  }
0xb7: {  	[sflag:s22] =	ssyncset.done $0x0  }
0xb8: {  	[sflag:s22] =	ssyncadd.s32 $0xFFFFB800  }
0xb9: {  	[spmem:s9] =	stream.linear.scatter [tilespmem:s21], [sflag:$0x2], $0x4800, $0x38;
	[tilespmem:$0x1D900] =	vst v63  }
0xba: {  	_ =	swait.ge [sflag:s22], $0x4800  }
0xbb: {  	[sflag:s22] =	ssyncset.done $0x0  }
0xbc: {  	[sflag:s22] =	ssyncadd.s32 $0xFFFFB800  }
0xbd: {  	[spmem:s10] =	stream.linear.scatter [tilespmem:s21], [sflag:$0x2], $0x4800, $0x38;
	[tilespmem:$0x1D900] =	vst v63  }
0xbe: {  	_ =	swait.ge [sflag:s22], $0x4800  }
0xbf: {  	[sflag:s22] =	ssyncset.done $0x0  }
0xc0: {  	s28 =	simm.s32 $0x0;
	[sflag:s22] =	ssyncadd.s32 $0xFFFFB800  }
0xc1: {  	[tilespmem:s28], [sflag:$0x2] =	stream.linear.gather [hbm4b:s17+s28], $0x1480, $0x38;
	[tilespmem:$0x1D900] =	vst v63  }
0xc2: {  	_ =	swait.ge [sflag:s22], $0x1480  }
0xc3: {  	[sflag:s22] =	ssyncset.done $0x0  }
0xc4: {  	s29 =	simm.s32 $0x1480;
	[sflag:s22] =	ssyncadd.s32 $0xFFFFEB80  }
0xc5: {  	[tilespmem:s29], [sflag:$0x2] =	stream.linear.gather [hbm4b:s18+s28], $0x1480, $0x38;
	[tilespmem:$0x1D900] =	vst v63  }
0xc6: {  	_ =	swait.ge [sflag:s22], $0x1480  }
0xc7: {  	[sflag:s22] =	ssyncset.done $0x0  }
0xc8: {  	[sflag:s22] =	ssyncadd.s32 $0xFFFFEB80  }
0xc9: {  	[bflag:$0x0] =	sbarrier.arrive $0xFFFF  }
0xca: {  	[tilespmem:s21], [sflag:$0x1] =	stream.indirect.gather [hbm4b:s4+s23], $0x90, s28, s23, $0xb8;
	[tilespmem:$0x1D900] =	vst v63  }
0xcb: {  	_ =	swait.ge [sflag:s24], $0x4800  }
.Ltmp7:
0xcc: {  	[sflag:s24] =	ssyncset.done $0x0;
	(pc) =	sbr.rel @!p0 .LBB2_13-.Ltmp7, $4  }
0xcd: {  	[sflag:s24] =	ssyncadd.s32 $0xFFFFB800  }
0xce: {  	[spmem:s2] =	stream.indirect.scatter.add.f32 [tilespmem:s21], [sflag:$0x2], $0x90, s29, s23, $0xb8;
	[tilespmem:$0x1D900] =	vst v63  }
0xcf: {  	_ =	swait.ge [sflag:s22], $0x4800  }
0xd0: {  	s30 =	sadd.s32 $0xFFFFFFFF, s5;
	[sflag:s22] =	ssyncset.done $0x0  }
.LBB2_12:
0xd1: {  	[sflag:s22] =	ssyncadd.s32 $0xFFFFB800;
	s28 =	sadd.s32 $0x80, s28;
	s29 =	sadd.s32 $0x80, s29  }
0xd2: {  	[tilespmem:s21], [sflag:$0x1] =	stream.indirect.gather [hbm4b:s4+s23], $0x90, s28, s23, $0xb8;
	[tilespmem:$0x1D900] =	vst v63  }
0xd3: {  	p0 =	sne.s32 s30, $0x1;
	s30 =	sadd.s32 $0xFFFFFFFF, s30;
	_ =	swait.ge [sflag:s24], $0x4800  }
.Ltmp8:
0xd4: {  	[sflag:s24] =	ssyncset.done $0x0;
	(pc) =	sbr.rel @p0 .LBB2_12-.Ltmp8, $4  }
0xd5: {  	[sflag:s24] =	ssyncadd.s32 $0xFFFFB800  }
0xd6: {  	[spmem:s2] =	stream.indirect.scatter.add.f32 [tilespmem:s21], [sflag:$0x2], $0x90, s29, s23, $0xb8;
	[tilespmem:$0x1D900] =	vst v63  }
0xd7: {  	_ =	swait.ge [sflag:s22], $0x4800  }
0xd8: {  	[sflag:s22] =	ssyncset.done $0x0  }
.LBB2_13:
0xd9: {  	s3 =	sadd.s32 $0x1, s3  }
0xda: {  	[sflag:s22] =	ssyncadd.s32 $0xFFFFB800;
	p0 =	sne.s32 s3, s20  }
.Ltmp9:
0xdb: {  	[bflag:$0x0] =	sbarrier.arrive $0xFFFF;
	(pc) =	sbr.rel @p0 .LBB2_1-.Ltmp9, $4  }
0xdc: {  	[hbm:s19], [sflag:s25] =	dma.local [spmem:s26], $0x2D00  }
0xdd: {  	_ =	swait.ge [sflag:s22], $0x2D00  }
0xde: {  	[sflag:s22] =	ssyncset.done $0x0  }
0xdf: {  	[sflag:s22] =	ssyncadd.s32 $0xFFFFD300  }
0xe0: {  	_ =	sfence.sel $0x180000  }
0xe1: {  	[bflag:$0x0] =	sbarrier.arrive $0xFFFF  }
0xe2: {  	p0 =	sne.s32 s0, $0x0;
	_ =	strace $0x90000047  }
0xe3: {  	s0 =	sadd.s32 @!p0 $0x100000, s1;
	[bflag:$0x2] =	sbarrier.arrive $0xFFFF  }
0xe4: {  	[sflag:s0] =	ssyncadd.tile.s32 @!p0 $0x1;
	_ =	shalt  }
.Lfunc_end2:
_tile_overlayer_lowered:
.L_overlay_start_2:
0xe5: {  	(tag) =	ssettag $0x2  }
0xe6: {  	s0 =	rddreg [dreg:$0x0];
	s2 =	stileid.u32  }
0xe7: {  	s1 =	rddreg [dreg:$0x1];
	p0 =	sne.s32 s2, $0x0  }
0xe8: {  	s3 =	rddreg [dreg:$0x2];
	[bflag:$0x3] =	sbarrier.arrive $0xFFFF;
	s2 =	simm.s32 @!p0 $0x1C02  }
0xe9: {  	[timem:s3], [sflag:s2] =	dma.local @!p0 [hbm:s0], s1  }
0xea: {  	s0 =	simm.s32 @!p0 $0x2  }
0xeb: {  	_ =	swait.ge @!p0 [sflag:s0], s1  }
0xec: {  	s1 =	ssub.s32 @!p0 $0x0, s1;
	[sflag:s0] =	ssyncset.done @!p0 $0x0  }
0xed: {  	[sflag:s0] =	ssyncadd.s32 @!p0 s1  }
0xee: {  	[bflag:$0x3] =	sbarrier.arrive $0xFFFF  }
0xef: {  	_ =	shalt  }

// kernel: kernel.9.cloned.1.call-start
scs
__scs_entry_jumppad:
0x0: {  	(pc) =	sbr.rel $0x88, $3  }
0x1: {  	(tag) =	ssettag $0x0;
	lr =	simm.s32 $0x1  }
0x2: {  	[smem:$0x3F91] =	sst lr;
	_ =	strace $0xD0000000  }
0x3: {  	_ = 	snop  }
0x4: {  	_ = 	snop  }
0x5: {  	_ = 	snop  }
0x6: {  	_ = 	snop  }
0x7: {  	_ = 	snop  }
__scs_overlays_trampoline_lowered:
0x8: {  	[smem:$0x3FA0] =	sst s0  }
0x9: {  	[smem:$0x3FA1] =	sst s1  }
0xa: {  	[smem:$0x3FA2] =	sst s2  }
0xb: {  	[smem:$0x3FA3] =	sst s3  }
0xc: {  	[smem:$0x3FA4] =	sst s4  }
0xd: {  	[smem:$0x3FA5] =	sst s5  }
0xe: {  	[smem:$0x3FA6] =	sst s6  }
0xf: {  	[smem:$0x3FA7] =	sst s7  }
0x10: {  	[smem:$0x3FA8] =	sst s8  }
0x11: {  	[smem:$0x3FA9] =	sst s9;
	s0 =	simm.s32 @!p0 $0x0  }
0x12: {  	s1 =	sld [smem:$0x3F8F];
	s0 =	simm.s32 @p0 $0x1  }
0x13: {  	[smem:$0x3FAA] =	sst s0;
	s0 =	simm.s32 @!p1 $0x0  }
0x14: {  	s2 =	sld [smem:$0x3F8E];
	s0 =	simm.s32 @p1 $0x1  }
0x15: {  	[smem:$0x3FAB] =	sst s0;
	s0 =	simm.s32 @!p2 $0x0  }
0x16: {  	s3 =	sld [smem:$0x3FDB];
	s0 =	simm.s32 @p2 $0x1  }
0x17: {  	s4 =	simm.s32 $0x1BF5;
	[smem:$0x3FAD] =	sst s0  }
0x18: {  	s0 =	sld [smem:$0x3F90];
	_ =	swait.ge [sflag:s4], $0x0  }
0x19: {  	s7 =	sld [smem:$0x3F91]  }
0x1a: {  	s8 =	sadd.s32 $0xFFFFE003, lr  }
0x1b: {  	s9 =	sadd.s32 $0xFFFFFEF7, lr;
	s5 =	simm.s32 $0xFFFFFFFF;
	p2 =	slt.u32 s8, $0xFFFFF086  }
0x1c: {  	p1 =	slt.u32 s9, $0xF7A;
	s5 =	simm.s32 @!p2 $0x0  }
0x1d: {  	s5 =	simm.s32 @p1 $0x1;
	p0 =	seq.s32 s7, s2  }
0x1e: {  	s7 =	smul.u32 @!p0 $0xF7A, s2;
	p2 =	seq.s32 @!p0 s5, $0x0  }
0x1f: {  	s9 =	smul.u32 $0xF7A, s1;
	s8 =	simm.s32 @!p0 $0x1BF5;
	p2 =	por !p2, p0  }
0x20: {  	[sflag:s8] =	ssyncset.s32 @!p0 $0xFFFFF086;
	s6 =	sadd.s32 @!p0 s3, s7;
	s7 =	simm.s32 @!p0 $0x108  }
0x21: {  	s3 =	sadd.s32 s3, s9;
	s6 =	sadd.s32 @!p0 $0x88, s6;
	s7 =	simm.s32 @p2 $0x1082  }
0x22: {  	[simem:s7], [sflag:s8] =	dma.local @!p0 [hbm:s6], $0xF7A  }
0x23: {  	s9 =	sor.u32 $0xD0000000, s2;
	s6 =	simm.s32 $0x108;
	_ =	swait.ge @!p0 [sflag:s8], $0x0  }
0x24: {  	s3 =	sadd.s32 $0x88, s3;
	s6 =	simm.s32 @!p1 $0x1082;
	[sflag:s4] =	ssyncset.s32 $0xFFFFF086  }
0x25: {  	[simem:s6], [sflag:s4] =	dma.local [hbm:s3], $0xF7A  }
0x26: {  	[smem:$0x3F91] =	sst s1;
	(tag) =	ssettag s2;
	_ =	strace s9  }
0x27: {  	s1 =	sld [smem:$0x3FA1]  }
0x28: {  	s2 =	sld [smem:$0x3FA2]  }
0x29: {  	s4 =	sld [smem:$0x3FA4]  }
0x2a: {  	p0 =	seq.s32 s5, $0x0;
	s5 =	sld [smem:$0x3FA5]  }
0x2b: {  	s6 =	sld [smem:$0x3FA6]  }
0x2c: {  	s7 =	sld [smem:$0x3FA7]  }
0x2d: {  	s3 =	simm.s32 $0x108;
	s8 =	sld [smem:$0x3FA8]  }
0x2e: {  	s3 =	simm.s32 @!p0 $0x1082;
	s9 =	sld [smem:$0x3FA9]  }
0x2f: {  	lr =	sadd.s32 s0, s3;
	s0 =	sld [smem:$0x3FA0]  }
0x30: {  	s3 =	sld [smem:$0x3FA3]  }
0x31: {  	[smem:$0x3FAC] =	sst s10  }
0x32: {  	s10 =	sld [smem:$0x3FAA];
	_ =	sdelay $0x3  }
0x33: {  	p0 =	seq.s32 s10, $0x1;
	s10 =	sld [smem:$0x3FAC];
	_ =	sdelay $0x3  }
0x34: {  	[smem:$0x3FAC] =	sst s10  }
0x35: {  	s10 =	sld [smem:$0x3FAB];
	_ =	sdelay $0x3  }
0x36: {  	p1 =	seq.s32 s10, $0x1;
	s10 =	sld [smem:$0x3FAC];
	_ =	sdelay $0x3  }
0x37: {  	[smem:$0x3FAC] =	sst s10  }
0x38: {  	s10 =	sld [smem:$0x3FAD]  }
0x39: {  	_ = 	snop;
	(pc) =	sbr.ind lr, $3  }
0x3a: {  	_ = 	snop  }
0x3b: {  	_ = 	snop  }
0x3c: {  	p2 =	seq.s32 s10, $0x1;
	s10 =	sld [smem:$0x3FAC]  }
0x3d: {  	_ =	shalt  }
0x3e: {  	_ =	shalt  }
0x3f: {  	_ =	shalt  }
0x40: {  	_ =	shalt  }
0x41: {  	_ =	shalt  }
0x42: {  	_ =	shalt  }
0x43: {  	_ =	shalt  }
0x44: {  	_ =	shalt  }
0x45: {  	_ =	shalt  }
0x46: {  	_ =	shalt  }
0x47: {  	_ =	shalt  }
0x48: {  	_ =	shalt  }
0x49: {  	_ =	shalt  }
0x4a: {  	_ =	shalt  }
0x4b: {  	_ =	shalt  }
0x4c: {  	_ =	shalt  }
0x4d: {  	_ =	shalt  }
0x4e: {  	_ =	shalt  }
0x4f: {  	_ =	shalt  }
0x50: {  	_ =	shalt  }
0x51: {  	_ =	shalt  }
0x52: {  	_ =	shalt  }
0x53: {  	_ =	shalt  }
0x54: {  	_ =	shalt  }
0x55: {  	_ =	shalt  }
0x56: {  	_ =	shalt  }
0x57: {  	_ =	shalt  }
0x58: {  	_ =	shalt  }
0x59: {  	_ =	shalt  }
0x5a: {  	_ =	shalt  }
0x5b: {  	_ =	shalt  }
0x5c: {  	_ =	shalt  }
0x5d: {  	_ =	shalt  }
0x5e: {  	_ =	shalt  }
0x5f: {  	_ =	shalt  }
0x60: {  	_ =	shalt  }
0x61: {  	_ =	shalt  }
0x62: {  	_ =	shalt  }
0x63: {  	_ =	shalt  }
0x64: {  	_ =	shalt  }
0x65: {  	_ =	shalt  }
0x66: {  	_ =	shalt  }
0x67: {  	_ =	shalt  }
0x68: {  	_ =	shalt  }
0x69: {  	_ =	shalt  }
0x6a: {  	_ =	shalt  }
0x6b: {  	_ =	shalt  }
0x6c: {  	_ =	shalt  }
0x6d: {  	_ =	shalt  }
0x6e: {  	_ =	shalt  }
0x6f: {  	_ =	shalt  }
0x70: {  	_ =	shalt  }
0x71: {  	_ =	shalt  }
0x72: {  	_ =	shalt  }
0x73: {  	_ =	shalt  }
0x74: {  	_ =	shalt  }
0x75: {  	_ =	shalt  }
0x76: {  	_ =	shalt  }
0x77: {  	_ =	shalt  }
0x78: {  	_ =	shalt  }
0x79: {  	_ =	shalt  }
0x7a: {  	_ =	shalt  }
0x7b: {  	_ =	shalt  }
0x7c: {  	_ =	shalt  }
0x7d: {  	_ =	shalt  }
0x7e: {  	_ =	shalt  }
0x7f: {  	_ =	shalt  }
0x80: {  	_ =	shalt  }
0x81: {  	_ =	shalt  }
0x82: {  	_ =	shalt  }
0x83: {  	_ =	shalt  }
0x84: {  	_ =	shalt  }
0x85: {  	_ =	shalt  }
0x86: {  	_ =	shalt  }
0x87: {  	_ =	shalt  }
.Lfunc_end0:
.L_simem_size_0:
called_computation.1_lowered:
.L_overlay_start_0:
0x88: {  	s2 =	sld [smem:$0x3FD9]  }
0x89: {  	s3 =	sld [smem:$0x3FFE];
	_ =	sdelay $0x1  }
0x8a: {  	s1 =	srdreg.scid  }
0x8b: {  	s0 =	sand.u32 $0x1, s1  }
0x8c: {  	s17 =	sshll.u32 s0, $0xA;
	s2 =	sadd.s32 s3, s2  }
0x8d: {  	s2 =	sadd.s32 s2, s17  }
0x8e: {  	[smem:$0x3FB8] =	sst s2  }
0x8f: {  	_ = 	snop  }
0x90: {  	s2 =	sld [smem:$0x3FD0];
	(tm) =	ssettm $0x1  }
0x91: {  	s18 =	sld [smem:$0x3FFB];
	_ =	sdelay $0x3  }
0x92: {  	_ =	strace s18  }
0x93: {  	s3 =	sld [smem:$0x3FFC];
	_ =	sdelay $0x3  }
0x94: {  	_ =	strace s3  }
0x95: {  	s3 =	sld [smem:$0x3FFD];
	_ =	sdelay $0x3  }
0x96: {  	_ =	strace s3  }
0x97: {  	_ =	strace $0x8FFFFFFF  }
0x98: {  	s19 =	sld [smem:$0x3FDB];
	_ =	sdelay $0x1  }
0x99: {  	s4 =	simm.s32 $_scs_section_size  }
0x9a: {  	s5 =	simm.s32 $_size__tile_overlayer_lowered;
	s6 =	simm.s32 $_tile_overlayer_lowered  }
0x9b: {  	s22 =	simm.s32 $0x1BFF;
	s21 =	sshll.u32 s6, $0x1;
	s3 =	sadd.s32 s4, s19  }
0x9c: {  	s7 =	simm.s32 $0x0;
	s20 =	sshll.u32 s5, $0x1;
	s5 =	sadd.s32 s21, s3  }
0x9d: {  	[timem:s7], [sflag:s22] =	dma.local [hbm:s5], s20  }
0x9e: {  	_ =	swait.ge [sflag:s22], s20  }
0x9f: {  	s4 =	ssub.s32 $0x0, s20;
	[sflag:s22] =	ssyncset.done $0x0  }
0xa0: {  	[sflag:s22] =	ssyncadd.s32 s4;
	_ =	sdelay $0x1  }
0xa1: {  	s23 =	simm.s32 $0x1B8B  }
0xa2: {  	_ =	swait.ge [sflag:s23], $0x1  }
0xa3: {  	[sflag:s23] =	ssyncset.done $0x0  }
0xa4: {  	s25 =	simm.s32 $0x1B8E;
	s24 =	sld [smem:$0x3FFE];
	[sflag:s23] =	ssyncadd.s32 $0xFFFFFFFF  }
0xa5: {  	s26 =	simm.s32 $execute0_lowered;
	[smem:$0x3FD2] =	sst s25  }
0xa6: {  	s5 =	sshll.u32 s26, $0x1;
	_ =	strace $0x80000049;
	[dreg:$0x1] =	wrdreg $0xFFFFFFFF  }
0xa7: {  	s28 =	simm.s32 $_size_execute0_lowered;
	s3 =	sadd.s32 s3, s5;
	[dreg:$0x0] =	wrdreg $0x0  }
0xa8: {  	s5 =	sshll.u32 s28, $0x1;
	[dreg:$0x2] =	wrdreg s3  }
0xa9: {  	[dreg:$0x3] =	wrdreg s5  }
0xaa: {  	[dreg:$0x4] =	wrdreg $0xC0  }
0xab: {  	_ =	task [dreg:s7], $0x5FFFF  }
0xac: {  	[dreg:$0x1] =	wrdreg $0xFFFFFFFF  }
0xad: {  	[dreg:$0x0] =	wrdreg $0x60  }
0xae: {  	[dreg:$0x2] =	wrdreg s24  }
0xaf: {  	[dreg:$0x3] =	wrdreg s2  }
0xb0: {  	[dreg:$0x4] =	wrdreg $0xB6000  }
0xb1: {  	[dreg:$0x5] =	wrdreg $0x9  }
0xb2: {  	_ =	task.clear_ibuf [dreg:s7], $0x6FFFF;
	_ =	strace $0x90000049  }
0xb3: {  	s29 =	simm.s32 $0x9;
	_ =	strace $0x8000004B  }
0xb4: {  	_ =	swait.ge [sflag:s29], $0x1  }
0xb5: {  	[sflag:s29] =	ssyncadd.s32 $0xFFFFFFFF  }
0xb6: {  	_ =	strace $0x9000004B  }
0xb7: {  	_ =	sfence  }
0xb8: {  	s30 =	sld [smem:$0x0];
	_ =	sdelay $0x2  }
0xb9: {  	s31 =	sshll.u32 s1, $0xD;
	s1 =	sshrl.u32 s1, $0x2  }
0xba: {  	s3 =	sand.u32 $0x4000, s31;
	s1 =	sadd.s32 s1, s30  }
0xbb: {  	s0 =	sor.u32 s3, s0;
	s1 =	sshll.u32 s1, $0x11  }
0xbc: {  	s0 =	sor.u32 s1, s0  }
0xbd: {  	s0 =	sadd.s32 $0x8F2B, s0  }
0xbe: {  	[sflag:s0] =	ssyncadd.remote.s32 $0x1  }
0xbf: {  	_ =	sfence.sel $0xFFFF  }
0xc0: {  	[dreg:$0x0] =	wrdreg $0xFFFFFFFF;
	(pc) =	sbr.abs _section_cstart, $3  }
0xc1: {  	[dreg:$0x1] =	wrdreg $0xFFFFFFFF  }
0xc2: {  	_ =	task.clear_ibuf [dreg:s7], $0x2FFFF;
	_ =	strace $0x9FFFFFFF  }
0xc3: {  	(tm) =	ssettm $0x7FFFFFFF  }
tec
execute0_lowered:
.L_overlay_start_1:
0x0: {  	(tag) =	ssettag $0x1  }
0x1: {  	s1 =	rddreg [dreg:$0x0]  }
0x2: {  	s0 =	rddreg [dreg:$0x1];
	s2 =	srdreg.scid  }
0x3: {  	s10 =	stileid.u32;
	s3 =	rddreg [dreg:$0x2];
	s4 =	simm.s32 $0x0  }
0x4: {  	s21 =	simm.s32 $0x3;
	s22 =	simm.s32 $0x1B00;
	s23 =	simm.s32 $0x80  }
0x5: {  	s24 =	simm.s32 $0x7600;
	s25 =	simm.s32 $0x1;
	s26 =	simm.s32 $0x2  }
0x6: {  	s31 =	simm.s32 $0x0;
	s2 =	sand.u32 $0x1, s2;
	s5 =	smul.u32 $0x14000, s10  }
0x7: {  	[smem:$0x7FF] =	sst s4;
	s17 =	sadd.s32 $0x159C00, s1;
	s7 =	smul.u32 $0x50000, s10  }
0x8: {  	s6 =	smul.u32 $0x3C0000, s2;
	_ =	strace $0x8000004A;
	s28 =	ssub.s32 $0x2, s2  }
0x9: {  	s8 =	sshll.u32 s2, $0x4;
	p0 =	sne.s32 s2, $0x0;
	s9 =	sshrl.u32 s28, $0x1  }
0xa: {  	s8 =	sor.u32 s10, s8;
	s7 =	sshrl.u32 s7, $0x2;
	s6 =	sadd.s32 s5, s6  }
0xb: {  	s19 =	ssub.s32 s28, s9;
	s29 =	sadd.s32 s7, s3;
	s10 =	smul.u32 $0x1B00, s8  }
0xc: {  	s5 =	sadd.s32 s5, s3;
	s6 =	sshrl.u32 s6, $0x3;
	s7 =	sadd.s32 $0x8000, s29  }
0xd: {  	s8 =	sadd.s32 $0xC000, s29;
	s9 =	sadd.s32 $0x10000, s29;
	s19 =	smax.u32 s19, $0x1  }
0xe: {  	s18 =	sadd.s32 s6, s1;
	s6 =	sadd.s32 $0x4000, s29;
	s14 =	sshrl.u32 s10, $0x3  }
.Ltmp0:
0xf: {  	s10 =	sadd.s32 s0, s14;
	s30 =	sadd.s32 s17, s14;
	(pc) =	sbr.rel .LBB2_1-.Ltmp0, $4  }
0x10: {  	s15 =	sadd.s32 $0x6C00, s14;
	s12 =	sadd.s32 $0x28000, s18;
	[dreg:$0x4] =	wrdreg s10  }
0x11: {  	s20 =	sadd.s32 $0xD800, s14;
	[dreg:$0x5] =	wrdreg s30;
	s13 =	sadd.s32 s0, s15  }
0x12: {  	s14 =	sadd.s32 s17, s15;
	s15 =	sadd.s32 $0x50000, s18;
	s16 =	sadd.s32 s0, s20  }
0x13: {  	v0 =	vimm.f32 $0.0e+00;
	s17 =	sadd.s32 s17, s20;
	s18 =	sadd.s32 $0x78000, s18;
	s20 =	simm.s32 $0x3600  }
.LBB2_18:
0x14: {  	s10 =	sadd.s32 $0x80, s28;
	[sflag:s21] =	ssyncadd.s32 $0xFFFFC000  }
0x15: {  	[tilespmem:s24], [sflag:$0x2] =	stream.indirect.gather [hbm4b:s1+s23], $0x80, s10, s23, $0xb8;
	[tilespmem:$0x1F600] =	vst v63  }
0x16: {  	_ =	swait.ge [sflag:s25], $0x4000  }
0x17: {  	[sflag:s25] =	ssyncset.done $0x0  }
0x18: {  	s29 =	sadd.s32 $0x1B00, s28;
	[sflag:s25] =	ssyncadd.s32 $0xFFFFC000  }
0x19: {  	[spmem:s3] =	stream.indirect.scatter.add.f32 [tilespmem:s20], [sflag:$0x3], $0x80, s29, s23, $0xb8;
	[tilespmem:$0x1F600] =	vst v63  }
0x1a: {  	_ =	swait.ge [sflag:s21], $0x4000  }
0x1b: {  	[sflag:s21] =	ssyncset.done $0x0  }
0x1c: {  	s30 =	sadd.s32 $0x100, s28;
	[sflag:s21] =	ssyncadd.s32 $0xFFFFC000  }
0x1d: {  	[tilespmem:s20], [sflag:$0x1] =	stream.indirect.gather [hbm4b:s1+s23], $0x80, s30, s23, $0xb8;
	[tilespmem:$0x1F600] =	vst v63  }
0x1e: {  	_ =	swait.ge [sflag:s26], $0x4000  }
0x1f: {  	[sflag:s26] =	ssyncset.done $0x0  }
0x20: {  	s11 =	sadd.s32 $0x1B80, s28;
	[sflag:s26] =	ssyncadd.s32 $0xFFFFC000  }
0x21: {  	[spmem:s3] =	stream.indirect.scatter.add.f32 [tilespmem:s24], [sflag:$0x3], $0x80, s11, s23, $0xb8;
	[tilespmem:$0x1F600] =	vst v63  }
0x22: {  	_ =	swait.ge [sflag:s21], $0x4000  }
0x23: {  	[sflag:s21] =	ssyncset.done $0x0  }
0x24: {  	s28 =	simm.s32 $0x1A80;
	[sflag:s21] =	ssyncadd.s32 $0xFFFFC000  }
0x25: {  	[tilespmem:s24], [sflag:$0x2] =	stream.indirect.gather [hbm4b:s1+s23], $0x80, s28, s23, $0xb8;
	[tilespmem:$0x1F600] =	vst v63  }
0x26: {  	_ =	swait.ge [sflag:s25], $0x4000  }
0x27: {  	[sflag:s25] =	ssyncset.done $0x0  }
0x28: {  	s29 =	simm.s32 $0x3500;
	[sflag:s25] =	ssyncadd.s32 $0xFFFFC000  }
0x29: {  	[spmem:s3] =	stream.indirect.scatter.add.f32 [tilespmem:s20], [sflag:$0x3], $0x80, s29, s23, $0xb8;
	[tilespmem:$0x1F600] =	vst v63  }
0x2a: {  	_ =	swait.ge [sflag:s21], $0x4000  }
0x2b: {  	[sflag:s21] =	ssyncset.done $0x0  }
0x2c: {  	[sflag:s21] =	ssyncadd.s32 $0xFFFFC000  }
0x2d: {  	_ =	swait.ge [sflag:s26], $0x4000  }
0x2e: {  	[sflag:s26] =	ssyncset.done $0x0  }
0x2f: {  	s30 =	simm.s32 $0x3580;
	[sflag:s26] =	ssyncadd.s32 $0xFFFFC000  }
0x30: {  	[spmem:s3] =	stream.indirect.scatter.add.f32 [tilespmem:s24], [sflag:$0x3], $0x80, s30, s23, $0xb8;
	[tilespmem:$0x1F600] =	vst v63  }
0x31: {  	_ =	swait.ge [sflag:s21], $0x4000  }
0x32: {  	[sflag:s21] =	ssyncset.done $0x0  }
0x33: {  	[sflag:s21] =	ssyncadd.s32 $0xFFFFC000  }
.LBB2_19:
0x34: {  	s31 =	sadd.s32 $0x1, s31  }
0x35: {  	p1 =	sne.s32 s31, s19  }
.Ltmp1:
0x36: {  	[bflag:$0x0] =	sbarrier.arrive $0xFFFF;
	(pc) =	sbr.rel @!p1 .LBB2_20-.Ltmp1, $4  }
0x37: {  	[hbm:s18], [sflag:s2] =	dma.local [spmem:s0], $0x2800  }
0x38: {  	_ =	swait.ge [sflag:s21], $0x2800  }
0x39: {  	[sflag:s21] =	ssyncset.done $0x0  }
0x3a: {  	[sflag:s21] =	ssyncadd.s32 $0xFFFFD800  }
.LBB2_1:
0x3b: {  	s0 =	simm.s32 $0x0;
	s2 =	simm.s32 $0x200  }
.LBB2_2:
0x3c: {  	p1 =	sne.s32 s2, $0xFE00;
	[tilespmem:s0+$0x3670] =	vst v0  }
0x3d: {  	[tilespmem:s0+$0x3600] =	vst v0  }
0x3e: {  	[tilespmem:s0+$0x3610] =	vst v0  }
.Ltmp2:
0x3f: {  	[tilespmem:s0+$0x3620] =	vst v0;
	(pc) =	sbr.rel @p1 .LBB2_2-.Ltmp2, $4  }
0x40: {  	[tilespmem:s0+$0x3630] =	vst v0  }
0x41: {  	[tilespmem:s0+$0x3640] =	vst v0  }
0x42: {  	[tilespmem:s0+$0x3650] =	vst v0  }
0x43: {  	[tilespmem:s0+$0x3660] =	vst v0;
	s0 =	sshra.s32 s2, $0x2;
	s2 =	sadd.s32 $0x200, s2  }
0x44: {  	[tilespmem:s0+$0x3670] =	vst v0  }
0x45: {  	[tilespmem:s0+$0x3600] =	vst v0  }
0x46: {  	[tilespmem:s0+$0x3610] =	vst v0  }
0x47: {  	[tilespmem:s0+$0x3620] =	vst v0  }
0x48: {  	[tilespmem:s0+$0x3630] =	vst v0  }
0x49: {  	[tilespmem:s0+$0x3640] =	vst v0  }
0x4a: {  	[tilespmem:s0+$0x3650] =	vst v0  }
0x4b: {  	[tilespmem:s0+$0x3660] =	vst v0  }
0x4c: {  	[spmem:s5] =	stream.linear.scatter [tilespmem:s20], [sflag:$0x3], $0x4000, $0x38;
	[tilespmem:$0x1F600] =	vst v63  }
0x4d: {  	_ =	swait.ge [sflag:s21], $0x4000  }
0x4e: {  	[sflag:s21] =	ssyncset.done $0x0  }
0x4f: {  	[sflag:s21] =	ssyncadd.s32 $0xFFFFC000  }
0x50: {  	[spmem:s6] =	stream.linear.scatter [tilespmem:s20], [sflag:$0x3], $0x4000, $0x38;
	[tilespmem:$0x1F600] =	vst v63  }
0x51: {  	_ =	swait.ge [sflag:s21], $0x4000  }
0x52: {  	[sflag:s21] =	ssyncset.done $0x0  }
0x53: {  	[sflag:s21] =	ssyncadd.s32 $0xFFFFC000  }
0x54: {  	[spmem:s7] =	stream.linear.scatter [tilespmem:s20], [sflag:$0x3], $0x4000, $0x38;
	[tilespmem:$0x1F600] =	vst v63  }
0x55: {  	_ =	swait.ge [sflag:s21], $0x4000  }
0x56: {  	[sflag:s21] =	ssyncset.done $0x0  }
0x57: {  	[sflag:s21] =	ssyncadd.s32 $0xFFFFC000  }
0x58: {  	[spmem:s8] =	stream.linear.scatter [tilespmem:s20], [sflag:$0x3], $0x4000, $0x38;
	[tilespmem:$0x1F600] =	vst v63  }
0x59: {  	_ =	swait.ge [sflag:s21], $0x4000  }
0x5a: {  	[sflag:s21] =	ssyncset.done $0x0  }
0x5b: {  	[sflag:s21] =	ssyncadd.s32 $0xFFFFC000  }
0x5c: {  	[spmem:s9] =	stream.linear.scatter [tilespmem:s20], [sflag:$0x3], $0x4000, $0x38;
	[tilespmem:$0x1F600] =	vst v63  }
0x5d: {  	_ =	swait.ge [sflag:s21], $0x4000  }
0x5e: {  	[sflag:s21] =	ssyncset.done $0x0  }
0x5f: {  	s29 =	rddreg [dreg:$0x4];
	[sflag:s21] =	ssyncadd.s32 $0xFFFFC000  }
0x60: {  	[tilespmem:s4], [sflag:$0x3] =	stream.linear.gather [hbm4b:s29+s4], $0x1B00, $0x38;
	[tilespmem:$0x1F600] =	vst v63  }
0x61: {  	_ =	swait.ge [sflag:s21], $0x1B00  }
0x62: {  	[sflag:s21] =	ssyncset.done $0x0  }
0x63: {  	s30 =	rddreg [dreg:$0x5];
	[sflag:s21] =	ssyncadd.s32 $0xFFFFE500  }
0x64: {  	[tilespmem:s22], [sflag:$0x3] =	stream.linear.gather [hbm4b:s30+s4], $0x1B00, $0x38;
	[tilespmem:$0x1F600] =	vst v63  }
.Ltmp3:
0x65: {  	_ =	swait.ge [sflag:s21], $0x1B00;
	(pc) =	sbr.rel @p0 .LBB2_7-.Ltmp3, $3  }
0x66: {  	[sflag:s21] =	ssyncset.done $0x0  }
0x67: {  	[sflag:s21] =	ssyncadd.s32 $0xFFFFE500  }
0x68: {  	[bflag:$0x0] =	sbarrier.arrive $0xFFFF;
	_ =	sdelay $0x1  }
0x69: {  	s0 =	simm.s32 $0x0  }
0x6a: {  	[tilespmem:s20], [sflag:$0x1] =	stream.indirect.gather [hbm4b:s1+s23], $0x80, s0, s23, $0xb8;
	[tilespmem:$0x1F600] =	vst v63  }
0x6b: {  	s11 =	simm.s32 $0x80  }
0x6c: {  	[tilespmem:s24], [sflag:$0x2] =	stream.indirect.gather [hbm4b:s1+s23], $0x80, s11, s23, $0xb8;
	[tilespmem:$0x1F600] =	vst v63  }
0x6d: {  	_ =	swait.ge [sflag:s25], $0x4000  }
0x6e: {  	[sflag:s25] =	ssyncset.done $0x0  }
0x6f: {  	s28 =	simm.s32 $0x1B00;
	[sflag:s25] =	ssyncadd.s32 $0xFFFFC000  }
0x70: {  	[spmem:s3] =	stream.indirect.scatter.add.f32 [tilespmem:s20], [sflag:$0x3], $0x80, s28, s23, $0xb8;
	[tilespmem:$0x1F600] =	vst v63  }
0x71: {  	_ =	swait.ge [sflag:s21], $0x4000  }
0x72: {  	[sflag:s21] =	ssyncset.done $0x0  }
0x73: {  	s29 =	simm.s32 $0x100;
	[sflag:s21] =	ssyncadd.s32 $0xFFFFC000  }
0x74: {  	[tilespmem:s20], [sflag:$0x1] =	stream.indirect.gather [hbm4b:s1+s23], $0x80, s29, s23, $0xb8;
	[tilespmem:$0x1F600] =	vst v63  }
0x75: {  	_ =	swait.ge [sflag:s26], $0x4000  }
0x76: {  	[sflag:s26] =	ssyncset.done $0x0  }
0x77: {  	s30 =	simm.s32 $0x1B80;
	[sflag:s26] =	ssyncadd.s32 $0xFFFFC000  }
0x78: {  	[spmem:s3] =	stream.indirect.scatter.add.f32 [tilespmem:s24], [sflag:$0x3], $0x80, s30, s23, $0xb8;
	[tilespmem:$0x1F600] =	vst v63  }
0x79: {  	_ =	swait.ge [sflag:s21], $0x4000  }
0x7a: {  	s2 =	simm.s32 $0x800;
	s0 =	simm.s32 $0x100;
	[sflag:s21] =	ssyncset.done $0x0  }
.LBB2_5:
0x7b: {  	s28 =	sadd.s32 $0x80, s0  }
0x7c: {  	[sflag:s21] =	ssyncadd.s32 $0xFFFFC000;
	s29 =	smov.u32 s2;
	s30 =	sadd.s32 $0x400, s2  }
0x7d: {  	[tilespmem:s24], [sflag:$0x2] =	stream.indirect.gather [hbm4b:s1+s23], $0x80, s28, s23, $0xb8;
	[tilespmem:$0x1F600] =	vst v63  }
0x7e: {  	p1 =	sne.s32 s2, $0x6400;
	_ =	swait.ge [sflag:s25], $0x4000  }
0x7f: {  	[sflag:s25] =	ssyncset.done $0x0  }
0x80: {  	s2 =	sadd.s32 $0x1B00, s0;
	[sflag:s25] =	ssyncadd.s32 $0xFFFFC000  }
0x81: {  	[spmem:s3] =	stream.indirect.scatter.add.f32 [tilespmem:s20], [sflag:$0x3], $0x80, s2, s23, $0xb8;
	[tilespmem:$0x1F600] =	vst v63  }
0x82: {  	_ =	swait.ge [sflag:s21], $0x4000  }
0x83: {  	[sflag:s21] =	ssyncset.done $0x0  }
0x84: {  	s2 =	sadd.s32 $0x100, s0;
	[sflag:s21] =	ssyncadd.s32 $0xFFFFC000  }
0x85: {  	[tilespmem:s20], [sflag:$0x1] =	stream.indirect.gather [hbm4b:s1+s23], $0x80, s2, s23, $0xb8;
	[tilespmem:$0x1F600] =	vst v63  }
0x86: {  	_ =	swait.ge [sflag:s26], $0x4000  }
.Ltmp4:
0x87: {  	[sflag:s26] =	ssyncset.done $0x0;
	(pc) =	sbr.rel @p1 .LBB2_5-.Ltmp4, $4  }
0x88: {  	s0 =	sadd.s32 $0x1B80, s0;
	[sflag:s26] =	ssyncadd.s32 $0xFFFFC000  }
0x89: {  	[spmem:s3] =	stream.indirect.scatter.add.f32 [tilespmem:s24], [sflag:$0x3], $0x80, s0, s23, $0xb8;
	[tilespmem:$0x1F600] =	vst v63  }
0x8a: {  	_ =	swait.ge [sflag:s21], $0x4000  }
0x8b: {  	s2 =	smov.u32 s30;
	s0 =	sshra.s32 s29, $0x2;
	[sflag:s21] =	ssyncset.done $0x0  }
0x8c: {  	s2 =	sadd.s32 $0x80, s0;
	[sflag:s21] =	ssyncadd.s32 $0xFFFFC000  }
0x8d: {  	[tilespmem:s24], [sflag:$0x2] =	stream.indirect.gather [hbm4b:s1+s23], $0x80, s2, s23, $0xb8;
	[tilespmem:$0x1F600] =	vst v63  }
0x8e: {  	_ =	swait.ge [sflag:s25], $0x4000  }
0x8f: {  	[sflag:s25] =	ssyncset.done $0x0  }
0x90: {  	s30 =	sadd.s32 $0x1B00, s0;
	[sflag:s25] =	ssyncadd.s32 $0xFFFFC000  }
0x91: {  	[spmem:s3] =	stream.indirect.scatter.add.f32 [tilespmem:s20], [sflag:$0x3], $0x80, s30, s23, $0xb8;
	[tilespmem:$0x1F600] =	vst v63  }
0x92: {  	_ =	swait.ge [sflag:s21], $0x4000  }
0x93: {  	[sflag:s21] =	ssyncset.done $0x0  }
0x94: {  	s10 =	sadd.s32 $0x100, s0;
	[sflag:s21] =	ssyncadd.s32 $0xFFFFC000  }
0x95: {  	[tilespmem:s20], [sflag:$0x1] =	stream.indirect.gather [hbm4b:s1+s23], $0x80, s10, s23, $0xb8;
	[tilespmem:$0x1F600] =	vst v63  }
0x96: {  	_ =	swait.ge [sflag:s26], $0x4000  }
0x97: {  	[sflag:s26] =	ssyncset.done $0x0  }
0x98: {  	s11 =	sadd.s32 $0x1B80, s0;
	[sflag:s26] =	ssyncadd.s32 $0xFFFFC000  }
0x99: {  	[spmem:s3] =	stream.indirect.scatter.add.f32 [tilespmem:s24], [sflag:$0x3], $0x80, s11, s23, $0xb8;
	[tilespmem:$0x1F600] =	vst v63  }
0x9a: {  	_ =	swait.ge [sflag:s21], $0x4000  }
0x9b: {  	[sflag:s21] =	ssyncset.done $0x0  }
0x9c: {  	s28 =	simm.s32 $0x1A80;
	[sflag:s21] =	ssyncadd.s32 $0xFFFFC000  }
0x9d: {  	[tilespmem:s24], [sflag:$0x2] =	stream.indirect.gather [hbm4b:s1+s23], $0x80, s28, s23, $0xb8;
	[tilespmem:$0x1F600] =	vst v63  }
0x9e: {  	_ =	swait.ge [sflag:s25], $0x4000  }
0x9f: {  	[sflag:s25] =	ssyncset.done $0x0  }
0xa0: {  	s29 =	simm.s32 $0x3500;
	[sflag:s25] =	ssyncadd.s32 $0xFFFFC000  }
0xa1: {  	[spmem:s3] =	stream.indirect.scatter.add.f32 [tilespmem:s20], [sflag:$0x3], $0x80, s29, s23, $0xb8;
	[tilespmem:$0x1F600] =	vst v63  }
0xa2: {  	_ =	swait.ge [sflag:s21], $0x4000  }
0xa3: {  	[sflag:s21] =	ssyncset.done $0x0  }
0xa4: {  	[sflag:s21] =	ssyncadd.s32 $0xFFFFC000  }
0xa5: {  	_ =	swait.ge [sflag:s26], $0x4000  }
0xa6: {  	[sflag:s26] =	ssyncset.done $0x0  }
0xa7: {  	s30 =	simm.s32 $0x3580;
	[sflag:s26] =	ssyncadd.s32 $0xFFFFC000  }
0xa8: {  	[spmem:s3] =	stream.indirect.scatter.add.f32 [tilespmem:s24], [sflag:$0x3], $0x80, s30, s23, $0xb8;
	[tilespmem:$0x1F600] =	vst v63  }
0xa9: {  	_ =	swait.ge [sflag:s21], $0x4000  }
0xaa: {  	[sflag:s21] =	ssyncset.done $0x0  }
0xab: {  	[sflag:s21] =	ssyncadd.s32 $0xFFFFC000  }
.LBB2_7:
0xac: {  	s0 =	stileid.u32  }
0xad: {  	s0 =	sshll.u32 s0, $0x6  }
0xae: {  	[bflag:$0x0] =	sbarrier.arrive $0xFFFF;
	s2 =	sor.u32 $0x1C03, s0;
	s0 =	sshrl.u32 s5, $0x3  }
0xaf: {  	[hbm:s12], [sflag:s2] =	dma.local [spmem:s0], $0x2800  }
0xb0: {  	_ =	swait.ge [sflag:s21], $0x2800  }
0xb1: {  	[sflag:s21] =	ssyncset.done $0x0  }
0xb2: {  	s28 =	simm.s32 $0x0;
	s29 =	simm.s32 $0x200;
	[sflag:s21] =	ssyncadd.s32 $0xFFFFD800  }
.LBB2_8:
0xb3: {  	p1 =	sne.s32 s29, $0xFE00;
	[tilespmem:s28+$0x3670] =	vst v0  }
0xb4: {  	[tilespmem:s28+$0x3600] =	vst v0  }
0xb5: {  	[tilespmem:s28+$0x3610] =	vst v0  }
.Ltmp5:
0xb6: {  	[tilespmem:s28+$0x3620] =	vst v0;
	(pc) =	sbr.rel @p1 .LBB2_8-.Ltmp5, $4  }
0xb7: {  	[tilespmem:s28+$0x3630] =	vst v0  }
0xb8: {  	[tilespmem:s28+$0x3640] =	vst v0  }
0xb9: {  	[tilespmem:s28+$0x3650] =	vst v0  }
0xba: {  	[tilespmem:s28+$0x3660] =	vst v0;
	s28 =	sshra.s32 s29, $0x2;
	s29 =	sadd.s32 $0x200, s29  }
0xbb: {  	[tilespmem:s28+$0x3670] =	vst v0  }
0xbc: {  	[tilespmem:s28+$0x3600] =	vst v0  }
0xbd: {  	[tilespmem:s28+$0x3610] =	vst v0  }
0xbe: {  	[tilespmem:s28+$0x3620] =	vst v0  }
0xbf: {  	[tilespmem:s28+$0x3630] =	vst v0  }
0xc0: {  	[tilespmem:s28+$0x3640] =	vst v0  }
0xc1: {  	[tilespmem:s28+$0x3650] =	vst v0  }
0xc2: {  	[tilespmem:s28+$0x3660] =	vst v0  }
0xc3: {  	[spmem:s5] =	stream.linear.scatter [tilespmem:s20], [sflag:$0x3], $0x4000, $0x38;
	[tilespmem:$0x1F600] =	vst v63  }
0xc4: {  	_ =	swait.ge [sflag:s21], $0x4000  }
0xc5: {  	[sflag:s21] =	ssyncset.done $0x0  }
0xc6: {  	[sflag:s21] =	ssyncadd.s32 $0xFFFFC000  }
0xc7: {  	[spmem:s6] =	stream.linear.scatter [tilespmem:s20], [sflag:$0x3], $0x4000, $0x38;
	[tilespmem:$0x1F600] =	vst v63  }
0xc8: {  	_ =	swait.ge [sflag:s21], $0x4000  }
0xc9: {  	[sflag:s21] =	ssyncset.done $0x0  }
0xca: {  	[sflag:s21] =	ssyncadd.s32 $0xFFFFC000  }
0xcb: {  	[spmem:s7] =	stream.linear.scatter [tilespmem:s20], [sflag:$0x3], $0x4000, $0x38;
	[tilespmem:$0x1F600] =	vst v63  }
0xcc: {  	_ =	swait.ge [sflag:s21], $0x4000  }
0xcd: {  	[sflag:s21] =	ssyncset.done $0x0  }
0xce: {  	[sflag:s21] =	ssyncadd.s32 $0xFFFFC000  }
0xcf: {  	[spmem:s8] =	stream.linear.scatter [tilespmem:s20], [sflag:$0x3], $0x4000, $0x38;
	[tilespmem:$0x1F600] =	vst v63  }
0xd0: {  	_ =	swait.ge [sflag:s21], $0x4000  }
0xd1: {  	[sflag:s21] =	ssyncset.done $0x0  }
0xd2: {  	[sflag:s21] =	ssyncadd.s32 $0xFFFFC000  }
0xd3: {  	[spmem:s9] =	stream.linear.scatter [tilespmem:s20], [sflag:$0x3], $0x4000, $0x38;
	[tilespmem:$0x1F600] =	vst v63  }
0xd4: {  	_ =	swait.ge [sflag:s21], $0x4000  }
0xd5: {  	[sflag:s21] =	ssyncset.done $0x0  }
0xd6: {  	[sflag:s21] =	ssyncadd.s32 $0xFFFFC000  }
0xd7: {  	[tilespmem:s4], [sflag:$0x3] =	stream.linear.gather [hbm4b:s13+s4], $0x1B00, $0x38;
	[tilespmem:$0x1F600] =	vst v63  }
0xd8: {  	_ =	swait.ge [sflag:s21], $0x1B00  }
0xd9: {  	[sflag:s21] =	ssyncset.done $0x0  }
0xda: {  	[sflag:s21] =	ssyncadd.s32 $0xFFFFE500  }
0xdb: {  	[tilespmem:s22], [sflag:$0x3] =	stream.linear.gather [hbm4b:s14+s4], $0x1B00, $0x38;
	[tilespmem:$0x1F600] =	vst v63  }
.Ltmp6:
0xdc: {  	_ =	swait.ge [sflag:s21], $0x1B00;
	(pc) =	sbr.rel @p0 .LBB2_13-.Ltmp6, $3  }
0xdd: {  	[sflag:s21] =	ssyncset.done $0x0  }
0xde: {  	[sflag:s21] =	ssyncadd.s32 $0xFFFFE500  }
0xdf: {  	[bflag:$0x0] =	sbarrier.arrive $0xFFFF;
	_ =	sdelay $0x1  }
0xe0: {  	s28 =	simm.s32 $0x0  }
0xe1: {  	[tilespmem:s20], [sflag:$0x1] =	stream.indirect.gather [hbm4b:s1+s23], $0x80, s28, s23, $0xb8;
	[tilespmem:$0x1F600] =	vst v63  }
0xe2: {  	s28 =	simm.s32 $0x80  }
0xe3: {  	[tilespmem:s24], [sflag:$0x2] =	stream.indirect.gather [hbm4b:s1+s23], $0x80, s28, s23, $0xb8;
	[tilespmem:$0x1F600] =	vst v63  }
0xe4: {  	_ =	swait.ge [sflag:s25], $0x4000  }
0xe5: {  	[sflag:s25] =	ssyncset.done $0x0  }
0xe6: {  	s28 =	simm.s32 $0x1B00;
	[sflag:s25] =	ssyncadd.s32 $0xFFFFC000  }
0xe7: {  	[spmem:s3] =	stream.indirect.scatter.add.f32 [tilespmem:s20], [sflag:$0x3], $0x80, s28, s23, $0xb8;
	[tilespmem:$0x1F600] =	vst v63  }
0xe8: {  	_ =	swait.ge [sflag:s21], $0x4000  }
0xe9: {  	[sflag:s21] =	ssyncset.done $0x0  }
0xea: {  	s28 =	simm.s32 $0x100;
	[sflag:s21] =	ssyncadd.s32 $0xFFFFC000  }
0xeb: {  	[tilespmem:s20], [sflag:$0x1] =	stream.indirect.gather [hbm4b:s1+s23], $0x80, s28, s23, $0xb8;
	[tilespmem:$0x1F600] =	vst v63  }
0xec: {  	_ =	swait.ge [sflag:s26], $0x4000  }
0xed: {  	[sflag:s26] =	ssyncset.done $0x0  }
0xee: {  	s28 =	simm.s32 $0x1B80;
	[sflag:s26] =	ssyncadd.s32 $0xFFFFC000  }
0xef: {  	[spmem:s3] =	stream.indirect.scatter.add.f32 [tilespmem:s24], [sflag:$0x3], $0x80, s28, s23, $0xb8;
	[tilespmem:$0x1F600] =	vst v63  }
0xf0: {  	_ =	swait.ge [sflag:s21], $0x4000  }
0xf1: {  	s29 =	simm.s32 $0x800;
	s28 =	simm.s32 $0x100;
	[sflag:s21] =	ssyncset.done $0x0  }
.LBB2_11:
0xf2: {  	s30 =	sadd.s32 $0x80, s28  }
0xf3: {  	[sflag:s21] =	ssyncadd.s32 $0xFFFFC000;
	s10 =	smov.u32 s29;
	s11 =	sadd.s32 $0x400, s29  }
0xf4: {  	[tilespmem:s24], [sflag:$0x2] =	stream.indirect.gather [hbm4b:s1+s23], $0x80, s30, s23, $0xb8;
	[tilespmem:$0x1F600] =	vst v63  }
0xf5: {  	p1 =	sne.s32 s29, $0x6400;
	_ =	swait.ge [sflag:s25], $0x4000  }
0xf6: {  	[sflag:s25] =	ssyncset.done $0x0  }
0xf7: {  	s29 =	sadd.s32 $0x1B00, s28;
	[sflag:s25] =	ssyncadd.s32 $0xFFFFC000  }
0xf8: {  	[spmem:s3] =	stream.indirect.scatter.add.f32 [tilespmem:s20], [sflag:$0x3], $0x80, s29, s23, $0xb8;
	[tilespmem:$0x1F600] =	vst v63  }
0xf9: {  	_ =	swait.ge [sflag:s21], $0x4000  }
0xfa: {  	[sflag:s21] =	ssyncset.done $0x0  }
0xfb: {  	s29 =	sadd.s32 $0x100, s28;
	[sflag:s21] =	ssyncadd.s32 $0xFFFFC000  }
0xfc: {  	[tilespmem:s20], [sflag:$0x1] =	stream.indirect.gather [hbm4b:s1+s23], $0x80, s29, s23, $0xb8;
	[tilespmem:$0x1F600] =	vst v63  }
0xfd: {  	_ =	swait.ge [sflag:s26], $0x4000  }
.Ltmp7:
0xfe: {  	[sflag:s26] =	ssyncset.done $0x0;
	(pc) =	sbr.rel @p1 .LBB2_11-.Ltmp7, $4  }
0xff: {  	s28 =	sadd.s32 $0x1B80, s28;
	[sflag:s26] =	ssyncadd.s32 $0xFFFFC000  }
0x100: {  	[spmem:s3] =	stream.indirect.scatter.add.f32 [tilespmem:s24], [sflag:$0x3], $0x80, s28, s23, $0xb8;
	[tilespmem:$0x1F600] =	vst v63  }
0x101: {  	_ =	swait.ge [sflag:s21], $0x4000  }
0x102: {  	s29 =	smov.u32 s11;
	s28 =	sshra.s32 s10, $0x2;
	[sflag:s21] =	ssyncset.done $0x0  }
0x103: {  	s10 =	sadd.s32 $0x80, s28;
	[sflag:s21] =	ssyncadd.s32 $0xFFFFC000  }
0x104: {  	[tilespmem:s24], [sflag:$0x2] =	stream.indirect.gather [hbm4b:s1+s23], $0x80, s10, s23, $0xb8;
	[tilespmem:$0x1F600] =	vst v63  }
0x105: {  	_ =	swait.ge [sflag:s25], $0x4000  }
0x106: {  	[sflag:s25] =	ssyncset.done $0x0  }
0x107: {  	s29 =	sadd.s32 $0x1B00, s28;
	[sflag:s25] =	ssyncadd.s32 $0xFFFFC000  }
0x108: {  	[spmem:s3] =	stream.indirect.scatter.add.f32 [tilespmem:s20], [sflag:$0x3], $0x80, s29, s23, $0xb8;
	[tilespmem:$0x1F600] =	vst v63  }
0x109: {  	_ =	swait.ge [sflag:s21], $0x4000  }
0x10a: {  	[sflag:s21] =	ssyncset.done $0x0  }
0x10b: {  	s30 =	sadd.s32 $0x100, s28;
	[sflag:s21] =	ssyncadd.s32 $0xFFFFC000  }
0x10c: {  	[tilespmem:s20], [sflag:$0x1] =	stream.indirect.gather [hbm4b:s1+s23], $0x80, s30, s23, $0xb8;
	[tilespmem:$0x1F600] =	vst v63  }
0x10d: {  	_ =	swait.ge [sflag:s26], $0x4000  }
0x10e: {  	[sflag:s26] =	ssyncset.done $0x0  }
0x10f: {  	s11 =	sadd.s32 $0x1B80, s28;
	[sflag:s26] =	ssyncadd.s32 $0xFFFFC000  }
0x110: {  	[spmem:s3] =	stream.indirect.scatter.add.f32 [tilespmem:s24], [sflag:$0x3], $0x80, s11, s23, $0xb8;
	[tilespmem:$0x1F600] =	vst v63  }
0x111: {  	_ =	swait.ge [sflag:s21], $0x4000  }
0x112: {  	[sflag:s21] =	ssyncset.done $0x0  }
0x113: {  	s28 =	simm.s32 $0x1A80;
	[sflag:s21] =	ssyncadd.s32 $0xFFFFC000  }
0x114: {  	[tilespmem:s24], [sflag:$0x2] =	stream.indirect.gather [hbm4b:s1+s23], $0x80, s28, s23, $0xb8;
	[tilespmem:$0x1F600] =	vst v63  }
0x115: {  	_ =	swait.ge [sflag:s25], $0x4000  }
0x116: {  	[sflag:s25] =	ssyncset.done $0x0  }
0x117: {  	s29 =	simm.s32 $0x3500;
	[sflag:s25] =	ssyncadd.s32 $0xFFFFC000  }
0x118: {  	[spmem:s3] =	stream.indirect.scatter.add.f32 [tilespmem:s20], [sflag:$0x3], $0x80, s29, s23, $0xb8;
	[tilespmem:$0x1F600] =	vst v63  }
0x119: {  	_ =	swait.ge [sflag:s21], $0x4000  }
0x11a: {  	[sflag:s21] =	ssyncset.done $0x0  }
0x11b: {  	[sflag:s21] =	ssyncadd.s32 $0xFFFFC000  }
0x11c: {  	_ =	swait.ge [sflag:s26], $0x4000  }
0x11d: {  	[sflag:s26] =	ssyncset.done $0x0  }
0x11e: {  	s30 =	simm.s32 $0x3580;
	[sflag:s26] =	ssyncadd.s32 $0xFFFFC000  }
0x11f: {  	[spmem:s3] =	stream.indirect.scatter.add.f32 [tilespmem:s24], [sflag:$0x3], $0x80, s30, s23, $0xb8;
	[tilespmem:$0x1F600] =	vst v63  }
0x120: {  	_ =	swait.ge [sflag:s21], $0x4000  }
0x121: {  	[sflag:s21] =	ssyncset.done $0x0  }
0x122: {  	[sflag:s21] =	ssyncadd.s32 $0xFFFFC000  }
.LBB2_13:
0x123: {  	[bflag:$0x0] =	sbarrier.arrive $0xFFFF  }
0x124: {  	[hbm:s15], [sflag:s2] =	dma.local [spmem:s0], $0x2800  }
0x125: {  	_ =	swait.ge [sflag:s21], $0x2800  }
0x126: {  	[sflag:s21] =	ssyncset.done $0x0  }
0x127: {  	s28 =	simm.s32 $0x0;
	s29 =	simm.s32 $0x200;
	[sflag:s21] =	ssyncadd.s32 $0xFFFFD800  }
.LBB2_14:
0x128: {  	p1 =	sne.s32 s29, $0xFE00;
	[tilespmem:s28+$0x3670] =	vst v0  }
0x129: {  	[tilespmem:s28+$0x3600] =	vst v0  }
0x12a: {  	[tilespmem:s28+$0x3610] =	vst v0  }
.Ltmp8:
0x12b: {  	[tilespmem:s28+$0x3620] =	vst v0;
	(pc) =	sbr.rel @p1 .LBB2_14-.Ltmp8, $4  }
0x12c: {  	[tilespmem:s28+$0x3630] =	vst v0  }
0x12d: {  	[tilespmem:s28+$0x3640] =	vst v0  }
0x12e: {  	[tilespmem:s28+$0x3650] =	vst v0  }
0x12f: {  	[tilespmem:s28+$0x3660] =	vst v0;
	s28 =	sshra.s32 s29, $0x2;
	s29 =	sadd.s32 $0x200, s29  }
0x130: {  	[tilespmem:s28+$0x3670] =	vst v0  }
0x131: {  	[tilespmem:s28+$0x3600] =	vst v0  }
0x132: {  	[tilespmem:s28+$0x3610] =	vst v0  }
0x133: {  	[tilespmem:s28+$0x3620] =	vst v0  }
0x134: {  	[tilespmem:s28+$0x3630] =	vst v0  }
0x135: {  	[tilespmem:s28+$0x3640] =	vst v0  }
0x136: {  	[tilespmem:s28+$0x3650] =	vst v0  }
0x137: {  	[tilespmem:s28+$0x3660] =	vst v0  }
0x138: {  	[spmem:s5] =	stream.linear.scatter [tilespmem:s20], [sflag:$0x3], $0x4000, $0x38;
	[tilespmem:$0x1F600] =	vst v63  }
0x139: {  	_ =	swait.ge [sflag:s21], $0x4000  }
0x13a: {  	[sflag:s21] =	ssyncset.done $0x0  }
0x13b: {  	[sflag:s21] =	ssyncadd.s32 $0xFFFFC000  }
0x13c: {  	[spmem:s6] =	stream.linear.scatter [tilespmem:s20], [sflag:$0x3], $0x4000, $0x38;
	[tilespmem:$0x1F600] =	vst v63  }
0x13d: {  	_ =	swait.ge [sflag:s21], $0x4000  }
0x13e: {  	[sflag:s21] =	ssyncset.done $0x0  }
0x13f: {  	[sflag:s21] =	ssyncadd.s32 $0xFFFFC000  }
0x140: {  	[spmem:s7] =	stream.linear.scatter [tilespmem:s20], [sflag:$0x3], $0x4000, $0x38;
	[tilespmem:$0x1F600] =	vst v63  }
0x141: {  	_ =	swait.ge [sflag:s21], $0x4000  }
0x142: {  	[sflag:s21] =	ssyncset.done $0x0  }
0x143: {  	[sflag:s21] =	ssyncadd.s32 $0xFFFFC000  }
0x144: {  	[spmem:s8] =	stream.linear.scatter [tilespmem:s20], [sflag:$0x3], $0x4000, $0x38;
	[tilespmem:$0x1F600] =	vst v63  }
0x145: {  	_ =	swait.ge [sflag:s21], $0x4000  }
0x146: {  	[sflag:s21] =	ssyncset.done $0x0  }
0x147: {  	[sflag:s21] =	ssyncadd.s32 $0xFFFFC000  }
0x148: {  	[spmem:s9] =	stream.linear.scatter [tilespmem:s20], [sflag:$0x3], $0x4000, $0x38;
	[tilespmem:$0x1F600] =	vst v63  }
0x149: {  	_ =	swait.ge [sflag:s21], $0x4000  }
0x14a: {  	[sflag:s21] =	ssyncset.done $0x0  }
0x14b: {  	[sflag:s21] =	ssyncadd.s32 $0xFFFFC000  }
0x14c: {  	[tilespmem:s4], [sflag:$0x3] =	stream.linear.gather [hbm4b:s16+s4], $0x1B00, $0x38;
	[tilespmem:$0x1F600] =	vst v63  }
0x14d: {  	_ =	swait.ge [sflag:s21], $0x1B00  }
0x14e: {  	[sflag:s21] =	ssyncset.done $0x0  }
0x14f: {  	[sflag:s21] =	ssyncadd.s32 $0xFFFFE500  }
0x150: {  	[tilespmem:s22], [sflag:$0x3] =	stream.linear.gather [hbm4b:s17+s4], $0x1B00, $0x38;
	[tilespmem:$0x1F600] =	vst v63  }
.Ltmp9:
0x151: {  	_ =	swait.ge [sflag:s21], $0x1B00;
	(pc) =	sbr.rel @p0 .LBB2_19-.Ltmp9, $3  }
0x152: {  	[sflag:s21] =	ssyncset.done $0x0  }
0x153: {  	[sflag:s21] =	ssyncadd.s32 $0xFFFFE500  }
0x154: {  	[bflag:$0x0] =	sbarrier.arrive $0xFFFF;
	_ =	sdelay $0x1  }
0x155: {  	s10 =	simm.s32 $0x0  }
0x156: {  	[tilespmem:s20], [sflag:$0x1] =	stream.indirect.gather [hbm4b:s1+s23], $0x80, s10, s23, $0xb8;
	[tilespmem:$0x1F600] =	vst v63  }
0x157: {  	s11 =	simm.s32 $0x80  }
0x158: {  	[tilespmem:s24], [sflag:$0x2] =	stream.indirect.gather [hbm4b:s1+s23], $0x80, s11, s23, $0xb8;
	[tilespmem:$0x1F600] =	vst v63  }
0x159: {  	_ =	swait.ge [sflag:s25], $0x4000  }
0x15a: {  	[sflag:s25] =	ssyncset.done $0x0  }
0x15b: {  	s30 =	simm.s32 $0x1B00;
	[sflag:s25] =	ssyncadd.s32 $0xFFFFC000  }
0x15c: {  	[spmem:s3] =	stream.indirect.scatter.add.f32 [tilespmem:s20], [sflag:$0x3], $0x80, s30, s23, $0xb8;
	[tilespmem:$0x1F600] =	vst v63  }
0x15d: {  	_ =	swait.ge [sflag:s21], $0x4000  }
0x15e: {  	[sflag:s21] =	ssyncset.done $0x0  }
0x15f: {  	s11 =	simm.s32 $0x100;
	[sflag:s21] =	ssyncadd.s32 $0xFFFFC000  }
0x160: {  	[tilespmem:s20], [sflag:$0x1] =	stream.indirect.gather [hbm4b:s1+s23], $0x80, s11, s23, $0xb8;
	[tilespmem:$0x1F600] =	vst v63  }
0x161: {  	_ =	swait.ge [sflag:s26], $0x4000  }
0x162: {  	[sflag:s26] =	ssyncset.done $0x0  }
0x163: {  	s30 =	simm.s32 $0x1B80;
	[sflag:s26] =	ssyncadd.s32 $0xFFFFC000  }
0x164: {  	[spmem:s3] =	stream.indirect.scatter.add.f32 [tilespmem:s24], [sflag:$0x3], $0x80, s30, s23, $0xb8;
	[tilespmem:$0x1F600] =	vst v63  }
0x165: {  	_ =	swait.ge [sflag:s21], $0x4000  }
0x166: {  	s29 =	simm.s32 $0x800;
	s28 =	simm.s32 $0x100;
	[sflag:s21] =	ssyncset.done $0x0  }
.LBB2_17:
0x167: {  	s10 =	sadd.s32 $0x80, s28  }
0x168: {  	[sflag:s21] =	ssyncadd.s32 $0xFFFFC000;
	s11 =	smov.u32 s29;
	s30 =	sadd.s32 $0x400, s29  }
0x169: {  	[tilespmem:s24], [sflag:$0x2] =	stream.indirect.gather [hbm4b:s1+s23], $0x80, s10, s23, $0xb8;
	[tilespmem:$0x1F600] =	vst v63  }
0x16a: {  	p1 =	sne.s32 s29, $0x6400;
	_ =	swait.ge [sflag:s25], $0x4000  }
0x16b: {  	[sflag:s25] =	ssyncset.done $0x0  }
0x16c: {  	s10 =	sadd.s32 $0x1B00, s28;
	[sflag:s25] =	ssyncadd.s32 $0xFFFFC000  }
0x16d: {  	[spmem:s3] =	stream.indirect.scatter.add.f32 [tilespmem:s20], [sflag:$0x3], $0x80, s10, s23, $0xb8;
	[tilespmem:$0x1F600] =	vst v63  }
0x16e: {  	_ =	swait.ge [sflag:s21], $0x4000  }
0x16f: {  	[sflag:s21] =	ssyncset.done $0x0  }
0x170: {  	s10 =	sadd.s32 $0x100, s28;
	[sflag:s21] =	ssyncadd.s32 $0xFFFFC000  }
0x171: {  	[tilespmem:s20], [sflag:$0x1] =	stream.indirect.gather [hbm4b:s1+s23], $0x80, s10, s23, $0xb8;
	[tilespmem:$0x1F600] =	vst v63  }
0x172: {  	_ =	swait.ge [sflag:s26], $0x4000  }
.Ltmp10:
0x173: {  	[sflag:s26] =	ssyncset.done $0x0;
	(pc) =	sbr.rel @p1 .LBB2_17-.Ltmp10, $4  }
0x174: {  	s10 =	sadd.s32 $0x1B80, s28;
	[sflag:s26] =	ssyncadd.s32 $0xFFFFC000  }
0x175: {  	[spmem:s3] =	stream.indirect.scatter.add.f32 [tilespmem:s24], [sflag:$0x3], $0x80, s10, s23, $0xb8;
	[tilespmem:$0x1F600] =	vst v63  }
0x176: {  	_ =	swait.ge [sflag:s21], $0x4000  }
0x177: {  	s29 =	smov.u32 s30;
	s28 =	sshra.s32 s11, $0x2;
	[sflag:s21] =	ssyncset.done $0x0  }
.Ltmp11:
0x178: {  	_ = 	snop;
	(pc) =	sbr.rel .LBB2_18-.Ltmp11, $1  }
0x179: {  	_ =	sdelay $0x3  }
.LBB2_20:
0x17a: {  	_ =	sfence.sel $0x180000  }
0x17b: {  	[bflag:$0x0] =	sbarrier.arrive $0xFFFF  }
0x17c: {  	_ =	strace $0x9000004A  }
0x17d: {  	s0 =	stileid.u32;
	[bflag:$0x2] =	sbarrier.arrive $0xFFFF  }
0x17e: {  	p0 =	sne.s32 s0, $0x0;
	s0 =	rddreg [dreg:$0x3]  }
0x17f: {  	s0 =	sadd.s32 @!p0 $0x100000, s0  }
0x180: {  	[sflag:s0] =	ssyncadd.tile.s32 @!p0 $0x1;
	_ =	shalt  }
.Lfunc_end2:
_tile_overlayer_lowered:
.L_overlay_start_2:
0x181: {  	(tag) =	ssettag $0x2  }
0x182: {  	s0 =	rddreg [dreg:$0x0];
	s2 =	stileid.u32  }
0x183: {  	s1 =	rddreg [dreg:$0x1];
	p0 =	sne.s32 s2, $0x0  }
0x184: {  	s3 =	rddreg [dreg:$0x2];
	[bflag:$0x3] =	sbarrier.arrive $0xFFFF;
	s2 =	simm.s32 @!p0 $0x1C03  }
0x185: {  	[timem:s3], [sflag:s2] =	dma.local @!p0 [hbm:s0], s1  }
0x186: {  	s0 =	simm.s32 @!p0 $0x3  }
0x187: {  	_ =	swait.ge @!p0 [sflag:s0], s1  }
0x188: {  	s1 =	ssub.s32 @!p0 $0x0, s1;
	[sflag:s0] =	ssyncset.done @!p0 $0x0  }
0x189: {  	[sflag:s0] =	ssyncadd.s32 @!p0 s1  }
0x18a: {  	[bflag:$0x3] =	sbarrier.arrive $0xFFFF  }
0x18b: {  	_ =	shalt  }

</sc_bundles>
